<compile_context>
chip_gen: v7x
topology: tpu7x:2x2x1
jax: 0.10.2.dev20260603
libtpu: 0.0.44.dev20260713+nightly
codegen_flags: <defaults>
</compile_context>

<pallas_src>
import functools

import jax
import jax.numpy as jnp
from jax import lax
from jax.experimental import pallas as pl
from jax.experimental.pallas import tpu as pltpu
from jax.experimental.pallas import tpu_sc as plsc

B = 4
C = 288
P = 9
H = 128
W = 128
HW = H * W
K = 4
NJOBS = (B * C) // K
NWORKERS = 32
JOBS_PER_W = NJOBS // NWORKERS
CHUNK = 2048
NCHUNK = HW // CHUNK
VECS = CHUNK // 16


def _job_params(job):
    cb = job % 8
    grp = job // 8
    b = grp // P
    p = grp % P
    chan0 = p * 32 + cb * K
    row0 = b * C + chan0
    lrow = (b * 2 * P + 2 * p) * HW
    return chan0, row0, lrow


def _sc_body(x_hbm, loc_hbm, bias_hbm, out_hbm,
             planes_v, loc_v, out_v, bias_v,
             plane_sem, loc_sem, out_sem):
    cid = lax.axis_index("c")
    sid = lax.axis_index("s")
    wid = sid * 2 + cid

    pltpu.sync_copy(bias_hbm, bias_v)

    _, row0_0, lrow_0 = _job_params(wid * JOBS_PER_W)
    pltpu.async_copy(x_hbm.at[pl.ds(row0_0 * HW, K * HW)], planes_v,
                     plane_sem)
    pltpu.async_copy(loc_hbm.at[pl.ds(lrow_0, 2 * HW)], loc_v, loc_sem)

    def job_body(j, _):
        job = wid * JOBS_PER_W + j
        chan0, row0, lrow = _job_params(job)

        pltpu.make_async_copy(
            x_hbm.at[pl.ds(row0 * HW, K * HW)], planes_v, plane_sem).wait()
        pltpu.make_async_copy(
            loc_hbm.at[pl.ds(lrow, 2 * HW)], loc_v, loc_sem).wait()

        biases = tuple(
            plsc.load_gather(
                bias_v,
                [jnp.broadcast_to(chan0 + k, (16,)).astype(jnp.int32)])
            for k in range(K))

        def make_vec_body(s, buf):
            def vec_body(v, _):
                lx = loc_v[pl.ds(s * CHUNK + v * 16, 16)]
                ly = loc_v[pl.ds(HW + s * CHUNK + v * 16, 16)]
                x0i = lx.astype(jnp.int32)
                x0f = x0i.astype(jnp.float32)
                xneg = x0f > lx
                x0i = jnp.where(xneg, x0i - 1, x0i)
                x0f = jnp.where(xneg, x0f - 1.0, x0f)
                y0i = ly.astype(jnp.int32)
                y0f = y0i.astype(jnp.float32)
                yneg = y0f > ly
                y0i = jnp.where(yneg, y0i - 1, y0i)
                y0f = jnp.where(yneg, y0f - 1.0, y0f)

                fx = lx - x0f
                fy = ly - y0f
                x0c = jnp.minimum(jnp.maximum(x0i, 0), W - 1)
                x1c = jnp.minimum(jnp.maximum(x0i + 1, 0), W - 1)
                y0c = jnp.minimum(jnp.maximum(y0i, 0), H - 1)
                y1c = jnp.minimum(jnp.maximum(y0i + 1, 0), H - 1)

                r0 = y0c * W
                r1 = y1c * W
                i00 = r0 + x0c
                i01 = r0 + x1c
                i10 = r1 + x0c
                i11 = r1 + x1c

                wx0 = 1.0 - fx
                wy0 = 1.0 - fy
                w00 = wy0 * wx0
                w01 = wy0 * fx
                w10 = fy * wx0
                w11 = fy * fx

                for k in range(K):
                    o = k * HW
                    v00 = plsc.load_gather(planes_v, [i00 + o])
                    v01 = plsc.load_gather(planes_v, [i01 + o])
                    v10 = plsc.load_gather(planes_v, [i10 + o])
                    v11 = plsc.load_gather(planes_v, [i11 + o])
                    acc = (w00 * v00 + w01 * v01 + w10 * v10 + w11 * v11
                           + biases[k])
                    out_v[pl.ds(buf * K * CHUNK + k * CHUNK + v * 16, 16)] \
                        = acc
                return 0
            return vec_body

        outcps = {}
        for s in range(NCHUNK):
            buf = s % 2
            if s >= 2:
                for d in outcps[s - 2]:
                    d.wait()
            lax.fori_loop(0, VECS, make_vec_body(s, buf), 0)
            if s == NCHUNK - 1:
                @pl.when(j < JOBS_PER_W - 1)
                def _():
                    _, nrow0, nlrow = _job_params(job + 1)
                    pltpu.async_copy(
                        x_hbm.at[pl.ds(nrow0 * HW, K * HW)], planes_v,
                        plane_sem)
                    pltpu.async_copy(
                        loc_hbm.at[pl.ds(nlrow, 2 * HW)], loc_v, loc_sem)
            outcps[s] = [
                pltpu.async_copy(
                    out_v.at[pl.ds(buf * K * CHUNK + k * CHUNK, CHUNK)],
                    out_hbm.at[pl.ds((row0 + k) * HW + s * CHUNK, CHUNK)],
                    out_sem)
                for k in range(K)]
        for s in (NCHUNK - 2, NCHUNK - 1):
            for d in outcps[s]:
                d.wait()
        return 0

    lax.fori_loop(0, JOBS_PER_W, job_body, 0)


_sc_collect = functools.partial(
    pl.kernel,
    out_type=jax.ShapeDtypeStruct((B * C * HW,), jnp.float32),
    mesh=plsc.VectorSubcoreMesh(core_axis_name="c", subcore_axis_name="s"),
    compiler_params=pltpu.CompilerParams(needs_layout_passes=False),
    scratch_types=[
        pltpu.VMEM((K * HW,), jnp.float32),
        pltpu.VMEM((2 * HW,), jnp.float32),
        pltpu.VMEM((2 * K * CHUNK,), jnp.float32),
        pltpu.VMEM((C,), jnp.float32),
        pltpu.SemaphoreType.DMA,
        pltpu.SemaphoreType.DMA,
        pltpu.SemaphoreType.DMA,
    ],
)(_sc_body)


@jax.jit
def kernel(x, location, bias):
    out = _sc_collect(x.reshape(-1), location.reshape(-1), bias)
    return out.reshape(B, C, H, W)

# --- scband reference (transcript-rebuilt; emitter-appended) ---
"""Pipeline reference for scband-collect-concat-13048110645918 (READ-ONLY COPY).

The authoritative reference and input builder live on the scoring server;
editing this copy changes nothing except your own understanding.
"""

import jax, jax.numpy as jnp
import numpy as np

IN_CHANNELS = 288
POINT_NUM = 9
B, H, W = 4, 128, 128


def setup_inputs(seed: int = 0) -> dict:
    key = jax.random.key(seed)
    k1, k2 = jax.random.split(key)
    x = jax.random.normal(k1, (B, IN_CHANNELS, H, W), dtype=jnp.float32)
    # location holds (x, y) float coordinates for each of POINT_NUM points per output pixel,
    # layout [B, 2*point_num, H_out, W_out]; values in-range of the input spatial grid.
    loc = jax.random.uniform(k2, (B, 2 * POINT_NUM, H, W), dtype=jnp.float32)
    location = loc * (W - 1)
    bias = jnp.zeros((IN_CHANNELS,), dtype=jnp.float32)
    return {"x": x, "location": location, "bias": bias}


def _bilinear_gather(feat, y, x):
    # feat: [B, c, H, W]; y, x: [B, Ho, Wo] float coords
    Bn, c, Hn, Wn = feat.shape
    Ho, Wo = y.shape[1], y.shape[2]
    x0 = jnp.floor(x)
    y0 = jnp.floor(y)
    wx1 = x - x0
    wx0 = 1.0 - wx1
    wy1 = y - y0
    wy0 = 1.0 - wy1
    x0i = jnp.clip(x0, 0, Wn - 1).astype(jnp.int32)
    x1i = jnp.clip(x0 + 1.0, 0, Wn - 1).astype(jnp.int32)
    y0i = jnp.clip(y0, 0, Hn - 1).astype(jnp.int32)
    y1i = jnp.clip(y0 + 1.0, 0, Hn - 1).astype(jnp.int32)
    flat = feat.reshape(Bn, c, Hn * Wn)

    def gather(yi, xi):
        idx = (yi * Wn + xi).reshape(Bn, 1, Ho * Wo)
        idx = jnp.broadcast_to(idx, (Bn, c, Ho * Wo))
        g = jnp.take_along_axis(flat, idx, axis=2)
        return g.reshape(Bn, c, Ho, Wo)

    v00 = gather(y0i, x0i)
    v01 = gather(y0i, x1i)
    v10 = gather(y1i, x0i)
    v11 = gather(y1i, x1i)
    w00 = (wy0 * wx0)[:, None, :, :]
    w01 = (wy0 * wx1)[:, None, :, :]
    w10 = (wy1 * wx0)[:, None, :, :]
    w11 = (wy1 * wx1)[:, None, :, :]
    return w00 * v00 + w01 * v01 + w10 * v10 + w11 * v11


def reference(x, location, bias):
    # CollectConcat with channels_offset=True: out_channels == in_channels.
    # Point p bilinearly samples channel slice [p*offset, (p+1)*offset) of x at its
    # (x, y) coordinate; the point_num slices are concatenated and bias is added.
    Bn, C, Hn, Wn = x.shape
    offset = C // POINT_NUM
    chunks = []
    for p in range(POINT_NUM):
        lx = location[:, 2 * p]
        ly = location[:, 2 * p + 1]
        sub = x[:, p * offset:(p + 1) * offset]
        chunks.append(_bilinear_gather(sub, ly, lx))
    out = jnp.concatenate(chunks, axis=1)
    return out + bias[None, :, None, None]

if __name__ == "__main__":
    import jax
    _d = setup_inputs()
    print(jax.jit(kernel)(*tuple(_d.values())))

</pallas_src>

<mosaic_0001>
#map = affine_map<(d0, d1) -> (0)>
module attributes {stable_mosaic.version = 14 : i64} {
  func.func @_sc_body(%arg0: i32, %arg1: i32, %arg2: memref<18874368xf32, #tpu.memory_space<hbm>>, %arg3: memref<1179648xf32, #tpu.memory_space<hbm>>, %arg4: memref<288xf32, #tpu.memory_space<hbm>>, %arg5: memref<18874368xf32, #tpu.memory_space<hbm>>, %arg6: memref<65536xf32, #tpu.memory_space<vmem>>, %arg7: memref<32768xf32, #tpu.memory_space<vmem>>, %arg8: memref<16384xf32, #tpu.memory_space<vmem>>, %arg9: memref<288xf32, #tpu.memory_space<vmem>>, %arg10: memref<!tpu.dma_semaphore, #tpu.memory_space<semaphore_mem>>, %arg11: memref<!tpu.dma_semaphore, #tpu.memory_space<semaphore_mem>>, %arg12: memref<!tpu.dma_semaphore, #tpu.memory_space<semaphore_mem>>) attributes {dimension_semantics = [#tpu.dimension_semantics<core_parallel>, #tpu.dimension_semantics<subcore_parallel>], iteration_bounds = array<i64: 2, 16>, scalar_prefetch = 0 : i64, scratch_operands = 7 : i64, tpu.core_type = #tpu.core_type<sc_vector_subcore>, window_params = [{transform_indices = #map}, {transform_indices = #map}, {transform_indices = #map}, {transform_indices = #map}]} {
    %mul3A = arith.constant 2 : i32
    %mul3A_0 = arith.muli %arg1, %mul3A : i32
    %add3A = arith.addi %mul3A_0, %arg0 : i32
    "tpu.region"() ({
      %run_scoped3A = tpu.sem_alloc : memref<!tpu.dma_semaphore, #tpu.memory_space<semaphore_mem>>
      tpu.enqueue_dma source(%arg4 : memref<288xf32, #tpu.memory_space<hbm>>) target(%arg9 : memref<288xf32, #tpu.memory_space<vmem>>) target_semaphore(%run_scoped3A : memref<!tpu.dma_semaphore, #tpu.memory_space<semaphore_mem>>)
      tpu.wait_dma2 semaphore(%run_scoped3A : memref<!tpu.dma_semaphore, #tpu.memory_space<semaphore_mem>>) src(%arg4 : memref<288xf32, #tpu.memory_space<hbm>>) dst(%arg9 : memref<288xf32, #tpu.memory_space<vmem>>)
      tpu.yield
    }) : () -> ()
    %mul3A_1 = arith.constant 9 : i32
    %mul3A_2 = arith.muli %add3A, %mul3A_1 : i32
    %jit3A = arith.constant 8 : i32
    %eq3A = arith.constant 0 : i32
    %eq3A_3 = arith.cmpi eq, %jit3A, %eq3A : i32
    %jit3A_4 = arith.constant 1 : i32
    %select_n3A = arith.select %eq3A_3, %jit3A_4, %jit3A : i32
    %rem3A = arith.remsi %mul3A_2, %select_n3A : i32
    %ne3A = arith.constant 0 : i32
    %ne3A_5 = arith.cmpi ne, %rem3A, %ne3A : i32
    %lt3A = arith.constant 0 : i32
    %lt3A_6 = arith.cmpi slt, %rem3A, %lt3A : i32
    %lt3A_7 = arith.constant 0 : i32
    %lt3A_8 = arith.cmpi slt, %select_n3A, %lt3A_7 : i32
    %ne3A_9 = arith.xori %lt3A_6, %lt3A_8 : i1
    %and3A = arith.andi %ne3A_9, %ne3A_5 : i1
    %add3A_10 = arith.addi %rem3A, %select_n3A : i32
    %select_n3A_11 = arith.select %and3A, %add3A_10, %rem3A : i32
    %jit3A_12 = arith.constant 8 : i32
    %div3A = arith.divsi %mul3A_2, %jit3A_12 : i32
    %sign3A = arith.constant 0 : i32
    %sign3A_13 = arith.cmpi sgt, %mul3A_2, %sign3A : i32
    %sign3A_14 = arith.extui %sign3A_13 : i1 to i32
    %sign3A_15 = arith.constant 0 : i32
    %sign3A_16 = arith.cmpi slt, %mul3A_2, %sign3A_15 : i32
    %sign3A_17 = arith.extui %sign3A_16 : i1 to i32
    %sign3A_18 = arith.subi %sign3A_14, %sign3A_17 : i32
    %sign3A_19 = arith.constant 0 : i32
    %sign3A_20 = arith.cmpi sgt, %jit3A_12, %sign3A_19 : i32
    %sign3A_21 = arith.extui %sign3A_20 : i1 to i32
    %sign3A_22 = arith.constant 0 : i32
    %sign3A_23 = arith.cmpi slt, %jit3A_12, %sign3A_22 : i32
    %sign3A_24 = arith.extui %sign3A_23 : i1 to i32
    %sign3A_25 = arith.subi %sign3A_21, %sign3A_24 : i32
    %ne3A_26 = arith.cmpi ne, %sign3A_18, %sign3A_25 : i32
    %rem3A_27 = arith.remsi %mul3A_2, %jit3A_12 : i32
    %ne3A_28 = arith.constant 0 : i32
    %ne3A_29 = arith.cmpi ne, %rem3A_27, %ne3A_28 : i32
    %and3A_30 = arith.andi %ne3A_26, %ne3A_29 : i1
    %sub3A = arith.constant 1 : i32
    %sub3A_31 = arith.subi %div3A, %sub3A : i32
    %select_n3A_32 = arith.select %and3A_30, %sub3A_31, %div3A : i32
    %jit3A_33 = arith.constant 9 : i32
    %div3A_34 = arith.divsi %select_n3A_32, %jit3A_33 : i32
    %sign3A_35 = arith.constant 0 : i32
    %sign3A_36 = arith.cmpi sgt, %select_n3A_32, %sign3A_35 : i32
    %sign3A_37 = arith.extui %sign3A_36 : i1 to i32
    %sign3A_38 = arith.constant 0 : i32
    %sign3A_39 = arith.cmpi slt, %select_n3A_32, %sign3A_38 : i32
    %sign3A_40 = arith.extui %sign3A_39 : i1 to i32
    %sign3A_41 = arith.subi %sign3A_37, %sign3A_40 : i32
    %sign3A_42 = arith.constant 0 : i32
    %sign3A_43 = arith.cmpi sgt, %jit3A_33, %sign3A_42 : i32
    %sign3A_44 = arith.extui %sign3A_43 : i1 to i32
    %sign3A_45 = arith.constant 0 : i32
    %sign3A_46 = arith.cmpi slt, %jit3A_33, %sign3A_45 : i32
    %sign3A_47 = arith.extui %sign3A_46 : i1 to i32
    %sign3A_48 = arith.subi %sign3A_44, %sign3A_47 : i32
    %ne3A_49 = arith.cmpi ne, %sign3A_41, %sign3A_48 : i32
    %rem3A_50 = arith.remsi %select_n3A_32, %jit3A_33 : i32
    %ne3A_51 = arith.constant 0 : i32
    %ne3A_52 = arith.cmpi ne, %rem3A_50, %ne3A_51 : i32
    %and3A_53 = arith.andi %ne3A_49, %ne3A_52 : i1
    %sub3A_54 = arith.constant 1 : i32
    %sub3A_55 = arith.subi %div3A_34, %sub3A_54 : i32
    %select_n3A_56 = arith.select %and3A_53, %sub3A_55, %div3A_34 : i32
    %jit3A_57 = arith.constant 9 : i32
    %eq3A_58 = arith.constant 0 : i32
    %eq3A_59 = arith.cmpi eq, %jit3A_57, %eq3A_58 : i32
    %jit3A_60 = arith.constant 1 : i32
    %select_n3A_61 = arith.select %eq3A_59, %jit3A_60, %jit3A_57 : i32
    %rem3A_62 = arith.remsi %select_n3A_32, %select_n3A_61 : i32
    %ne3A_63 = arith.constant 0 : i32
    %ne3A_64 = arith.cmpi ne, %rem3A_62, %ne3A_63 : i32
    %lt3A_65 = arith.constant 0 : i32
    %lt3A_66 = arith.cmpi slt, %rem3A_62, %lt3A_65 : i32
    %lt3A_67 = arith.constant 0 : i32
    %lt3A_68 = arith.cmpi slt, %select_n3A_61, %lt3A_67 : i32
    %ne3A_69 = arith.xori %lt3A_66, %lt3A_68 : i1
    %and3A_70 = arith.andi %ne3A_69, %ne3A_64 : i1
    %add3A_71 = arith.addi %rem3A_62, %select_n3A_61 : i32
    %select_n3A_72 = arith.select %and3A_70, %add3A_71, %rem3A_62 : i32
    %mul3A_73 = arith.constant 32 : i32
    %mul3A_74 = arith.muli %select_n3A_72, %mul3A_73 : i32
    %mul3A_75 = arith.constant 4 : i32
    %mul3A_76 = arith.muli %select_n3A_11, %mul3A_75 : i32
    %add3A_77 = arith.addi %mul3A_74, %mul3A_76 : i32
    %mul3A_78 = arith.constant 288 : i32
    %mul3A_79 = arith.muli %select_n3A_56, %mul3A_78 : i32
    %add3A_80 = arith.addi %mul3A_79, %add3A_77 : i32
    %mul3A_81 = arith.constant 2 : i32
    %mul3A_82 = arith.muli %select_n3A_56, %mul3A_81 : i32
    %mul3A_83 = arith.constant 9 : i32
    %mul3A_84 = arith.muli %mul3A_82, %mul3A_83 : i32
    %mul3A_85 = arith.constant 2 : i32
    %mul3A_86 = arith.muli %mul3A_85, %select_n3A_72 : i32
    %add3A_87 = arith.addi %mul3A_84, %mul3A_86 : i32
    %mul3A_88 = arith.constant 16384 : i32
    %mul3A_89 = arith.muli %add3A_87, %mul3A_88 : i32
    %mul3A_90 = arith.constant 16384 : i32
    %mul3A_91 = arith.muli %add3A_80, %mul3A_90 : i32
    %dma_start3A = tpu.memref_slice %arg2[%mul3A_91] : memref<18874368xf32, #tpu.memory_space<hbm>> -> memref<65536xf32, #tpu.memory_space<hbm>>
    %dma_start3A_92 = tpu.memref_slice %arg2[%mul3A_91] : memref<18874368xf32, #tpu.memory_space<hbm>> -> memref<65536xf32, #tpu.memory_space<hbm>>
    tpu.enqueue_dma source(%dma_start3A_92 : memref<65536xf32, #tpu.memory_space<hbm>>) target(%arg6 : memref<65536xf32, #tpu.memory_space<vmem>>) target_semaphore(%arg10 : memref<!tpu.dma_semaphore, #tpu.memory_space<semaphore_mem>>)
    %dma_start3A_93 = tpu.memref_slice %arg3[%mul3A_89] : memref<1179648xf32, #tpu.memory_space<hbm>> -> memref<32768xf32, #tpu.memory_space<hbm>>
    %dma_start3A_94 = tpu.memref_slice %arg3[%mul3A_89] : memref<1179648xf32, #tpu.memory_space<hbm>> -> memref<32768xf32, #tpu.memory_space<hbm>>
    tpu.enqueue_dma source(%dma_start3A_94 : memref<32768xf32, #tpu.memory_space<hbm>>) target(%arg7 : memref<32768xf32, #tpu.memory_space<vmem>>) target_semaphore(%arg11 : memref<!tpu.dma_semaphore, #tpu.memory_space<semaphore_mem>>)
    %scan3A = arith.constant 0 : i32
    %scan3A_95 = arith.constant 0 : i32
    %scan3A_96 = arith.constant 9 : i32
    %scan3A_97 = arith.addi %scan3A_95, %scan3A_96 : i32
    %scan3A_98 = arith.constant 1 : i32
    %scan3A_99 = scf.for %scan3A_101 = %scan3A_95 to %scan3A_97 step %scan3A_98 iter_args(%scan3A_102 = %scan3A) -> (i32)  : i32 {
      %mul3A_103 = arith.constant 9 : i32
      %mul3A_104 = arith.muli %add3A, %mul3A_103 : i32
      %add3A_105 = arith.addi %mul3A_104, %scan3A_101 : i32
      %jit3A_106 = arith.constant 8 : i32
      %eq3A_107 = arith.constant 0 : i32
      %eq3A_108 = arith.cmpi eq, %jit3A_106, %eq3A_107 : i32
      %jit3A_109 = arith.constant 1 : i32
      %select_n3A_110 = arith.select %eq3A_108, %jit3A_109, %jit3A_106 : i32
      %rem3A_111 = arith.remsi %add3A_105, %select_n3A_110 : i32
      %ne3A_112 = arith.constant 0 : i32
      %ne3A_113 = arith.cmpi ne, %rem3A_111, %ne3A_112 : i32
      %lt3A_114 = arith.constant 0 : i32
      %lt3A_115 = arith.cmpi slt, %rem3A_111, %lt3A_114 : i32
      %lt3A_116 = arith.constant 0 : i32
      %lt3A_117 = arith.cmpi slt, %select_n3A_110, %lt3A_116 : i32
      %ne3A_118 = arith.xori %lt3A_115, %lt3A_117 : i1
      %and3A_119 = arith.andi %ne3A_118, %ne3A_113 : i1
      %add3A_120 = arith.addi %rem3A_111, %select_n3A_110 : i32
      %select_n3A_121 = arith.select %and3A_119, %add3A_120, %rem3A_111 : i32
      %jit3A_122 = arith.constant 8 : i32
      %div3A_123 = arith.divsi %add3A_105, %jit3A_122 : i32
      %sign3A_124 = arith.constant 0 : i32
      %sign3A_125 = arith.cmpi sgt, %add3A_105, %sign3A_124 : i32
      %sign3A_126 = arith.extui %sign3A_125 : i1 to i32
      %sign3A_127 = arith.constant 0 : i32
      %sign3A_128 = arith.cmpi slt, %add3A_105, %sign3A_127 : i32
      %sign3A_129 = arith.extui %sign3A_128 : i1 to i32
      %sign3A_130 = arith.subi %sign3A_126, %sign3A_129 : i32
      %sign3A_131 = arith.constant 0 : i32
      %sign3A_132 = arith.cmpi sgt, %jit3A_122, %sign3A_131 : i32
      %sign3A_133 = arith.extui %sign3A_132 : i1 to i32
      %sign3A_134 = arith.constant 0 : i32
      %sign3A_135 = arith.cmpi slt, %jit3A_122, %sign3A_134 : i32
      %sign3A_136 = arith.extui %sign3A_135 : i1 to i32
      %sign3A_137 = arith.subi %sign3A_133, %sign3A_136 : i32
      %ne3A_138 = arith.cmpi ne, %sign3A_130, %sign3A_137 : i32
      %rem3A_139 = arith.remsi %add3A_105, %jit3A_122 : i32
      %ne3A_140 = arith.constant 0 : i32
      %ne3A_141 = arith.cmpi ne, %rem3A_139, %ne3A_140 : i32
      %and3A_142 = arith.andi %ne3A_138, %ne3A_141 : i1
      %sub3A_143 = arith.constant 1 : i32
      %sub3A_144 = arith.subi %div3A_123, %sub3A_143 : i32
      %select_n3A_145 = arith.select %and3A_142, %sub3A_144, %div3A_123 : i32
      %jit3A_146 = arith.constant 9 : i32
      %div3A_147 = arith.divsi %select_n3A_145, %jit3A_146 : i32
      %sign3A_148 = arith.constant 0 : i32
      %sign3A_149 = arith.cmpi sgt, %select_n3A_145, %sign3A_148 : i32
      %sign3A_150 = arith.extui %sign3A_149 : i1 to i32
      %sign3A_151 = arith.constant 0 : i32
      %sign3A_152 = arith.cmpi slt, %select_n3A_145, %sign3A_151 : i32
      %sign3A_153 = arith.extui %sign3A_152 : i1 to i32
      %sign3A_154 = arith.subi %sign3A_150, %sign3A_153 : i32
      %sign3A_155 = arith.constant 0 : i32
      %sign3A_156 = arith.cmpi sgt, %jit3A_146, %sign3A_155 : i32
      %sign3A_157 = arith.extui %sign3A_156 : i1 to i32
      %sign3A_158 = arith.constant 0 : i32
      %sign3A_159 = arith.cmpi slt, %jit3A_146, %sign3A_158 : i32
      %sign3A_160 = arith.extui %sign3A_159 : i1 to i32
      %sign3A_161 = arith.subi %sign3A_157, %sign3A_160 : i32
      %ne3A_162 = arith.cmpi ne, %sign3A_154, %sign3A_161 : i32
      %rem3A_163 = arith.remsi %select_n3A_145, %jit3A_146 : i32
      %ne3A_164 = arith.constant 0 : i32
      %ne3A_165 = arith.cmpi ne, %rem3A_163, %ne3A_164 : i32
      %and3A_166 = arith.andi %ne3A_162, %ne3A_165 : i1
      %sub3A_167 = arith.constant 1 : i32
      %sub3A_168 = arith.subi %div3A_147, %sub3A_167 : i32
      %select_n3A_169 = arith.select %and3A_166, %sub3A_168, %div3A_147 : i32
      %jit3A_170 = arith.constant 9 : i32
      %eq3A_171 = arith.constant 0 : i32
      %eq3A_172 = arith.cmpi eq, %jit3A_170, %eq3A_171 : i32
      %jit3A_173 = arith.constant 1 : i32
      %select_n3A_174 = arith.select %eq3A_172, %jit3A_173, %jit3A_170 : i32
      %rem3A_175 = arith.remsi %select_n3A_145, %select_n3A_174 : i32
      %ne3A_176 = arith.constant 0 : i32
      %ne3A_177 = arith.cmpi ne, %rem3A_175, %ne3A_176 : i32
      %lt3A_178 = arith.constant 0 : i32
      %lt3A_179 = arith.cmpi slt, %rem3A_175, %lt3A_178 : i32
      %lt3A_180 = arith.constant 0 : i32
      %lt3A_181 = arith.cmpi slt, %select_n3A_174, %lt3A_180 : i32
      %ne3A_182 = arith.xori %lt3A_179, %lt3A_181 : i1
      %and3A_183 = arith.andi %ne3A_182, %ne3A_177 : i1
      %add3A_184 = arith.addi %rem3A_175, %select_n3A_174 : i32
      %select_n3A_185 = arith.select %and3A_183, %add3A_184, %rem3A_175 : i32
      %mul3A_186 = arith.constant 32 : i32
      %mul3A_187 = arith.muli %select_n3A_185, %mul3A_186 : i32
      %mul3A_188 = arith.constant 4 : i32
      %mul3A_189 = arith.muli %select_n3A_121, %mul3A_188 : i32
      %add3A_190 = arith.addi %mul3A_187, %mul3A_189 : i32
      %mul3A_191 = arith.constant 288 : i32
      %mul3A_192 = arith.muli %select_n3A_169, %mul3A_191 : i32
      %add3A_193 = arith.addi %mul3A_192, %add3A_190 : i32
      %mul3A_194 = arith.constant 2 : i32
      %mul3A_195 = arith.muli %select_n3A_169, %mul3A_194 : i32
      %mul3A_196 = arith.constant 9 : i32
      %mul3A_197 = arith.muli %mul3A_195, %mul3A_196 : i32
      %mul3A_198 = arith.constant 2 : i32
      %mul3A_199 = arith.muli %mul3A_198, %select_n3A_185 : i32
      %add3A_200 = arith.addi %mul3A_197, %mul3A_199 : i32
      %mul3A_201 = arith.constant 16384 : i32
      %mul3A_202 = arith.muli %add3A_200, %mul3A_201 : i32
      %mul3A_203 = arith.constant 16384 : i32
      %mul3A_204 = arith.muli %add3A_193, %mul3A_203 : i32
      %dma_wait3A = tpu.memref_slice %arg2[%mul3A_204] : memref<18874368xf32, #tpu.memory_space<hbm>> -> memref<65536xf32, #tpu.memory_space<hbm>>
      %dma_wait3A_205 = tpu.memref_slice %arg2[%mul3A_204] : memref<18874368xf32, #tpu.memory_space<hbm>> -> memref<65536xf32, #tpu.memory_space<hbm>>
      tpu.wait_dma2 semaphore(%arg10 : memref<!tpu.dma_semaphore, #tpu.memory_space<semaphore_mem>>) src(%dma_wait3A_205 : memref<65536xf32, #tpu.memory_space<hbm>>) dst(%arg6 : memref<65536xf32, #tpu.memory_space<vmem>>)
      %dma_wait3A_206 = tpu.memref_slice %arg3[%mul3A_202] : memref<1179648xf32, #tpu.memory_space<hbm>> -> memref<32768xf32, #tpu.memory_space<hbm>>
      %dma_wait3A_207 = tpu.memref_slice %arg3[%mul3A_202] : memref<1179648xf32, #tpu.memory_space<hbm>> -> memref<32768xf32, #tpu.memory_space<hbm>>
      tpu.wait_dma2 semaphore(%arg11 : memref<!tpu.dma_semaphore, #tpu.memory_space<semaphore_mem>>) src(%dma_wait3A_207 : memref<32768xf32, #tpu.memory_space<hbm>>) dst(%arg7 : memref<32768xf32, #tpu.memory_space<vmem>>)
      %add3A_208 = arith.constant 0 : i32
      %add3A_209 = arith.addi %add3A_190, %add3A_208 : i32
      %broadcast_in_dim3A = vector.broadcast %add3A_209 : i32 to vector<16xi32>
      %gather3A = tpu.vector_load_idx %arg9[%broadcast_in_dim3A] : memref<288xf32, #tpu.memory_space<vmem>>[vector<16xi32>], vector<16xf32>,
      %add3A_210 = arith.constant 1 : i32
      %add3A_211 = arith.addi %add3A_190, %add3A_210 : i32
      %broadcast_in_dim3A_212 = vector.broadcast %add3A_211 : i32 to vector<16xi32>
      %gather3A_213 = tpu.vector_load_idx %arg9[%broadcast_in_dim3A_212] : memref<288xf32, #tpu.memory_space<vmem>>[vector<16xi32>], vector<16xf32>,
      %add3A_214 = arith.constant 2 : i32
      %add3A_215 = arith.addi %add3A_190, %add3A_214 : i32
      %broadcast_in_dim3A_216 = vector.broadcast %add3A_215 : i32 to vector<16xi32>
      %gather3A_217 = tpu.vector_load_idx %arg9[%broadcast_in_dim3A_216] : memref<288xf32, #tpu.memory_space<vmem>>[vector<16xi32>], vector<16xf32>,
      %add3A_218 = arith.constant 3 : i32
      %add3A_219 = arith.addi %add3A_190, %add3A_218 : i32
      %broadcast_in_dim3A_220 = vector.broadcast %add3A_219 : i32 to vector<16xi32>
      %gather3A_221 = tpu.vector_load_idx %arg9[%broadcast_in_dim3A_220] : memref<288xf32, #tpu.memory_space<vmem>>[vector<16xi32>], vector<16xf32>,
      %scan3A_222 = arith.constant 0 : i32
      %scan3A_223 = arith.constant 0 : i32
      %scan3A_224 = arith.constant 128 : i32
      %scan3A_225 = arith.addi %scan3A_223, %scan3A_224 : i32
      %scan3A_226 = arith.constant 1 : i32
      %scan3A_227 = scf.for %scan3A_858 = %scan3A_223 to %scan3A_225 step %scan3A_226 iter_args(%scan3A_859 = %scan3A_222) -> (i32)  : i32 {
        %mul3A_860 = arith.constant 16 : i32
        %mul3A_861 = arith.muli %scan3A_858, %mul3A_860 : i32
        %add3A_862 = arith.constant 0 : i32
        %add3A_863 = arith.addi %add3A_862, %mul3A_861 : i32
        %get3A = arith.index_cast %add3A_863 : i32 to index
        %get3A_864 = tpu.vector_load %arg7[%get3A] {strides = array<i32>} : memref<32768xf32, #tpu.memory_space<vmem>>, vector<16xf32>,
        %mul3A_865 = arith.constant 16 : i32
        %mul3A_866 = arith.muli %scan3A_858, %mul3A_865 : i32
        %add3A_867 = arith.constant 16384 : i32
        %add3A_868 = arith.addi %add3A_867, %mul3A_866 : i32
        %get3A_869 = arith.index_cast %add3A_868 : i32 to index
        %get3A_870 = tpu.vector_load %arg7[%get3A_869] {strides = array<i32>} : memref<32768xf32, #tpu.memory_space<vmem>>, vector<16xf32>,
        %convert_element_type3A_871 = arith.fptosi %get3A_864 : vector<16xf32> to vector<16xi32>
        %convert_element_type3A_872 = arith.sitofp %convert_element_type3A_871 : vector<16xi32> to vector<16xf32>
        %gt3A = arith.cmpf ogt, %convert_element_type3A_872, %get3A_864 : vector<16xf32>
        %sub3A_873 = arith.constant 1 : i32
        %sub3A_874 = vector.broadcast %sub3A_873 : i32 to vector<16xi32>
        %sub3A_875 = arith.subi %convert_element_type3A_871, %sub3A_874 : vector<16xi32>
        %select_n3A_876 = arith.select %gt3A, %sub3A_875, %convert_element_type3A_871 : vector<16xi1>, vector<16xi32>
        %sub3A_877 = arith.constant 1.000000e+00 : f32
        %sub3A_878 = vector.broadcast %sub3A_877 : f32 to vector<16xf32>
        %sub3A_879 = arith.subf %convert_element_type3A_872, %sub3A_878 : vector<16xf32>
        %select_n3A_880 = arith.select %gt3A, %sub3A_879, %convert_element_type3A_872 : vector<16xi1>, vector<16xf32>
        %convert_element_type3A_881 = arith.fptosi %get3A_870 : vector<16xf32> to vector<16xi32>
        %convert_element_type3A_882 = arith.sitofp %convert_element_type3A_881 : vector<16xi32> to vector<16xf32>
        %gt3A_883 = arith.cmpf ogt, %convert_element_type3A_882, %get3A_870 : vector<16xf32>
        %sub3A_884 = arith.constant 1 : i32
        %sub3A_885 = vector.broadcast %sub3A_884 : i32 to vector<16xi32>
        %sub3A_886 = arith.subi %convert_element_type3A_881, %sub3A_885 : vector<16xi32>
        %select_n3A_887 = arith.select %gt3A_883, %sub3A_886, %convert_element_type3A_881 : vector<16xi1>, vector<16xi32>
        %sub3A_888 = arith.constant 1.000000e+00 : f32
        %sub3A_889 = vector.broadcast %sub3A_888 : f32 to vector<16xf32>
        %sub3A_890 = arith.subf %convert_element_type3A_882, %sub3A_889 : vector<16xf32>
        %select_n3A_891 = arith.select %gt3A_883, %sub3A_890, %convert_element_type3A_882 : vector<16xi1>, vector<16xf32>
        %sub3A_892 = arith.subf %get3A_864, %select_n3A_880 : vector<16xf32>
        %sub3A_893 = arith.subf %get3A_870, %select_n3A_891 : vector<16xf32>
        %max3A = arith.constant 0 : i32
        %max3A_894 = vector.broadcast %max3A : i32 to vector<16xi32>
        %max3A_895 = arith.maxsi %select_n3A_876, %max3A_894 : vector<16xi32>
        %min3A = arith.constant 127 : i32
        %min3A_896 = vector.broadcast %min3A : i32 to vector<16xi32>
        %min3A_897 = arith.minsi %max3A_895, %min3A_896 : vector<16xi32>
        %add3A_898 = arith.constant 1 : i32
        %add3A_899 = vector.broadcast %add3A_898 : i32 to vector<16xi32>
        %add3A_900 = arith.addi %select_n3A_876, %add3A_899 : vector<16xi32>
        %max3A_901 = arith.constant 0 : i32
        %max3A_902 = vector.broadcast %max3A_901 : i32 to vector<16xi32>
        %max3A_903 = arith.maxsi %add3A_900, %max3A_902 : vector<16xi32>
        %min3A_904 = arith.constant 127 : i32
        %min3A_905 = vector.broadcast %min3A_904 : i32 to vector<16xi32>
        %min3A_906 = arith.minsi %max3A_903, %min3A_905 : vector<16xi32>
        %max3A_907 = arith.constant 0 : i32
        %max3A_908 = vector.broadcast %max3A_907 : i32 to vector<16xi32>
        %max3A_909 = arith.maxsi %select_n3A_887, %max3A_908 : vector<16xi32>
        %min3A_910 = arith.constant 127 : i32
        %min3A_911 = vector.broadcast %min3A_910 : i32 to vector<16xi32>
        %min3A_912 = arith.minsi %max3A_909, %min3A_911 : vector<16xi32>
        %add3A_913 = arith.constant 1 : i32
        %add3A_914 = vector.broadcast %add3A_913 : i32 to vector<16xi32>
        %add3A_915 = arith.addi %select_n3A_887, %add3A_914 : vector<16xi32>
        %max3A_916 = arith.constant 0 : i32
        %max3A_917 = vector.broadcast %max3A_916 : i32 to vector<16xi32>
        %max3A_918 = arith.maxsi %add3A_915, %max3A_917 : vector<16xi32>
        %min3A_919 = arith.constant 127 : i32
        %min3A_920 = vector.broadcast %min3A_919 : i32 to vector<16xi32>
        %min3A_921 = arith.minsi %max3A_918, %min3A_920 : vector<16xi32>
        %mul3A_922 = arith.constant 128 : i32
        %mul3A_923 = vector.broadcast %mul3A_922 : i32 to vector<16xi32>
        %mul3A_924 = arith.muli %min3A_912, %mul3A_923 : vector<16xi32>
        %mul3A_925 = arith.constant 128 : i32
        %mul3A_926 = vector.broadcast %mul3A_925 : i32 to vector<16xi32>
        %mul3A_927 = arith.muli %min3A_921, %mul3A_926 : vector<16xi32>
        %add3A_928 = arith.addi %mul3A_924, %min3A_897 : vector<16xi32>
        %add3A_929 = arith.addi %mul3A_924, %min3A_906 : vector<16xi32>
        %add3A_930 = arith.addi %mul3A_927, %min3A_897 : vector<16xi32>
        %add3A_931 = arith.addi %mul3A_927, %min3A_906 : vector<16xi32>
        %sub3A_932 = arith.constant 1.000000e+00 : f32
        %sub3A_933 = vector.broadcast %sub3A_932 : f32 to vector<16xf32>
        %sub3A_934 = arith.subf %sub3A_933, %sub3A_892 : vector<16xf32>
        %sub3A_935 = arith.constant 1.000000e+00 : f32
        %sub3A_936 = vector.broadcast %sub3A_935 : f32 to vector<16xf32>
        %sub3A_937 = arith.subf %sub3A_936, %sub3A_893 : vector<16xf32>
        %mul3A_938 = arith.mulf %sub3A_937, %sub3A_934 : vector<16xf32>
        %mul3A_939 = arith.mulf %sub3A_937, %sub3A_892 : vector<16xf32>
        %mul3A_940 = arith.mulf %sub3A_893, %sub3A_934 : vector<16xf32>
        %mul3A_941 = arith.mulf %sub3A_893, %sub3A_892 : vector<16xf32>
        %add3A_942 = arith.constant 0 : i32
        %add3A_943 = vector.broadcast %add3A_942 : i32 to vector<16xi32>
        %add3A_944 = arith.addi %add3A_928, %add3A_943 : vector<16xi32>
        %gather3A_945 = tpu.vector_load_idx %arg6[%add3A_944] : memref<65536xf32, #tpu.memory_space<vmem>>[vector<16xi32>], vector<16xf32>,
        %add3A_946 = arith.constant 0 : i32
        %add3A_947 = vector.broadcast %add3A_946 : i32 to vector<16xi32>
        %add3A_948 = arith.addi %add3A_929, %add3A_947 : vector<16xi32>
        %gather3A_949 = tpu.vector_load_idx %arg6[%add3A_948] : memref<65536xf32, #tpu.memory_space<vmem>>[vector<16xi32>], vector<16xf32>,
        %add3A_950 = arith.constant 0 : i32
        %add3A_951 = vector.broadcast %add3A_950 : i32 to vector<16xi32>
        %add3A_952 = arith.addi %add3A_930, %add3A_951 : vector<16xi32>
        %gather3A_953 = tpu.vector_load_idx %arg6[%add3A_952] : memref<65536xf32, #tpu.memory_space<vmem>>[vector<16xi32>], vector<16xf32>,
        %add3A_954 = arith.constant 0 : i32
        %add3A_955 = vector.broadcast %add3A_954 : i32 to vector<16xi32>
        %add3A_956 = arith.addi %add3A_931, %add3A_955 : vector<16xi32>
        %gather3A_957 = tpu.vector_load_idx %arg6[%add3A_956] : memref<65536xf32, #tpu.memory_space<vmem>>[vector<16xi32>], vector<16xf32>,
        %mul3A_958 = arith.mulf %mul3A_938, %gather3A_945 : vector<16xf32>
        %mul3A_959 = arith.mulf %mul3A_939, %gather3A_949 : vector<16xf32>
        %add3A_960 = arith.addf %mul3A_958, %mul3A_959 : vector<16xf32>
        %mul3A_961 = arith.mulf %mul3A_940, %gather3A_953 : vector<16xf32>
        %add3A_962 = arith.addf %add3A_960, %mul3A_961 : vector<16xf32>
        %mul3A_963 = arith.mulf %mul3A_941, %gather3A_957 : vector<16xf32>
        %add3A_964 = arith.addf %add3A_962, %mul3A_963 : vector<16xf32>
        %add3A_965 = arith.addf %add3A_964, %gather3A : vector<16xf32>
        %mul3A_966 = arith.constant 16 : i32
        %mul3A_967 = arith.muli %scan3A_858, %mul3A_966 : i32
        %add3A_968 = arith.constant 0 : i32
        %add3A_969 = arith.addi %add3A_968, %mul3A_967 : i32
        %swap3A = arith.index_cast %add3A_969 : i32 to index
        %swap3A_970 = tpu.vector_load %arg8[%swap3A] {strides = array<i32>} : memref<16384xf32, #tpu.memory_space<vmem>>, vector<16xf32>,
        tpu.vector_store %arg8[%swap3A], %add3A_965 {strides = array<i32>} : memref<16384xf32, #tpu.memory_space<vmem>>, vector<16xf32>,
        %add3A_971 = arith.constant 16384 : i32
        %add3A_972 = vector.broadcast %add3A_971 : i32 to vector<16xi32>
        %add3A_973 = arith.addi %add3A_928, %add3A_972 : vector<16xi32>
        %gather3A_974 = tpu.vector_load_idx %arg6[%add3A_973] : memref<65536xf32, #tpu.memory_space<vmem>>[vector<16xi32>], vector<16xf32>,
        %add3A_975 = arith.constant 16384 : i32
        %add3A_976 = vector.broadcast %add3A_975 : i32 to vector<16xi32>
        %add3A_977 = arith.addi %add3A_929, %add3A_976 : vector<16xi32>
        %gather3A_978 = tpu.vector_load_idx %arg6[%add3A_977] : memref<65536xf32, #tpu.memory_space<vmem>>[vector<16xi32>], vector<16xf32>,
        %add3A_979 = arith.constant 16384 : i32
        %add3A_980 = vector.broadcast %add3A_979 : i32 to vector<16xi32>
        %add3A_981 = arith.addi %add3A_930, %add3A_980 : vector<16xi32>
        %gather3A_982 = tpu.vector_load_idx %arg6[%add3A_981] : memref<65536xf32, #tpu.memory_space<vmem>>[vector<16xi32>], vector<16xf32>,
        %add3A_983 = arith.constant 16384 : i32
        %add3A_984 = vector.broadcast %add3A_983 : i32 to vector<16xi32>
        %add3A_985 = arith.addi %add3A_931, %add3A_984 : vector<16xi32>
        %gather3A_986 = tpu.vector_load_idx %arg6[%add3A_985] : memref<65536xf32, #tpu.memory_space<vmem>>[vector<16xi32>], vector<16xf32>,
        %mul3A_987 = arith.mulf %mul3A_938, %gather3A_974 : vector<16xf32>
        %mul3A_988 = arith.mulf %mul3A_939, %gather3A_978 : vector<16xf32>
        %add3A_989 = arith.addf %mul3A_987, %mul3A_988 : vector<16xf32>
        %mul3A_990 = arith.mulf %mul3A_940, %gather3A_982 : vector<16xf32>
        %add3A_991 = arith.addf %add3A_989, %mul3A_990 : vector<16xf32>
        %mul3A_992 = arith.mulf %mul3A_941, %gather3A_986 : vector<16xf32>
        %add3A_993 = arith.addf %add3A_991, %mul3A_992 : vector<16xf32>
        %add3A_994 = arith.addf %add3A_993, %gather3A_213 : vector<16xf32>
        %mul3A_995 = arith.constant 16 : i32
        %mul3A_996 = arith.muli %scan3A_858, %mul3A_995 : i32
        %add3A_997 = arith.constant 2048 : i32
        %add3A_998 = arith.addi %add3A_997, %mul3A_996 : i32
        %swap3A_999 = arith.index_cast %add3A_998 : i32 to index
        %swap3A_1000 = tpu.vector_load %arg8[%swap3A_999] {strides = array<i32>} : memref<16384xf32, #tpu.memory_space<vmem>>, vector<16xf32>,
        tpu.vector_store %arg8[%swap3A_999], %add3A_994 {strides = array<i32>} : memref<16384xf32, #tpu.memory_space<vmem>>, vector<16xf32>,
        %add3A_1001 = arith.constant 32768 : i32
        %add3A_1002 = vector.broadcast %add3A_1001 : i32 to vector<16xi32>
        %add3A_1003 = arith.addi %add3A_928, %add3A_1002 : vector<16xi32>
        %gather3A_1004 = tpu.vector_load_idx %arg6[%add3A_1003] : memref<65536xf32, #tpu.memory_space<vmem>>[vector<16xi32>], vector<16xf32>,
        %add3A_1005 = arith.constant 32768 : i32
        %add3A_1006 = vector.broadcast %add3A_1005 : i32 to vector<16xi32>
        %add3A_1007 = arith.addi %add3A_929, %add3A_1006 : vector<16xi32>
        %gather3A_1008 = tpu.vector_load_idx %arg6[%add3A_1007] : memref<65536xf32, #tpu.memory_space<vmem>>[vector<16xi32>], vector<16xf32>,
        %add3A_1009 = arith.constant 32768 : i32
        %add3A_1010 = vector.broadcast %add3A_1009 : i32 to vector<16xi32>
        %add3A_1011 = arith.addi %add3A_930, %add3A_1010 : vector<16xi32>
        %gather3A_1012 = tpu.vector_load_idx %arg6[%add3A_1011] : memref<65536xf32, #tpu.memory_space<vmem>>[vector<16xi32>], vector<16xf32>,
        %add3A_1013 = arith.constant 32768 : i32
        %add3A_1014 = vector.broadcast %add3A_1013 : i32 to vector<16xi32>
        %add3A_1015 = arith.addi %add3A_931, %add3A_1014 : vector<16xi32>
        %gather3A_1016 = tpu.vector_load_idx %arg6[%add3A_1015] : memref<65536xf32, #tpu.memory_space<vmem>>[vector<16xi32>], vector<16xf32>,
        %mul3A_1017 = arith.mulf %mul3A_938, %gather3A_1004 : vector<16xf32>
        %mul3A_1018 = arith.mulf %mul3A_939, %gather3A_1008 : vector<16xf32>
        %add3A_1019 = arith.addf %mul3A_1017, %mul3A_1018 : vector<16xf32>
        %mul3A_1020 = arith.mulf %mul3A_940, %gather3A_1012 : vector<16xf32>
        %add3A_1021 = arith.addf %add3A_1019, %mul3A_1020 : vector<16xf32>
        %mul3A_1022 = arith.mulf %mul3A_941, %gather3A_1016 : vector<16xf32>
        %add3A_1023 = arith.addf %add3A_1021, %mul3A_1022 : vector<16xf32>
        %add3A_1024 = arith.addf %add3A_1023, %gather3A_217 : vector<16xf32>
        %mul3A_1025 = arith.constant 16 : i32
        %mul3A_1026 = arith.muli %scan3A_858, %mul3A_1025 : i32
        %add3A_1027 = arith.constant 4096 : i32
        %add3A_1028 = arith.addi %add3A_1027, %mul3A_1026 : i32
        %swap3A_1029 = arith.index_cast %add3A_1028 : i32 to index
        %swap3A_1030 = tpu.vector_load %arg8[%swap3A_1029] {strides = array<i32>} : memref<16384xf32, #tpu.memory_space<vmem>>, vector<16xf32>,
        tpu.vector_store %arg8[%swap3A_1029], %add3A_1024 {strides = array<i32>} : memref<16384xf32, #tpu.memory_space<vmem>>, vector<16xf32>,
        %add3A_1031 = arith.constant 49152 : i32
        %add3A_1032 = vector.broadcast %add3A_1031 : i32 to vector<16xi32>
        %add3A_1033 = arith.addi %add3A_928, %add3A_1032 : vector<16xi32>
        %gather3A_1034 = tpu.vector_load_idx %arg6[%add3A_1033] : memref<65536xf32, #tpu.memory_space<vmem>>[vector<16xi32>], vector<16xf32>,
        %add3A_1035 = arith.constant 49152 : i32
        %add3A_1036 = vector.broadcast %add3A_1035 : i32 to vector<16xi32>
        %add3A_1037 = arith.addi %add3A_929, %add3A_1036 : vector<16xi32>
        %gather3A_1038 = tpu.vector_load_idx %arg6[%add3A_1037] : memref<65536xf32, #tpu.memory_space<vmem>>[vector<16xi32>], vector<16xf32>,
        %add3A_1039 = arith.constant 49152 : i32
        %add3A_1040 = vector.broadcast %add3A_1039 : i32 to vector<16xi32>
        %add3A_1041 = arith.addi %add3A_930, %add3A_1040 : vector<16xi32>
        %gather3A_1042 = tpu.vector_load_idx %arg6[%add3A_1041] : memref<65536xf32, #tpu.memory_space<vmem>>[vector<16xi32>], vector<16xf32>,
        %add3A_1043 = arith.constant 49152 : i32
        %add3A_1044 = vector.broadcast %add3A_1043 : i32 to vector<16xi32>
        %add3A_1045 = arith.addi %add3A_931, %add3A_1044 : vector<16xi32>
        %gather3A_1046 = tpu.vector_load_idx %arg6[%add3A_1045] : memref<65536xf32, #tpu.memory_space<vmem>>[vector<16xi32>], vector<16xf32>,
        %mul3A_1047 = arith.mulf %mul3A_938, %gather3A_1034 : vector<16xf32>
        %mul3A_1048 = arith.mulf %mul3A_939, %gather3A_1038 : vector<16xf32>
        %add3A_1049 = arith.addf %mul3A_1047, %mul3A_1048 : vector<16xf32>
        %mul3A_1050 = arith.mulf %mul3A_940, %gather3A_1042 : vector<16xf32>
        %add3A_1051 = arith.addf %add3A_1049, %mul3A_1050 : vector<16xf32>
        %mul3A_1052 = arith.mulf %mul3A_941, %gather3A_1046 : vector<16xf32>
        %add3A_1053 = arith.addf %add3A_1051, %mul3A_1052 : vector<16xf32>
        %add3A_1054 = arith.addf %add3A_1053, %gather3A_221 : vector<16xf32>
        %mul3A_1055 = arith.constant 16 : i32
        %mul3A_1056 = arith.muli %scan3A_858, %mul3A_1055 : i32
        %add3A_1057 = arith.constant 6144 : i32
        %add3A_1058 = arith.addi %add3A_1057, %mul3A_1056 : i32
        %swap3A_1059 = arith.index_cast %add3A_1058 : i32 to index
        %swap3A_1060 = tpu.vector_load %arg8[%swap3A_1059] {strides = array<i32>} : memref<16384xf32, #tpu.memory_space<vmem>>, vector<16xf32>,
        tpu.vector_store %arg8[%swap3A_1059], %add3A_1054 {strides = array<i32>} : memref<16384xf32, #tpu.memory_space<vmem>>, vector<16xf32>,
        %scan3A_1061 = arith.constant 0 : i32
        scf.yield %scan3A_1061 : i32
      }
      %scan3A_228 = arith.constant 128 : i32
      %add3A_229 = arith.constant 0 : i32
      %add3A_230 = arith.addi %add3A_193, %add3A_229 : i32
      %mul3A_231 = arith.constant 16384 : i32
      %mul3A_232 = arith.muli %add3A_230, %mul3A_231 : i32
      %add3A_233 = arith.constant 0 : i32
      %add3A_234 = arith.addi %mul3A_232, %add3A_233 : i32
      %dma_start3A_235 = arith.constant 0 : i32
      %dma_start3A_236 = tpu.memref_slice %arg8[%dma_start3A_235] : memref<16384xf32, #tpu.memory_space<vmem>> -> memref<2048xf32, #tpu.memory_space<vmem>>
      %dma_start3A_237 = tpu.memref_slice %arg5[%add3A_234] : memref<18874368xf32, #tpu.memory_space<hbm>> -> memref<2048xf32, #tpu.memory_space<hbm>>
      %dma_start3A_238 = tpu.memref_slice %arg5[%add3A_234] : memref<18874368xf32, #tpu.memory_space<hbm>> -> memref<2048xf32, #tpu.memory_space<hbm>>
      %dma_start3A_239 = arith.constant 0 : i32
      %dma_start3A_240 = tpu.memref_slice %arg8[%dma_start3A_239] : memref<16384xf32, #tpu.memory_space<vmem>> -> memref<2048xf32, #tpu.memory_space<vmem>>
      tpu.enqueue_dma source(%dma_start3A_240 : memref<2048xf32, #tpu.memory_space<vmem>>) target(%dma_start3A_238 : memref<2048xf32, #tpu.memory_space<hbm>>) target_semaphore(%arg12 : memref<!tpu.dma_semaphore, #tpu.memory_space<semaphore_mem>>)
      %add3A_241 = arith.constant 1 : i32
      %add3A_242 = arith.addi %add3A_193, %add3A_241 : i32
      %mul3A_243 = arith.constant 16384 : i32
      %mul3A_244 = arith.muli %add3A_242, %mul3A_243 : i32
      %add3A_245 = arith.constant 0 : i32
      %add3A_246 = arith.addi %mul3A_244, %add3A_245 : i32
      %dma_start3A_247 = arith.constant 2048 : i32
      %dma_start3A_248 = tpu.memref_slice %arg8[%dma_start3A_247] : memref<16384xf32, #tpu.memory_space<vmem>> -> memref<2048xf32, #tpu.memory_space<vmem>>
      %dma_start3A_249 = tpu.memref_slice %arg5[%add3A_246] : memref<18874368xf32, #tpu.memory_space<hbm>> -> memref<2048xf32, #tpu.memory_space<hbm>>
      %dma_start3A_250 = tpu.memref_slice %arg5[%add3A_246] : memref<18874368xf32, #tpu.memory_space<hbm>> -> memref<2048xf32, #tpu.memory_space<hbm>>
      %dma_start3A_251 = arith.constant 2048 : i32
      %dma_start3A_252 = tpu.memref_slice %arg8[%dma_start3A_251] : memref<16384xf32, #tpu.memory_space<vmem>> -> memref<2048xf32, #tpu.memory_space<vmem>>
      tpu.enqueue_dma source(%dma_start3A_252 : memref<2048xf32, #tpu.memory_space<vmem>>) target(%dma_start3A_250 : memref<2048xf32, #tpu.memory_space<hbm>>) target_semaphore(%arg12 : memref<!tpu.dma_semaphore, #tpu.memory_space<semaphore_mem>>)
      %add3A_253 = arith.constant 2 : i32
      %add3A_254 = arith.addi %add3A_193, %add3A_253 : i32
      %mul3A_255 = arith.constant 16384 : i32
      %mul3A_256 = arith.muli %add3A_254, %mul3A_255 : i32
      %add3A_257 = arith.constant 0 : i32
      %add3A_258 = arith.addi %mul3A_256, %add3A_257 : i32
      %dma_start3A_259 = arith.constant 4096 : i32
      %dma_start3A_260 = tpu.memref_slice %arg8[%dma_start3A_259] : memref<16384xf32, #tpu.memory_space<vmem>> -> memref<2048xf32, #tpu.memory_space<vmem>>
      %dma_start3A_261 = tpu.memref_slice %arg5[%add3A_258] : memref<18874368xf32, #tpu.memory_space<hbm>> -> memref<2048xf32, #tpu.memory_space<hbm>>
      %dma_start3A_262 = tpu.memref_slice %arg5[%add3A_258] : memref<18874368xf32, #tpu.memory_space<hbm>> -> memref<2048xf32, #tpu.memory_space<hbm>>
      %dma_start3A_263 = arith.constant 4096 : i32
      %dma_start3A_264 = tpu.memref_slice %arg8[%dma_start3A_263] : memref<16384xf32, #tpu.memory_space<vmem>> -> memref<2048xf32, #tpu.memory_space<vmem>>
      tpu.enqueue_dma source(%dma_start3A_264 : memref<2048xf32, #tpu.memory_space<vmem>>) target(%dma_start3A_262 : memref<2048xf32, #tpu.memory_space<hbm>>) target_semaphore(%arg12 : memref<!tpu.dma_semaphore, #tpu.memory_space<semaphore_mem>>)
      %add3A_265 = arith.constant 3 : i32
      %add3A_266 = arith.addi %add3A_193, %add3A_265 : i32
      %mul3A_267 = arith.constant 16384 : i32
      %mul3A_268 = arith.muli %add3A_266, %mul3A_267 : i32
      %add3A_269 = arith.constant 0 : i32
      %add3A_270 = arith.addi %mul3A_268, %add3A_269 : i32
      %dma_start3A_271 = arith.constant 6144 : i32
      %dma_start3A_272 = tpu.memref_slice %arg8[%dma_start3A_271] : memref<16384xf32, #tpu.memory_space<vmem>> -> memref<2048xf32, #tpu.memory_space<vmem>>
      %dma_start3A_273 = tpu.memref_slice %arg5[%add3A_270] : memref<18874368xf32, #tpu.memory_space<hbm>> -> memref<2048xf32, #tpu.memory_space<hbm>>
      %dma_start3A_274 = tpu.memref_slice %arg5[%add3A_270] : memref<18874368xf32, #tpu.memory_space<hbm>> -> memref<2048xf32, #tpu.memory_space<hbm>>
      %dma_start3A_275 = arith.constant 6144 : i32
      %dma_start3A_276 = tpu.memref_slice %arg8[%dma_start3A_275] : memref<16384xf32, #tpu.memory_space<vmem>> -> memref<2048xf32, #tpu.memory_space<vmem>>
      tpu.enqueue_dma source(%dma_start3A_276 : memref<2048xf32, #tpu.memory_space<vmem>>) target(%dma_start3A_274 : memref<2048xf32, #tpu.memory_space<hbm>>) target_semaphore(%arg12 : memref<!tpu.dma_semaphore, #tpu.memory_space<semaphore_mem>>)
      %scan3A_277 = arith.constant 0 : i32
      %scan3A_278 = arith.constant 0 : i32
      %scan3A_279 = arith.constant 128 : i32
      %scan3A_280 = arith.addi %scan3A_278, %scan3A_279 : i32
      %scan3A_281 = arith.constant 1 : i32
      %scan3A_282 = scf.for %scan3A_858 = %scan3A_278 to %scan3A_280 step %scan3A_281 iter_args(%scan3A_859 = %scan3A_277) -> (i32)  : i32 {
        %mul3A_860 = arith.constant 16 : i32
        %mul3A_861 = arith.muli %scan3A_858, %mul3A_860 : i32
        %add3A_862 = arith.constant 2048 : i32
        %add3A_863 = arith.addi %add3A_862, %mul3A_861 : i32
        %get3A = arith.index_cast %add3A_863 : i32 to index
        %get3A_864 = tpu.vector_load %arg7[%get3A] {strides = array<i32>} : memref<32768xf32, #tpu.memory_space<vmem>>, vector<16xf32>,
        %mul3A_865 = arith.constant 16 : i32
        %mul3A_866 = arith.muli %scan3A_858, %mul3A_865 : i32
        %add3A_867 = arith.constant 18432 : i32
        %add3A_868 = arith.addi %add3A_867, %mul3A_866 : i32
        %get3A_869 = arith.index_cast %add3A_868 : i32 to index
        %get3A_870 = tpu.vector_load %arg7[%get3A_869] {strides = array<i32>} : memref<32768xf32, #tpu.memory_space<vmem>>, vector<16xf32>,
        %convert_element_type3A_871 = arith.fptosi %get3A_864 : vector<16xf32> to vector<16xi32>
        %convert_element_type3A_872 = arith.sitofp %convert_element_type3A_871 : vector<16xi32> to vector<16xf32>
        %gt3A = arith.cmpf ogt, %convert_element_type3A_872, %get3A_864 : vector<16xf32>
        %sub3A_873 = arith.constant 1 : i32
        %sub3A_874 = vector.broadcast %sub3A_873 : i32 to vector<16xi32>
        %sub3A_875 = arith.subi %convert_element_type3A_871, %sub3A_874 : vector<16xi32>
        %select_n3A_876 = arith.select %gt3A, %sub3A_875, %convert_element_type3A_871 : vector<16xi1>, vector<16xi32>
        %sub3A_877 = arith.constant 1.000000e+00 : f32
        %sub3A_878 = vector.broadcast %sub3A_877 : f32 to vector<16xf32>
        %sub3A_879 = arith.subf %convert_element_type3A_872, %sub3A_878 : vector<16xf32>
        %select_n3A_880 = arith.select %gt3A, %sub3A_879, %convert_element_type3A_872 : vector<16xi1>, vector<16xf32>
        %convert_element_type3A_881 = arith.fptosi %get3A_870 : vector<16xf32> to vector<16xi32>
        %convert_element_type3A_882 = arith.sitofp %convert_element_type3A_881 : vector<16xi32> to vector<16xf32>
        %gt3A_883 = arith.cmpf ogt, %convert_element_type3A_882, %get3A_870 : vector<16xf32>
        %sub3A_884 = arith.constant 1 : i32
        %sub3A_885 = vector.broadcast %sub3A_884 : i32 to vector<16xi32>
        %sub3A_886 = arith.subi %convert_element_type3A_881, %sub3A_885 : vector<16xi32>
        %select_n3A_887 = arith.select %gt3A_883, %sub3A_886, %convert_element_type3A_881 : vector<16xi1>, vector<16xi32>
        %sub3A_888 = arith.constant 1.000000e+00 : f32
        %sub3A_889 = vector.broadcast %sub3A_888 : f32 to vector<16xf32>
        %sub3A_890 = arith.subf %convert_element_type3A_882, %sub3A_889 : vector<16xf32>
        %select_n3A_891 = arith.select %gt3A_883, %sub3A_890, %convert_element_type3A_882 : vector<16xi1>, vector<16xf32>
        %sub3A_892 = arith.subf %get3A_864, %select_n3A_880 : vector<16xf32>
        %sub3A_893 = arith.subf %get3A_870, %select_n3A_891 : vector<16xf32>
        %max3A = arith.constant 0 : i32
        %max3A_894 = vector.broadcast %max3A : i32 to vector<16xi32>
        %max3A_895 = arith.maxsi %select_n3A_876, %max3A_894 : vector<16xi32>
        %min3A = arith.constant 127 : i32
        %min3A_896 = vector.broadcast %min3A : i32 to vector<16xi32>
        %min3A_897 = arith.minsi %max3A_895, %min3A_896 : vector<16xi32>
        %add3A_898 = arith.constant 1 : i32
        %add3A_899 = vector.broadcast %add3A_898 : i32 to vector<16xi32>
        %add3A_900 = arith.addi %select_n3A_876, %add3A_899 : vector<16xi32>
        %max3A_901 = arith.constant 0 : i32
        %max3A_902 = vector.broadcast %max3A_901 : i32 to vector<16xi32>
        %max3A_903 = arith.maxsi %add3A_900, %max3A_902 : vector<16xi32>
        %min3A_904 = arith.constant 127 : i32
        %min3A_905 = vector.broadcast %min3A_904 : i32 to vector<16xi32>
        %min3A_906 = arith.minsi %max3A_903, %min3A_905 : vector<16xi32>
        %max3A_907 = arith.constant 0 : i32
        %max3A_908 = vector.broadcast %max3A_907 : i32 to vector<16xi32>
        %max3A_909 = arith.maxsi %select_n3A_887, %max3A_908 : vector<16xi32>
        %min3A_910 = arith.constant 127 : i32
        %min3A_911 = vector.broadcast %min3A_910 : i32 to vector<16xi32>
        %min3A_912 = arith.minsi %max3A_909, %min3A_911 : vector<16xi32>
        %add3A_913 = arith.constant 1 : i32
        %add3A_914 = vector.broadcast %add3A_913 : i32 to vector<16xi32>
        %add3A_915 = arith.addi %select_n3A_887, %add3A_914 : vector<16xi32>
        %max3A_916 = arith.constant 0 : i32
        %max3A_917 = vector.broadcast %max3A_916 : i32 to vector<16xi32>
        %max3A_918 = arith.maxsi %add3A_915, %max3A_917 : vector<16xi32>
        %min3A_919 = arith.constant 127 : i32
        %min3A_920 = vector.broadcast %min3A_919 : i32 to vector<16xi32>
        %min3A_921 = arith.minsi %max3A_918, %min3A_920 : vector<16xi32>
        %mul3A_922 = arith.constant 128 : i32
        %mul3A_923 = vector.broadcast %mul3A_922 : i32 to vector<16xi32>
        %mul3A_924 = arith.muli %min3A_912, %mul3A_923 : vector<16xi32>
        %mul3A_925 = arith.constant 128 : i32
        %mul3A_926 = vector.broadcast %mul3A_925 : i32 to vector<16xi32>
        %mul3A_927 = arith.muli %min3A_921, %mul3A_926 : vector<16xi32>
        %add3A_928 = arith.addi %mul3A_924, %min3A_897 : vector<16xi32>
        %add3A_929 = arith.addi %mul3A_924, %min3A_906 : vector<16xi32>
        %add3A_930 = arith.addi %mul3A_927, %min3A_897 : vector<16xi32>
        %add3A_931 = arith.addi %mul3A_927, %min3A_906 : vector<16xi32>
        %sub3A_932 = arith.constant 1.000000e+00 : f32
        %sub3A_933 = vector.broadcast %sub3A_932 : f32 to vector<16xf32>
        %sub3A_934 = arith.subf %sub3A_933, %sub3A_892 : vector<16xf32>
        %sub3A_935 = arith.constant 1.000000e+00 : f32
        %sub3A_936 = vector.broadcast %sub3A_935 : f32 to vector<16xf32>
        %sub3A_937 = arith.subf %sub3A_936, %sub3A_893 : vector<16xf32>
        %mul3A_938 = arith.mulf %sub3A_937, %sub3A_934 : vector<16xf32>
        %mul3A_939 = arith.mulf %sub3A_937, %sub3A_892 : vector<16xf32>
        %mul3A_940 = arith.mulf %sub3A_893, %sub3A_934 : vector<16xf32>
        %mul3A_941 = arith.mulf %sub3A_893, %sub3A_892 : vector<16xf32>
        %add3A_942 = arith.constant 0 : i32
        %add3A_943 = vector.broadcast %add3A_942 : i32 to vector<16xi32>
        %add3A_944 = arith.addi %add3A_928, %add3A_943 : vector<16xi32>
        %gather3A_945 = tpu.vector_load_idx %arg6[%add3A_944] : memref<65536xf32, #tpu.memory_space<vmem>>[vector<16xi32>], vector<16xf32>,
        %add3A_946 = arith.constant 0 : i32
        %add3A_947 = vector.broadcast %add3A_946 : i32 to vector<16xi32>
        %add3A_948 = arith.addi %add3A_929, %add3A_947 : vector<16xi32>
        %gather3A_949 = tpu.vector_load_idx %arg6[%add3A_948] : memref<65536xf32, #tpu.memory_space<vmem>>[vector<16xi32>], vector<16xf32>,
        %add3A_950 = arith.constant 0 : i32
        %add3A_951 = vector.broadcast %add3A_950 : i32 to vector<16xi32>
        %add3A_952 = arith.addi %add3A_930, %add3A_951 : vector<16xi32>
        %gather3A_953 = tpu.vector_load_idx %arg6[%add3A_952] : memref<65536xf32, #tpu.memory_space<vmem>>[vector<16xi32>], vector<16xf32>,
        %add3A_954 = arith.constant 0 : i32
        %add3A_955 = vector.broadcast %add3A_954 : i32 to vector<16xi32>
        %add3A_956 = arith.addi %add3A_931, %add3A_955 : vector<16xi32>
        %gather3A_957 = tpu.vector_load_idx %arg6[%add3A_956] : memref<65536xf32, #tpu.memory_space<vmem>>[vector<16xi32>], vector<16xf32>,
        %mul3A_958 = arith.mulf %mul3A_938, %gather3A_945 : vector<16xf32>
        %mul3A_959 = arith.mulf %mul3A_939, %gather3A_949 : vector<16xf32>
        %add3A_960 = arith.addf %mul3A_958, %mul3A_959 : vector<16xf32>
        %mul3A_961 = arith.mulf %mul3A_940, %gather3A_953 : vector<16xf32>
        %add3A_962 = arith.addf %add3A_960, %mul3A_961 : vector<16xf32>
        %mul3A_963 = arith.mulf %mul3A_941, %gather3A_957 : vector<16xf32>
        %add3A_964 = arith.addf %add3A_962, %mul3A_963 : vector<16xf32>
        %add3A_965 = arith.addf %add3A_964, %gather3A : vector<16xf32>
        %mul3A_966 = arith.constant 16 : i32
        %mul3A_967 = arith.muli %scan3A_858, %mul3A_966 : i32
        %add3A_968 = arith.constant 8192 : i32
        %add3A_969 = arith.addi %add3A_968, %mul3A_967 : i32
        %swap3A = arith.index_cast %add3A_969 : i32 to index
        %swap3A_970 = tpu.vector_load %arg8[%swap3A] {strides = array<i32>} : memref<16384xf32, #tpu.memory_space<vmem>>, vector<16xf32>,
        tpu.vector_store %arg8[%swap3A], %add3A_965 {strides = array<i32>} : memref<16384xf32, #tpu.memory_space<vmem>>, vector<16xf32>,
        %add3A_971 = arith.constant 16384 : i32
        %add3A_972 = vector.broadcast %add3A_971 : i32 to vector<16xi32>
        %add3A_973 = arith.addi %add3A_928, %add3A_972 : vector<16xi32>
        %gather3A_974 = tpu.vector_load_idx %arg6[%add3A_973] : memref<65536xf32, #tpu.memory_space<vmem>>[vector<16xi32>], vector<16xf32>,
        %add3A_975 = arith.constant 16384 : i32
        %add3A_976 = vector.broadcast %add3A_975 : i32 to vector<16xi32>
        %add3A_977 = arith.addi %add3A_929, %add3A_976 : vector<16xi32>
        %gather3A_978 = tpu.vector_load_idx %arg6[%add3A_977] : memref<65536xf32, #tpu.memory_space<vmem>>[vector<16xi32>], vector<16xf32>,
        %add3A_979 = arith.constant 16384 : i32
        %add3A_980 = vector.broadcast %add3A_979 : i32 to vector<16xi32>
        %add3A_981 = arith.addi %add3A_930, %add3A_980 : vector<16xi32>
        %gather3A_982 = tpu.vector_load_idx %arg6[%add3A_981] : memref<65536xf32, #tpu.memory_space<vmem>>[vector<16xi32>], vector<16xf32>,
        %add3A_983 = arith.constant 16384 : i32
        %add3A_984 = vector.broadcast %add3A_983 : i32 to vector<16xi32>
        %add3A_985 = arith.addi %add3A_931, %add3A_984 : vector<16xi32>
        %gather3A_986 = tpu.vector_load_idx %arg6[%add3A_985] : memref<65536xf32, #tpu.memory_space<vmem>>[vector<16xi32>], vector<16xf32>,
        %mul3A_987 = arith.mulf %mul3A_938, %gather3A_974 : vector<16xf32>
        %mul3A_988 = arith.mulf %mul3A_939, %gather3A_978 : vector<16xf32>
        %add3A_989 = arith.addf %mul3A_987, %mul3A_988 : vector<16xf32>
        %mul3A_990 = arith.mulf %mul3A_940, %gather3A_982 : vector<16xf32>
        %add3A_991 = arith.addf %add3A_989, %mul3A_990 : vector<16xf32>
        %mul3A_992 = arith.mulf %mul3A_941, %gather3A_986 : vector<16xf32>
        %add3A_993 = arith.addf %add3A_991, %mul3A_992 : vector<16xf32>
        %add3A_994 = arith.addf %add3A_993, %gather3A_213 : vector<16xf32>
        %mul3A_995 = arith.constant 16 : i32
        %mul3A_996 = arith.muli %scan3A_858, %mul3A_995 : i32
        %add3A_997 = arith.constant 10240 : i32
        %add3A_998 = arith.addi %add3A_997, %mul3A_996 : i32
        %swap3A_999 = arith.index_cast %add3A_998 : i32 to index
        %swap3A_1000 = tpu.vector_load %arg8[%swap3A_999] {strides = array<i32>} : memref<16384xf32, #tpu.memory_space<vmem>>, vector<16xf32>,
        tpu.vector_store %arg8[%swap3A_999], %add3A_994 {strides = array<i32>} : memref<16384xf32, #tpu.memory_space<vmem>>, vector<16xf32>,
        %add3A_1001 = arith.constant 32768 : i32
        %add3A_1002 = vector.broadcast %add3A_1001 : i32 to vector<16xi32>
        %add3A_1003 = arith.addi %add3A_928, %add3A_1002 : vector<16xi32>
        %gather3A_1004 = tpu.vector_load_idx %arg6[%add3A_1003] : memref<65536xf32, #tpu.memory_space<vmem>>[vector<16xi32>], vector<16xf32>,
        %add3A_1005 = arith.constant 32768 : i32
        %add3A_1006 = vector.broadcast %add3A_1005 : i32 to vector<16xi32>
        %add3A_1007 = arith.addi %add3A_929, %add3A_1006 : vector<16xi32>
        %gather3A_1008 = tpu.vector_load_idx %arg6[%add3A_1007] : memref<65536xf32, #tpu.memory_space<vmem>>[vector<16xi32>], vector<16xf32>,
        %add3A_1009 = arith.constant 32768 : i32
        %add3A_1010 = vector.broadcast %add3A_1009 : i32 to vector<16xi32>
        %add3A_1011 = arith.addi %add3A_930, %add3A_1010 : vector<16xi32>
        %gather3A_1012 = tpu.vector_load_idx %arg6[%add3A_1011] : memref<65536xf32, #tpu.memory_space<vmem>>[vector<16xi32>], vector<16xf32>,
        %add3A_1013 = arith.constant 32768 : i32
        %add3A_1014 = vector.broadcast %add3A_1013 : i32 to vector<16xi32>
        %add3A_1015 = arith.addi %add3A_931, %add3A_1014 : vector<16xi32>
        %gather3A_1016 = tpu.vector_load_idx %arg6[%add3A_1015] : memref<65536xf32, #tpu.memory_space<vmem>>[vector<16xi32>], vector<16xf32>,
        %mul3A_1017 = arith.mulf %mul3A_938, %gather3A_1004 : vector<16xf32>
        %mul3A_1018 = arith.mulf %mul3A_939, %gather3A_1008 : vector<16xf32>
        %add3A_1019 = arith.addf %mul3A_1017, %mul3A_1018 : vector<16xf32>
        %mul3A_1020 = arith.mulf %mul3A_940, %gather3A_1012 : vector<16xf32>
        %add3A_1021 = arith.addf %add3A_1019, %mul3A_1020 : vector<16xf32>
        %mul3A_1022 = arith.mulf %mul3A_941, %gather3A_1016 : vector<16xf32>
        %add3A_1023 = arith.addf %add3A_1021, %mul3A_1022 : vector<16xf32>
        %add3A_1024 = arith.addf %add3A_1023, %gather3A_217 : vector<16xf32>
        %mul3A_1025 = arith.constant 16 : i32
        %mul3A_1026 = arith.muli %scan3A_858, %mul3A_1025 : i32
        %add3A_1027 = arith.constant 12288 : i32
        %add3A_1028 = arith.addi %add3A_1027, %mul3A_1026 : i32
        %swap3A_1029 = arith.index_cast %add3A_1028 : i32 to index
        %swap3A_1030 = tpu.vector_load %arg8[%swap3A_1029] {strides = array<i32>} : memref<16384xf32, #tpu.memory_space<vmem>>, vector<16xf32>,
        tpu.vector_store %arg8[%swap3A_1029], %add3A_1024 {strides = array<i32>} : memref<16384xf32, #tpu.memory_space<vmem>>, vector<16xf32>,
        %add3A_1031 = arith.constant 49152 : i32
        %add3A_1032 = vector.broadcast %add3A_1031 : i32 to vector<16xi32>
        %add3A_1033 = arith.addi %add3A_928, %add3A_1032 : vector<16xi32>
        %gather3A_1034 = tpu.vector_load_idx %arg6[%add3A_1033] : memref<65536xf32, #tpu.memory_space<vmem>>[vector<16xi32>], vector<16xf32>,
        %add3A_1035 = arith.constant 49152 : i32
        %add3A_1036 = vector.broadcast %add3A_1035 : i32 to vector<16xi32>
        %add3A_1037 = arith.addi %add3A_929, %add3A_1036 : vector<16xi32>
        %gather3A_1038 = tpu.vector_load_idx %arg6[%add3A_1037] : memref<65536xf32, #tpu.memory_space<vmem>>[vector<16xi32>], vector<16xf32>,
        %add3A_1039 = arith.constant 49152 : i32
        %add3A_1040 = vector.broadcast %add3A_1039 : i32 to vector<16xi32>
        %add3A_1041 = arith.addi %add3A_930, %add3A_1040 : vector<16xi32>
        %gather3A_1042 = tpu.vector_load_idx %arg6[%add3A_1041] : memref<65536xf32, #tpu.memory_space<vmem>>[vector<16xi32>], vector<16xf32>,
        %add3A_1043 = arith.constant 49152 : i32
        %add3A_1044 = vector.broadcast %add3A_1043 : i32 to vector<16xi32>
        %add3A_1045 = arith.addi %add3A_931, %add3A_1044 : vector<16xi32>
        %gather3A_1046 = tpu.vector_load_idx %arg6[%add3A_1045] : memref<65536xf32, #tpu.memory_space<vmem>>[vector<16xi32>], vector<16xf32>,
        %mul3A_1047 = arith.mulf %mul3A_938, %gather3A_1034 : vector<16xf32>
        %mul3A_1048 = arith.mulf %mul3A_939, %gather3A_1038 : vector<16xf32>
        %add3A_1049 = arith.addf %mul3A_1047, %mul3A_1048 : vector<16xf32>
        %mul3A_1050 = arith.mulf %mul3A_940, %gather3A_1042 : vector<16xf32>
        %add3A_1051 = arith.addf %add3A_1049, %mul3A_1050 : vector<16xf32>
        %mul3A_1052 = arith.mulf %mul3A_941, %gather3A_1046 : vector<16xf32>
        %add3A_1053 = arith.addf %add3A_1051, %mul3A_1052 : vector<16xf32>
        %add3A_1054 = arith.addf %add3A_1053, %gather3A_221 : vector<16xf32>
        %mul3A_1055 = arith.constant 16 : i32
        %mul3A_1056 = arith.muli %scan3A_858, %mul3A_1055 : i32
        %add3A_1057 = arith.constant 14336 : i32
        %add3A_1058 = arith.addi %add3A_1057, %mul3A_1056 : i32
        %swap3A_1059 = arith.index_cast %add3A_1058 : i32 to index
        %swap3A_1060 = tpu.vector_load %arg8[%swap3A_1059] {strides = array<i32>} : memref<16384xf32, #tpu.memory_space<vmem>>, vector<16xf32>,
        tpu.vector_store %arg8[%swap3A_1059], %add3A_1054 {strides = array<i32>} : memref<16384xf32, #tpu.memory_space<vmem>>, vector<16xf32>,
        %scan3A_1061 = arith.constant 0 : i32
        scf.yield %scan3A_1061 : i32
      }
      %scan3A_283 = arith.constant 128 : i32
      %add3A_284 = arith.constant 0 : i32
      %add3A_285 = arith.addi %add3A_193, %add3A_284 : i32
      %mul3A_286 = arith.constant 16384 : i32
      %mul3A_287 = arith.muli %add3A_285, %mul3A_286 : i32
      %add3A_288 = arith.constant 2048 : i32
      %add3A_289 = arith.addi %mul3A_287, %add3A_288 : i32
      %dma_start3A_290 = arith.constant 8192 : i32
      %dma_start3A_291 = tpu.memref_slice %arg8[%dma_start3A_290] : memref<16384xf32, #tpu.memory_space<vmem>> -> memref<2048xf32, #tpu.memory_space<vmem>>
      %dma_start3A_292 = tpu.memref_slice %arg5[%add3A_289] : memref<18874368xf32, #tpu.memory_space<hbm>> -> memref<2048xf32, #tpu.memory_space<hbm>>
      %dma_start3A_293 = tpu.memref_slice %arg5[%add3A_289] : memref<18874368xf32, #tpu.memory_space<hbm>> -> memref<2048xf32, #tpu.memory_space<hbm>>
      %dma_start3A_294 = arith.constant 8192 : i32
      %dma_start3A_295 = tpu.memref_slice %arg8[%dma_start3A_294] : memref<16384xf32, #tpu.memory_space<vmem>> -> memref<2048xf32, #tpu.memory_space<vmem>>
      tpu.enqueue_dma source(%dma_start3A_295 : memref<2048xf32, #tpu.memory_space<vmem>>) target(%dma_start3A_293 : memref<2048xf32, #tpu.memory_space<hbm>>) target_semaphore(%arg12 : memref<!tpu.dma_semaphore, #tpu.memory_space<semaphore_mem>>)
      %add3A_296 = arith.constant 1 : i32
      %add3A_297 = arith.addi %add3A_193, %add3A_296 : i32
      %mul3A_298 = arith.constant 16384 : i32
      %mul3A_299 = arith.muli %add3A_297, %mul3A_298 : i32
      %add3A_300 = arith.constant 2048 : i32
      %add3A_301 = arith.addi %mul3A_299, %add3A_300 : i32
      %dma_start3A_302 = arith.constant 10240 : i32
      %dma_start3A_303 = tpu.memref_slice %arg8[%dma_start3A_302] : memref<16384xf32, #tpu.memory_space<vmem>> -> memref<2048xf32, #tpu.memory_space<vmem>>
      %dma_start3A_304 = tpu.memref_slice %arg5[%add3A_301] : memref<18874368xf32, #tpu.memory_space<hbm>> -> memref<2048xf32, #tpu.memory_space<hbm>>
      %dma_start3A_305 = tpu.memref_slice %arg5[%add3A_301] : memref<18874368xf32, #tpu.memory_space<hbm>> -> memref<2048xf32, #tpu.memory_space<hbm>>
      %dma_start3A_306 = arith.constant 10240 : i32
      %dma_start3A_307 = tpu.memref_slice %arg8[%dma_start3A_306] : memref<16384xf32, #tpu.memory_space<vmem>> -> memref<2048xf32, #tpu.memory_space<vmem>>
      tpu.enqueue_dma source(%dma_start3A_307 : memref<2048xf32, #tpu.memory_space<vmem>>) target(%dma_start3A_305 : memref<2048xf32, #tpu.memory_space<hbm>>) target_semaphore(%arg12 : memref<!tpu.dma_semaphore, #tpu.memory_space<semaphore_mem>>)
      %add3A_308 = arith.constant 2 : i32
      %add3A_309 = arith.addi %add3A_193, %add3A_308 : i32
      %mul3A_310 = arith.constant 16384 : i32
      %mul3A_311 = arith.muli %add3A_309, %mul3A_310 : i32
      %add3A_312 = arith.constant 2048 : i32
      %add3A_313 = arith.addi %mul3A_311, %add3A_312 : i32
      %dma_start3A_314 = arith.constant 12288 : i32
      %dma_start3A_315 = tpu.memref_slice %arg8[%dma_start3A_314] : memref<16384xf32, #tpu.memory_space<vmem>> -> memref<2048xf32, #tpu.memory_space<vmem>>
      %dma_start3A_316 = tpu.memref_slice %arg5[%add3A_313] : memref<18874368xf32, #tpu.memory_space<hbm>> -> memref<2048xf32, #tpu.memory_space<hbm>>
      %dma_start3A_317 = tpu.memref_slice %arg5[%add3A_313] : memref<18874368xf32, #tpu.memory_space<hbm>> -> memref<2048xf32, #tpu.memory_space<hbm>>
      %dma_start3A_318 = arith.constant 12288 : i32
      %dma_start3A_319 = tpu.memref_slice %arg8[%dma_start3A_318] : memref<16384xf32, #tpu.memory_space<vmem>> -> memref<2048xf32, #tpu.memory_space<vmem>>
      tpu.enqueue_dma source(%dma_start3A_319 : memref<2048xf32, #tpu.memory_space<vmem>>) target(%dma_start3A_317 : memref<2048xf32, #tpu.memory_space<hbm>>) target_semaphore(%arg12 : memref<!tpu.dma_semaphore, #tpu.memory_space<semaphore_mem>>)
      %add3A_320 = arith.constant 3 : i32
      %add3A_321 = arith.addi %add3A_193, %add3A_320 : i32
      %mul3A_322 = arith.constant 16384 : i32
      %mul3A_323 = arith.muli %add3A_321, %mul3A_322 : i32
      %add3A_324 = arith.constant 2048 : i32
      %add3A_325 = arith.addi %mul3A_323, %add3A_324 : i32
      %dma_start3A_326 = arith.constant 14336 : i32
      %dma_start3A_327 = tpu.memref_slice %arg8[%dma_start3A_326] : memref<16384xf32, #tpu.memory_space<vmem>> -> memref<2048xf32, #tpu.memory_space<vmem>>
      %dma_start3A_328 = tpu.memref_slice %arg5[%add3A_325] : memref<18874368xf32, #tpu.memory_space<hbm>> -> memref<2048xf32, #tpu.memory_space<hbm>>
      %dma_start3A_329 = tpu.memref_slice %arg5[%add3A_325] : memref<18874368xf32, #tpu.memory_space<hbm>> -> memref<2048xf32, #tpu.memory_space<hbm>>
      %dma_start3A_330 = arith.constant 14336 : i32
      %dma_start3A_331 = tpu.memref_slice %arg8[%dma_start3A_330] : memref<16384xf32, #tpu.memory_space<vmem>> -> memref<2048xf32, #tpu.memory_space<vmem>>
      tpu.enqueue_dma source(%dma_start3A_331 : memref<2048xf32, #tpu.memory_space<vmem>>) target(%dma_start3A_329 : memref<2048xf32, #tpu.memory_space<hbm>>) target_semaphore(%arg12 : memref<!tpu.dma_semaphore, #tpu.memory_space<semaphore_mem>>)
      %dma_wait3A_332 = arith.constant 0 : i32
      %dma_wait3A_333 = tpu.memref_slice %arg8[%dma_wait3A_332] : memref<16384xf32, #tpu.memory_space<vmem>> -> memref<2048xf32, #tpu.memory_space<vmem>>
      %dma_wait3A_334 = tpu.memref_slice %arg5[%add3A_234] : memref<18874368xf32, #tpu.memory_space<hbm>> -> memref<2048xf32, #tpu.memory_space<hbm>>
      %dma_wait3A_335 = tpu.memref_slice %arg5[%add3A_234] : memref<18874368xf32, #tpu.memory_space<hbm>> -> memref<2048xf32, #tpu.memory_space<hbm>>
      %dma_wait3A_336 = arith.constant 0 : i32
      %dma_wait3A_337 = tpu.memref_slice %arg8[%dma_wait3A_336] : memref<16384xf32, #tpu.memory_space<vmem>> -> memref<2048xf32, #tpu.memory_space<vmem>>
      tpu.wait_dma2 semaphore(%arg12 : memref<!tpu.dma_semaphore, #tpu.memory_space<semaphore_mem>>) src(%dma_wait3A_337 : memref<2048xf32, #tpu.memory_space<vmem>>) dst(%dma_wait3A_335 : memref<2048xf32, #tpu.memory_space<hbm>>)
      %dma_wait3A_338 = arith.constant 2048 : i32
      %dma_wait3A_339 = tpu.memref_slice %arg8[%dma_wait3A_338] : memref<16384xf32, #tpu.memory_space<vmem>> -> memref<2048xf32, #tpu.memory_space<vmem>>
      %dma_wait3A_340 = tpu.memref_slice %arg5[%add3A_246] : memref<18874368xf32, #tpu.memory_space<hbm>> -> memref<2048xf32, #tpu.memory_space<hbm>>
      %dma_wait3A_341 = tpu.memref_slice %arg5[%add3A_246] : memref<18874368xf32, #tpu.memory_space<hbm>> -> memref<2048xf32, #tpu.memory_space<hbm>>
      %dma_wait3A_342 = arith.constant 2048 : i32
      %dma_wait3A_343 = tpu.memref_slice %arg8[%dma_wait3A_342] : memref<16384xf32, #tpu.memory_space<vmem>> -> memref<2048xf32, #tpu.memory_space<vmem>>
      tpu.wait_dma2 semaphore(%arg12 : memref<!tpu.dma_semaphore, #tpu.memory_space<semaphore_mem>>) src(%dma_wait3A_343 : memref<2048xf32, #tpu.memory_space<vmem>>) dst(%dma_wait3A_341 : memref<2048xf32, #tpu.memory_space<hbm>>)
      %dma_wait3A_344 = arith.constant 4096 : i32
      %dma_wait3A_345 = tpu.memref_slice %arg8[%dma_wait3A_344] : memref<16384xf32, #tpu.memory_space<vmem>> -> memref<2048xf32, #tpu.memory_space<vmem>>
      %dma_wait3A_346 = tpu.memref_slice %arg5[%add3A_258] : memref<18874368xf32, #tpu.memory_space<hbm>> -> memref<2048xf32, #tpu.memory_space<hbm>>
      %dma_wait3A_347 = tpu.memref_slice %arg5[%add3A_258] : memref<18874368xf32, #tpu.memory_space<hbm>> -> memref<2048xf32, #tpu.memory_space<hbm>>
      %dma_wait3A_348 = arith.constant 4096 : i32
      %dma_wait3A_349 = tpu.memref_slice %arg8[%dma_wait3A_348] : memref<16384xf32, #tpu.memory_space<vmem>> -> memref<2048xf32, #tpu.memory_space<vmem>>
      tpu.wait_dma2 semaphore(%arg12 : memref<!tpu.dma_semaphore, #tpu.memory_space<semaphore_mem>>) src(%dma_wait3A_349 : memref<2048xf32, #tpu.memory_space<vmem>>) dst(%dma_wait3A_347 : memref<2048xf32, #tpu.memory_space<hbm>>)
      %dma_wait3A_350 = arith.constant 6144 : i32
      %dma_wait3A_351 = tpu.memref_slice %arg8[%dma_wait3A_350] : memref<16384xf32, #tpu.memory_space<vmem>> -> memref<2048xf32, #tpu.memory_space<vmem>>
      %dma_wait3A_352 = tpu.memref_slice %arg5[%add3A_270] : memref<18874368xf32, #tpu.memory_space<hbm>> -> memref<2048xf32, #tpu.memory_space<hbm>>
      %dma_wait3A_353 = tpu.memref_slice %arg5[%add3A_270] : memref<18874368xf32, #tpu.memory_space<hbm>> -> memref<2048xf32, #tpu.memory_space<hbm>>
      %dma_wait3A_354 = arith.constant 6144 : i32
      %dma_wait3A_355 = tpu.memref_slice %arg8[%dma_wait3A_354] : memref<16384xf32, #tpu.memory_space<vmem>> -> memref<2048xf32, #tpu.memory_space<vmem>>
      tpu.wait_dma2 semaphore(%arg12 : memref<!tpu.dma_semaphore, #tpu.memory_space<semaphore_mem>>) src(%dma_wait3A_355 : memref<2048xf32, #tpu.memory_space<vmem>>) dst(%dma_wait3A_353 : memref<2048xf32, #tpu.memory_space<hbm>>)
      %scan3A_356 = arith.constant 0 : i32
      %scan3A_357 = arith.constant 0 : i32
      %scan3A_358 = arith.constant 128 : i32
      %scan3A_359 = arith.addi %scan3A_357, %scan3A_358 : i32
      %scan3A_360 = arith.constant 1 : i32
      %scan3A_361 = scf.for %scan3A_858 = %scan3A_357 to %scan3A_359 step %scan3A_360 iter_args(%scan3A_859 = %scan3A_356) -> (i32)  : i32 {
        %mul3A_860 = arith.constant 16 : i32
        %mul3A_861 = arith.muli %scan3A_858, %mul3A_860 : i32
        %add3A_862 = arith.constant 4096 : i32
        %add3A_863 = arith.addi %add3A_862, %mul3A_861 : i32
        %get3A = arith.index_cast %add3A_863 : i32 to index
        %get3A_864 = tpu.vector_load %arg7[%get3A] {strides = array<i32>} : memref<32768xf32, #tpu.memory_space<vmem>>, vector<16xf32>,
        %mul3A_865 = arith.constant 16 : i32
        %mul3A_866 = arith.muli %scan3A_858, %mul3A_865 : i32
        %add3A_867 = arith.constant 20480 : i32
        %add3A_868 = arith.addi %add3A_867, %mul3A_866 : i32
        %get3A_869 = arith.index_cast %add3A_868 : i32 to index
        %get3A_870 = tpu.vector_load %arg7[%get3A_869] {strides = array<i32>} : memref<32768xf32, #tpu.memory_space<vmem>>, vector<16xf32>,
        %convert_element_type3A_871 = arith.fptosi %get3A_864 : vector<16xf32> to vector<16xi32>
        %convert_element_type3A_872 = arith.sitofp %convert_element_type3A_871 : vector<16xi32> to vector<16xf32>
        %gt3A = arith.cmpf ogt, %convert_element_type3A_872, %get3A_864 : vector<16xf32>
        %sub3A_873 = arith.constant 1 : i32
        %sub3A_874 = vector.broadcast %sub3A_873 : i32 to vector<16xi32>
        %sub3A_875 = arith.subi %convert_element_type3A_871, %sub3A_874 : vector<16xi32>
        %select_n3A_876 = arith.select %gt3A, %sub3A_875, %convert_element_type3A_871 : vector<16xi1>, vector<16xi32>
        %sub3A_877 = arith.constant 1.000000e+00 : f32
        %sub3A_878 = vector.broadcast %sub3A_877 : f32 to vector<16xf32>
        %sub3A_879 = arith.subf %convert_element_type3A_872, %sub3A_878 : vector<16xf32>
        %select_n3A_880 = arith.select %gt3A, %sub3A_879, %convert_element_type3A_872 : vector<16xi1>, vector<16xf32>
        %convert_element_type3A_881 = arith.fptosi %get3A_870 : vector<16xf32> to vector<16xi32>
        %convert_element_type3A_882 = arith.sitofp %convert_element_type3A_881 : vector<16xi32> to vector<16xf32>
        %gt3A_883 = arith.cmpf ogt, %convert_element_type3A_882, %get3A_870 : vector<16xf32>
        %sub3A_884 = arith.constant 1 : i32
        %sub3A_885 = vector.broadcast %sub3A_884 : i32 to vector<16xi32>
        %sub3A_886 = arith.subi %convert_element_type3A_881, %sub3A_885 : vector<16xi32>
        %select_n3A_887 = arith.select %gt3A_883, %sub3A_886, %convert_element_type3A_881 : vector<16xi1>, vector<16xi32>
        %sub3A_888 = arith.constant 1.000000e+00 : f32
        %sub3A_889 = vector.broadcast %sub3A_888 : f32 to vector<16xf32>
        %sub3A_890 = arith.subf %convert_element_type3A_882, %sub3A_889 : vector<16xf32>
        %select_n3A_891 = arith.select %gt3A_883, %sub3A_890, %convert_element_type3A_882 : vector<16xi1>, vector<16xf32>
        %sub3A_892 = arith.subf %get3A_864, %select_n3A_880 : vector<16xf32>
        %sub3A_893 = arith.subf %get3A_870, %select_n3A_891 : vector<16xf32>
        %max3A = arith.constant 0 : i32
        %max3A_894 = vector.broadcast %max3A : i32 to vector<16xi32>
        %max3A_895 = arith.maxsi %select_n3A_876, %max3A_894 : vector<16xi32>
        %min3A = arith.constant 127 : i32
        %min3A_896 = vector.broadcast %min3A : i32 to vector<16xi32>
        %min3A_897 = arith.minsi %max3A_895, %min3A_896 : vector<16xi32>
        %add3A_898 = arith.constant 1 : i32
        %add3A_899 = vector.broadcast %add3A_898 : i32 to vector<16xi32>
        %add3A_900 = arith.addi %select_n3A_876, %add3A_899 : vector<16xi32>
        %max3A_901 = arith.constant 0 : i32
        %max3A_902 = vector.broadcast %max3A_901 : i32 to vector<16xi32>
        %max3A_903 = arith.maxsi %add3A_900, %max3A_902 : vector<16xi32>
        %min3A_904 = arith.constant 127 : i32
        %min3A_905 = vector.broadcast %min3A_904 : i32 to vector<16xi32>
        %min3A_906 = arith.minsi %max3A_903, %min3A_905 : vector<16xi32>
        %max3A_907 = arith.constant 0 : i32
        %max3A_908 = vector.broadcast %max3A_907 : i32 to vector<16xi32>
        %max3A_909 = arith.maxsi %select_n3A_887, %max3A_908 : vector<16xi32>
        %min3A_910 = arith.constant 127 : i32
        %min3A_911 = vector.broadcast %min3A_910 : i32 to vector<16xi32>
        %min3A_912 = arith.minsi %max3A_909, %min3A_911 : vector<16xi32>
        %add3A_913 = arith.constant 1 : i32
        %add3A_914 = vector.broadcast %add3A_913 : i32 to vector<16xi32>
        %add3A_915 = arith.addi %select_n3A_887, %add3A_914 : vector<16xi32>
        %max3A_916 = arith.constant 0 : i32
        %max3A_917 = vector.broadcast %max3A_916 : i32 to vector<16xi32>
        %max3A_918 = arith.maxsi %add3A_915, %max3A_917 : vector<16xi32>
        %min3A_919 = arith.constant 127 : i32
        %min3A_920 = vector.broadcast %min3A_919 : i32 to vector<16xi32>
        %min3A_921 = arith.minsi %max3A_918, %min3A_920 : vector<16xi32>
        %mul3A_922 = arith.constant 128 : i32
        %mul3A_923 = vector.broadcast %mul3A_922 : i32 to vector<16xi32>
        %mul3A_924 = arith.muli %min3A_912, %mul3A_923 : vector<16xi32>
        %mul3A_925 = arith.constant 128 : i32
        %mul3A_926 = vector.broadcast %mul3A_925 : i32 to vector<16xi32>
        %mul3A_927 = arith.muli %min3A_921, %mul3A_926 : vector<16xi32>
        %add3A_928 = arith.addi %mul3A_924, %min3A_897 : vector<16xi32>
        %add3A_929 = arith.addi %mul3A_924, %min3A_906 : vector<16xi32>
        %add3A_930 = arith.addi %mul3A_927, %min3A_897 : vector<16xi32>
        %add3A_931 = arith.addi %mul3A_927, %min3A_906 : vector<16xi32>
        %sub3A_932 = arith.constant 1.000000e+00 : f32
        %sub3A_933 = vector.broadcast %sub3A_932 : f32 to vector<16xf32>
        %sub3A_934 = arith.subf %sub3A_933, %sub3A_892 : vector<16xf32>
        %sub3A_935 = arith.constant 1.000000e+00 : f32
        %sub3A_936 = vector.broadcast %sub3A_935 : f32 to vector<16xf32>
        %sub3A_937 = arith.subf %sub3A_936, %sub3A_893 : vector<16xf32>
        %mul3A_938 = arith.mulf %sub3A_937, %sub3A_934 : vector<16xf32>
        %mul3A_939 = arith.mulf %sub3A_937, %sub3A_892 : vector<16xf32>
        %mul3A_940 = arith.mulf %sub3A_893, %sub3A_934 : vector<16xf32>
        %mul3A_941 = arith.mulf %sub3A_893, %sub3A_892 : vector<16xf32>
        %add3A_942 = arith.constant 0 : i32
        %add3A_943 = vector.broadcast %add3A_942 : i32 to vector<16xi32>
        %add3A_944 = arith.addi %add3A_928, %add3A_943 : vector<16xi32>
        %gather3A_945 = tpu.vector_load_idx %arg6[%add3A_944] : memref<65536xf32, #tpu.memory_space<vmem>>[vector<16xi32>], vector<16xf32>,
        %add3A_946 = arith.constant 0 : i32
        %add3A_947 = vector.broadcast %add3A_946 : i32 to vector<16xi32>
        %add3A_948 = arith.addi %add3A_929, %add3A_947 : vector<16xi32>
        %gather3A_949 = tpu.vector_load_idx %arg6[%add3A_948] : memref<65536xf32, #tpu.memory_space<vmem>>[vector<16xi32>], vector<16xf32>,
        %add3A_950 = arith.constant 0 : i32
        %add3A_951 = vector.broadcast %add3A_950 : i32 to vector<16xi32>
        %add3A_952 = arith.addi %add3A_930, %add3A_951 : vector<16xi32>
        %gather3A_953 = tpu.vector_load_idx %arg6[%add3A_952] : memref<65536xf32, #tpu.memory_space<vmem>>[vector<16xi32>], vector<16xf32>,
        %add3A_954 = arith.constant 0 : i32
        %add3A_955 = vector.broadcast %add3A_954 : i32 to vector<16xi32>
        %add3A_956 = arith.addi %add3A_931, %add3A_955 : vector<16xi32>
        %gather3A_957 = tpu.vector_load_idx %arg6[%add3A_956] : memref<65536xf32, #tpu.memory_space<vmem>>[vector<16xi32>], vector<16xf32>,
        %mul3A_958 = arith.mulf %mul3A_938, %gather3A_945 : vector<16xf32>
        %mul3A_959 = arith.mulf %mul3A_939, %gather3A_949 : vector<16xf32>
        %add3A_960 = arith.addf %mul3A_958, %mul3A_959 : vector<16xf32>
        %mul3A_961 = arith.mulf %mul3A_940, %gather3A_953 : vector<16xf32>
        %add3A_962 = arith.addf %add3A_960, %mul3A_961 : vector<16xf32>
        %mul3A_963 = arith.mulf %mul3A_941, %gather3A_957 : vector<16xf32>
        %add3A_964 = arith.addf %add3A_962, %mul3A_963 : vector<16xf32>
        %add3A_965 = arith.addf %add3A_964, %gather3A : vector<16xf32>
        %mul3A_966 = arith.constant 16 : i32
        %mul3A_967 = arith.muli %scan3A_858, %mul3A_966 : i32
        %add3A_968 = arith.constant 0 : i32
        %add3A_969 = arith.addi %add3A_968, %mul3A_967 : i32
        %swap3A = arith.index_cast %add3A_969 : i32 to index
        %swap3A_970 = tpu.vector_load %arg8[%swap3A] {strides = array<i32>} : memref<16384xf32, #tpu.memory_space<vmem>>, vector<16xf32>,
        tpu.vector_store %arg8[%swap3A], %add3A_965 {strides = array<i32>} : memref<16384xf32, #tpu.memory_space<vmem>>, vector<16xf32>,
        %add3A_971 = arith.constant 16384 : i32
        %add3A_972 = vector.broadcast %add3A_971 : i32 to vector<16xi32>
        %add3A_973 = arith.addi %add3A_928, %add3A_972 : vector<16xi32>
        %gather3A_974 = tpu.vector_load_idx %arg6[%add3A_973] : memref<65536xf32, #tpu.memory_space<vmem>>[vector<16xi32>], vector<16xf32>,
        %add3A_975 = arith.constant 16384 : i32
        %add3A_976 = vector.broadcast %add3A_975 : i32 to vector<16xi32>
        %add3A_977 = arith.addi %add3A_929, %add3A_976 : vector<16xi32>
        %gather3A_978 = tpu.vector_load_idx %arg6[%add3A_977] : memref<65536xf32, #tpu.memory_space<vmem>>[vector<16xi32>], vector<16xf32>,
        %add3A_979 = arith.constant 16384 : i32
        %add3A_980 = vector.broadcast %add3A_979 : i32 to vector<16xi32>
        %add3A_981 = arith.addi %add3A_930, %add3A_980 : vector<16xi32>
        %gather3A_982 = tpu.vector_load_idx %arg6[%add3A_981] : memref<65536xf32, #tpu.memory_space<vmem>>[vector<16xi32>], vector<16xf32>,
        %add3A_983 = arith.constant 16384 : i32
        %add3A_984 = vector.broadcast %add3A_983 : i32 to vector<16xi32>
        %add3A_985 = arith.addi %add3A_931, %add3A_984 : vector<16xi32>
        %gather3A_986 = tpu.vector_load_idx %arg6[%add3A_985] : memref<65536xf32, #tpu.memory_space<vmem>>[vector<16xi32>], vector<16xf32>,
        %mul3A_987 = arith.mulf %mul3A_938, %gather3A_974 : vector<16xf32>
        %mul3A_988 = arith.mulf %mul3A_939, %gather3A_978 : vector<16xf32>
        %add3A_989 = arith.addf %mul3A_987, %mul3A_988 : vector<16xf32>
        %mul3A_990 = arith.mulf %mul3A_940, %gather3A_982 : vector<16xf32>
        %add3A_991 = arith.addf %add3A_989, %mul3A_990 : vector<16xf32>
        %mul3A_992 = arith.mulf %mul3A_941, %gather3A_986 : vector<16xf32>
        %add3A_993 = arith.addf %add3A_991, %mul3A_992 : vector<16xf32>
        %add3A_994 = arith.addf %add3A_993, %gather3A_213 : vector<16xf32>
        %mul3A_995 = arith.constant 16 : i32
        %mul3A_996 = arith.muli %scan3A_858, %mul3A_995 : i32
        %add3A_997 = arith.constant 2048 : i32
        %add3A_998 = arith.addi %add3A_997, %mul3A_996 : i32
        %swap3A_999 = arith.index_cast %add3A_998 : i32 to index
        %swap3A_1000 = tpu.vector_load %arg8[%swap3A_999] {strides = array<i32>} : memref<16384xf32, #tpu.memory_space<vmem>>, vector<16xf32>,
        tpu.vector_store %arg8[%swap3A_999], %add3A_994 {strides = array<i32>} : memref<16384xf32, #tpu.memory_space<vmem>>, vector<16xf32>,
        %add3A_1001 = arith.constant 32768 : i32
        %add3A_1002 = vector.broadcast %add3A_1001 : i32 to vector<16xi32>
        %add3A_1003 = arith.addi %add3A_928, %add3A_1002 : vector<16xi32>
        %gather3A_1004 = tpu.vector_load_idx %arg6[%add3A_1003] : memref<65536xf32, #tpu.memory_space<vmem>>[vector<16xi32>], vector<16xf32>,
        %add3A_1005 = arith.constant 32768 : i32
        %add3A_1006 = vector.broadcast %add3A_1005 : i32 to vector<16xi32>
        %add3A_1007 = arith.addi %add3A_929, %add3A_1006 : vector<16xi32>
        %gather3A_1008 = tpu.vector_load_idx %arg6[%add3A_1007] : memref<65536xf32, #tpu.memory_space<vmem>>[vector<16xi32>], vector<16xf32>,
        %add3A_1009 = arith.constant 32768 : i32
        %add3A_1010 = vector.broadcast %add3A_1009 : i32 to vector<16xi32>
        %add3A_1011 = arith.addi %add3A_930, %add3A_1010 : vector<16xi32>
        %gather3A_1012 = tpu.vector_load_idx %arg6[%add3A_1011] : memref<65536xf32, #tpu.memory_space<vmem>>[vector<16xi32>], vector<16xf32>,
        %add3A_1013 = arith.constant 32768 : i32
        %add3A_1014 = vector.broadcast %add3A_1013 : i32 to vector<16xi32>
        %add3A_1015 = arith.addi %add3A_931, %add3A_1014 : vector<16xi32>
        %gather3A_1016 = tpu.vector_load_idx %arg6[%add3A_1015] : memref<65536xf32, #tpu.memory_space<vmem>>[vector<16xi32>], vector<16xf32>,
        %mul3A_1017 = arith.mulf %mul3A_938, %gather3A_1004 : vector<16xf32>
        %mul3A_1018 = arith.mulf %mul3A_939, %gather3A_1008 : vector<16xf32>
        %add3A_1019 = arith.addf %mul3A_1017, %mul3A_1018 : vector<16xf32>
        %mul3A_1020 = arith.mulf %mul3A_940, %gather3A_1012 : vector<16xf32>
        %add3A_1021 = arith.addf %add3A_1019, %mul3A_1020 : vector<16xf32>
        %mul3A_1022 = arith.mulf %mul3A_941, %gather3A_1016 : vector<16xf32>
        %add3A_1023 = arith.addf %add3A_1021, %mul3A_1022 : vector<16xf32>
        %add3A_1024 = arith.addf %add3A_1023, %gather3A_217 : vector<16xf32>
        %mul3A_1025 = arith.constant 16 : i32
        %mul3A_1026 = arith.muli %scan3A_858, %mul3A_1025 : i32
        %add3A_1027 = arith.constant 4096 : i32
        %add3A_1028 = arith.addi %add3A_1027, %mul3A_1026 : i32
        %swap3A_1029 = arith.index_cast %add3A_1028 : i32 to index
        %swap3A_1030 = tpu.vector_load %arg8[%swap3A_1029] {strides = array<i32>} : memref<16384xf32, #tpu.memory_space<vmem>>, vector<16xf32>,
        tpu.vector_store %arg8[%swap3A_1029], %add3A_1024 {strides = array<i32>} : memref<16384xf32, #tpu.memory_space<vmem>>, vector<16xf32>,
        %add3A_1031 = arith.constant 49152 : i32
        %add3A_1032 = vector.broadcast %add3A_1031 : i32 to vector<16xi32>
        %add3A_1033 = arith.addi %add3A_928, %add3A_1032 : vector<16xi32>
        %gather3A_1034 = tpu.vector_load_idx %arg6[%add3A_1033] : memref<65536xf32, #tpu.memory_space<vmem>>[vector<16xi32>], vector<16xf32>,
        %add3A_1035 = arith.constant 49152 : i32
        %add3A_1036 = vector.broadcast %add3A_1035 : i32 to vector<16xi32>
        %add3A_1037 = arith.addi %add3A_929, %add3A_1036 : vector<16xi32>
        %gather3A_1038 = tpu.vector_load_idx %arg6[%add3A_1037] : memref<65536xf32, #tpu.memory_space<vmem>>[vector<16xi32>], vector<16xf32>,
        %add3A_1039 = arith.constant 49152 : i32
        %add3A_1040 = vector.broadcast %add3A_1039 : i32 to vector<16xi32>
        %add3A_1041 = arith.addi %add3A_930, %add3A_1040 : vector<16xi32>
        %gather3A_1042 = tpu.vector_load_idx %arg6[%add3A_1041] : memref<65536xf32, #tpu.memory_space<vmem>>[vector<16xi32>], vector<16xf32>,
        %add3A_1043 = arith.constant 49152 : i32
        %add3A_1044 = vector.broadcast %add3A_1043 : i32 to vector<16xi32>
        %add3A_1045 = arith.addi %add3A_931, %add3A_1044 : vector<16xi32>
        %gather3A_1046 = tpu.vector_load_idx %arg6[%add3A_1045] : memref<65536xf32, #tpu.memory_space<vmem>>[vector<16xi32>], vector<16xf32>,
        %mul3A_1047 = arith.mulf %mul3A_938, %gather3A_1034 : vector<16xf32>
        %mul3A_1048 = arith.mulf %mul3A_939, %gather3A_1038 : vector<16xf32>
        %add3A_1049 = arith.addf %mul3A_1047, %mul3A_1048 : vector<16xf32>
        %mul3A_1050 = arith.mulf %mul3A_940, %gather3A_1042 : vector<16xf32>
        %add3A_1051 = arith.addf %add3A_1049, %mul3A_1050 : vector<16xf32>
        %mul3A_1052 = arith.mulf %mul3A_941, %gather3A_1046 : vector<16xf32>
        %add3A_1053 = arith.addf %add3A_1051, %mul3A_1052 : vector<16xf32>
        %add3A_1054 = arith.addf %add3A_1053, %gather3A_221 : vector<16xf32>
        %mul3A_1055 = arith.constant 16 : i32
        %mul3A_1056 = arith.muli %scan3A_858, %mul3A_1055 : i32
        %add3A_1057 = arith.constant 6144 : i32
        %add3A_1058 = arith.addi %add3A_1057, %mul3A_1056 : i32
        %swap3A_1059 = arith.index_cast %add3A_1058 : i32 to index
        %swap3A_1060 = tpu.vector_load %arg8[%swap3A_1059] {strides = array<i32>} : memref<16384xf32, #tpu.memory_space<vmem>>, vector<16xf32>,
        tpu.vector_store %arg8[%swap3A_1059], %add3A_1054 {strides = array<i32>} : memref<16384xf32, #tpu.memory_space<vmem>>, vector<16xf32>,
        %scan3A_1061 = arith.constant 0 : i32
        scf.yield %scan3A_1061 : i32
      }
      %scan3A_362 = arith.constant 128 : i32
      %add3A_363 = arith.constant 0 : i32
      %add3A_364 = arith.addi %add3A_193, %add3A_363 : i32
      %mul3A_365 = arith.constant 16384 : i32
      %mul3A_366 = arith.muli %add3A_364, %mul3A_365 : i32
      %add3A_367 = arith.constant 4096 : i32
      %add3A_368 = arith.addi %mul3A_366, %add3A_367 : i32
      %dma_start3A_369 = arith.constant 0 : i32
      %dma_start3A_370 = tpu.memref_slice %arg8[%dma_start3A_369] : memref<16384xf32, #tpu.memory_space<vmem>> -> memref<2048xf32, #tpu.memory_space<vmem>>
      %dma_start3A_371 = tpu.memref_slice %arg5[%add3A_368] : memref<18874368xf32, #tpu.memory_space<hbm>> -> memref<2048xf32, #tpu.memory_space<hbm>>
      %dma_start3A_372 = tpu.memref_slice %arg5[%add3A_368] : memref<18874368xf32, #tpu.memory_space<hbm>> -> memref<2048xf32, #tpu.memory_space<hbm>>
      %dma_start3A_373 = arith.constant 0 : i32
      %dma_start3A_374 = tpu.memref_slice %arg8[%dma_start3A_373] : memref<16384xf32, #tpu.memory_space<vmem>> -> memref<2048xf32, #tpu.memory_space<vmem>>
      tpu.enqueue_dma source(%dma_start3A_374 : memref<2048xf32, #tpu.memory_space<vmem>>) target(%dma_start3A_372 : memref<2048xf32, #tpu.memory_space<hbm>>) target_semaphore(%arg12 : memref<!tpu.dma_semaphore, #tpu.memory_space<semaphore_mem>>)
      %add3A_375 = arith.constant 1 : i32
      %add3A_376 = arith.addi %add3A_193, %add3A_375 : i32
      %mul3A_377 = arith.constant 16384 : i32
      %mul3A_378 = arith.muli %add3A_376, %mul3A_377 : i32
      %add3A_379 = arith.constant 4096 : i32
      %add3A_380 = arith.addi %mul3A_378, %add3A_379 : i32
      %dma_start3A_381 = arith.constant 2048 : i32
      %dma_start3A_382 = tpu.memref_slice %arg8[%dma_start3A_381] : memref<16384xf32, #tpu.memory_space<vmem>> -> memref<2048xf32, #tpu.memory_space<vmem>>
      %dma_start3A_383 = tpu.memref_slice %arg5[%add3A_380] : memref<18874368xf32, #tpu.memory_space<hbm>> -> memref<2048xf32, #tpu.memory_space<hbm>>
      %dma_start3A_384 = tpu.memref_slice %arg5[%add3A_380] : memref<18874368xf32, #tpu.memory_space<hbm>> -> memref<2048xf32, #tpu.memory_space<hbm>>
      %dma_start3A_385 = arith.constant 2048 : i32
      %dma_start3A_386 = tpu.memref_slice %arg8[%dma_start3A_385] : memref<16384xf32, #tpu.memory_space<vmem>> -> memref<2048xf32, #tpu.memory_space<vmem>>
      tpu.enqueue_dma source(%dma_start3A_386 : memref<2048xf32, #tpu.memory_space<vmem>>) target(%dma_start3A_384 : memref<2048xf32, #tpu.memory_space<hbm>>) target_semaphore(%arg12 : memref<!tpu.dma_semaphore, #tpu.memory_space<semaphore_mem>>)
      %add3A_387 = arith.constant 2 : i32
      %add3A_388 = arith.addi %add3A_193, %add3A_387 : i32
      %mul3A_389 = arith.constant 16384 : i32
      %mul3A_390 = arith.muli %add3A_388, %mul3A_389 : i32
      %add3A_391 = arith.constant 4096 : i32
      %add3A_392 = arith.addi %mul3A_390, %add3A_391 : i32
      %dma_start3A_393 = arith.constant 4096 : i32
      %dma_start3A_394 = tpu.memref_slice %arg8[%dma_start3A_393] : memref<16384xf32, #tpu.memory_space<vmem>> -> memref<2048xf32, #tpu.memory_space<vmem>>
      %dma_start3A_395 = tpu.memref_slice %arg5[%add3A_392] : memref<18874368xf32, #tpu.memory_space<hbm>> -> memref<2048xf32, #tpu.memory_space<hbm>>
      %dma_start3A_396 = tpu.memref_slice %arg5[%add3A_392] : memref<18874368xf32, #tpu.memory_space<hbm>> -> memref<2048xf32, #tpu.memory_space<hbm>>
      %dma_start3A_397 = arith.constant 4096 : i32
      %dma_start3A_398 = tpu.memref_slice %arg8[%dma_start3A_397] : memref<16384xf32, #tpu.memory_space<vmem>> -> memref<2048xf32, #tpu.memory_space<vmem>>
      tpu.enqueue_dma source(%dma_start3A_398 : memref<2048xf32, #tpu.memory_space<vmem>>) target(%dma_start3A_396 : memref<2048xf32, #tpu.memory_space<hbm>>) target_semaphore(%arg12 : memref<!tpu.dma_semaphore, #tpu.memory_space<semaphore_mem>>)
      %add3A_399 = arith.constant 3 : i32
      %add3A_400 = arith.addi %add3A_193, %add3A_399 : i32
      %mul3A_401 = arith.constant 16384 : i32
      %mul3A_402 = arith.muli %add3A_400, %mul3A_401 : i32
      %add3A_403 = arith.constant 4096 : i32
      %add3A_404 = arith.addi %mul3A_402, %add3A_403 : i32
      %dma_start3A_405 = arith.constant 6144 : i32
      %dma_start3A_406 = tpu.memref_slice %arg8[%dma_start3A_405] : memref<16384xf32, #tpu.memory_space<vmem>> -> memref<2048xf32, #tpu.memory_space<vmem>>
      %dma_start3A_407 = tpu.memref_slice %arg5[%add3A_404] : memref<18874368xf32, #tpu.memory_space<hbm>> -> memref<2048xf32, #tpu.memory_space<hbm>>
      %dma_start3A_408 = tpu.memref_slice %arg5[%add3A_404] : memref<18874368xf32, #tpu.memory_space<hbm>> -> memref<2048xf32, #tpu.memory_space<hbm>>
      %dma_start3A_409 = arith.constant 6144 : i32
      %dma_start3A_410 = tpu.memref_slice %arg8[%dma_start3A_409] : memref<16384xf32, #tpu.memory_space<vmem>> -> memref<2048xf32, #tpu.memory_space<vmem>>
      tpu.enqueue_dma source(%dma_start3A_410 : memref<2048xf32, #tpu.memory_space<vmem>>) target(%dma_start3A_408 : memref<2048xf32, #tpu.memory_space<hbm>>) target_semaphore(%arg12 : memref<!tpu.dma_semaphore, #tpu.memory_space<semaphore_mem>>)
      %dma_wait3A_411 = arith.constant 8192 : i32
      %dma_wait3A_412 = tpu.memref_slice %arg8[%dma_wait3A_411] : memref<16384xf32, #tpu.memory_space<vmem>> -> memref<2048xf32, #tpu.memory_space<vmem>>
      %dma_wait3A_413 = tpu.memref_slice %arg5[%add3A_289] : memref<18874368xf32, #tpu.memory_space<hbm>> -> memref<2048xf32, #tpu.memory_space<hbm>>
      %dma_wait3A_414 = tpu.memref_slice %arg5[%add3A_289] : memref<18874368xf32, #tpu.memory_space<hbm>> -> memref<2048xf32, #tpu.memory_space<hbm>>
      %dma_wait3A_415 = arith.constant 8192 : i32
      %dma_wait3A_416 = tpu.memref_slice %arg8[%dma_wait3A_415] : memref<16384xf32, #tpu.memory_space<vmem>> -> memref<2048xf32, #tpu.memory_space<vmem>>
      tpu.wait_dma2 semaphore(%arg12 : memref<!tpu.dma_semaphore, #tpu.memory_space<semaphore_mem>>) src(%dma_wait3A_416 : memref<2048xf32, #tpu.memory_space<vmem>>) dst(%dma_wait3A_414 : memref<2048xf32, #tpu.memory_space<hbm>>)
      %dma_wait3A_417 = arith.constant 10240 : i32
      %dma_wait3A_418 = tpu.memref_slice %arg8[%dma_wait3A_417] : memref<16384xf32, #tpu.memory_space<vmem>> -> memref<2048xf32, #tpu.memory_space<vmem>>
      %dma_wait3A_419 = tpu.memref_slice %arg5[%add3A_301] : memref<18874368xf32, #tpu.memory_space<hbm>> -> memref<2048xf32, #tpu.memory_space<hbm>>
      %dma_wait3A_420 = tpu.memref_slice %arg5[%add3A_301] : memref<18874368xf32, #tpu.memory_space<hbm>> -> memref<2048xf32, #tpu.memory_space<hbm>>
      %dma_wait3A_421 = arith.constant 10240 : i32
      %dma_wait3A_422 = tpu.memref_slice %arg8[%dma_wait3A_421] : memref<16384xf32, #tpu.memory_space<vmem>> -> memref<2048xf32, #tpu.memory_space<vmem>>
      tpu.wait_dma2 semaphore(%arg12 : memref<!tpu.dma_semaphore, #tpu.memory_space<semaphore_mem>>) src(%dma_wait3A_422 : memref<2048xf32, #tpu.memory_space<vmem>>) dst(%dma_wait3A_420 : memref<2048xf32, #tpu.memory_space<hbm>>)
      %dma_wait3A_423 = arith.constant 12288 : i32
      %dma_wait3A_424 = tpu.memref_slice %arg8[%dma_wait3A_423] : memref<16384xf32, #tpu.memory_space<vmem>> -> memref<2048xf32, #tpu.memory_space<vmem>>
      %dma_wait3A_425 = tpu.memref_slice %arg5[%add3A_313] : memref<18874368xf32, #tpu.memory_space<hbm>> -> memref<2048xf32, #tpu.memory_space<hbm>>
      %dma_wait3A_426 = tpu.memref_slice %arg5[%add3A_313] : memref<18874368xf32, #tpu.memory_space<hbm>> -> memref<2048xf32, #tpu.memory_space<hbm>>
      %dma_wait3A_427 = arith.constant 12288 : i32
      %dma_wait3A_428 = tpu.memref_slice %arg8[%dma_wait3A_427] : memref<16384xf32, #tpu.memory_space<vmem>> -> memref<2048xf32, #tpu.memory_space<vmem>>
      tpu.wait_dma2 semaphore(%arg12 : memref<!tpu.dma_semaphore, #tpu.memory_space<semaphore_mem>>) src(%dma_wait3A_428 : memref<2048xf32, #tpu.memory_space<vmem>>) dst(%dma_wait3A_426 : memref<2048xf32, #tpu.memory_space<hbm>>)
      %dma_wait3A_429 = arith.constant 14336 : i32
      %dma_wait3A_430 = tpu.memref_slice %arg8[%dma_wait3A_429] : memref<16384xf32, #tpu.memory_space<vmem>> -> memref<2048xf32, #tpu.memory_space<vmem>>
      %dma_wait3A_431 = tpu.memref_slice %arg5[%add3A_325] : memref<18874368xf32, #tpu.memory_space<hbm>> -> memref<2048xf32, #tpu.memory_space<hbm>>
      %dma_wait3A_432 = tpu.memref_slice %arg5[%add3A_325] : memref<18874368xf32, #tpu.memory_space<hbm>> -> memref<2048xf32, #tpu.memory_space<hbm>>
      %dma_wait3A_433 = arith.constant 14336 : i32
      %dma_wait3A_434 = tpu.memref_slice %arg8[%dma_wait3A_433] : memref<16384xf32, #tpu.memory_space<vmem>> -> memref<2048xf32, #tpu.memory_space<vmem>>
      tpu.wait_dma2 semaphore(%arg12 : memref<!tpu.dma_semaphore, #tpu.memory_space<semaphore_mem>>) src(%dma_wait3A_434 : memref<2048xf32, #tpu.memory_space<vmem>>) dst(%dma_wait3A_432 : memref<2048xf32, #tpu.memory_space<hbm>>)
      %scan3A_435 = arith.constant 0 : i32
      %scan3A_436 = arith.constant 0 : i32
      %scan3A_437 = arith.constant 128 : i32
      %scan3A_438 = arith.addi %scan3A_436, %scan3A_437 : i32
      %scan3A_439 = arith.constant 1 : i32
      %scan3A_440 = scf.for %scan3A_858 = %scan3A_436 to %scan3A_438 step %scan3A_439 iter_args(%scan3A_859 = %scan3A_435) -> (i32)  : i32 {
        %mul3A_860 = arith.constant 16 : i32
        %mul3A_861 = arith.muli %scan3A_858, %mul3A_860 : i32
        %add3A_862 = arith.constant 6144 : i32
        %add3A_863 = arith.addi %add3A_862, %mul3A_861 : i32
        %get3A = arith.index_cast %add3A_863 : i32 to index
        %get3A_864 = tpu.vector_load %arg7[%get3A] {strides = array<i32>} : memref<32768xf32, #tpu.memory_space<vmem>>, vector<16xf32>,
        %mul3A_865 = arith.constant 16 : i32
        %mul3A_866 = arith.muli %scan3A_858, %mul3A_865 : i32
        %add3A_867 = arith.constant 22528 : i32
        %add3A_868 = arith.addi %add3A_867, %mul3A_866 : i32
        %get3A_869 = arith.index_cast %add3A_868 : i32 to index
        %get3A_870 = tpu.vector_load %arg7[%get3A_869] {strides = array<i32>} : memref<32768xf32, #tpu.memory_space<vmem>>, vector<16xf32>,
        %convert_element_type3A_871 = arith.fptosi %get3A_864 : vector<16xf32> to vector<16xi32>
        %convert_element_type3A_872 = arith.sitofp %convert_element_type3A_871 : vector<16xi32> to vector<16xf32>
        %gt3A = arith.cmpf ogt, %convert_element_type3A_872, %get3A_864 : vector<16xf32>
        %sub3A_873 = arith.constant 1 : i32
        %sub3A_874 = vector.broadcast %sub3A_873 : i32 to vector<16xi32>
        %sub3A_875 = arith.subi %convert_element_type3A_871, %sub3A_874 : vector<16xi32>
        %select_n3A_876 = arith.select %gt3A, %sub3A_875, %convert_element_type3A_871 : vector<16xi1>, vector<16xi32>
        %sub3A_877 = arith.constant 1.000000e+00 : f32
        %sub3A_878 = vector.broadcast %sub3A_877 : f32 to vector<16xf32>
        %sub3A_879 = arith.subf %convert_element_type3A_872, %sub3A_878 : vector<16xf32>
        %select_n3A_880 = arith.select %gt3A, %sub3A_879, %convert_element_type3A_872 : vector<16xi1>, vector<16xf32>
        %convert_element_type3A_881 = arith.fptosi %get3A_870 : vector<16xf32> to vector<16xi32>
        %convert_element_type3A_882 = arith.sitofp %convert_element_type3A_881 : vector<16xi32> to vector<16xf32>
        %gt3A_883 = arith.cmpf ogt, %convert_element_type3A_882, %get3A_870 : vector<16xf32>
        %sub3A_884 = arith.constant 1 : i32
        %sub3A_885 = vector.broadcast %sub3A_884 : i32 to vector<16xi32>
        %sub3A_886 = arith.subi %convert_element_type3A_881, %sub3A_885 : vector<16xi32>
        %select_n3A_887 = arith.select %gt3A_883, %sub3A_886, %convert_element_type3A_881 : vector<16xi1>, vector<16xi32>
        %sub3A_888 = arith.constant 1.000000e+00 : f32
        %sub3A_889 = vector.broadcast %sub3A_888 : f32 to vector<16xf32>
        %sub3A_890 = arith.subf %convert_element_type3A_882, %sub3A_889 : vector<16xf32>
        %select_n3A_891 = arith.select %gt3A_883, %sub3A_890, %convert_element_type3A_882 : vector<16xi1>, vector<16xf32>
        %sub3A_892 = arith.subf %get3A_864, %select_n3A_880 : vector<16xf32>
        %sub3A_893 = arith.subf %get3A_870, %select_n3A_891 : vector<16xf32>
        %max3A = arith.constant 0 : i32
        %max3A_894 = vector.broadcast %max3A : i32 to vector<16xi32>
        %max3A_895 = arith.maxsi %select_n3A_876, %max3A_894 : vector<16xi32>
        %min3A = arith.constant 127 : i32
        %min3A_896 = vector.broadcast %min3A : i32 to vector<16xi32>
        %min3A_897 = arith.minsi %max3A_895, %min3A_896 : vector<16xi32>
        %add3A_898 = arith.constant 1 : i32
        %add3A_899 = vector.broadcast %add3A_898 : i32 to vector<16xi32>
        %add3A_900 = arith.addi %select_n3A_876, %add3A_899 : vector<16xi32>
        %max3A_901 = arith.constant 0 : i32
        %max3A_902 = vector.broadcast %max3A_901 : i32 to vector<16xi32>
        %max3A_903 = arith.maxsi %add3A_900, %max3A_902 : vector<16xi32>
        %min3A_904 = arith.constant 127 : i32
        %min3A_905 = vector.broadcast %min3A_904 : i32 to vector<16xi32>
        %min3A_906 = arith.minsi %max3A_903, %min3A_905 : vector<16xi32>
        %max3A_907 = arith.constant 0 : i32
        %max3A_908 = vector.broadcast %max3A_907 : i32 to vector<16xi32>
        %max3A_909 = arith.maxsi %select_n3A_887, %max3A_908 : vector<16xi32>
        %min3A_910 = arith.constant 127 : i32
        %min3A_911 = vector.broadcast %min3A_910 : i32 to vector<16xi32>
        %min3A_912 = arith.minsi %max3A_909, %min3A_911 : vector<16xi32>
        %add3A_913 = arith.constant 1 : i32
        %add3A_914 = vector.broadcast %add3A_913 : i32 to vector<16xi32>
        %add3A_915 = arith.addi %select_n3A_887, %add3A_914 : vector<16xi32>
        %max3A_916 = arith.constant 0 : i32
        %max3A_917 = vector.broadcast %max3A_916 : i32 to vector<16xi32>
        %max3A_918 = arith.maxsi %add3A_915, %max3A_917 : vector<16xi32>
        %min3A_919 = arith.constant 127 : i32
        %min3A_920 = vector.broadcast %min3A_919 : i32 to vector<16xi32>
        %min3A_921 = arith.minsi %max3A_918, %min3A_920 : vector<16xi32>
        %mul3A_922 = arith.constant 128 : i32
        %mul3A_923 = vector.broadcast %mul3A_922 : i32 to vector<16xi32>
        %mul3A_924 = arith.muli %min3A_912, %mul3A_923 : vector<16xi32>
        %mul3A_925 = arith.constant 128 : i32
        %mul3A_926 = vector.broadcast %mul3A_925 : i32 to vector<16xi32>
        %mul3A_927 = arith.muli %min3A_921, %mul3A_926 : vector<16xi32>
        %add3A_928 = arith.addi %mul3A_924, %min3A_897 : vector<16xi32>
        %add3A_929 = arith.addi %mul3A_924, %min3A_906 : vector<16xi32>
        %add3A_930 = arith.addi %mul3A_927, %min3A_897 : vector<16xi32>
        %add3A_931 = arith.addi %mul3A_927, %min3A_906 : vector<16xi32>
        %sub3A_932 = arith.constant 1.000000e+00 : f32
        %sub3A_933 = vector.broadcast %sub3A_932 : f32 to vector<16xf32>
        %sub3A_934 = arith.subf %sub3A_933, %sub3A_892 : vector<16xf32>
        %sub3A_935 = arith.constant 1.000000e+00 : f32
        %sub3A_936 = vector.broadcast %sub3A_935 : f32 to vector<16xf32>
        %sub3A_937 = arith.subf %sub3A_936, %sub3A_893 : vector<16xf32>
        %mul3A_938 = arith.mulf %sub3A_937, %sub3A_934 : vector<16xf32>
        %mul3A_939 = arith.mulf %sub3A_937, %sub3A_892 : vector<16xf32>
        %mul3A_940 = arith.mulf %sub3A_893, %sub3A_934 : vector<16xf32>
        %mul3A_941 = arith.mulf %sub3A_893, %sub3A_892 : vector<16xf32>
        %add3A_942 = arith.constant 0 : i32
        %add3A_943 = vector.broadcast %add3A_942 : i32 to vector<16xi32>
        %add3A_944 = arith.addi %add3A_928, %add3A_943 : vector<16xi32>
        %gather3A_945 = tpu.vector_load_idx %arg6[%add3A_944] : memref<65536xf32, #tpu.memory_space<vmem>>[vector<16xi32>], vector<16xf32>,
        %add3A_946 = arith.constant 0 : i32
        %add3A_947 = vector.broadcast %add3A_946 : i32 to vector<16xi32>
        %add3A_948 = arith.addi %add3A_929, %add3A_947 : vector<16xi32>
        %gather3A_949 = tpu.vector_load_idx %arg6[%add3A_948] : memref<65536xf32, #tpu.memory_space<vmem>>[vector<16xi32>], vector<16xf32>,
        %add3A_950 = arith.constant 0 : i32
        %add3A_951 = vector.broadcast %add3A_950 : i32 to vector<16xi32>
        %add3A_952 = arith.addi %add3A_930, %add3A_951 : vector<16xi32>
        %gather3A_953 = tpu.vector_load_idx %arg6[%add3A_952] : memref<65536xf32, #tpu.memory_space<vmem>>[vector<16xi32>], vector<16xf32>,
        %add3A_954 = arith.constant 0 : i32
        %add3A_955 = vector.broadcast %add3A_954 : i32 to vector<16xi32>
        %add3A_956 = arith.addi %add3A_931, %add3A_955 : vector<16xi32>
        %gather3A_957 = tpu.vector_load_idx %arg6[%add3A_956] : memref<65536xf32, #tpu.memory_space<vmem>>[vector<16xi32>], vector<16xf32>,
        %mul3A_958 = arith.mulf %mul3A_938, %gather3A_945 : vector<16xf32>
        %mul3A_959 = arith.mulf %mul3A_939, %gather3A_949 : vector<16xf32>
        %add3A_960 = arith.addf %mul3A_958, %mul3A_959 : vector<16xf32>
        %mul3A_961 = arith.mulf %mul3A_940, %gather3A_953 : vector<16xf32>
        %add3A_962 = arith.addf %add3A_960, %mul3A_961 : vector<16xf32>
        %mul3A_963 = arith.mulf %mul3A_941, %gather3A_957 : vector<16xf32>
        %add3A_964 = arith.addf %add3A_962, %mul3A_963 : vector<16xf32>
        %add3A_965 = arith.addf %add3A_964, %gather3A : vector<16xf32>
        %mul3A_966 = arith.constant 16 : i32
        %mul3A_967 = arith.muli %scan3A_858, %mul3A_966 : i32
        %add3A_968 = arith.constant 8192 : i32
        %add3A_969 = arith.addi %add3A_968, %mul3A_967 : i32
        %swap3A = arith.index_cast %add3A_969 : i32 to index
        %swap3A_970 = tpu.vector_load %arg8[%swap3A] {strides = array<i32>} : memref<16384xf32, #tpu.memory_space<vmem>>, vector<16xf32>,
        tpu.vector_store %arg8[%swap3A], %add3A_965 {strides = array<i32>} : memref<16384xf32, #tpu.memory_space<vmem>>, vector<16xf32>,
        %add3A_971 = arith.constant 16384 : i32
        %add3A_972 = vector.broadcast %add3A_971 : i32 to vector<16xi32>
        %add3A_973 = arith.addi %add3A_928, %add3A_972 : vector<16xi32>
        %gather3A_974 = tpu.vector_load_idx %arg6[%add3A_973] : memref<65536xf32, #tpu.memory_space<vmem>>[vector<16xi32>], vector<16xf32>,
        %add3A_975 = arith.constant 16384 : i32
        %add3A_976 = vector.broadcast %add3A_975 : i32 to vector<16xi32>
        %add3A_977 = arith.addi %add3A_929, %add3A_976 : vector<16xi32>
        %gather3A_978 = tpu.vector_load_idx %arg6[%add3A_977] : memref<65536xf32, #tpu.memory_space<vmem>>[vector<16xi32>], vector<16xf32>,
        %add3A_979 = arith.constant 16384 : i32
        %add3A_980 = vector.broadcast %add3A_979 : i32 to vector<16xi32>
        %add3A_981 = arith.addi %add3A_930, %add3A_980 : vector<16xi32>
        %gather3A_982 = tpu.vector_load_idx %arg6[%add3A_981] : memref<65536xf32, #tpu.memory_space<vmem>>[vector<16xi32>], vector<16xf32>,
        %add3A_983 = arith.constant 16384 : i32
        %add3A_984 = vector.broadcast %add3A_983 : i32 to vector<16xi32>
        %add3A_985 = arith.addi %add3A_931, %add3A_984 : vector<16xi32>
        %gather3A_986 = tpu.vector_load_idx %arg6[%add3A_985] : memref<65536xf32, #tpu.memory_space<vmem>>[vector<16xi32>], vector<16xf32>,
        %mul3A_987 = arith.mulf %mul3A_938, %gather3A_974 : vector<16xf32>
        %mul3A_988 = arith.mulf %mul3A_939, %gather3A_978 : vector<16xf32>
        %add3A_989 = arith.addf %mul3A_987, %mul3A_988 : vector<16xf32>
        %mul3A_990 = arith.mulf %mul3A_940, %gather3A_982 : vector<16xf32>
        %add3A_991 = arith.addf %add3A_989, %mul3A_990 : vector<16xf32>
        %mul3A_992 = arith.mulf %mul3A_941, %gather3A_986 : vector<16xf32>
        %add3A_993 = arith.addf %add3A_991, %mul3A_992 : vector<16xf32>
        %add3A_994 = arith.addf %add3A_993, %gather3A_213 : vector<16xf32>
        %mul3A_995 = arith.constant 16 : i32
        %mul3A_996 = arith.muli %scan3A_858, %mul3A_995 : i32
        %add3A_997 = arith.constant 10240 : i32
        %add3A_998 = arith.addi %add3A_997, %mul3A_996 : i32
        %swap3A_999 = arith.index_cast %add3A_998 : i32 to index
        %swap3A_1000 = tpu.vector_load %arg8[%swap3A_999] {strides = array<i32>} : memref<16384xf32, #tpu.memory_space<vmem>>, vector<16xf32>,
        tpu.vector_store %arg8[%swap3A_999], %add3A_994 {strides = array<i32>} : memref<16384xf32, #tpu.memory_space<vmem>>, vector<16xf32>,
        %add3A_1001 = arith.constant 32768 : i32
        %add3A_1002 = vector.broadcast %add3A_1001 : i32 to vector<16xi32>
        %add3A_1003 = arith.addi %add3A_928, %add3A_1002 : vector<16xi32>
        %gather3A_1004 = tpu.vector_load_idx %arg6[%add3A_1003] : memref<65536xf32, #tpu.memory_space<vmem>>[vector<16xi32>], vector<16xf32>,
        %add3A_1005 = arith.constant 32768 : i32
        %add3A_1006 = vector.broadcast %add3A_1005 : i32 to vector<16xi32>
        %add3A_1007 = arith.addi %add3A_929, %add3A_1006 : vector<16xi32>
        %gather3A_1008 = tpu.vector_load_idx %arg6[%add3A_1007] : memref<65536xf32, #tpu.memory_space<vmem>>[vector<16xi32>], vector<16xf32>,
        %add3A_1009 = arith.constant 32768 : i32
        %add3A_1010 = vector.broadcast %add3A_1009 : i32 to vector<16xi32>
        %add3A_1011 = arith.addi %add3A_930, %add3A_1010 : vector<16xi32>
        %gather3A_1012 = tpu.vector_load_idx %arg6[%add3A_1011] : memref<65536xf32, #tpu.memory_space<vmem>>[vector<16xi32>], vector<16xf32>,
        %add3A_1013 = arith.constant 32768 : i32
        %add3A_1014 = vector.broadcast %add3A_1013 : i32 to vector<16xi32>
        %add3A_1015 = arith.addi %add3A_931, %add3A_1014 : vector<16xi32>
        %gather3A_1016 = tpu.vector_load_idx %arg6[%add3A_1015] : memref<65536xf32, #tpu.memory_space<vmem>>[vector<16xi32>], vector<16xf32>,
        %mul3A_1017 = arith.mulf %mul3A_938, %gather3A_1004 : vector<16xf32>
        %mul3A_1018 = arith.mulf %mul3A_939, %gather3A_1008 : vector<16xf32>
        %add3A_1019 = arith.addf %mul3A_1017, %mul3A_1018 : vector<16xf32>
        %mul3A_1020 = arith.mulf %mul3A_940, %gather3A_1012 : vector<16xf32>
        %add3A_1021 = arith.addf %add3A_1019, %mul3A_1020 : vector<16xf32>
        %mul3A_1022 = arith.mulf %mul3A_941, %gather3A_1016 : vector<16xf32>
        %add3A_1023 = arith.addf %add3A_1021, %mul3A_1022 : vector<16xf32>
        %add3A_1024 = arith.addf %add3A_1023, %gather3A_217 : vector<16xf32>
        %mul3A_1025 = arith.constant 16 : i32
        %mul3A_1026 = arith.muli %scan3A_858, %mul3A_1025 : i32
        %add3A_1027 = arith.constant 12288 : i32
        %add3A_1028 = arith.addi %add3A_1027, %mul3A_1026 : i32
        %swap3A_1029 = arith.index_cast %add3A_1028 : i32 to index
        %swap3A_1030 = tpu.vector_load %arg8[%swap3A_1029] {strides = array<i32>} : memref<16384xf32, #tpu.memory_space<vmem>>, vector<16xf32>,
        tpu.vector_store %arg8[%swap3A_1029], %add3A_1024 {strides = array<i32>} : memref<16384xf32, #tpu.memory_space<vmem>>, vector<16xf32>,
        %add3A_1031 = arith.constant 49152 : i32
        %add3A_1032 = vector.broadcast %add3A_1031 : i32 to vector<16xi32>
        %add3A_1033 = arith.addi %add3A_928, %add3A_1032 : vector<16xi32>
        %gather3A_1034 = tpu.vector_load_idx %arg6[%add3A_1033] : memref<65536xf32, #tpu.memory_space<vmem>>[vector<16xi32>], vector<16xf32>,
        %add3A_1035 = arith.constant 49152 : i32
        %add3A_1036 = vector.broadcast %add3A_1035 : i32 to vector<16xi32>
        %add3A_1037 = arith.addi %add3A_929, %add3A_1036 : vector<16xi32>
        %gather3A_1038 = tpu.vector_load_idx %arg6[%add3A_1037] : memref<65536xf32, #tpu.memory_space<vmem>>[vector<16xi32>], vector<16xf32>,
        %add3A_1039 = arith.constant 49152 : i32
        %add3A_1040 = vector.broadcast %add3A_1039 : i32 to vector<16xi32>
        %add3A_1041 = arith.addi %add3A_930, %add3A_1040 : vector<16xi32>
        %gather3A_1042 = tpu.vector_load_idx %arg6[%add3A_1041] : memref<65536xf32, #tpu.memory_space<vmem>>[vector<16xi32>], vector<16xf32>,
        %add3A_1043 = arith.constant 49152 : i32
        %add3A_1044 = vector.broadcast %add3A_1043 : i32 to vector<16xi32>
        %add3A_1045 = arith.addi %add3A_931, %add3A_1044 : vector<16xi32>
        %gather3A_1046 = tpu.vector_load_idx %arg6[%add3A_1045] : memref<65536xf32, #tpu.memory_space<vmem>>[vector<16xi32>], vector<16xf32>,
        %mul3A_1047 = arith.mulf %mul3A_938, %gather3A_1034 : vector<16xf32>
        %mul3A_1048 = arith.mulf %mul3A_939, %gather3A_1038 : vector<16xf32>
        %add3A_1049 = arith.addf %mul3A_1047, %mul3A_1048 : vector<16xf32>
        %mul3A_1050 = arith.mulf %mul3A_940, %gather3A_1042 : vector<16xf32>
        %add3A_1051 = arith.addf %add3A_1049, %mul3A_1050 : vector<16xf32>
        %mul3A_1052 = arith.mulf %mul3A_941, %gather3A_1046 : vector<16xf32>
        %add3A_1053 = arith.addf %add3A_1051, %mul3A_1052 : vector<16xf32>
        %add3A_1054 = arith.addf %add3A_1053, %gather3A_221 : vector<16xf32>
        %mul3A_1055 = arith.constant 16 : i32
        %mul3A_1056 = arith.muli %scan3A_858, %mul3A_1055 : i32
        %add3A_1057 = arith.constant 14336 : i32
        %add3A_1058 = arith.addi %add3A_1057, %mul3A_1056 : i32
        %swap3A_1059 = arith.index_cast %add3A_1058 : i32 to index
        %swap3A_1060 = tpu.vector_load %arg8[%swap3A_1059] {strides = array<i32>} : memref<16384xf32, #tpu.memory_space<vmem>>, vector<16xf32>,
        tpu.vector_store %arg8[%swap3A_1059], %add3A_1054 {strides = array<i32>} : memref<16384xf32, #tpu.memory_space<vmem>>, vector<16xf32>,
        %scan3A_1061 = arith.constant 0 : i32
        scf.yield %scan3A_1061 : i32
      }
      %scan3A_441 = arith.constant 128 : i32
      %add3A_442 = arith.constant 0 : i32
      %add3A_443 = arith.addi %add3A_193, %add3A_442 : i32
      %mul3A_444 = arith.constant 16384 : i32
      %mul3A_445 = arith.muli %add3A_443, %mul3A_444 : i32
      %add3A_446 = arith.constant 6144 : i32
      %add3A_447 = arith.addi %mul3A_445, %add3A_446 : i32
      %dma_start3A_448 = arith.constant 8192 : i32
      %dma_start3A_449 = tpu.memref_slice %arg8[%dma_start3A_448] : memref<16384xf32, #tpu.memory_space<vmem>> -> memref<2048xf32, #tpu.memory_space<vmem>>
      %dma_start3A_450 = tpu.memref_slice %arg5[%add3A_447] : memref<18874368xf32, #tpu.memory_space<hbm>> -> memref<2048xf32, #tpu.memory_space<hbm>>
      %dma_start3A_451 = tpu.memref_slice %arg5[%add3A_447] : memref<18874368xf32, #tpu.memory_space<hbm>> -> memref<2048xf32, #tpu.memory_space<hbm>>
      %dma_start3A_452 = arith.constant 8192 : i32
      %dma_start3A_453 = tpu.memref_slice %arg8[%dma_start3A_452] : memref<16384xf32, #tpu.memory_space<vmem>> -> memref<2048xf32, #tpu.memory_space<vmem>>
      tpu.enqueue_dma source(%dma_start3A_453 : memref<2048xf32, #tpu.memory_space<vmem>>) target(%dma_start3A_451 : memref<2048xf32, #tpu.memory_space<hbm>>) target_semaphore(%arg12 : memref<!tpu.dma_semaphore, #tpu.memory_space<semaphore_mem>>)
      %add3A_454 = arith.constant 1 : i32
      %add3A_455 = arith.addi %add3A_193, %add3A_454 : i32
      %mul3A_456 = arith.constant 16384 : i32
      %mul3A_457 = arith.muli %add3A_455, %mul3A_456 : i32
      %add3A_458 = arith.constant 6144 : i32
      %add3A_459 = arith.addi %mul3A_457, %add3A_458 : i32
      %dma_start3A_460 = arith.constant 10240 : i32
      %dma_start3A_461 = tpu.memref_slice %arg8[%dma_start3A_460] : memref<16384xf32, #tpu.memory_space<vmem>> -> memref<2048xf32, #tpu.memory_space<vmem>>
      %dma_start3A_462 = tpu.memref_slice %arg5[%add3A_459] : memref<18874368xf32, #tpu.memory_space<hbm>> -> memref<2048xf32, #tpu.memory_space<hbm>>
      %dma_start3A_463 = tpu.memref_slice %arg5[%add3A_459] : memref<18874368xf32, #tpu.memory_space<hbm>> -> memref<2048xf32, #tpu.memory_space<hbm>>
      %dma_start3A_464 = arith.constant 10240 : i32
      %dma_start3A_465 = tpu.memref_slice %arg8[%dma_start3A_464] : memref<16384xf32, #tpu.memory_space<vmem>> -> memref<2048xf32, #tpu.memory_space<vmem>>
      tpu.enqueue_dma source(%dma_start3A_465 : memref<2048xf32, #tpu.memory_space<vmem>>) target(%dma_start3A_463 : memref<2048xf32, #tpu.memory_space<hbm>>) target_semaphore(%arg12 : memref<!tpu.dma_semaphore, #tpu.memory_space<semaphore_mem>>)
      %add3A_466 = arith.constant 2 : i32
      %add3A_467 = arith.addi %add3A_193, %add3A_466 : i32
      %mul3A_468 = arith.constant 16384 : i32
      %mul3A_469 = arith.muli %add3A_467, %mul3A_468 : i32
      %add3A_470 = arith.constant 6144 : i32
      %add3A_471 = arith.addi %mul3A_469, %add3A_470 : i32
      %dma_start3A_472 = arith.constant 12288 : i32
      %dma_start3A_473 = tpu.memref_slice %arg8[%dma_start3A_472] : memref<16384xf32, #tpu.memory_space<vmem>> -> memref<2048xf32, #tpu.memory_space<vmem>>
      %dma_start3A_474 = tpu.memref_slice %arg5[%add3A_471] : memref<18874368xf32, #tpu.memory_space<hbm>> -> memref<2048xf32, #tpu.memory_space<hbm>>
      %dma_start3A_475 = tpu.memref_slice %arg5[%add3A_471] : memref<18874368xf32, #tpu.memory_space<hbm>> -> memref<2048xf32, #tpu.memory_space<hbm>>
      %dma_start3A_476 = arith.constant 12288 : i32
      %dma_start3A_477 = tpu.memref_slice %arg8[%dma_start3A_476] : memref<16384xf32, #tpu.memory_space<vmem>> -> memref<2048xf32, #tpu.memory_space<vmem>>
      tpu.enqueue_dma source(%dma_start3A_477 : memref<2048xf32, #tpu.memory_space<vmem>>) target(%dma_start3A_475 : memref<2048xf32, #tpu.memory_space<hbm>>) target_semaphore(%arg12 : memref<!tpu.dma_semaphore, #tpu.memory_space<semaphore_mem>>)
      %add3A_478 = arith.constant 3 : i32
      %add3A_479 = arith.addi %add3A_193, %add3A_478 : i32
      %mul3A_480 = arith.constant 16384 : i32
      %mul3A_481 = arith.muli %add3A_479, %mul3A_480 : i32
      %add3A_482 = arith.constant 6144 : i32
      %add3A_483 = arith.addi %mul3A_481, %add3A_482 : i32
      %dma_start3A_484 = arith.constant 14336 : i32
      %dma_start3A_485 = tpu.memref_slice %arg8[%dma_start3A_484] : memref<16384xf32, #tpu.memory_space<vmem>> -> memref<2048xf32, #tpu.memory_space<vmem>>
      %dma_start3A_486 = tpu.memref_slice %arg5[%add3A_483] : memref<18874368xf32, #tpu.memory_space<hbm>> -> memref<2048xf32, #tpu.memory_space<hbm>>
      %dma_start3A_487 = tpu.memref_slice %arg5[%add3A_483] : memref<18874368xf32, #tpu.memory_space<hbm>> -> memref<2048xf32, #tpu.memory_space<hbm>>
      %dma_start3A_488 = arith.constant 14336 : i32
      %dma_start3A_489 = tpu.memref_slice %arg8[%dma_start3A_488] : memref<16384xf32, #tpu.memory_space<vmem>> -> memref<2048xf32, #tpu.memory_space<vmem>>
      tpu.enqueue_dma source(%dma_start3A_489 : memref<2048xf32, #tpu.memory_space<vmem>>) target(%dma_start3A_487 : memref<2048xf32, #tpu.memory_space<hbm>>) target_semaphore(%arg12 : memref<!tpu.dma_semaphore, #tpu.memory_space<semaphore_mem>>)
      %dma_wait3A_490 = arith.constant 0 : i32
      %dma_wait3A_491 = tpu.memref_slice %arg8[%dma_wait3A_490] : memref<16384xf32, #tpu.memory_space<vmem>> -> memref<2048xf32, #tpu.memory_space<vmem>>
      %dma_wait3A_492 = tpu.memref_slice %arg5[%add3A_368] : memref<18874368xf32, #tpu.memory_space<hbm>> -> memref<2048xf32, #tpu.memory_space<hbm>>
      %dma_wait3A_493 = tpu.memref_slice %arg5[%add3A_368] : memref<18874368xf32, #tpu.memory_space<hbm>> -> memref<2048xf32, #tpu.memory_space<hbm>>
      %dma_wait3A_494 = arith.constant 0 : i32
      %dma_wait3A_495 = tpu.memref_slice %arg8[%dma_wait3A_494] : memref<16384xf32, #tpu.memory_space<vmem>> -> memref<2048xf32, #tpu.memory_space<vmem>>
      tpu.wait_dma2 semaphore(%arg12 : memref<!tpu.dma_semaphore, #tpu.memory_space<semaphore_mem>>) src(%dma_wait3A_495 : memref<2048xf32, #tpu.memory_space<vmem>>) dst(%dma_wait3A_493 : memref<2048xf32, #tpu.memory_space<hbm>>)
      %dma_wait3A_496 = arith.constant 2048 : i32
      %dma_wait3A_497 = tpu.memref_slice %arg8[%dma_wait3A_496] : memref<16384xf32, #tpu.memory_space<vmem>> -> memref<2048xf32, #tpu.memory_space<vmem>>
      %dma_wait3A_498 = tpu.memref_slice %arg5[%add3A_380] : memref<18874368xf32, #tpu.memory_space<hbm>> -> memref<2048xf32, #tpu.memory_space<hbm>>
      %dma_wait3A_499 = tpu.memref_slice %arg5[%add3A_380] : memref<18874368xf32, #tpu.memory_space<hbm>> -> memref<2048xf32, #tpu.memory_space<hbm>>
      %dma_wait3A_500 = arith.constant 2048 : i32
      %dma_wait3A_501 = tpu.memref_slice %arg8[%dma_wait3A_500] : memref<16384xf32, #tpu.memory_space<vmem>> -> memref<2048xf32, #tpu.memory_space<vmem>>
      tpu.wait_dma2 semaphore(%arg12 : memref<!tpu.dma_semaphore, #tpu.memory_space<semaphore_mem>>) src(%dma_wait3A_501 : memref<2048xf32, #tpu.memory_space<vmem>>) dst(%dma_wait3A_499 : memref<2048xf32, #tpu.memory_space<hbm>>)
      %dma_wait3A_502 = arith.constant 4096 : i32
      %dma_wait3A_503 = tpu.memref_slice %arg8[%dma_wait3A_502] : memref<16384xf32, #tpu.memory_space<vmem>> -> memref<2048xf32, #tpu.memory_space<vmem>>
      %dma_wait3A_504 = tpu.memref_slice %arg5[%add3A_392] : memref<18874368xf32, #tpu.memory_space<hbm>> -> memref<2048xf32, #tpu.memory_space<hbm>>
      %dma_wait3A_505 = tpu.memref_slice %arg5[%add3A_392] : memref<18874368xf32, #tpu.memory_space<hbm>> -> memref<2048xf32, #tpu.memory_space<hbm>>
      %dma_wait3A_506 = arith.constant 4096 : i32
      %dma_wait3A_507 = tpu.memref_slice %arg8[%dma_wait3A_506] : memref<16384xf32, #tpu.memory_space<vmem>> -> memref<2048xf32, #tpu.memory_space<vmem>>
      tpu.wait_dma2 semaphore(%arg12 : memref<!tpu.dma_semaphore, #tpu.memory_space<semaphore_mem>>) src(%dma_wait3A_507 : memref<2048xf32, #tpu.memory_space<vmem>>) dst(%dma_wait3A_505 : memref<2048xf32, #tpu.memory_space<hbm>>)
      %dma_wait3A_508 = arith.constant 6144 : i32
      %dma_wait3A_509 = tpu.memref_slice %arg8[%dma_wait3A_508] : memref<16384xf32, #tpu.memory_space<vmem>> -> memref<2048xf32, #tpu.memory_space<vmem>>
      %dma_wait3A_510 = tpu.memref_slice %arg5[%add3A_404] : memref<18874368xf32, #tpu.memory_space<hbm>> -> memref<2048xf32, #tpu.memory_space<hbm>>
      %dma_wait3A_511 = tpu.memref_slice %arg5[%add3A_404] : memref<18874368xf32, #tpu.memory_space<hbm>> -> memref<2048xf32, #tpu.memory_space<hbm>>
      %dma_wait3A_512 = arith.constant 6144 : i32
      %dma_wait3A_513 = tpu.memref_slice %arg8[%dma_wait3A_512] : memref<16384xf32, #tpu.memory_space<vmem>> -> memref<2048xf32, #tpu.memory_space<vmem>>
      tpu.wait_dma2 semaphore(%arg12 : memref<!tpu.dma_semaphore, #tpu.memory_space<semaphore_mem>>) src(%dma_wait3A_513 : memref<2048xf32, #tpu.memory_space<vmem>>) dst(%dma_wait3A_511 : memref<2048xf32, #tpu.memory_space<hbm>>)
      %scan3A_514 = arith.constant 0 : i32
      %scan3A_515 = arith.constant 0 : i32
      %scan3A_516 = arith.constant 128 : i32
      %scan3A_517 = arith.addi %scan3A_515, %scan3A_516 : i32
      %scan3A_518 = arith.constant 1 : i32
      %scan3A_519 = scf.for %scan3A_858 = %scan3A_515 to %scan3A_517 step %scan3A_518 iter_args(%scan3A_859 = %scan3A_514) -> (i32)  : i32 {
        %mul3A_860 = arith.constant 16 : i32
        %mul3A_861 = arith.muli %scan3A_858, %mul3A_860 : i32
        %add3A_862 = arith.constant 8192 : i32
        %add3A_863 = arith.addi %add3A_862, %mul3A_861 : i32
        %get3A = arith.index_cast %add3A_863 : i32 to index
        %get3A_864 = tpu.vector_load %arg7[%get3A] {strides = array<i32>} : memref<32768xf32, #tpu.memory_space<vmem>>, vector<16xf32>,
        %mul3A_865 = arith.constant 16 : i32
        %mul3A_866 = arith.muli %scan3A_858, %mul3A_865 : i32
        %add3A_867 = arith.constant 24576 : i32
        %add3A_868 = arith.addi %add3A_867, %mul3A_866 : i32
        %get3A_869 = arith.index_cast %add3A_868 : i32 to index
        %get3A_870 = tpu.vector_load %arg7[%get3A_869] {strides = array<i32>} : memref<32768xf32, #tpu.memory_space<vmem>>, vector<16xf32>,
        %convert_element_type3A_871 = arith.fptosi %get3A_864 : vector<16xf32> to vector<16xi32>
        %convert_element_type3A_872 = arith.sitofp %convert_element_type3A_871 : vector<16xi32> to vector<16xf32>
        %gt3A = arith.cmpf ogt, %convert_element_type3A_872, %get3A_864 : vector<16xf32>
        %sub3A_873 = arith.constant 1 : i32
        %sub3A_874 = vector.broadcast %sub3A_873 : i32 to vector<16xi32>
        %sub3A_875 = arith.subi %convert_element_type3A_871, %sub3A_874 : vector<16xi32>
        %select_n3A_876 = arith.select %gt3A, %sub3A_875, %convert_element_type3A_871 : vector<16xi1>, vector<16xi32>
        %sub3A_877 = arith.constant 1.000000e+00 : f32
        %sub3A_878 = vector.broadcast %sub3A_877 : f32 to vector<16xf32>
        %sub3A_879 = arith.subf %convert_element_type3A_872, %sub3A_878 : vector<16xf32>
        %select_n3A_880 = arith.select %gt3A, %sub3A_879, %convert_element_type3A_872 : vector<16xi1>, vector<16xf32>
        %convert_element_type3A_881 = arith.fptosi %get3A_870 : vector<16xf32> to vector<16xi32>
        %convert_element_type3A_882 = arith.sitofp %convert_element_type3A_881 : vector<16xi32> to vector<16xf32>
        %gt3A_883 = arith.cmpf ogt, %convert_element_type3A_882, %get3A_870 : vector<16xf32>
        %sub3A_884 = arith.constant 1 : i32
        %sub3A_885 = vector.broadcast %sub3A_884 : i32 to vector<16xi32>
        %sub3A_886 = arith.subi %convert_element_type3A_881, %sub3A_885 : vector<16xi32>
        %select_n3A_887 = arith.select %gt3A_883, %sub3A_886, %convert_element_type3A_881 : vector<16xi1>, vector<16xi32>
        %sub3A_888 = arith.constant 1.000000e+00 : f32
        %sub3A_889 = vector.broadcast %sub3A_888 : f32 to vector<16xf32>
        %sub3A_890 = arith.subf %convert_element_type3A_882, %sub3A_889 : vector<16xf32>
        %select_n3A_891 = arith.select %gt3A_883, %sub3A_890, %convert_element_type3A_882 : vector<16xi1>, vector<16xf32>
        %sub3A_892 = arith.subf %get3A_864, %select_n3A_880 : vector<16xf32>
        %sub3A_893 = arith.subf %get3A_870, %select_n3A_891 : vector<16xf32>
        %max3A = arith.constant 0 : i32
        %max3A_894 = vector.broadcast %max3A : i32 to vector<16xi32>
        %max3A_895 = arith.maxsi %select_n3A_876, %max3A_894 : vector<16xi32>
        %min3A = arith.constant 127 : i32
        %min3A_896 = vector.broadcast %min3A : i32 to vector<16xi32>
        %min3A_897 = arith.minsi %max3A_895, %min3A_896 : vector<16xi32>
        %add3A_898 = arith.constant 1 : i32
        %add3A_899 = vector.broadcast %add3A_898 : i32 to vector<16xi32>
        %add3A_900 = arith.addi %select_n3A_876, %add3A_899 : vector<16xi32>
        %max3A_901 = arith.constant 0 : i32
        %max3A_902 = vector.broadcast %max3A_901 : i32 to vector<16xi32>
        %max3A_903 = arith.maxsi %add3A_900, %max3A_902 : vector<16xi32>
        %min3A_904 = arith.constant 127 : i32
        %min3A_905 = vector.broadcast %min3A_904 : i32 to vector<16xi32>
        %min3A_906 = arith.minsi %max3A_903, %min3A_905 : vector<16xi32>
        %max3A_907 = arith.constant 0 : i32
        %max3A_908 = vector.broadcast %max3A_907 : i32 to vector<16xi32>
        %max3A_909 = arith.maxsi %select_n3A_887, %max3A_908 : vector<16xi32>
        %min3A_910 = arith.constant 127 : i32
        %min3A_911 = vector.broadcast %min3A_910 : i32 to vector<16xi32>
        %min3A_912 = arith.minsi %max3A_909, %min3A_911 : vector<16xi32>
        %add3A_913 = arith.constant 1 : i32
        %add3A_914 = vector.broadcast %add3A_913 : i32 to vector<16xi32>
        %add3A_915 = arith.addi %select_n3A_887, %add3A_914 : vector<16xi32>
        %max3A_916 = arith.constant 0 : i32
        %max3A_917 = vector.broadcast %max3A_916 : i32 to vector<16xi32>
        %max3A_918 = arith.maxsi %add3A_915, %max3A_917 : vector<16xi32>
        %min3A_919 = arith.constant 127 : i32
        %min3A_920 = vector.broadcast %min3A_919 : i32 to vector<16xi32>
        %min3A_921 = arith.minsi %max3A_918, %min3A_920 : vector<16xi32>
        %mul3A_922 = arith.constant 128 : i32
        %mul3A_923 = vector.broadcast %mul3A_922 : i32 to vector<16xi32>
        %mul3A_924 = arith.muli %min3A_912, %mul3A_923 : vector<16xi32>
        %mul3A_925 = arith.constant 128 : i32
        %mul3A_926 = vector.broadcast %mul3A_925 : i32 to vector<16xi32>
        %mul3A_927 = arith.muli %min3A_921, %mul3A_926 : vector<16xi32>
        %add3A_928 = arith.addi %mul3A_924, %min3A_897 : vector<16xi32>
        %add3A_929 = arith.addi %mul3A_924, %min3A_906 : vector<16xi32>
        %add3A_930 = arith.addi %mul3A_927, %min3A_897 : vector<16xi32>
        %add3A_931 = arith.addi %mul3A_927, %min3A_906 : vector<16xi32>
        %sub3A_932 = arith.constant 1.000000e+00 : f32
        %sub3A_933 = vector.broadcast %sub3A_932 : f32 to vector<16xf32>
        %sub3A_934 = arith.subf %sub3A_933, %sub3A_892 : vector<16xf32>
        %sub3A_935 = arith.constant 1.000000e+00 : f32
        %sub3A_936 = vector.broadcast %sub3A_935 : f32 to vector<16xf32>
        %sub3A_937 = arith.subf %sub3A_936, %sub3A_893 : vector<16xf32>
        %mul3A_938 = arith.mulf %sub3A_937, %sub3A_934 : vector<16xf32>
        %mul3A_939 = arith.mulf %sub3A_937, %sub3A_892 : vector<16xf32>
        %mul3A_940 = arith.mulf %sub3A_893, %sub3A_934 : vector<16xf32>
        %mul3A_941 = arith.mulf %sub3A_893, %sub3A_892 : vector<16xf32>
        %add3A_942 = arith.constant 0 : i32
        %add3A_943 = vector.broadcast %add3A_942 : i32 to vector<16xi32>
        %add3A_944 = arith.addi %add3A_928, %add3A_943 : vector<16xi32>
        %gather3A_945 = tpu.vector_load_idx %arg6[%add3A_944] : memref<65536xf32, #tpu.memory_space<vmem>>[vector<16xi32>], vector<16xf32>,
        %add3A_946 = arith.constant 0 : i32
        %add3A_947 = vector.broadcast %add3A_946 : i32 to vector<16xi32>
        %add3A_948 = arith.addi %add3A_929, %add3A_947 : vector<16xi32>
        %gather3A_949 = tpu.vector_load_idx %arg6[%add3A_948] : memref<65536xf32, #tpu.memory_space<vmem>>[vector<16xi32>], vector<16xf32>,
        %add3A_950 = arith.constant 0 : i32
        %add3A_951 = vector.broadcast %add3A_950 : i32 to vector<16xi32>
        %add3A_952 = arith.addi %add3A_930, %add3A_951 : vector<16xi32>
        %gather3A_953 = tpu.vector_load_idx %arg6[%add3A_952] : memref<65536xf32, #tpu.memory_space<vmem>>[vector<16xi32>], vector<16xf32>,
        %add3A_954 = arith.constant 0 : i32
        %add3A_955 = vector.broadcast %add3A_954 : i32 to vector<16xi32>
        %add3A_956 = arith.addi %add3A_931, %add3A_955 : vector<16xi32>
        %gather3A_957 = tpu.vector_load_idx %arg6[%add3A_956] : memref<65536xf32, #tpu.memory_space<vmem>>[vector<16xi32>], vector<16xf32>,
        %mul3A_958 = arith.mulf %mul3A_938, %gather3A_945 : vector<16xf32>
        %mul3A_959 = arith.mulf %mul3A_939, %gather3A_949 : vector<16xf32>
        %add3A_960 = arith.addf %mul3A_958, %mul3A_959 : vector<16xf32>
        %mul3A_961 = arith.mulf %mul3A_940, %gather3A_953 : vector<16xf32>
        %add3A_962 = arith.addf %add3A_960, %mul3A_961 : vector<16xf32>
        %mul3A_963 = arith.mulf %mul3A_941, %gather3A_957 : vector<16xf32>
        %add3A_964 = arith.addf %add3A_962, %mul3A_963 : vector<16xf32>
        %add3A_965 = arith.addf %add3A_964, %gather3A : vector<16xf32>
        %mul3A_966 = arith.constant 16 : i32
        %mul3A_967 = arith.muli %scan3A_858, %mul3A_966 : i32
        %add3A_968 = arith.constant 0 : i32
        %add3A_969 = arith.addi %add3A_968, %mul3A_967 : i32
        %swap3A = arith.index_cast %add3A_969 : i32 to index
        %swap3A_970 = tpu.vector_load %arg8[%swap3A] {strides = array<i32>} : memref<16384xf32, #tpu.memory_space<vmem>>, vector<16xf32>,
        tpu.vector_store %arg8[%swap3A], %add3A_965 {strides = array<i32>} : memref<16384xf32, #tpu.memory_space<vmem>>, vector<16xf32>,
        %add3A_971 = arith.constant 16384 : i32
        %add3A_972 = vector.broadcast %add3A_971 : i32 to vector<16xi32>
        %add3A_973 = arith.addi %add3A_928, %add3A_972 : vector<16xi32>
        %gather3A_974 = tpu.vector_load_idx %arg6[%add3A_973] : memref<65536xf32, #tpu.memory_space<vmem>>[vector<16xi32>], vector<16xf32>,
        %add3A_975 = arith.constant 16384 : i32
        %add3A_976 = vector.broadcast %add3A_975 : i32 to vector<16xi32>
        %add3A_977 = arith.addi %add3A_929, %add3A_976 : vector<16xi32>
        %gather3A_978 = tpu.vector_load_idx %arg6[%add3A_977] : memref<65536xf32, #tpu.memory_space<vmem>>[vector<16xi32>], vector<16xf32>,
        %add3A_979 = arith.constant 16384 : i32
        %add3A_980 = vector.broadcast %add3A_979 : i32 to vector<16xi32>
        %add3A_981 = arith.addi %add3A_930, %add3A_980 : vector<16xi32>
        %gather3A_982 = tpu.vector_load_idx %arg6[%add3A_981] : memref<65536xf32, #tpu.memory_space<vmem>>[vector<16xi32>], vector<16xf32>,
        %add3A_983 = arith.constant 16384 : i32
        %add3A_984 = vector.broadcast %add3A_983 : i32 to vector<16xi32>
        %add3A_985 = arith.addi %add3A_931, %add3A_984 : vector<16xi32>
        %gather3A_986 = tpu.vector_load_idx %arg6[%add3A_985] : memref<65536xf32, #tpu.memory_space<vmem>>[vector<16xi32>], vector<16xf32>,
        %mul3A_987 = arith.mulf %mul3A_938, %gather3A_974 : vector<16xf32>
        %mul3A_988 = arith.mulf %mul3A_939, %gather3A_978 : vector<16xf32>
        %add3A_989 = arith.addf %mul3A_987, %mul3A_988 : vector<16xf32>
        %mul3A_990 = arith.mulf %mul3A_940, %gather3A_982 : vector<16xf32>
        %add3A_991 = arith.addf %add3A_989, %mul3A_990 : vector<16xf32>
        %mul3A_992 = arith.mulf %mul3A_941, %gather3A_986 : vector<16xf32>
        %add3A_993 = arith.addf %add3A_991, %mul3A_992 : vector<16xf32>
        %add3A_994 = arith.addf %add3A_993, %gather3A_213 : vector<16xf32>
        %mul3A_995 = arith.constant 16 : i32
        %mul3A_996 = arith.muli %scan3A_858, %mul3A_995 : i32
        %add3A_997 = arith.constant 2048 : i32
        %add3A_998 = arith.addi %add3A_997, %mul3A_996 : i32
        %swap3A_999 = arith.index_cast %add3A_998 : i32 to index
        %swap3A_1000 = tpu.vector_load %arg8[%swap3A_999] {strides = array<i32>} : memref<16384xf32, #tpu.memory_space<vmem>>, vector<16xf32>,
        tpu.vector_store %arg8[%swap3A_999], %add3A_994 {strides = array<i32>} : memref<16384xf32, #tpu.memory_space<vmem>>, vector<16xf32>,
        %add3A_1001 = arith.constant 32768 : i32
        %add3A_1002 = vector.broadcast %add3A_1001 : i32 to vector<16xi32>
        %add3A_1003 = arith.addi %add3A_928, %add3A_1002 : vector<16xi32>
        %gather3A_1004 = tpu.vector_load_idx %arg6[%add3A_1003] : memref<65536xf32, #tpu.memory_space<vmem>>[vector<16xi32>], vector<16xf32>,
        %add3A_1005 = arith.constant 32768 : i32
        %add3A_1006 = vector.broadcast %add3A_1005 : i32 to vector<16xi32>
        %add3A_1007 = arith.addi %add3A_929, %add3A_1006 : vector<16xi32>
        %gather3A_1008 = tpu.vector_load_idx %arg6[%add3A_1007] : memref<65536xf32, #tpu.memory_space<vmem>>[vector<16xi32>], vector<16xf32>,
        %add3A_1009 = arith.constant 32768 : i32
        %add3A_1010 = vector.broadcast %add3A_1009 : i32 to vector<16xi32>
        %add3A_1011 = arith.addi %add3A_930, %add3A_1010 : vector<16xi32>
        %gather3A_1012 = tpu.vector_load_idx %arg6[%add3A_1011] : memref<65536xf32, #tpu.memory_space<vmem>>[vector<16xi32>], vector<16xf32>,
        %add3A_1013 = arith.constant 32768 : i32
        %add3A_1014 = vector.broadcast %add3A_1013 : i32 to vector<16xi32>
        %add3A_1015 = arith.addi %add3A_931, %add3A_1014 : vector<16xi32>
        %gather3A_1016 = tpu.vector_load_idx %arg6[%add3A_1015] : memref<65536xf32, #tpu.memory_space<vmem>>[vector<16xi32>], vector<16xf32>,
        %mul3A_1017 = arith.mulf %mul3A_938, %gather3A_1004 : vector<16xf32>
        %mul3A_1018 = arith.mulf %mul3A_939, %gather3A_1008 : vector<16xf32>
        %add3A_1019 = arith.addf %mul3A_1017, %mul3A_1018 : vector<16xf32>
        %mul3A_1020 = arith.mulf %mul3A_940, %gather3A_1012 : vector<16xf32>
        %add3A_1021 = arith.addf %add3A_1019, %mul3A_1020 : vector<16xf32>
        %mul3A_1022 = arith.mulf %mul3A_941, %gather3A_1016 : vector<16xf32>
        %add3A_1023 = arith.addf %add3A_1021, %mul3A_1022 : vector<16xf32>
        %add3A_1024 = arith.addf %add3A_1023, %gather3A_217 : vector<16xf32>
        %mul3A_1025 = arith.constant 16 : i32
        %mul3A_1026 = arith.muli %scan3A_858, %mul3A_1025 : i32
        %add3A_1027 = arith.constant 4096 : i32
        %add3A_1028 = arith.addi %add3A_1027, %mul3A_1026 : i32
        %swap3A_1029 = arith.index_cast %add3A_1028 : i32 to index
        %swap3A_1030 = tpu.vector_load %arg8[%swap3A_1029] {strides = array<i32>} : memref<16384xf32, #tpu.memory_space<vmem>>, vector<16xf32>,
        tpu.vector_store %arg8[%swap3A_1029], %add3A_1024 {strides = array<i32>} : memref<16384xf32, #tpu.memory_space<vmem>>, vector<16xf32>,
        %add3A_1031 = arith.constant 49152 : i32
        %add3A_1032 = vector.broadcast %add3A_1031 : i32 to vector<16xi32>
        %add3A_1033 = arith.addi %add3A_928, %add3A_1032 : vector<16xi32>
        %gather3A_1034 = tpu.vector_load_idx %arg6[%add3A_1033] : memref<65536xf32, #tpu.memory_space<vmem>>[vector<16xi32>], vector<16xf32>,
        %add3A_1035 = arith.constant 49152 : i32
        %add3A_1036 = vector.broadcast %add3A_1035 : i32 to vector<16xi32>
        %add3A_1037 = arith.addi %add3A_929, %add3A_1036 : vector<16xi32>
        %gather3A_1038 = tpu.vector_load_idx %arg6[%add3A_1037] : memref<65536xf32, #tpu.memory_space<vmem>>[vector<16xi32>], vector<16xf32>,
        %add3A_1039 = arith.constant 49152 : i32
        %add3A_1040 = vector.broadcast %add3A_1039 : i32 to vector<16xi32>
        %add3A_1041 = arith.addi %add3A_930, %add3A_1040 : vector<16xi32>
        %gather3A_1042 = tpu.vector_load_idx %arg6[%add3A_1041] : memref<65536xf32, #tpu.memory_space<vmem>>[vector<16xi32>], vector<16xf32>,
        %add3A_1043 = arith.constant 49152 : i32
        %add3A_1044 = vector.broadcast %add3A_1043 : i32 to vector<16xi32>
        %add3A_1045 = arith.addi %add3A_931, %add3A_1044 : vector<16xi32>
        %gather3A_1046 = tpu.vector_load_idx %arg6[%add3A_1045] : memref<65536xf32, #tpu.memory_space<vmem>>[vector<16xi32>], vector<16xf32>,
        %mul3A_1047 = arith.mulf %mul3A_938, %gather3A_1034 : vector<16xf32>
        %mul3A_1048 = arith.mulf %mul3A_939, %gather3A_1038 : vector<16xf32>
        %add3A_1049 = arith.addf %mul3A_1047, %mul3A_1048 : vector<16xf32>
        %mul3A_1050 = arith.mulf %mul3A_940, %gather3A_1042 : vector<16xf32>
        %add3A_1051 = arith.addf %add3A_1049, %mul3A_1050 : vector<16xf32>
        %mul3A_1052 = arith.mulf %mul3A_941, %gather3A_1046 : vector<16xf32>
        %add3A_1053 = arith.addf %add3A_1051, %mul3A_1052 : vector<16xf32>
        %add3A_1054 = arith.addf %add3A_1053, %gather3A_221 : vector<16xf32>
        %mul3A_1055 = arith.constant 16 : i32
        %mul3A_1056 = arith.muli %scan3A_858, %mul3A_1055 : i32
        %add3A_1057 = arith.constant 6144 : i32
        %add3A_1058 = arith.addi %add3A_1057, %mul3A_1056 : i32
        %swap3A_1059 = arith.index_cast %add3A_1058 : i32 to index
        %swap3A_1060 = tpu.vector_load %arg8[%swap3A_1059] {strides = array<i32>} : memref<16384xf32, #tpu.memory_space<vmem>>, vector<16xf32>,
        tpu.vector_store %arg8[%swap3A_1059], %add3A_1054 {strides = array<i32>} : memref<16384xf32, #tpu.memory_space<vmem>>, vector<16xf32>,
        %scan3A_1061 = arith.constant 0 : i32
        scf.yield %scan3A_1061 : i32
      }
      %scan3A_520 = arith.constant 128 : i32
      %add3A_521 = arith.constant 0 : i32
      %add3A_522 = arith.addi %add3A_193, %add3A_521 : i32
      %mul3A_523 = arith.constant 16384 : i32
      %mul3A_524 = arith.muli %add3A_522, %mul3A_523 : i32
      %add3A_525 = arith.constant 8192 : i32
      %add3A_526 = arith.addi %mul3A_524, %add3A_525 : i32
      %dma_start3A_527 = arith.constant 0 : i32
      %dma_start3A_528 = tpu.memref_slice %arg8[%dma_start3A_527] : memref<16384xf32, #tpu.memory_space<vmem>> -> memref<2048xf32, #tpu.memory_space<vmem>>
      %dma_start3A_529 = tpu.memref_slice %arg5[%add3A_526] : memref<18874368xf32, #tpu.memory_space<hbm>> -> memref<2048xf32, #tpu.memory_space<hbm>>
      %dma_start3A_530 = tpu.memref_slice %arg5[%add3A_526] : memref<18874368xf32, #tpu.memory_space<hbm>> -> memref<2048xf32, #tpu.memory_space<hbm>>
      %dma_start3A_531 = arith.constant 0 : i32
      %dma_start3A_532 = tpu.memref_slice %arg8[%dma_start3A_531] : memref<16384xf32, #tpu.memory_space<vmem>> -> memref<2048xf32, #tpu.memory_space<vmem>>
      tpu.enqueue_dma source(%dma_start3A_532 : memref<2048xf32, #tpu.memory_space<vmem>>) target(%dma_start3A_530 : memref<2048xf32, #tpu.memory_space<hbm>>) target_semaphore(%arg12 : memref<!tpu.dma_semaphore, #tpu.memory_space<semaphore_mem>>)
      %add3A_533 = arith.constant 1 : i32
      %add3A_534 = arith.addi %add3A_193, %add3A_533 : i32
      %mul3A_535 = arith.constant 16384 : i32
      %mul3A_536 = arith.muli %add3A_534, %mul3A_535 : i32
      %add3A_537 = arith.constant 8192 : i32
      %add3A_538 = arith.addi %mul3A_536, %add3A_537 : i32
      %dma_start3A_539 = arith.constant 2048 : i32
      %dma_start3A_540 = tpu.memref_slice %arg8[%dma_start3A_539] : memref<16384xf32, #tpu.memory_space<vmem>> -> memref<2048xf32, #tpu.memory_space<vmem>>
      %dma_start3A_541 = tpu.memref_slice %arg5[%add3A_538] : memref<18874368xf32, #tpu.memory_space<hbm>> -> memref<2048xf32, #tpu.memory_space<hbm>>
      %dma_start3A_542 = tpu.memref_slice %arg5[%add3A_538] : memref<18874368xf32, #tpu.memory_space<hbm>> -> memref<2048xf32, #tpu.memory_space<hbm>>
      %dma_start3A_543 = arith.constant 2048 : i32
      %dma_start3A_544 = tpu.memref_slice %arg8[%dma_start3A_543] : memref<16384xf32, #tpu.memory_space<vmem>> -> memref<2048xf32, #tpu.memory_space<vmem>>
      tpu.enqueue_dma source(%dma_start3A_544 : memref<2048xf32, #tpu.memory_space<vmem>>) target(%dma_start3A_542 : memref<2048xf32, #tpu.memory_space<hbm>>) target_semaphore(%arg12 : memref<!tpu.dma_semaphore, #tpu.memory_space<semaphore_mem>>)
      %add3A_545 = arith.constant 2 : i32
      %add3A_546 = arith.addi %add3A_193, %add3A_545 : i32
      %mul3A_547 = arith.constant 16384 : i32
      %mul3A_548 = arith.muli %add3A_546, %mul3A_547 : i32
      %add3A_549 = arith.constant 8192 : i32
      %add3A_550 = arith.addi %mul3A_548, %add3A_549 : i32
      %dma_start3A_551 = arith.constant 4096 : i32
      %dma_start3A_552 = tpu.memref_slice %arg8[%dma_start3A_551] : memref<16384xf32, #tpu.memory_space<vmem>> -> memref<2048xf32, #tpu.memory_space<vmem>>
      %dma_start3A_553 = tpu.memref_slice %arg5[%add3A_550] : memref<18874368xf32, #tpu.memory_space<hbm>> -> memref<2048xf32, #tpu.memory_space<hbm>>
      %dma_start3A_554 = tpu.memref_slice %arg5[%add3A_550] : memref<18874368xf32, #tpu.memory_space<hbm>> -> memref<2048xf32, #tpu.memory_space<hbm>>
      %dma_start3A_555 = arith.constant 4096 : i32
      %dma_start3A_556 = tpu.memref_slice %arg8[%dma_start3A_555] : memref<16384xf32, #tpu.memory_space<vmem>> -> memref<2048xf32, #tpu.memory_space<vmem>>
      tpu.enqueue_dma source(%dma_start3A_556 : memref<2048xf32, #tpu.memory_space<vmem>>) target(%dma_start3A_554 : memref<2048xf32, #tpu.memory_space<hbm>>) target_semaphore(%arg12 : memref<!tpu.dma_semaphore, #tpu.memory_space<semaphore_mem>>)
      %add3A_557 = arith.constant 3 : i32
      %add3A_558 = arith.addi %add3A_193, %add3A_557 : i32
      %mul3A_559 = arith.constant 16384 : i32
      %mul3A_560 = arith.muli %add3A_558, %mul3A_559 : i32
      %add3A_561 = arith.constant 8192 : i32
      %add3A_562 = arith.addi %mul3A_560, %add3A_561 : i32
      %dma_start3A_563 = arith.constant 6144 : i32
      %dma_start3A_564 = tpu.memref_slice %arg8[%dma_start3A_563] : memref<16384xf32, #tpu.memory_space<vmem>> -> memref<2048xf32, #tpu.memory_space<vmem>>
      %dma_start3A_565 = tpu.memref_slice %arg5[%add3A_562] : memref<18874368xf32, #tpu.memory_space<hbm>> -> memref<2048xf32, #tpu.memory_space<hbm>>
      %dma_start3A_566 = tpu.memref_slice %arg5[%add3A_562] : memref<18874368xf32, #tpu.memory_space<hbm>> -> memref<2048xf32, #tpu.memory_space<hbm>>
      %dma_start3A_567 = arith.constant 6144 : i32
      %dma_start3A_568 = tpu.memref_slice %arg8[%dma_start3A_567] : memref<16384xf32, #tpu.memory_space<vmem>> -> memref<2048xf32, #tpu.memory_space<vmem>>
      tpu.enqueue_dma source(%dma_start3A_568 : memref<2048xf32, #tpu.memory_space<vmem>>) target(%dma_start3A_566 : memref<2048xf32, #tpu.memory_space<hbm>>) target_semaphore(%arg12 : memref<!tpu.dma_semaphore, #tpu.memory_space<semaphore_mem>>)
      %dma_wait3A_569 = arith.constant 8192 : i32
      %dma_wait3A_570 = tpu.memref_slice %arg8[%dma_wait3A_569] : memref<16384xf32, #tpu.memory_space<vmem>> -> memref<2048xf32, #tpu.memory_space<vmem>>
      %dma_wait3A_571 = tpu.memref_slice %arg5[%add3A_447] : memref<18874368xf32, #tpu.memory_space<hbm>> -> memref<2048xf32, #tpu.memory_space<hbm>>
      %dma_wait3A_572 = tpu.memref_slice %arg5[%add3A_447] : memref<18874368xf32, #tpu.memory_space<hbm>> -> memref<2048xf32, #tpu.memory_space<hbm>>
      %dma_wait3A_573 = arith.constant 8192 : i32
      %dma_wait3A_574 = tpu.memref_slice %arg8[%dma_wait3A_573] : memref<16384xf32, #tpu.memory_space<vmem>> -> memref<2048xf32, #tpu.memory_space<vmem>>
      tpu.wait_dma2 semaphore(%arg12 : memref<!tpu.dma_semaphore, #tpu.memory_space<semaphore_mem>>) src(%dma_wait3A_574 : memref<2048xf32, #tpu.memory_space<vmem>>) dst(%dma_wait3A_572 : memref<2048xf32, #tpu.memory_space<hbm>>)
      %dma_wait3A_575 = arith.constant 10240 : i32
      %dma_wait3A_576 = tpu.memref_slice %arg8[%dma_wait3A_575] : memref<16384xf32, #tpu.memory_space<vmem>> -> memref<2048xf32, #tpu.memory_space<vmem>>
      %dma_wait3A_577 = tpu.memref_slice %arg5[%add3A_459] : memref<18874368xf32, #tpu.memory_space<hbm>> -> memref<2048xf32, #tpu.memory_space<hbm>>
      %dma_wait3A_578 = tpu.memref_slice %arg5[%add3A_459] : memref<18874368xf32, #tpu.memory_space<hbm>> -> memref<2048xf32, #tpu.memory_space<hbm>>
      %dma_wait3A_579 = arith.constant 10240 : i32
      %dma_wait3A_580 = tpu.memref_slice %arg8[%dma_wait3A_579] : memref<16384xf32, #tpu.memory_space<vmem>> -> memref<2048xf32, #tpu.memory_space<vmem>>
      tpu.wait_dma2 semaphore(%arg12 : memref<!tpu.dma_semaphore, #tpu.memory_space<semaphore_mem>>) src(%dma_wait3A_580 : memref<2048xf32, #tpu.memory_space<vmem>>) dst(%dma_wait3A_578 : memref<2048xf32, #tpu.memory_space<hbm>>)
      %dma_wait3A_581 = arith.constant 12288 : i32
      %dma_wait3A_582 = tpu.memref_slice %arg8[%dma_wait3A_581] : memref<16384xf32, #tpu.memory_space<vmem>> -> memref<2048xf32, #tpu.memory_space<vmem>>
      %dma_wait3A_583 = tpu.memref_slice %arg5[%add3A_471] : memref<18874368xf32, #tpu.memory_space<hbm>> -> memref<2048xf32, #tpu.memory_space<hbm>>
      %dma_wait3A_584 = tpu.memref_slice %arg5[%add3A_471] : memref<18874368xf32, #tpu.memory_space<hbm>> -> memref<2048xf32, #tpu.memory_space<hbm>>
      %dma_wait3A_585 = arith.constant 12288 : i32
      %dma_wait3A_586 = tpu.memref_slice %arg8[%dma_wait3A_585] : memref<16384xf32, #tpu.memory_space<vmem>> -> memref<2048xf32, #tpu.memory_space<vmem>>
      tpu.wait_dma2 semaphore(%arg12 : memref<!tpu.dma_semaphore, #tpu.memory_space<semaphore_mem>>) src(%dma_wait3A_586 : memref<2048xf32, #tpu.memory_space<vmem>>) dst(%dma_wait3A_584 : memref<2048xf32, #tpu.memory_space<hbm>>)
      %dma_wait3A_587 = arith.constant 14336 : i32
      %dma_wait3A_588 = tpu.memref_slice %arg8[%dma_wait3A_587] : memref<16384xf32, #tpu.memory_space<vmem>> -> memref<2048xf32, #tpu.memory_space<vmem>>
      %dma_wait3A_589 = tpu.memref_slice %arg5[%add3A_483] : memref<18874368xf32, #tpu.memory_space<hbm>> -> memref<2048xf32, #tpu.memory_space<hbm>>
      %dma_wait3A_590 = tpu.memref_slice %arg5[%add3A_483] : memref<18874368xf32, #tpu.memory_space<hbm>> -> memref<2048xf32, #tpu.memory_space<hbm>>
      %dma_wait3A_591 = arith.constant 14336 : i32
      %dma_wait3A_592 = tpu.memref_slice %arg8[%dma_wait3A_591] : memref<16384xf32, #tpu.memory_space<vmem>> -> memref<2048xf32, #tpu.memory_space<vmem>>
      tpu.wait_dma2 semaphore(%arg12 : memref<!tpu.dma_semaphore, #tpu.memory_space<semaphore_mem>>) src(%dma_wait3A_592 : memref<2048xf32, #tpu.memory_space<vmem>>) dst(%dma_wait3A_590 : memref<2048xf32, #tpu.memory_space<hbm>>)
      %scan3A_593 = arith.constant 0 : i32
      %scan3A_594 = arith.constant 0 : i32
      %scan3A_595 = arith.constant 128 : i32
      %scan3A_596 = arith.addi %scan3A_594, %scan3A_595 : i32
      %scan3A_597 = arith.constant 1 : i32
      %scan3A_598 = scf.for %scan3A_858 = %scan3A_594 to %scan3A_596 step %scan3A_597 iter_args(%scan3A_859 = %scan3A_593) -> (i32)  : i32 {
        %mul3A_860 = arith.constant 16 : i32
        %mul3A_861 = arith.muli %scan3A_858, %mul3A_860 : i32
        %add3A_862 = arith.constant 10240 : i32
        %add3A_863 = arith.addi %add3A_862, %mul3A_861 : i32
        %get3A = arith.index_cast %add3A_863 : i32 to index
        %get3A_864 = tpu.vector_load %arg7[%get3A] {strides = array<i32>} : memref<32768xf32, #tpu.memory_space<vmem>>, vector<16xf32>,
        %mul3A_865 = arith.constant 16 : i32
        %mul3A_866 = arith.muli %scan3A_858, %mul3A_865 : i32
        %add3A_867 = arith.constant 26624 : i32
        %add3A_868 = arith.addi %add3A_867, %mul3A_866 : i32
        %get3A_869 = arith.index_cast %add3A_868 : i32 to index
        %get3A_870 = tpu.vector_load %arg7[%get3A_869] {strides = array<i32>} : memref<32768xf32, #tpu.memory_space<vmem>>, vector<16xf32>,
        %convert_element_type3A_871 = arith.fptosi %get3A_864 : vector<16xf32> to vector<16xi32>
        %convert_element_type3A_872 = arith.sitofp %convert_element_type3A_871 : vector<16xi32> to vector<16xf32>
        %gt3A = arith.cmpf ogt, %convert_element_type3A_872, %get3A_864 : vector<16xf32>
        %sub3A_873 = arith.constant 1 : i32
        %sub3A_874 = vector.broadcast %sub3A_873 : i32 to vector<16xi32>
        %sub3A_875 = arith.subi %convert_element_type3A_871, %sub3A_874 : vector<16xi32>
        %select_n3A_876 = arith.select %gt3A, %sub3A_875, %convert_element_type3A_871 : vector<16xi1>, vector<16xi32>
        %sub3A_877 = arith.constant 1.000000e+00 : f32
        %sub3A_878 = vector.broadcast %sub3A_877 : f32 to vector<16xf32>
        %sub3A_879 = arith.subf %convert_element_type3A_872, %sub3A_878 : vector<16xf32>
        %select_n3A_880 = arith.select %gt3A, %sub3A_879, %convert_element_type3A_872 : vector<16xi1>, vector<16xf32>
        %convert_element_type3A_881 = arith.fptosi %get3A_870 : vector<16xf32> to vector<16xi32>
        %convert_element_type3A_882 = arith.sitofp %convert_element_type3A_881 : vector<16xi32> to vector<16xf32>
        %gt3A_883 = arith.cmpf ogt, %convert_element_type3A_882, %get3A_870 : vector<16xf32>
        %sub3A_884 = arith.constant 1 : i32
        %sub3A_885 = vector.broadcast %sub3A_884 : i32 to vector<16xi32>
        %sub3A_886 = arith.subi %convert_element_type3A_881, %sub3A_885 : vector<16xi32>
        %select_n3A_887 = arith.select %gt3A_883, %sub3A_886, %convert_element_type3A_881 : vector<16xi1>, vector<16xi32>
        %sub3A_888 = arith.constant 1.000000e+00 : f32
        %sub3A_889 = vector.broadcast %sub3A_888 : f32 to vector<16xf32>
        %sub3A_890 = arith.subf %convert_element_type3A_882, %sub3A_889 : vector<16xf32>
        %select_n3A_891 = arith.select %gt3A_883, %sub3A_890, %convert_element_type3A_882 : vector<16xi1>, vector<16xf32>
        %sub3A_892 = arith.subf %get3A_864, %select_n3A_880 : vector<16xf32>
        %sub3A_893 = arith.subf %get3A_870, %select_n3A_891 : vector<16xf32>
        %max3A = arith.constant 0 : i32
        %max3A_894 = vector.broadcast %max3A : i32 to vector<16xi32>
        %max3A_895 = arith.maxsi %select_n3A_876, %max3A_894 : vector<16xi32>
        %min3A = arith.constant 127 : i32
        %min3A_896 = vector.broadcast %min3A : i32 to vector<16xi32>
        %min3A_897 = arith.minsi %max3A_895, %min3A_896 : vector<16xi32>
        %add3A_898 = arith.constant 1 : i32
        %add3A_899 = vector.broadcast %add3A_898 : i32 to vector<16xi32>
        %add3A_900 = arith.addi %select_n3A_876, %add3A_899 : vector<16xi32>
        %max3A_901 = arith.constant 0 : i32
        %max3A_902 = vector.broadcast %max3A_901 : i32 to vector<16xi32>
        %max3A_903 = arith.maxsi %add3A_900, %max3A_902 : vector<16xi32>
        %min3A_904 = arith.constant 127 : i32
        %min3A_905 = vector.broadcast %min3A_904 : i32 to vector<16xi32>
        %min3A_906 = arith.minsi %max3A_903, %min3A_905 : vector<16xi32>
        %max3A_907 = arith.constant 0 : i32
        %max3A_908 = vector.broadcast %max3A_907 : i32 to vector<16xi32>
        %max3A_909 = arith.maxsi %select_n3A_887, %max3A_908 : vector<16xi32>
        %min3A_910 = arith.constant 127 : i32
        %min3A_911 = vector.broadcast %min3A_910 : i32 to vector<16xi32>
        %min3A_912 = arith.minsi %max3A_909, %min3A_911 : vector<16xi32>
        %add3A_913 = arith.constant 1 : i32
        %add3A_914 = vector.broadcast %add3A_913 : i32 to vector<16xi32>
        %add3A_915 = arith.addi %select_n3A_887, %add3A_914 : vector<16xi32>
        %max3A_916 = arith.constant 0 : i32
        %max3A_917 = vector.broadcast %max3A_916 : i32 to vector<16xi32>
        %max3A_918 = arith.maxsi %add3A_915, %max3A_917 : vector<16xi32>
        %min3A_919 = arith.constant 127 : i32
        %min3A_920 = vector.broadcast %min3A_919 : i32 to vector<16xi32>
        %min3A_921 = arith.minsi %max3A_918, %min3A_920 : vector<16xi32>
        %mul3A_922 = arith.constant 128 : i32
        %mul3A_923 = vector.broadcast %mul3A_922 : i32 to vector<16xi32>
        %mul3A_924 = arith.muli %min3A_912, %mul3A_923 : vector<16xi32>
        %mul3A_925 = arith.constant 128 : i32
        %mul3A_926 = vector.broadcast %mul3A_925 : i32 to vector<16xi32>
        %mul3A_927 = arith.muli %min3A_921, %mul3A_926 : vector<16xi32>
        %add3A_928 = arith.addi %mul3A_924, %min3A_897 : vector<16xi32>
        %add3A_929 = arith.addi %mul3A_924, %min3A_906 : vector<16xi32>
        %add3A_930 = arith.addi %mul3A_927, %min3A_897 : vector<16xi32>
        %add3A_931 = arith.addi %mul3A_927, %min3A_906 : vector<16xi32>
        %sub3A_932 = arith.constant 1.000000e+00 : f32
        %sub3A_933 = vector.broadcast %sub3A_932 : f32 to vector<16xf32>
        %sub3A_934 = arith.subf %sub3A_933, %sub3A_892 : vector<16xf32>
        %sub3A_935 = arith.constant 1.000000e+00 : f32
        %sub3A_936 = vector.broadcast %sub3A_935 : f32 to vector<16xf32>
        %sub3A_937 = arith.subf %sub3A_936, %sub3A_893 : vector<16xf32>
        %mul3A_938 = arith.mulf %sub3A_937, %sub3A_934 : vector<16xf32>
        %mul3A_939 = arith.mulf %sub3A_937, %sub3A_892 : vector<16xf32>
        %mul3A_940 = arith.mulf %sub3A_893, %sub3A_934 : vector<16xf32>
        %mul3A_941 = arith.mulf %sub3A_893, %sub3A_892 : vector<16xf32>
        %add3A_942 = arith.constant 0 : i32
        %add3A_943 = vector.broadcast %add3A_942 : i32 to vector<16xi32>
        %add3A_944 = arith.addi %add3A_928, %add3A_943 : vector<16xi32>
        %gather3A_945 = tpu.vector_load_idx %arg6[%add3A_944] : memref<65536xf32, #tpu.memory_space<vmem>>[vector<16xi32>], vector<16xf32>,
        %add3A_946 = arith.constant 0 : i32
        %add3A_947 = vector.broadcast %add3A_946 : i32 to vector<16xi32>
        %add3A_948 = arith.addi %add3A_929, %add3A_947 : vector<16xi32>
        %gather3A_949 = tpu.vector_load_idx %arg6[%add3A_948] : memref<65536xf32, #tpu.memory_space<vmem>>[vector<16xi32>], vector<16xf32>,
        %add3A_950 = arith.constant 0 : i32
        %add3A_951 = vector.broadcast %add3A_950 : i32 to vector<16xi32>
        %add3A_952 = arith.addi %add3A_930, %add3A_951 : vector<16xi32>
        %gather3A_953 = tpu.vector_load_idx %arg6[%add3A_952] : memref<65536xf32, #tpu.memory_space<vmem>>[vector<16xi32>], vector<16xf32>,
        %add3A_954 = arith.constant 0 : i32
        %add3A_955 = vector.broadcast %add3A_954 : i32 to vector<16xi32>
        %add3A_956 = arith.addi %add3A_931, %add3A_955 : vector<16xi32>
        %gather3A_957 = tpu.vector_load_idx %arg6[%add3A_956] : memref<65536xf32, #tpu.memory_space<vmem>>[vector<16xi32>], vector<16xf32>,
        %mul3A_958 = arith.mulf %mul3A_938, %gather3A_945 : vector<16xf32>
        %mul3A_959 = arith.mulf %mul3A_939, %gather3A_949 : vector<16xf32>
        %add3A_960 = arith.addf %mul3A_958, %mul3A_959 : vector<16xf32>
        %mul3A_961 = arith.mulf %mul3A_940, %gather3A_953 : vector<16xf32>
        %add3A_962 = arith.addf %add3A_960, %mul3A_961 : vector<16xf32>
        %mul3A_963 = arith.mulf %mul3A_941, %gather3A_957 : vector<16xf32>
        %add3A_964 = arith.addf %add3A_962, %mul3A_963 : vector<16xf32>
        %add3A_965 = arith.addf %add3A_964, %gather3A : vector<16xf32>
        %mul3A_966 = arith.constant 16 : i32
        %mul3A_967 = arith.muli %scan3A_858, %mul3A_966 : i32
        %add3A_968 = arith.constant 8192 : i32
        %add3A_969 = arith.addi %add3A_968, %mul3A_967 : i32
        %swap3A = arith.index_cast %add3A_969 : i32 to index
        %swap3A_970 = tpu.vector_load %arg8[%swap3A] {strides = array<i32>} : memref<16384xf32, #tpu.memory_space<vmem>>, vector<16xf32>,
        tpu.vector_store %arg8[%swap3A], %add3A_965 {strides = array<i32>} : memref<16384xf32, #tpu.memory_space<vmem>>, vector<16xf32>,
        %add3A_971 = arith.constant 16384 : i32
        %add3A_972 = vector.broadcast %add3A_971 : i32 to vector<16xi32>
        %add3A_973 = arith.addi %add3A_928, %add3A_972 : vector<16xi32>
        %gather3A_974 = tpu.vector_load_idx %arg6[%add3A_973] : memref<65536xf32, #tpu.memory_space<vmem>>[vector<16xi32>], vector<16xf32>,
        %add3A_975 = arith.constant 16384 : i32
        %add3A_976 = vector.broadcast %add3A_975 : i32 to vector<16xi32>
        %add3A_977 = arith.addi %add3A_929, %add3A_976 : vector<16xi32>
        %gather3A_978 = tpu.vector_load_idx %arg6[%add3A_977] : memref<65536xf32, #tpu.memory_space<vmem>>[vector<16xi32>], vector<16xf32>,
        %add3A_979 = arith.constant 16384 : i32
        %add3A_980 = vector.broadcast %add3A_979 : i32 to vector<16xi32>
        %add3A_981 = arith.addi %add3A_930, %add3A_980 : vector<16xi32>
        %gather3A_982 = tpu.vector_load_idx %arg6[%add3A_981] : memref<65536xf32, #tpu.memory_space<vmem>>[vector<16xi32>], vector<16xf32>,
        %add3A_983 = arith.constant 16384 : i32
        %add3A_984 = vector.broadcast %add3A_983 : i32 to vector<16xi32>
        %add3A_985 = arith.addi %add3A_931, %add3A_984 : vector<16xi32>
        %gather3A_986 = tpu.vector_load_idx %arg6[%add3A_985] : memref<65536xf32, #tpu.memory_space<vmem>>[vector<16xi32>], vector<16xf32>,
        %mul3A_987 = arith.mulf %mul3A_938, %gather3A_974 : vector<16xf32>
        %mul3A_988 = arith.mulf %mul3A_939, %gather3A_978 : vector<16xf32>
        %add3A_989 = arith.addf %mul3A_987, %mul3A_988 : vector<16xf32>
        %mul3A_990 = arith.mulf %mul3A_940, %gather3A_982 : vector<16xf32>
        %add3A_991 = arith.addf %add3A_989, %mul3A_990 : vector<16xf32>
        %mul3A_992 = arith.mulf %mul3A_941, %gather3A_986 : vector<16xf32>
        %add3A_993 = arith.addf %add3A_991, %mul3A_992 : vector<16xf32>
        %add3A_994 = arith.addf %add3A_993, %gather3A_213 : vector<16xf32>
        %mul3A_995 = arith.constant 16 : i32
        %mul3A_996 = arith.muli %scan3A_858, %mul3A_995 : i32
        %add3A_997 = arith.constant 10240 : i32
        %add3A_998 = arith.addi %add3A_997, %mul3A_996 : i32
        %swap3A_999 = arith.index_cast %add3A_998 : i32 to index
        %swap3A_1000 = tpu.vector_load %arg8[%swap3A_999] {strides = array<i32>} : memref<16384xf32, #tpu.memory_space<vmem>>, vector<16xf32>,
        tpu.vector_store %arg8[%swap3A_999], %add3A_994 {strides = array<i32>} : memref<16384xf32, #tpu.memory_space<vmem>>, vector<16xf32>,
        %add3A_1001 = arith.constant 32768 : i32
        %add3A_1002 = vector.broadcast %add3A_1001 : i32 to vector<16xi32>
        %add3A_1003 = arith.addi %add3A_928, %add3A_1002 : vector<16xi32>
        %gather3A_1004 = tpu.vector_load_idx %arg6[%add3A_1003] : memref<65536xf32, #tpu.memory_space<vmem>>[vector<16xi32>], vector<16xf32>,
        %add3A_1005 = arith.constant 32768 : i32
        %add3A_1006 = vector.broadcast %add3A_1005 : i32 to vector<16xi32>
        %add3A_1007 = arith.addi %add3A_929, %add3A_1006 : vector<16xi32>
        %gather3A_1008 = tpu.vector_load_idx %arg6[%add3A_1007] : memref<65536xf32, #tpu.memory_space<vmem>>[vector<16xi32>], vector<16xf32>,
        %add3A_1009 = arith.constant 32768 : i32
        %add3A_1010 = vector.broadcast %add3A_1009 : i32 to vector<16xi32>
        %add3A_1011 = arith.addi %add3A_930, %add3A_1010 : vector<16xi32>
        %gather3A_1012 = tpu.vector_load_idx %arg6[%add3A_1011] : memref<65536xf32, #tpu.memory_space<vmem>>[vector<16xi32>], vector<16xf32>,
        %add3A_1013 = arith.constant 32768 : i32
        %add3A_1014 = vector.broadcast %add3A_1013 : i32 to vector<16xi32>
        %add3A_1015 = arith.addi %add3A_931, %add3A_1014 : vector<16xi32>
        %gather3A_1016 = tpu.vector_load_idx %arg6[%add3A_1015] : memref<65536xf32, #tpu.memory_space<vmem>>[vector<16xi32>], vector<16xf32>,
        %mul3A_1017 = arith.mulf %mul3A_938, %gather3A_1004 : vector<16xf32>
        %mul3A_1018 = arith.mulf %mul3A_939, %gather3A_1008 : vector<16xf32>
        %add3A_1019 = arith.addf %mul3A_1017, %mul3A_1018 : vector<16xf32>
        %mul3A_1020 = arith.mulf %mul3A_940, %gather3A_1012 : vector<16xf32>
        %add3A_1021 = arith.addf %add3A_1019, %mul3A_1020 : vector<16xf32>
        %mul3A_1022 = arith.mulf %mul3A_941, %gather3A_1016 : vector<16xf32>
        %add3A_1023 = arith.addf %add3A_1021, %mul3A_1022 : vector<16xf32>
        %add3A_1024 = arith.addf %add3A_1023, %gather3A_217 : vector<16xf32>
        %mul3A_1025 = arith.constant 16 : i32
        %mul3A_1026 = arith.muli %scan3A_858, %mul3A_1025 : i32
        %add3A_1027 = arith.constant 12288 : i32
        %add3A_1028 = arith.addi %add3A_1027, %mul3A_1026 : i32
        %swap3A_1029 = arith.index_cast %add3A_1028 : i32 to index
        %swap3A_1030 = tpu.vector_load %arg8[%swap3A_1029] {strides = array<i32>} : memref<16384xf32, #tpu.memory_space<vmem>>, vector<16xf32>,
        tpu.vector_store %arg8[%swap3A_1029], %add3A_1024 {strides = array<i32>} : memref<16384xf32, #tpu.memory_space<vmem>>, vector<16xf32>,
        %add3A_1031 = arith.constant 49152 : i32
        %add3A_1032 = vector.broadcast %add3A_1031 : i32 to vector<16xi32>
        %add3A_1033 = arith.addi %add3A_928, %add3A_1032 : vector<16xi32>
        %gather3A_1034 = tpu.vector_load_idx %arg6[%add3A_1033] : memref<65536xf32, #tpu.memory_space<vmem>>[vector<16xi32>], vector<16xf32>,
        %add3A_1035 = arith.constant 49152 : i32
        %add3A_1036 = vector.broadcast %add3A_1035 : i32 to vector<16xi32>
        %add3A_1037 = arith.addi %add3A_929, %add3A_1036 : vector<16xi32>
        %gather3A_1038 = tpu.vector_load_idx %arg6[%add3A_1037] : memref<65536xf32, #tpu.memory_space<vmem>>[vector<16xi32>], vector<16xf32>,
        %add3A_1039 = arith.constant 49152 : i32
        %add3A_1040 = vector.broadcast %add3A_1039 : i32 to vector<16xi32>
        %add3A_1041 = arith.addi %add3A_930, %add3A_1040 : vector<16xi32>
        %gather3A_1042 = tpu.vector_load_idx %arg6[%add3A_1041] : memref<65536xf32, #tpu.memory_space<vmem>>[vector<16xi32>], vector<16xf32>,
        %add3A_1043 = arith.constant 49152 : i32
        %add3A_1044 = vector.broadcast %add3A_1043 : i32 to vector<16xi32>
        %add3A_1045 = arith.addi %add3A_931, %add3A_1044 : vector<16xi32>
        %gather3A_1046 = tpu.vector_load_idx %arg6[%add3A_1045] : memref<65536xf32, #tpu.memory_space<vmem>>[vector<16xi32>], vector<16xf32>,
        %mul3A_1047 = arith.mulf %mul3A_938, %gather3A_1034 : vector<16xf32>
        %mul3A_1048 = arith.mulf %mul3A_939, %gather3A_1038 : vector<16xf32>
        %add3A_1049 = arith.addf %mul3A_1047, %mul3A_1048 : vector<16xf32>
        %mul3A_1050 = arith.mulf %mul3A_940, %gather3A_1042 : vector<16xf32>
        %add3A_1051 = arith.addf %add3A_1049, %mul3A_1050 : vector<16xf32>
        %mul3A_1052 = arith.mulf %mul3A_941, %gather3A_1046 : vector<16xf32>
        %add3A_1053 = arith.addf %add3A_1051, %mul3A_1052 : vector<16xf32>
        %add3A_1054 = arith.addf %add3A_1053, %gather3A_221 : vector<16xf32>
        %mul3A_1055 = arith.constant 16 : i32
        %mul3A_1056 = arith.muli %scan3A_858, %mul3A_1055 : i32
        %add3A_1057 = arith.constant 14336 : i32
        %add3A_1058 = arith.addi %add3A_1057, %mul3A_1056 : i32
        %swap3A_1059 = arith.index_cast %add3A_1058 : i32 to index
        %swap3A_1060 = tpu.vector_load %arg8[%swap3A_1059] {strides = array<i32>} : memref<16384xf32, #tpu.memory_space<vmem>>, vector<16xf32>,
        tpu.vector_store %arg8[%swap3A_1059], %add3A_1054 {strides = array<i32>} : memref<16384xf32, #tpu.memory_space<vmem>>, vector<16xf32>,
        %scan3A_1061 = arith.constant 0 : i32
        scf.yield %scan3A_1061 : i32
      }
      %scan3A_599 = arith.constant 128 : i32
      %add3A_600 = arith.constant 0 : i32
      %add3A_601 = arith.addi %add3A_193, %add3A_600 : i32
      %mul3A_602 = arith.constant 16384 : i32
      %mul3A_603 = arith.muli %add3A_601, %mul3A_602 : i32
      %add3A_604 = arith.constant 10240 : i32
      %add3A_605 = arith.addi %mul3A_603, %add3A_604 : i32
      %dma_start3A_606 = arith.constant 8192 : i32
      %dma_start3A_607 = tpu.memref_slice %arg8[%dma_start3A_606] : memref<16384xf32, #tpu.memory_space<vmem>> -> memref<2048xf32, #tpu.memory_space<vmem>>
      %dma_start3A_608 = tpu.memref_slice %arg5[%add3A_605] : memref<18874368xf32, #tpu.memory_space<hbm>> -> memref<2048xf32, #tpu.memory_space<hbm>>
      %dma_start3A_609 = tpu.memref_slice %arg5[%add3A_605] : memref<18874368xf32, #tpu.memory_space<hbm>> -> memref<2048xf32, #tpu.memory_space<hbm>>
      %dma_start3A_610 = arith.constant 8192 : i32
      %dma_start3A_611 = tpu.memref_slice %arg8[%dma_start3A_610] : memref<16384xf32, #tpu.memory_space<vmem>> -> memref<2048xf32, #tpu.memory_space<vmem>>
      tpu.enqueue_dma source(%dma_start3A_611 : memref<2048xf32, #tpu.memory_space<vmem>>) target(%dma_start3A_609 : memref<2048xf32, #tpu.memory_space<hbm>>) target_semaphore(%arg12 : memref<!tpu.dma_semaphore, #tpu.memory_space<semaphore_mem>>)
      %add3A_612 = arith.constant 1 : i32
      %add3A_613 = arith.addi %add3A_193, %add3A_612 : i32
      %mul3A_614 = arith.constant 16384 : i32
      %mul3A_615 = arith.muli %add3A_613, %mul3A_614 : i32
      %add3A_616 = arith.constant 10240 : i32
      %add3A_617 = arith.addi %mul3A_615, %add3A_616 : i32
      %dma_start3A_618 = arith.constant 10240 : i32
      %dma_start3A_619 = tpu.memref_slice %arg8[%dma_start3A_618] : memref<16384xf32, #tpu.memory_space<vmem>> -> memref<2048xf32, #tpu.memory_space<vmem>>
      %dma_start3A_620 = tpu.memref_slice %arg5[%add3A_617] : memref<18874368xf32, #tpu.memory_space<hbm>> -> memref<2048xf32, #tpu.memory_space<hbm>>
      %dma_start3A_621 = tpu.memref_slice %arg5[%add3A_617] : memref<18874368xf32, #tpu.memory_space<hbm>> -> memref<2048xf32, #tpu.memory_space<hbm>>
      %dma_start3A_622 = arith.constant 10240 : i32
      %dma_start3A_623 = tpu.memref_slice %arg8[%dma_start3A_622] : memref<16384xf32, #tpu.memory_space<vmem>> -> memref<2048xf32, #tpu.memory_space<vmem>>
      tpu.enqueue_dma source(%dma_start3A_623 : memref<2048xf32, #tpu.memory_space<vmem>>) target(%dma_start3A_621 : memref<2048xf32, #tpu.memory_space<hbm>>) target_semaphore(%arg12 : memref<!tpu.dma_semaphore, #tpu.memory_space<semaphore_mem>>)
      %add3A_624 = arith.constant 2 : i32
      %add3A_625 = arith.addi %add3A_193, %add3A_624 : i32
      %mul3A_626 = arith.constant 16384 : i32
      %mul3A_627 = arith.muli %add3A_625, %mul3A_626 : i32
      %add3A_628 = arith.constant 10240 : i32
      %add3A_629 = arith.addi %mul3A_627, %add3A_628 : i32
      %dma_start3A_630 = arith.constant 12288 : i32
      %dma_start3A_631 = tpu.memref_slice %arg8[%dma_start3A_630] : memref<16384xf32, #tpu.memory_space<vmem>> -> memref<2048xf32, #tpu.memory_space<vmem>>
      %dma_start3A_632 = tpu.memref_slice %arg5[%add3A_629] : memref<18874368xf32, #tpu.memory_space<hbm>> -> memref<2048xf32, #tpu.memory_space<hbm>>
      %dma_start3A_633 = tpu.memref_slice %arg5[%add3A_629] : memref<18874368xf32, #tpu.memory_space<hbm>> -> memref<2048xf32, #tpu.memory_space<hbm>>
      %dma_start3A_634 = arith.constant 12288 : i32
      %dma_start3A_635 = tpu.memref_slice %arg8[%dma_start3A_634] : memref<16384xf32, #tpu.memory_space<vmem>> -> memref<2048xf32, #tpu.memory_space<vmem>>
      tpu.enqueue_dma source(%dma_start3A_635 : memref<2048xf32, #tpu.memory_space<vmem>>) target(%dma_start3A_633 : memref<2048xf32, #tpu.memory_space<hbm>>) target_semaphore(%arg12 : memref<!tpu.dma_semaphore, #tpu.memory_space<semaphore_mem>>)
      %add3A_636 = arith.constant 3 : i32
      %add3A_637 = arith.addi %add3A_193, %add3A_636 : i32
      %mul3A_638 = arith.constant 16384 : i32
      %mul3A_639 = arith.muli %add3A_637, %mul3A_638 : i32
      %add3A_640 = arith.constant 10240 : i32
      %add3A_641 = arith.addi %mul3A_639, %add3A_640 : i32
      %dma_start3A_642 = arith.constant 14336 : i32
      %dma_start3A_643 = tpu.memref_slice %arg8[%dma_start3A_642] : memref<16384xf32, #tpu.memory_space<vmem>> -> memref<2048xf32, #tpu.memory_space<vmem>>
      %dma_start3A_644 = tpu.memref_slice %arg5[%add3A_641] : memref<18874368xf32, #tpu.memory_space<hbm>> -> memref<2048xf32, #tpu.memory_space<hbm>>
      %dma_start3A_645 = tpu.memref_slice %arg5[%add3A_641] : memref<18874368xf32, #tpu.memory_space<hbm>> -> memref<2048xf32, #tpu.memory_space<hbm>>
      %dma_start3A_646 = arith.constant 14336 : i32
      %dma_start3A_647 = tpu.memref_slice %arg8[%dma_start3A_646] : memref<16384xf32, #tpu.memory_space<vmem>> -> memref<2048xf32, #tpu.memory_space<vmem>>
      tpu.enqueue_dma source(%dma_start3A_647 : memref<2048xf32, #tpu.memory_space<vmem>>) target(%dma_start3A_645 : memref<2048xf32, #tpu.memory_space<hbm>>) target_semaphore(%arg12 : memref<!tpu.dma_semaphore, #tpu.memory_space<semaphore_mem>>)
      %dma_wait3A_648 = arith.constant 0 : i32
      %dma_wait3A_649 = tpu.memref_slice %arg8[%dma_wait3A_648] : memref<16384xf32, #tpu.memory_space<vmem>> -> memref<2048xf32, #tpu.memory_space<vmem>>
      %dma_wait3A_650 = tpu.memref_slice %arg5[%add3A_526] : memref<18874368xf32, #tpu.memory_space<hbm>> -> memref<2048xf32, #tpu.memory_space<hbm>>
      %dma_wait3A_651 = tpu.memref_slice %arg5[%add3A_526] : memref<18874368xf32, #tpu.memory_space<hbm>> -> memref<2048xf32, #tpu.memory_space<hbm>>
      %dma_wait3A_652 = arith.constant 0 : i32
      %dma_wait3A_653 = tpu.memref_slice %arg8[%dma_wait3A_652] : memref<16384xf32, #tpu.memory_space<vmem>> -> memref<2048xf32, #tpu.memory_space<vmem>>
      tpu.wait_dma2 semaphore(%arg12 : memref<!tpu.dma_semaphore, #tpu.memory_space<semaphore_mem>>) src(%dma_wait3A_653 : memref<2048xf32, #tpu.memory_space<vmem>>) dst(%dma_wait3A_651 : memref<2048xf32, #tpu.memory_space<hbm>>)
      %dma_wait3A_654 = arith.constant 2048 : i32
      %dma_wait3A_655 = tpu.memref_slice %arg8[%dma_wait3A_654] : memref<16384xf32, #tpu.memory_space<vmem>> -> memref<2048xf32, #tpu.memory_space<vmem>>
      %dma_wait3A_656 = tpu.memref_slice %arg5[%add3A_538] : memref<18874368xf32, #tpu.memory_space<hbm>> -> memref<2048xf32, #tpu.memory_space<hbm>>
      %dma_wait3A_657 = tpu.memref_slice %arg5[%add3A_538] : memref<18874368xf32, #tpu.memory_space<hbm>> -> memref<2048xf32, #tpu.memory_space<hbm>>
      %dma_wait3A_658 = arith.constant 2048 : i32
      %dma_wait3A_659 = tpu.memref_slice %arg8[%dma_wait3A_658] : memref<16384xf32, #tpu.memory_space<vmem>> -> memref<2048xf32, #tpu.memory_space<vmem>>
      tpu.wait_dma2 semaphore(%arg12 : memref<!tpu.dma_semaphore, #tpu.memory_space<semaphore_mem>>) src(%dma_wait3A_659 : memref<2048xf32, #tpu.memory_space<vmem>>) dst(%dma_wait3A_657 : memref<2048xf32, #tpu.memory_space<hbm>>)
      %dma_wait3A_660 = arith.constant 4096 : i32
      %dma_wait3A_661 = tpu.memref_slice %arg8[%dma_wait3A_660] : memref<16384xf32, #tpu.memory_space<vmem>> -> memref<2048xf32, #tpu.memory_space<vmem>>
      %dma_wait3A_662 = tpu.memref_slice %arg5[%add3A_550] : memref<18874368xf32, #tpu.memory_space<hbm>> -> memref<2048xf32, #tpu.memory_space<hbm>>
      %dma_wait3A_663 = tpu.memref_slice %arg5[%add3A_550] : memref<18874368xf32, #tpu.memory_space<hbm>> -> memref<2048xf32, #tpu.memory_space<hbm>>
      %dma_wait3A_664 = arith.constant 4096 : i32
      %dma_wait3A_665 = tpu.memref_slice %arg8[%dma_wait3A_664] : memref<16384xf32, #tpu.memory_space<vmem>> -> memref<2048xf32, #tpu.memory_space<vmem>>
      tpu.wait_dma2 semaphore(%arg12 : memref<!tpu.dma_semaphore, #tpu.memory_space<semaphore_mem>>) src(%dma_wait3A_665 : memref<2048xf32, #tpu.memory_space<vmem>>) dst(%dma_wait3A_663 : memref<2048xf32, #tpu.memory_space<hbm>>)
      %dma_wait3A_666 = arith.constant 6144 : i32
      %dma_wait3A_667 = tpu.memref_slice %arg8[%dma_wait3A_666] : memref<16384xf32, #tpu.memory_space<vmem>> -> memref<2048xf32, #tpu.memory_space<vmem>>
      %dma_wait3A_668 = tpu.memref_slice %arg5[%add3A_562] : memref<18874368xf32, #tpu.memory_space<hbm>> -> memref<2048xf32, #tpu.memory_space<hbm>>
      %dma_wait3A_669 = tpu.memref_slice %arg5[%add3A_562] : memref<18874368xf32, #tpu.memory_space<hbm>> -> memref<2048xf32, #tpu.memory_space<hbm>>
      %dma_wait3A_670 = arith.constant 6144 : i32
      %dma_wait3A_671 = tpu.memref_slice %arg8[%dma_wait3A_670] : memref<16384xf32, #tpu.memory_space<vmem>> -> memref<2048xf32, #tpu.memory_space<vmem>>
      tpu.wait_dma2 semaphore(%arg12 : memref<!tpu.dma_semaphore, #tpu.memory_space<semaphore_mem>>) src(%dma_wait3A_671 : memref<2048xf32, #tpu.memory_space<vmem>>) dst(%dma_wait3A_669 : memref<2048xf32, #tpu.memory_space<hbm>>)
      %scan3A_672 = arith.constant 0 : i32
      %scan3A_673 = arith.constant 0 : i32
      %scan3A_674 = arith.constant 128 : i32
      %scan3A_675 = arith.addi %scan3A_673, %scan3A_674 : i32
      %scan3A_676 = arith.constant 1 : i32
      %scan3A_677 = scf.for %scan3A_858 = %scan3A_673 to %scan3A_675 step %scan3A_676 iter_args(%scan3A_859 = %scan3A_672) -> (i32)  : i32 {
        %mul3A_860 = arith.constant 16 : i32
        %mul3A_861 = arith.muli %scan3A_858, %mul3A_860 : i32
        %add3A_862 = arith.constant 12288 : i32
        %add3A_863 = arith.addi %add3A_862, %mul3A_861 : i32
        %get3A = arith.index_cast %add3A_863 : i32 to index
        %get3A_864 = tpu.vector_load %arg7[%get3A] {strides = array<i32>} : memref<32768xf32, #tpu.memory_space<vmem>>, vector<16xf32>,
        %mul3A_865 = arith.constant 16 : i32
        %mul3A_866 = arith.muli %scan3A_858, %mul3A_865 : i32
        %add3A_867 = arith.constant 28672 : i32
        %add3A_868 = arith.addi %add3A_867, %mul3A_866 : i32
        %get3A_869 = arith.index_cast %add3A_868 : i32 to index
        %get3A_870 = tpu.vector_load %arg7[%get3A_869] {strides = array<i32>} : memref<32768xf32, #tpu.memory_space<vmem>>, vector<16xf32>,
        %convert_element_type3A_871 = arith.fptosi %get3A_864 : vector<16xf32> to vector<16xi32>
        %convert_element_type3A_872 = arith.sitofp %convert_element_type3A_871 : vector<16xi32> to vector<16xf32>
        %gt3A = arith.cmpf ogt, %convert_element_type3A_872, %get3A_864 : vector<16xf32>
        %sub3A_873 = arith.constant 1 : i32
        %sub3A_874 = vector.broadcast %sub3A_873 : i32 to vector<16xi32>
        %sub3A_875 = arith.subi %convert_element_type3A_871, %sub3A_874 : vector<16xi32>
        %select_n3A_876 = arith.select %gt3A, %sub3A_875, %convert_element_type3A_871 : vector<16xi1>, vector<16xi32>
        %sub3A_877 = arith.constant 1.000000e+00 : f32
        %sub3A_878 = vector.broadcast %sub3A_877 : f32 to vector<16xf32>
        %sub3A_879 = arith.subf %convert_element_type3A_872, %sub3A_878 : vector<16xf32>
        %select_n3A_880 = arith.select %gt3A, %sub3A_879, %convert_element_type3A_872 : vector<16xi1>, vector<16xf32>
        %convert_element_type3A_881 = arith.fptosi %get3A_870 : vector<16xf32> to vector<16xi32>
        %convert_element_type3A_882 = arith.sitofp %convert_element_type3A_881 : vector<16xi32> to vector<16xf32>
        %gt3A_883 = arith.cmpf ogt, %convert_element_type3A_882, %get3A_870 : vector<16xf32>
        %sub3A_884 = arith.constant 1 : i32
        %sub3A_885 = vector.broadcast %sub3A_884 : i32 to vector<16xi32>
        %sub3A_886 = arith.subi %convert_element_type3A_881, %sub3A_885 : vector<16xi32>
        %select_n3A_887 = arith.select %gt3A_883, %sub3A_886, %convert_element_type3A_881 : vector<16xi1>, vector<16xi32>
        %sub3A_888 = arith.constant 1.000000e+00 : f32
        %sub3A_889 = vector.broadcast %sub3A_888 : f32 to vector<16xf32>
        %sub3A_890 = arith.subf %convert_element_type3A_882, %sub3A_889 : vector<16xf32>
        %select_n3A_891 = arith.select %gt3A_883, %sub3A_890, %convert_element_type3A_882 : vector<16xi1>, vector<16xf32>
        %sub3A_892 = arith.subf %get3A_864, %select_n3A_880 : vector<16xf32>
        %sub3A_893 = arith.subf %get3A_870, %select_n3A_891 : vector<16xf32>
        %max3A = arith.constant 0 : i32
        %max3A_894 = vector.broadcast %max3A : i32 to vector<16xi32>
        %max3A_895 = arith.maxsi %select_n3A_876, %max3A_894 : vector<16xi32>
        %min3A = arith.constant 127 : i32
        %min3A_896 = vector.broadcast %min3A : i32 to vector<16xi32>
        %min3A_897 = arith.minsi %max3A_895, %min3A_896 : vector<16xi32>
        %add3A_898 = arith.constant 1 : i32
        %add3A_899 = vector.broadcast %add3A_898 : i32 to vector<16xi32>
        %add3A_900 = arith.addi %select_n3A_876, %add3A_899 : vector<16xi32>
        %max3A_901 = arith.constant 0 : i32
        %max3A_902 = vector.broadcast %max3A_901 : i32 to vector<16xi32>
        %max3A_903 = arith.maxsi %add3A_900, %max3A_902 : vector<16xi32>
        %min3A_904 = arith.constant 127 : i32
        %min3A_905 = vector.broadcast %min3A_904 : i32 to vector<16xi32>
        %min3A_906 = arith.minsi %max3A_903, %min3A_905 : vector<16xi32>
        %max3A_907 = arith.constant 0 : i32
        %max3A_908 = vector.broadcast %max3A_907 : i32 to vector<16xi32>
        %max3A_909 = arith.maxsi %select_n3A_887, %max3A_908 : vector<16xi32>
        %min3A_910 = arith.constant 127 : i32
        %min3A_911 = vector.broadcast %min3A_910 : i32 to vector<16xi32>
        %min3A_912 = arith.minsi %max3A_909, %min3A_911 : vector<16xi32>
        %add3A_913 = arith.constant 1 : i32
        %add3A_914 = vector.broadcast %add3A_913 : i32 to vector<16xi32>
        %add3A_915 = arith.addi %select_n3A_887, %add3A_914 : vector<16xi32>
        %max3A_916 = arith.constant 0 : i32
        %max3A_917 = vector.broadcast %max3A_916 : i32 to vector<16xi32>
        %max3A_918 = arith.maxsi %add3A_915, %max3A_917 : vector<16xi32>
        %min3A_919 = arith.constant 127 : i32
        %min3A_920 = vector.broadcast %min3A_919 : i32 to vector<16xi32>
        %min3A_921 = arith.minsi %max3A_918, %min3A_920 : vector<16xi32>
        %mul3A_922 = arith.constant 128 : i32
        %mul3A_923 = vector.broadcast %mul3A_922 : i32 to vector<16xi32>
        %mul3A_924 = arith.muli %min3A_912, %mul3A_923 : vector<16xi32>
        %mul3A_925 = arith.constant 128 : i32
        %mul3A_926 = vector.broadcast %mul3A_925 : i32 to vector<16xi32>
        %mul3A_927 = arith.muli %min3A_921, %mul3A_926 : vector<16xi32>
        %add3A_928 = arith.addi %mul3A_924, %min3A_897 : vector<16xi32>
        %add3A_929 = arith.addi %mul3A_924, %min3A_906 : vector<16xi32>
        %add3A_930 = arith.addi %mul3A_927, %min3A_897 : vector<16xi32>
        %add3A_931 = arith.addi %mul3A_927, %min3A_906 : vector<16xi32>
        %sub3A_932 = arith.constant 1.000000e+00 : f32
        %sub3A_933 = vector.broadcast %sub3A_932 : f32 to vector<16xf32>
        %sub3A_934 = arith.subf %sub3A_933, %sub3A_892 : vector<16xf32>
        %sub3A_935 = arith.constant 1.000000e+00 : f32
        %sub3A_936 = vector.broadcast %sub3A_935 : f32 to vector<16xf32>
        %sub3A_937 = arith.subf %sub3A_936, %sub3A_893 : vector<16xf32>
        %mul3A_938 = arith.mulf %sub3A_937, %sub3A_934 : vector<16xf32>
        %mul3A_939 = arith.mulf %sub3A_937, %sub3A_892 : vector<16xf32>
        %mul3A_940 = arith.mulf %sub3A_893, %sub3A_934 : vector<16xf32>
        %mul3A_941 = arith.mulf %sub3A_893, %sub3A_892 : vector<16xf32>
        %add3A_942 = arith.constant 0 : i32
        %add3A_943 = vector.broadcast %add3A_942 : i32 to vector<16xi32>
        %add3A_944 = arith.addi %add3A_928, %add3A_943 : vector<16xi32>
        %gather3A_945 = tpu.vector_load_idx %arg6[%add3A_944] : memref<65536xf32, #tpu.memory_space<vmem>>[vector<16xi32>], vector<16xf32>,
        %add3A_946 = arith.constant 0 : i32
        %add3A_947 = vector.broadcast %add3A_946 : i32 to vector<16xi32>
        %add3A_948 = arith.addi %add3A_929, %add3A_947 : vector<16xi32>
        %gather3A_949 = tpu.vector_load_idx %arg6[%add3A_948] : memref<65536xf32, #tpu.memory_space<vmem>>[vector<16xi32>], vector<16xf32>,
        %add3A_950 = arith.constant 0 : i32
        %add3A_951 = vector.broadcast %add3A_950 : i32 to vector<16xi32>
        %add3A_952 = arith.addi %add3A_930, %add3A_951 : vector<16xi32>
        %gather3A_953 = tpu.vector_load_idx %arg6[%add3A_952] : memref<65536xf32, #tpu.memory_space<vmem>>[vector<16xi32>], vector<16xf32>,
        %add3A_954 = arith.constant 0 : i32
        %add3A_955 = vector.broadcast %add3A_954 : i32 to vector<16xi32>
        %add3A_956 = arith.addi %add3A_931, %add3A_955 : vector<16xi32>
        %gather3A_957 = tpu.vector_load_idx %arg6[%add3A_956] : memref<65536xf32, #tpu.memory_space<vmem>>[vector<16xi32>], vector<16xf32>,
        %mul3A_958 = arith.mulf %mul3A_938, %gather3A_945 : vector<16xf32>
        %mul3A_959 = arith.mulf %mul3A_939, %gather3A_949 : vector<16xf32>
        %add3A_960 = arith.addf %mul3A_958, %mul3A_959 : vector<16xf32>
        %mul3A_961 = arith.mulf %mul3A_940, %gather3A_953 : vector<16xf32>
        %add3A_962 = arith.addf %add3A_960, %mul3A_961 : vector<16xf32>
        %mul3A_963 = arith.mulf %mul3A_941, %gather3A_957 : vector<16xf32>
        %add3A_964 = arith.addf %add3A_962, %mul3A_963 : vector<16xf32>
        %add3A_965 = arith.addf %add3A_964, %gather3A : vector<16xf32>
        %mul3A_966 = arith.constant 16 : i32
        %mul3A_967 = arith.muli %scan3A_858, %mul3A_966 : i32
        %add3A_968 = arith.constant 0 : i32
        %add3A_969 = arith.addi %add3A_968, %mul3A_967 : i32
        %swap3A = arith.index_cast %add3A_969 : i32 to index
        %swap3A_970 = tpu.vector_load %arg8[%swap3A] {strides = array<i32>} : memref<16384xf32, #tpu.memory_space<vmem>>, vector<16xf32>,
        tpu.vector_store %arg8[%swap3A], %add3A_965 {strides = array<i32>} : memref<16384xf32, #tpu.memory_space<vmem>>, vector<16xf32>,
        %add3A_971 = arith.constant 16384 : i32
        %add3A_972 = vector.broadcast %add3A_971 : i32 to vector<16xi32>
        %add3A_973 = arith.addi %add3A_928, %add3A_972 : vector<16xi32>
        %gather3A_974 = tpu.vector_load_idx %arg6[%add3A_973] : memref<65536xf32, #tpu.memory_space<vmem>>[vector<16xi32>], vector<16xf32>,
        %add3A_975 = arith.constant 16384 : i32
        %add3A_976 = vector.broadcast %add3A_975 : i32 to vector<16xi32>
        %add3A_977 = arith.addi %add3A_929, %add3A_976 : vector<16xi32>
        %gather3A_978 = tpu.vector_load_idx %arg6[%add3A_977] : memref<65536xf32, #tpu.memory_space<vmem>>[vector<16xi32>], vector<16xf32>,
        %add3A_979 = arith.constant 16384 : i32
        %add3A_980 = vector.broadcast %add3A_979 : i32 to vector<16xi32>
        %add3A_981 = arith.addi %add3A_930, %add3A_980 : vector<16xi32>
        %gather3A_982 = tpu.vector_load_idx %arg6[%add3A_981] : memref<65536xf32, #tpu.memory_space<vmem>>[vector<16xi32>], vector<16xf32>,
        %add3A_983 = arith.constant 16384 : i32
        %add3A_984 = vector.broadcast %add3A_983 : i32 to vector<16xi32>
        %add3A_985 = arith.addi %add3A_931, %add3A_984 : vector<16xi32>
        %gather3A_986 = tpu.vector_load_idx %arg6[%add3A_985] : memref<65536xf32, #tpu.memory_space<vmem>>[vector<16xi32>], vector<16xf32>,
        %mul3A_987 = arith.mulf %mul3A_938, %gather3A_974 : vector<16xf32>
        %mul3A_988 = arith.mulf %mul3A_939, %gather3A_978 : vector<16xf32>
        %add3A_989 = arith.addf %mul3A_987, %mul3A_988 : vector<16xf32>
        %mul3A_990 = arith.mulf %mul3A_940, %gather3A_982 : vector<16xf32>
        %add3A_991 = arith.addf %add3A_989, %mul3A_990 : vector<16xf32>
        %mul3A_992 = arith.mulf %mul3A_941, %gather3A_986 : vector<16xf32>
        %add3A_993 = arith.addf %add3A_991, %mul3A_992 : vector<16xf32>
        %add3A_994 = arith.addf %add3A_993, %gather3A_213 : vector<16xf32>
        %mul3A_995 = arith.constant 16 : i32
        %mul3A_996 = arith.muli %scan3A_858, %mul3A_995 : i32
        %add3A_997 = arith.constant 2048 : i32
        %add3A_998 = arith.addi %add3A_997, %mul3A_996 : i32
        %swap3A_999 = arith.index_cast %add3A_998 : i32 to index
        %swap3A_1000 = tpu.vector_load %arg8[%swap3A_999] {strides = array<i32>} : memref<16384xf32, #tpu.memory_space<vmem>>, vector<16xf32>,
        tpu.vector_store %arg8[%swap3A_999], %add3A_994 {strides = array<i32>} : memref<16384xf32, #tpu.memory_space<vmem>>, vector<16xf32>,
        %add3A_1001 = arith.constant 32768 : i32
        %add3A_1002 = vector.broadcast %add3A_1001 : i32 to vector<16xi32>
        %add3A_1003 = arith.addi %add3A_928, %add3A_1002 : vector<16xi32>
        %gather3A_1004 = tpu.vector_load_idx %arg6[%add3A_1003] : memref<65536xf32, #tpu.memory_space<vmem>>[vector<16xi32>], vector<16xf32>,
        %add3A_1005 = arith.constant 32768 : i32
        %add3A_1006 = vector.broadcast %add3A_1005 : i32 to vector<16xi32>
        %add3A_1007 = arith.addi %add3A_929, %add3A_1006 : vector<16xi32>
        %gather3A_1008 = tpu.vector_load_idx %arg6[%add3A_1007] : memref<65536xf32, #tpu.memory_space<vmem>>[vector<16xi32>], vector<16xf32>,
        %add3A_1009 = arith.constant 32768 : i32
        %add3A_1010 = vector.broadcast %add3A_1009 : i32 to vector<16xi32>
        %add3A_1011 = arith.addi %add3A_930, %add3A_1010 : vector<16xi32>
        %gather3A_1012 = tpu.vector_load_idx %arg6[%add3A_1011] : memref<65536xf32, #tpu.memory_space<vmem>>[vector<16xi32>], vector<16xf32>,
        %add3A_1013 = arith.constant 32768 : i32
        %add3A_1014 = vector.broadcast %add3A_1013 : i32 to vector<16xi32>
        %add3A_1015 = arith.addi %add3A_931, %add3A_1014 : vector<16xi32>
        %gather3A_1016 = tpu.vector_load_idx %arg6[%add3A_1015] : memref<65536xf32, #tpu.memory_space<vmem>>[vector<16xi32>], vector<16xf32>,
        %mul3A_1017 = arith.mulf %mul3A_938, %gather3A_1004 : vector<16xf32>
        %mul3A_1018 = arith.mulf %mul3A_939, %gather3A_1008 : vector<16xf32>
        %add3A_1019 = arith.addf %mul3A_1017, %mul3A_1018 : vector<16xf32>
        %mul3A_1020 = arith.mulf %mul3A_940, %gather3A_1012 : vector<16xf32>
        %add3A_1021 = arith.addf %add3A_1019, %mul3A_1020 : vector<16xf32>
        %mul3A_1022 = arith.mulf %mul3A_941, %gather3A_1016 : vector<16xf32>
        %add3A_1023 = arith.addf %add3A_1021, %mul3A_1022 : vector<16xf32>
        %add3A_1024 = arith.addf %add3A_1023, %gather3A_217 : vector<16xf32>
        %mul3A_1025 = arith.constant 16 : i32
        %mul3A_1026 = arith.muli %scan3A_858, %mul3A_1025 : i32
        %add3A_1027 = arith.constant 4096 : i32
        %add3A_1028 = arith.addi %add3A_1027, %mul3A_1026 : i32
        %swap3A_1029 = arith.index_cast %add3A_1028 : i32 to index
        %swap3A_1030 = tpu.vector_load %arg8[%swap3A_1029] {strides = array<i32>} : memref<16384xf32, #tpu.memory_space<vmem>>, vector<16xf32>,
        tpu.vector_store %arg8[%swap3A_1029], %add3A_1024 {strides = array<i32>} : memref<16384xf32, #tpu.memory_space<vmem>>, vector<16xf32>,
        %add3A_1031 = arith.constant 49152 : i32
        %add3A_1032 = vector.broadcast %add3A_1031 : i32 to vector<16xi32>
        %add3A_1033 = arith.addi %add3A_928, %add3A_1032 : vector<16xi32>
        %gather3A_1034 = tpu.vector_load_idx %arg6[%add3A_1033] : memref<65536xf32, #tpu.memory_space<vmem>>[vector<16xi32>], vector<16xf32>,
        %add3A_1035 = arith.constant 49152 : i32
        %add3A_1036 = vector.broadcast %add3A_1035 : i32 to vector<16xi32>
        %add3A_1037 = arith.addi %add3A_929, %add3A_1036 : vector<16xi32>
        %gather3A_1038 = tpu.vector_load_idx %arg6[%add3A_1037] : memref<65536xf32, #tpu.memory_space<vmem>>[vector<16xi32>], vector<16xf32>,
        %add3A_1039 = arith.constant 49152 : i32
        %add3A_1040 = vector.broadcast %add3A_1039 : i32 to vector<16xi32>
        %add3A_1041 = arith.addi %add3A_930, %add3A_1040 : vector<16xi32>
        %gather3A_1042 = tpu.vector_load_idx %arg6[%add3A_1041] : memref<65536xf32, #tpu.memory_space<vmem>>[vector<16xi32>], vector<16xf32>,
        %add3A_1043 = arith.constant 49152 : i32
        %add3A_1044 = vector.broadcast %add3A_1043 : i32 to vector<16xi32>
        %add3A_1045 = arith.addi %add3A_931, %add3A_1044 : vector<16xi32>
        %gather3A_1046 = tpu.vector_load_idx %arg6[%add3A_1045] : memref<65536xf32, #tpu.memory_space<vmem>>[vector<16xi32>], vector<16xf32>,
        %mul3A_1047 = arith.mulf %mul3A_938, %gather3A_1034 : vector<16xf32>
        %mul3A_1048 = arith.mulf %mul3A_939, %gather3A_1038 : vector<16xf32>
        %add3A_1049 = arith.addf %mul3A_1047, %mul3A_1048 : vector<16xf32>
        %mul3A_1050 = arith.mulf %mul3A_940, %gather3A_1042 : vector<16xf32>
        %add3A_1051 = arith.addf %add3A_1049, %mul3A_1050 : vector<16xf32>
        %mul3A_1052 = arith.mulf %mul3A_941, %gather3A_1046 : vector<16xf32>
        %add3A_1053 = arith.addf %add3A_1051, %mul3A_1052 : vector<16xf32>
        %add3A_1054 = arith.addf %add3A_1053, %gather3A_221 : vector<16xf32>
        %mul3A_1055 = arith.constant 16 : i32
        %mul3A_1056 = arith.muli %scan3A_858, %mul3A_1055 : i32
        %add3A_1057 = arith.constant 6144 : i32
        %add3A_1058 = arith.addi %add3A_1057, %mul3A_1056 : i32
        %swap3A_1059 = arith.index_cast %add3A_1058 : i32 to index
        %swap3A_1060 = tpu.vector_load %arg8[%swap3A_1059] {strides = array<i32>} : memref<16384xf32, #tpu.memory_space<vmem>>, vector<16xf32>,
        tpu.vector_store %arg8[%swap3A_1059], %add3A_1054 {strides = array<i32>} : memref<16384xf32, #tpu.memory_space<vmem>>, vector<16xf32>,
        %scan3A_1061 = arith.constant 0 : i32
        scf.yield %scan3A_1061 : i32
      }
      %scan3A_678 = arith.constant 128 : i32
      %add3A_679 = arith.constant 0 : i32
      %add3A_680 = arith.addi %add3A_193, %add3A_679 : i32
      %mul3A_681 = arith.constant 16384 : i32
      %mul3A_682 = arith.muli %add3A_680, %mul3A_681 : i32
      %add3A_683 = arith.constant 12288 : i32
      %add3A_684 = arith.addi %mul3A_682, %add3A_683 : i32
      %dma_start3A_685 = arith.constant 0 : i32
      %dma_start3A_686 = tpu.memref_slice %arg8[%dma_start3A_685] : memref<16384xf32, #tpu.memory_space<vmem>> -> memref<2048xf32, #tpu.memory_space<vmem>>
      %dma_start3A_687 = tpu.memref_slice %arg5[%add3A_684] : memref<18874368xf32, #tpu.memory_space<hbm>> -> memref<2048xf32, #tpu.memory_space<hbm>>
      %dma_start3A_688 = tpu.memref_slice %arg5[%add3A_684] : memref<18874368xf32, #tpu.memory_space<hbm>> -> memref<2048xf32, #tpu.memory_space<hbm>>
      %dma_start3A_689 = arith.constant 0 : i32
      %dma_start3A_690 = tpu.memref_slice %arg8[%dma_start3A_689] : memref<16384xf32, #tpu.memory_space<vmem>> -> memref<2048xf32, #tpu.memory_space<vmem>>
      tpu.enqueue_dma source(%dma_start3A_690 : memref<2048xf32, #tpu.memory_space<vmem>>) target(%dma_start3A_688 : memref<2048xf32, #tpu.memory_space<hbm>>) target_semaphore(%arg12 : memref<!tpu.dma_semaphore, #tpu.memory_space<semaphore_mem>>)
      %add3A_691 = arith.constant 1 : i32
      %add3A_692 = arith.addi %add3A_193, %add3A_691 : i32
      %mul3A_693 = arith.constant 16384 : i32
      %mul3A_694 = arith.muli %add3A_692, %mul3A_693 : i32
      %add3A_695 = arith.constant 12288 : i32
      %add3A_696 = arith.addi %mul3A_694, %add3A_695 : i32
      %dma_start3A_697 = arith.constant 2048 : i32
      %dma_start3A_698 = tpu.memref_slice %arg8[%dma_start3A_697] : memref<16384xf32, #tpu.memory_space<vmem>> -> memref<2048xf32, #tpu.memory_space<vmem>>
      %dma_start3A_699 = tpu.memref_slice %arg5[%add3A_696] : memref<18874368xf32, #tpu.memory_space<hbm>> -> memref<2048xf32, #tpu.memory_space<hbm>>
      %dma_start3A_700 = tpu.memref_slice %arg5[%add3A_696] : memref<18874368xf32, #tpu.memory_space<hbm>> -> memref<2048xf32, #tpu.memory_space<hbm>>
      %dma_start3A_701 = arith.constant 2048 : i32
      %dma_start3A_702 = tpu.memref_slice %arg8[%dma_start3A_701] : memref<16384xf32, #tpu.memory_space<vmem>> -> memref<2048xf32, #tpu.memory_space<vmem>>
      tpu.enqueue_dma source(%dma_start3A_702 : memref<2048xf32, #tpu.memory_space<vmem>>) target(%dma_start3A_700 : memref<2048xf32, #tpu.memory_space<hbm>>) target_semaphore(%arg12 : memref<!tpu.dma_semaphore, #tpu.memory_space<semaphore_mem>>)
      %add3A_703 = arith.constant 2 : i32
      %add3A_704 = arith.addi %add3A_193, %add3A_703 : i32
      %mul3A_705 = arith.constant 16384 : i32
      %mul3A_706 = arith.muli %add3A_704, %mul3A_705 : i32
      %add3A_707 = arith.constant 12288 : i32
      %add3A_708 = arith.addi %mul3A_706, %add3A_707 : i32
      %dma_start3A_709 = arith.constant 4096 : i32
      %dma_start3A_710 = tpu.memref_slice %arg8[%dma_start3A_709] : memref<16384xf32, #tpu.memory_space<vmem>> -> memref<2048xf32, #tpu.memory_space<vmem>>
      %dma_start3A_711 = tpu.memref_slice %arg5[%add3A_708] : memref<18874368xf32, #tpu.memory_space<hbm>> -> memref<2048xf32, #tpu.memory_space<hbm>>
      %dma_start3A_712 = tpu.memref_slice %arg5[%add3A_708] : memref<18874368xf32, #tpu.memory_space<hbm>> -> memref<2048xf32, #tpu.memory_space<hbm>>
      %dma_start3A_713 = arith.constant 4096 : i32
      %dma_start3A_714 = tpu.memref_slice %arg8[%dma_start3A_713] : memref<16384xf32, #tpu.memory_space<vmem>> -> memref<2048xf32, #tpu.memory_space<vmem>>
      tpu.enqueue_dma source(%dma_start3A_714 : memref<2048xf32, #tpu.memory_space<vmem>>) target(%dma_start3A_712 : memref<2048xf32, #tpu.memory_space<hbm>>) target_semaphore(%arg12 : memref<!tpu.dma_semaphore, #tpu.memory_space<semaphore_mem>>)
      %add3A_715 = arith.constant 3 : i32
      %add3A_716 = arith.addi %add3A_193, %add3A_715 : i32
      %mul3A_717 = arith.constant 16384 : i32
      %mul3A_718 = arith.muli %add3A_716, %mul3A_717 : i32
      %add3A_719 = arith.constant 12288 : i32
      %add3A_720 = arith.addi %mul3A_718, %add3A_719 : i32
      %dma_start3A_721 = arith.constant 6144 : i32
      %dma_start3A_722 = tpu.memref_slice %arg8[%dma_start3A_721] : memref<16384xf32, #tpu.memory_space<vmem>> -> memref<2048xf32, #tpu.memory_space<vmem>>
      %dma_start3A_723 = tpu.memref_slice %arg5[%add3A_720] : memref<18874368xf32, #tpu.memory_space<hbm>> -> memref<2048xf32, #tpu.memory_space<hbm>>
      %dma_start3A_724 = tpu.memref_slice %arg5[%add3A_720] : memref<18874368xf32, #tpu.memory_space<hbm>> -> memref<2048xf32, #tpu.memory_space<hbm>>
      %dma_start3A_725 = arith.constant 6144 : i32
      %dma_start3A_726 = tpu.memref_slice %arg8[%dma_start3A_725] : memref<16384xf32, #tpu.memory_space<vmem>> -> memref<2048xf32, #tpu.memory_space<vmem>>
      tpu.enqueue_dma source(%dma_start3A_726 : memref<2048xf32, #tpu.memory_space<vmem>>) target(%dma_start3A_724 : memref<2048xf32, #tpu.memory_space<hbm>>) target_semaphore(%arg12 : memref<!tpu.dma_semaphore, #tpu.memory_space<semaphore_mem>>)
      %dma_wait3A_727 = arith.constant 8192 : i32
      %dma_wait3A_728 = tpu.memref_slice %arg8[%dma_wait3A_727] : memref<16384xf32, #tpu.memory_space<vmem>> -> memref<2048xf32, #tpu.memory_space<vmem>>
      %dma_wait3A_729 = tpu.memref_slice %arg5[%add3A_605] : memref<18874368xf32, #tpu.memory_space<hbm>> -> memref<2048xf32, #tpu.memory_space<hbm>>
      %dma_wait3A_730 = tpu.memref_slice %arg5[%add3A_605] : memref<18874368xf32, #tpu.memory_space<hbm>> -> memref<2048xf32, #tpu.memory_space<hbm>>
      %dma_wait3A_731 = arith.constant 8192 : i32
      %dma_wait3A_732 = tpu.memref_slice %arg8[%dma_wait3A_731] : memref<16384xf32, #tpu.memory_space<vmem>> -> memref<2048xf32, #tpu.memory_space<vmem>>
      tpu.wait_dma2 semaphore(%arg12 : memref<!tpu.dma_semaphore, #tpu.memory_space<semaphore_mem>>) src(%dma_wait3A_732 : memref<2048xf32, #tpu.memory_space<vmem>>) dst(%dma_wait3A_730 : memref<2048xf32, #tpu.memory_space<hbm>>)
      %dma_wait3A_733 = arith.constant 10240 : i32
      %dma_wait3A_734 = tpu.memref_slice %arg8[%dma_wait3A_733] : memref<16384xf32, #tpu.memory_space<vmem>> -> memref<2048xf32, #tpu.memory_space<vmem>>
      %dma_wait3A_735 = tpu.memref_slice %arg5[%add3A_617] : memref<18874368xf32, #tpu.memory_space<hbm>> -> memref<2048xf32, #tpu.memory_space<hbm>>
      %dma_wait3A_736 = tpu.memref_slice %arg5[%add3A_617] : memref<18874368xf32, #tpu.memory_space<hbm>> -> memref<2048xf32, #tpu.memory_space<hbm>>
      %dma_wait3A_737 = arith.constant 10240 : i32
      %dma_wait3A_738 = tpu.memref_slice %arg8[%dma_wait3A_737] : memref<16384xf32, #tpu.memory_space<vmem>> -> memref<2048xf32, #tpu.memory_space<vmem>>
      tpu.wait_dma2 semaphore(%arg12 : memref<!tpu.dma_semaphore, #tpu.memory_space<semaphore_mem>>) src(%dma_wait3A_738 : memref<2048xf32, #tpu.memory_space<vmem>>) dst(%dma_wait3A_736 : memref<2048xf32, #tpu.memory_space<hbm>>)
      %dma_wait3A_739 = arith.constant 12288 : i32
      %dma_wait3A_740 = tpu.memref_slice %arg8[%dma_wait3A_739] : memref<16384xf32, #tpu.memory_space<vmem>> -> memref<2048xf32, #tpu.memory_space<vmem>>
      %dma_wait3A_741 = tpu.memref_slice %arg5[%add3A_629] : memref<18874368xf32, #tpu.memory_space<hbm>> -> memref<2048xf32, #tpu.memory_space<hbm>>
      %dma_wait3A_742 = tpu.memref_slice %arg5[%add3A_629] : memref<18874368xf32, #tpu.memory_space<hbm>> -> memref<2048xf32, #tpu.memory_space<hbm>>
      %dma_wait3A_743 = arith.constant 12288 : i32
      %dma_wait3A_744 = tpu.memref_slice %arg8[%dma_wait3A_743] : memref<16384xf32, #tpu.memory_space<vmem>> -> memref<2048xf32, #tpu.memory_space<vmem>>
      tpu.wait_dma2 semaphore(%arg12 : memref<!tpu.dma_semaphore, #tpu.memory_space<semaphore_mem>>) src(%dma_wait3A_744 : memref<2048xf32, #tpu.memory_space<vmem>>) dst(%dma_wait3A_742 : memref<2048xf32, #tpu.memory_space<hbm>>)
      %dma_wait3A_745 = arith.constant 14336 : i32
      %dma_wait3A_746 = tpu.memref_slice %arg8[%dma_wait3A_745] : memref<16384xf32, #tpu.memory_space<vmem>> -> memref<2048xf32, #tpu.memory_space<vmem>>
      %dma_wait3A_747 = tpu.memref_slice %arg5[%add3A_641] : memref<18874368xf32, #tpu.memory_space<hbm>> -> memref<2048xf32, #tpu.memory_space<hbm>>
      %dma_wait3A_748 = tpu.memref_slice %arg5[%add3A_641] : memref<18874368xf32, #tpu.memory_space<hbm>> -> memref<2048xf32, #tpu.memory_space<hbm>>
      %dma_wait3A_749 = arith.constant 14336 : i32
      %dma_wait3A_750 = tpu.memref_slice %arg8[%dma_wait3A_749] : memref<16384xf32, #tpu.memory_space<vmem>> -> memref<2048xf32, #tpu.memory_space<vmem>>
      tpu.wait_dma2 semaphore(%arg12 : memref<!tpu.dma_semaphore, #tpu.memory_space<semaphore_mem>>) src(%dma_wait3A_750 : memref<2048xf32, #tpu.memory_space<vmem>>) dst(%dma_wait3A_748 : memref<2048xf32, #tpu.memory_space<hbm>>)
      %scan3A_751 = arith.constant 0 : i32
      %scan3A_752 = arith.constant 0 : i32
      %scan3A_753 = arith.constant 128 : i32
      %scan3A_754 = arith.addi %scan3A_752, %scan3A_753 : i32
      %scan3A_755 = arith.constant 1 : i32
      %scan3A_756 = scf.for %scan3A_858 = %scan3A_752 to %scan3A_754 step %scan3A_755 iter_args(%scan3A_859 = %scan3A_751) -> (i32)  : i32 {
        %mul3A_860 = arith.constant 16 : i32
        %mul3A_861 = arith.muli %scan3A_858, %mul3A_860 : i32
        %add3A_862 = arith.constant 14336 : i32
        %add3A_863 = arith.addi %add3A_862, %mul3A_861 : i32
        %get3A = arith.index_cast %add3A_863 : i32 to index
        %get3A_864 = tpu.vector_load %arg7[%get3A] {strides = array<i32>} : memref<32768xf32, #tpu.memory_space<vmem>>, vector<16xf32>,
        %mul3A_865 = arith.constant 16 : i32
        %mul3A_866 = arith.muli %scan3A_858, %mul3A_865 : i32
        %add3A_867 = arith.constant 30720 : i32
        %add3A_868 = arith.addi %add3A_867, %mul3A_866 : i32
        %get3A_869 = arith.index_cast %add3A_868 : i32 to index
        %get3A_870 = tpu.vector_load %arg7[%get3A_869] {strides = array<i32>} : memref<32768xf32, #tpu.memory_space<vmem>>, vector<16xf32>,
        %convert_element_type3A_871 = arith.fptosi %get3A_864 : vector<16xf32> to vector<16xi32>
        %convert_element_type3A_872 = arith.sitofp %convert_element_type3A_871 : vector<16xi32> to vector<16xf32>
        %gt3A = arith.cmpf ogt, %convert_element_type3A_872, %get3A_864 : vector<16xf32>
        %sub3A_873 = arith.constant 1 : i32
        %sub3A_874 = vector.broadcast %sub3A_873 : i32 to vector<16xi32>
        %sub3A_875 = arith.subi %convert_element_type3A_871, %sub3A_874 : vector<16xi32>
        %select_n3A_876 = arith.select %gt3A, %sub3A_875, %convert_element_type3A_871 : vector<16xi1>, vector<16xi32>
        %sub3A_877 = arith.constant 1.000000e+00 : f32
        %sub3A_878 = vector.broadcast %sub3A_877 : f32 to vector<16xf32>
        %sub3A_879 = arith.subf %convert_element_type3A_872, %sub3A_878 : vector<16xf32>
        %select_n3A_880 = arith.select %gt3A, %sub3A_879, %convert_element_type3A_872 : vector<16xi1>, vector<16xf32>
        %convert_element_type3A_881 = arith.fptosi %get3A_870 : vector<16xf32> to vector<16xi32>
        %convert_element_type3A_882 = arith.sitofp %convert_element_type3A_881 : vector<16xi32> to vector<16xf32>
        %gt3A_883 = arith.cmpf ogt, %convert_element_type3A_882, %get3A_870 : vector<16xf32>
        %sub3A_884 = arith.constant 1 : i32
        %sub3A_885 = vector.broadcast %sub3A_884 : i32 to vector<16xi32>
        %sub3A_886 = arith.subi %convert_element_type3A_881, %sub3A_885 : vector<16xi32>
        %select_n3A_887 = arith.select %gt3A_883, %sub3A_886, %convert_element_type3A_881 : vector<16xi1>, vector<16xi32>
        %sub3A_888 = arith.constant 1.000000e+00 : f32
        %sub3A_889 = vector.broadcast %sub3A_888 : f32 to vector<16xf32>
        %sub3A_890 = arith.subf %convert_element_type3A_882, %sub3A_889 : vector<16xf32>
        %select_n3A_891 = arith.select %gt3A_883, %sub3A_890, %convert_element_type3A_882 : vector<16xi1>, vector<16xf32>
        %sub3A_892 = arith.subf %get3A_864, %select_n3A_880 : vector<16xf32>
        %sub3A_893 = arith.subf %get3A_870, %select_n3A_891 : vector<16xf32>
        %max3A = arith.constant 0 : i32
        %max3A_894 = vector.broadcast %max3A : i32 to vector<16xi32>
        %max3A_895 = arith.maxsi %select_n3A_876, %max3A_894 : vector<16xi32>
        %min3A = arith.constant 127 : i32
        %min3A_896 = vector.broadcast %min3A : i32 to vector<16xi32>
        %min3A_897 = arith.minsi %max3A_895, %min3A_896 : vector<16xi32>
        %add3A_898 = arith.constant 1 : i32
        %add3A_899 = vector.broadcast %add3A_898 : i32 to vector<16xi32>
        %add3A_900 = arith.addi %select_n3A_876, %add3A_899 : vector<16xi32>
        %max3A_901 = arith.constant 0 : i32
        %max3A_902 = vector.broadcast %max3A_901 : i32 to vector<16xi32>
        %max3A_903 = arith.maxsi %add3A_900, %max3A_902 : vector<16xi32>
        %min3A_904 = arith.constant 127 : i32
        %min3A_905 = vector.broadcast %min3A_904 : i32 to vector<16xi32>
        %min3A_906 = arith.minsi %max3A_903, %min3A_905 : vector<16xi32>
        %max3A_907 = arith.constant 0 : i32
        %max3A_908 = vector.broadcast %max3A_907 : i32 to vector<16xi32>
        %max3A_909 = arith.maxsi %select_n3A_887, %max3A_908 : vector<16xi32>
        %min3A_910 = arith.constant 127 : i32
        %min3A_911 = vector.broadcast %min3A_910 : i32 to vector<16xi32>
        %min3A_912 = arith.minsi %max3A_909, %min3A_911 : vector<16xi32>
        %add3A_913 = arith.constant 1 : i32
        %add3A_914 = vector.broadcast %add3A_913 : i32 to vector<16xi32>
        %add3A_915 = arith.addi %select_n3A_887, %add3A_914 : vector<16xi32>
        %max3A_916 = arith.constant 0 : i32
        %max3A_917 = vector.broadcast %max3A_916 : i32 to vector<16xi32>
        %max3A_918 = arith.maxsi %add3A_915, %max3A_917 : vector<16xi32>
        %min3A_919 = arith.constant 127 : i32
        %min3A_920 = vector.broadcast %min3A_919 : i32 to vector<16xi32>
        %min3A_921 = arith.minsi %max3A_918, %min3A_920 : vector<16xi32>
        %mul3A_922 = arith.constant 128 : i32
        %mul3A_923 = vector.broadcast %mul3A_922 : i32 to vector<16xi32>
        %mul3A_924 = arith.muli %min3A_912, %mul3A_923 : vector<16xi32>
        %mul3A_925 = arith.constant 128 : i32
        %mul3A_926 = vector.broadcast %mul3A_925 : i32 to vector<16xi32>
        %mul3A_927 = arith.muli %min3A_921, %mul3A_926 : vector<16xi32>
        %add3A_928 = arith.addi %mul3A_924, %min3A_897 : vector<16xi32>
        %add3A_929 = arith.addi %mul3A_924, %min3A_906 : vector<16xi32>
        %add3A_930 = arith.addi %mul3A_927, %min3A_897 : vector<16xi32>
        %add3A_931 = arith.addi %mul3A_927, %min3A_906 : vector<16xi32>
        %sub3A_932 = arith.constant 1.000000e+00 : f32
        %sub3A_933 = vector.broadcast %sub3A_932 : f32 to vector<16xf32>
        %sub3A_934 = arith.subf %sub3A_933, %sub3A_892 : vector<16xf32>
        %sub3A_935 = arith.constant 1.000000e+00 : f32
        %sub3A_936 = vector.broadcast %sub3A_935 : f32 to vector<16xf32>
        %sub3A_937 = arith.subf %sub3A_936, %sub3A_893 : vector<16xf32>
        %mul3A_938 = arith.mulf %sub3A_937, %sub3A_934 : vector<16xf32>
        %mul3A_939 = arith.mulf %sub3A_937, %sub3A_892 : vector<16xf32>
        %mul3A_940 = arith.mulf %sub3A_893, %sub3A_934 : vector<16xf32>
        %mul3A_941 = arith.mulf %sub3A_893, %sub3A_892 : vector<16xf32>
        %add3A_942 = arith.constant 0 : i32
        %add3A_943 = vector.broadcast %add3A_942 : i32 to vector<16xi32>
        %add3A_944 = arith.addi %add3A_928, %add3A_943 : vector<16xi32>
        %gather3A_945 = tpu.vector_load_idx %arg6[%add3A_944] : memref<65536xf32, #tpu.memory_space<vmem>>[vector<16xi32>], vector<16xf32>,
        %add3A_946 = arith.constant 0 : i32
        %add3A_947 = vector.broadcast %add3A_946 : i32 to vector<16xi32>
        %add3A_948 = arith.addi %add3A_929, %add3A_947 : vector<16xi32>
        %gather3A_949 = tpu.vector_load_idx %arg6[%add3A_948] : memref<65536xf32, #tpu.memory_space<vmem>>[vector<16xi32>], vector<16xf32>,
        %add3A_950 = arith.constant 0 : i32
        %add3A_951 = vector.broadcast %add3A_950 : i32 to vector<16xi32>
        %add3A_952 = arith.addi %add3A_930, %add3A_951 : vector<16xi32>
        %gather3A_953 = tpu.vector_load_idx %arg6[%add3A_952] : memref<65536xf32, #tpu.memory_space<vmem>>[vector<16xi32>], vector<16xf32>,
        %add3A_954 = arith.constant 0 : i32
        %add3A_955 = vector.broadcast %add3A_954 : i32 to vector<16xi32>
        %add3A_956 = arith.addi %add3A_931, %add3A_955 : vector<16xi32>
        %gather3A_957 = tpu.vector_load_idx %arg6[%add3A_956] : memref<65536xf32, #tpu.memory_space<vmem>>[vector<16xi32>], vector<16xf32>,
        %mul3A_958 = arith.mulf %mul3A_938, %gather3A_945 : vector<16xf32>
        %mul3A_959 = arith.mulf %mul3A_939, %gather3A_949 : vector<16xf32>
        %add3A_960 = arith.addf %mul3A_958, %mul3A_959 : vector<16xf32>
        %mul3A_961 = arith.mulf %mul3A_940, %gather3A_953 : vector<16xf32>
        %add3A_962 = arith.addf %add3A_960, %mul3A_961 : vector<16xf32>
        %mul3A_963 = arith.mulf %mul3A_941, %gather3A_957 : vector<16xf32>
        %add3A_964 = arith.addf %add3A_962, %mul3A_963 : vector<16xf32>
        %add3A_965 = arith.addf %add3A_964, %gather3A : vector<16xf32>
        %mul3A_966 = arith.constant 16 : i32
        %mul3A_967 = arith.muli %scan3A_858, %mul3A_966 : i32
        %add3A_968 = arith.constant 8192 : i32
        %add3A_969 = arith.addi %add3A_968, %mul3A_967 : i32
        %swap3A = arith.index_cast %add3A_969 : i32 to index
        %swap3A_970 = tpu.vector_load %arg8[%swap3A] {strides = array<i32>} : memref<16384xf32, #tpu.memory_space<vmem>>, vector<16xf32>,
        tpu.vector_store %arg8[%swap3A], %add3A_965 {strides = array<i32>} : memref<16384xf32, #tpu.memory_space<vmem>>, vector<16xf32>,
        %add3A_971 = arith.constant 16384 : i32
        %add3A_972 = vector.broadcast %add3A_971 : i32 to vector<16xi32>
        %add3A_973 = arith.addi %add3A_928, %add3A_972 : vector<16xi32>
        %gather3A_974 = tpu.vector_load_idx %arg6[%add3A_973] : memref<65536xf32, #tpu.memory_space<vmem>>[vector<16xi32>], vector<16xf32>,
        %add3A_975 = arith.constant 16384 : i32
        %add3A_976 = vector.broadcast %add3A_975 : i32 to vector<16xi32>
        %add3A_977 = arith.addi %add3A_929, %add3A_976 : vector<16xi32>
        %gather3A_978 = tpu.vector_load_idx %arg6[%add3A_977] : memref<65536xf32, #tpu.memory_space<vmem>>[vector<16xi32>], vector<16xf32>,
        %add3A_979 = arith.constant 16384 : i32
        %add3A_980 = vector.broadcast %add3A_979 : i32 to vector<16xi32>
        %add3A_981 = arith.addi %add3A_930, %add3A_980 : vector<16xi32>
        %gather3A_982 = tpu.vector_load_idx %arg6[%add3A_981] : memref<65536xf32, #tpu.memory_space<vmem>>[vector<16xi32>], vector<16xf32>,
        %add3A_983 = arith.constant 16384 : i32
        %add3A_984 = vector.broadcast %add3A_983 : i32 to vector<16xi32>
        %add3A_985 = arith.addi %add3A_931, %add3A_984 : vector<16xi32>
        %gather3A_986 = tpu.vector_load_idx %arg6[%add3A_985] : memref<65536xf32, #tpu.memory_space<vmem>>[vector<16xi32>], vector<16xf32>,
        %mul3A_987 = arith.mulf %mul3A_938, %gather3A_974 : vector<16xf32>
        %mul3A_988 = arith.mulf %mul3A_939, %gather3A_978 : vector<16xf32>
        %add3A_989 = arith.addf %mul3A_987, %mul3A_988 : vector<16xf32>
        %mul3A_990 = arith.mulf %mul3A_940, %gather3A_982 : vector<16xf32>
        %add3A_991 = arith.addf %add3A_989, %mul3A_990 : vector<16xf32>
        %mul3A_992 = arith.mulf %mul3A_941, %gather3A_986 : vector<16xf32>
        %add3A_993 = arith.addf %add3A_991, %mul3A_992 : vector<16xf32>
        %add3A_994 = arith.addf %add3A_993, %gather3A_213 : vector<16xf32>
        %mul3A_995 = arith.constant 16 : i32
        %mul3A_996 = arith.muli %scan3A_858, %mul3A_995 : i32
        %add3A_997 = arith.constant 10240 : i32
        %add3A_998 = arith.addi %add3A_997, %mul3A_996 : i32
        %swap3A_999 = arith.index_cast %add3A_998 : i32 to index
        %swap3A_1000 = tpu.vector_load %arg8[%swap3A_999] {strides = array<i32>} : memref<16384xf32, #tpu.memory_space<vmem>>, vector<16xf32>,
        tpu.vector_store %arg8[%swap3A_999], %add3A_994 {strides = array<i32>} : memref<16384xf32, #tpu.memory_space<vmem>>, vector<16xf32>,
        %add3A_1001 = arith.constant 32768 : i32
        %add3A_1002 = vector.broadcast %add3A_1001 : i32 to vector<16xi32>
        %add3A_1003 = arith.addi %add3A_928, %add3A_1002 : vector<16xi32>
        %gather3A_1004 = tpu.vector_load_idx %arg6[%add3A_1003] : memref<65536xf32, #tpu.memory_space<vmem>>[vector<16xi32>], vector<16xf32>,
        %add3A_1005 = arith.constant 32768 : i32
        %add3A_1006 = vector.broadcast %add3A_1005 : i32 to vector<16xi32>
        %add3A_1007 = arith.addi %add3A_929, %add3A_1006 : vector<16xi32>
        %gather3A_1008 = tpu.vector_load_idx %arg6[%add3A_1007] : memref<65536xf32, #tpu.memory_space<vmem>>[vector<16xi32>], vector<16xf32>,
        %add3A_1009 = arith.constant 32768 : i32
        %add3A_1010 = vector.broadcast %add3A_1009 : i32 to vector<16xi32>
        %add3A_1011 = arith.addi %add3A_930, %add3A_1010 : vector<16xi32>
        %gather3A_1012 = tpu.vector_load_idx %arg6[%add3A_1011] : memref<65536xf32, #tpu.memory_space<vmem>>[vector<16xi32>], vector<16xf32>,
        %add3A_1013 = arith.constant 32768 : i32
        %add3A_1014 = vector.broadcast %add3A_1013 : i32 to vector<16xi32>
        %add3A_1015 = arith.addi %add3A_931, %add3A_1014 : vector<16xi32>
        %gather3A_1016 = tpu.vector_load_idx %arg6[%add3A_1015] : memref<65536xf32, #tpu.memory_space<vmem>>[vector<16xi32>], vector<16xf32>,
        %mul3A_1017 = arith.mulf %mul3A_938, %gather3A_1004 : vector<16xf32>
        %mul3A_1018 = arith.mulf %mul3A_939, %gather3A_1008 : vector<16xf32>
        %add3A_1019 = arith.addf %mul3A_1017, %mul3A_1018 : vector<16xf32>
        %mul3A_1020 = arith.mulf %mul3A_940, %gather3A_1012 : vector<16xf32>
        %add3A_1021 = arith.addf %add3A_1019, %mul3A_1020 : vector<16xf32>
        %mul3A_1022 = arith.mulf %mul3A_941, %gather3A_1016 : vector<16xf32>
        %add3A_1023 = arith.addf %add3A_1021, %mul3A_1022 : vector<16xf32>
        %add3A_1024 = arith.addf %add3A_1023, %gather3A_217 : vector<16xf32>
        %mul3A_1025 = arith.constant 16 : i32
        %mul3A_1026 = arith.muli %scan3A_858, %mul3A_1025 : i32
        %add3A_1027 = arith.constant 12288 : i32
        %add3A_1028 = arith.addi %add3A_1027, %mul3A_1026 : i32
        %swap3A_1029 = arith.index_cast %add3A_1028 : i32 to index
        %swap3A_1030 = tpu.vector_load %arg8[%swap3A_1029] {strides = array<i32>} : memref<16384xf32, #tpu.memory_space<vmem>>, vector<16xf32>,
        tpu.vector_store %arg8[%swap3A_1029], %add3A_1024 {strides = array<i32>} : memref<16384xf32, #tpu.memory_space<vmem>>, vector<16xf32>,
        %add3A_1031 = arith.constant 49152 : i32
        %add3A_1032 = vector.broadcast %add3A_1031 : i32 to vector<16xi32>
        %add3A_1033 = arith.addi %add3A_928, %add3A_1032 : vector<16xi32>
        %gather3A_1034 = tpu.vector_load_idx %arg6[%add3A_1033] : memref<65536xf32, #tpu.memory_space<vmem>>[vector<16xi32>], vector<16xf32>,
        %add3A_1035 = arith.constant 49152 : i32
        %add3A_1036 = vector.broadcast %add3A_1035 : i32 to vector<16xi32>
        %add3A_1037 = arith.addi %add3A_929, %add3A_1036 : vector<16xi32>
        %gather3A_1038 = tpu.vector_load_idx %arg6[%add3A_1037] : memref<65536xf32, #tpu.memory_space<vmem>>[vector<16xi32>], vector<16xf32>,
        %add3A_1039 = arith.constant 49152 : i32
        %add3A_1040 = vector.broadcast %add3A_1039 : i32 to vector<16xi32>
        %add3A_1041 = arith.addi %add3A_930, %add3A_1040 : vector<16xi32>
        %gather3A_1042 = tpu.vector_load_idx %arg6[%add3A_1041] : memref<65536xf32, #tpu.memory_space<vmem>>[vector<16xi32>], vector<16xf32>,
        %add3A_1043 = arith.constant 49152 : i32
        %add3A_1044 = vector.broadcast %add3A_1043 : i32 to vector<16xi32>
        %add3A_1045 = arith.addi %add3A_931, %add3A_1044 : vector<16xi32>
        %gather3A_1046 = tpu.vector_load_idx %arg6[%add3A_1045] : memref<65536xf32, #tpu.memory_space<vmem>>[vector<16xi32>], vector<16xf32>,
        %mul3A_1047 = arith.mulf %mul3A_938, %gather3A_1034 : vector<16xf32>
        %mul3A_1048 = arith.mulf %mul3A_939, %gather3A_1038 : vector<16xf32>
        %add3A_1049 = arith.addf %mul3A_1047, %mul3A_1048 : vector<16xf32>
        %mul3A_1050 = arith.mulf %mul3A_940, %gather3A_1042 : vector<16xf32>
        %add3A_1051 = arith.addf %add3A_1049, %mul3A_1050 : vector<16xf32>
        %mul3A_1052 = arith.mulf %mul3A_941, %gather3A_1046 : vector<16xf32>
        %add3A_1053 = arith.addf %add3A_1051, %mul3A_1052 : vector<16xf32>
        %add3A_1054 = arith.addf %add3A_1053, %gather3A_221 : vector<16xf32>
        %mul3A_1055 = arith.constant 16 : i32
        %mul3A_1056 = arith.muli %scan3A_858, %mul3A_1055 : i32
        %add3A_1057 = arith.constant 14336 : i32
        %add3A_1058 = arith.addi %add3A_1057, %mul3A_1056 : i32
        %swap3A_1059 = arith.index_cast %add3A_1058 : i32 to index
        %swap3A_1060 = tpu.vector_load %arg8[%swap3A_1059] {strides = array<i32>} : memref<16384xf32, #tpu.memory_space<vmem>>, vector<16xf32>,
        tpu.vector_store %arg8[%swap3A_1059], %add3A_1054 {strides = array<i32>} : memref<16384xf32, #tpu.memory_space<vmem>>, vector<16xf32>,
        %scan3A_1061 = arith.constant 0 : i32
        scf.yield %scan3A_1061 : i32
      }
      %scan3A_757 = arith.constant 128 : i32
      %lt3A_758 = arith.constant 8 : i32
      %lt3A_759 = arith.cmpi slt, %scan3A_101, %lt3A_758 : i32
      %convert_element_type3A = arith.extui %lt3A_759 : i1 to i32
      %cond3A = arith.constant 0 : i32
      %cond3A_760 = arith.cmpi ne, %convert_element_type3A, %cond3A : i32
      scf.if %cond3A_760 {
        %add3A_858 = arith.constant 1 : i32
        %add3A_859 = arith.addi %add3A_105, %add3A_858 : i32
        %jit3A_860 = arith.constant 8 : i32
        %eq3A_861 = arith.constant 0 : i32
        %eq3A_862 = arith.cmpi eq, %jit3A_860, %eq3A_861 : i32
        %jit3A_863 = arith.constant 1 : i32
        %select_n3A_864 = arith.select %eq3A_862, %jit3A_863, %jit3A_860 : i32
        %rem3A_865 = arith.remsi %add3A_859, %select_n3A_864 : i32
        %ne3A_866 = arith.constant 0 : i32
        %ne3A_867 = arith.cmpi ne, %rem3A_865, %ne3A_866 : i32
        %lt3A_868 = arith.constant 0 : i32
        %lt3A_869 = arith.cmpi slt, %rem3A_865, %lt3A_868 : i32
        %lt3A_870 = arith.constant 0 : i32
        %lt3A_871 = arith.cmpi slt, %select_n3A_864, %lt3A_870 : i32
        %ne3A_872 = arith.xori %lt3A_869, %lt3A_871 : i1
        %and3A_873 = arith.andi %ne3A_872, %ne3A_867 : i1
        %add3A_874 = arith.addi %rem3A_865, %select_n3A_864 : i32
        %select_n3A_875 = arith.select %and3A_873, %add3A_874, %rem3A_865 : i32
        %jit3A_876 = arith.constant 8 : i32
        %div3A_877 = arith.divsi %add3A_859, %jit3A_876 : i32
        %sign3A_878 = arith.constant 0 : i32
        %sign3A_879 = arith.cmpi sgt, %add3A_859, %sign3A_878 : i32
        %sign3A_880 = arith.extui %sign3A_879 : i1 to i32
        %sign3A_881 = arith.constant 0 : i32
        %sign3A_882 = arith.cmpi slt, %add3A_859, %sign3A_881 : i32
        %sign3A_883 = arith.extui %sign3A_882 : i1 to i32
        %sign3A_884 = arith.subi %sign3A_880, %sign3A_883 : i32
        %sign3A_885 = arith.constant 0 : i32
        %sign3A_886 = arith.cmpi sgt, %jit3A_876, %sign3A_885 : i32
        %sign3A_887 = arith.extui %sign3A_886 : i1 to i32
        %sign3A_888 = arith.constant 0 : i32
        %sign3A_889 = arith.cmpi slt, %jit3A_876, %sign3A_888 : i32
        %sign3A_890 = arith.extui %sign3A_889 : i1 to i32
        %sign3A_891 = arith.subi %sign3A_887, %sign3A_890 : i32
        %ne3A_892 = arith.cmpi ne, %sign3A_884, %sign3A_891 : i32
        %rem3A_893 = arith.remsi %add3A_859, %jit3A_876 : i32
        %ne3A_894 = arith.constant 0 : i32
        %ne3A_895 = arith.cmpi ne, %rem3A_893, %ne3A_894 : i32
        %and3A_896 = arith.andi %ne3A_892, %ne3A_895 : i1
        %sub3A_897 = arith.constant 1 : i32
        %sub3A_898 = arith.subi %div3A_877, %sub3A_897 : i32
        %select_n3A_899 = arith.select %and3A_896, %sub3A_898, %div3A_877 : i32
        %jit3A_900 = arith.constant 9 : i32
        %div3A_901 = arith.divsi %select_n3A_899, %jit3A_900 : i32
        %sign3A_902 = arith.constant 0 : i32
        %sign3A_903 = arith.cmpi sgt, %select_n3A_899, %sign3A_902 : i32
        %sign3A_904 = arith.extui %sign3A_903 : i1 to i32
        %sign3A_905 = arith.constant 0 : i32
        %sign3A_906 = arith.cmpi slt, %select_n3A_899, %sign3A_905 : i32
        %sign3A_907 = arith.extui %sign3A_906 : i1 to i32
        %sign3A_908 = arith.subi %sign3A_904, %sign3A_907 : i32
        %sign3A_909 = arith.constant 0 : i32
        %sign3A_910 = arith.cmpi sgt, %jit3A_900, %sign3A_909 : i32
        %sign3A_911 = arith.extui %sign3A_910 : i1 to i32
        %sign3A_912 = arith.constant 0 : i32
        %sign3A_913 = arith.cmpi slt, %jit3A_900, %sign3A_912 : i32
        %sign3A_914 = arith.extui %sign3A_913 : i1 to i32
        %sign3A_915 = arith.subi %sign3A_911, %sign3A_914 : i32
        %ne3A_916 = arith.cmpi ne, %sign3A_908, %sign3A_915 : i32
        %rem3A_917 = arith.remsi %select_n3A_899, %jit3A_900 : i32
        %ne3A_918 = arith.constant 0 : i32
        %ne3A_919 = arith.cmpi ne, %rem3A_917, %ne3A_918 : i32
        %and3A_920 = arith.andi %ne3A_916, %ne3A_919 : i1
        %sub3A_921 = arith.constant 1 : i32
        %sub3A_922 = arith.subi %div3A_901, %sub3A_921 : i32
        %select_n3A_923 = arith.select %and3A_920, %sub3A_922, %div3A_901 : i32
        %jit3A_924 = arith.constant 9 : i32
        %eq3A_925 = arith.constant 0 : i32
        %eq3A_926 = arith.cmpi eq, %jit3A_924, %eq3A_925 : i32
        %jit3A_927 = arith.constant 1 : i32
        %select_n3A_928 = arith.select %eq3A_926, %jit3A_927, %jit3A_924 : i32
        %rem3A_929 = arith.remsi %select_n3A_899, %select_n3A_928 : i32
        %ne3A_930 = arith.constant 0 : i32
        %ne3A_931 = arith.cmpi ne, %rem3A_929, %ne3A_930 : i32
        %lt3A_932 = arith.constant 0 : i32
        %lt3A_933 = arith.cmpi slt, %rem3A_929, %lt3A_932 : i32
        %lt3A_934 = arith.constant 0 : i32
        %lt3A_935 = arith.cmpi slt, %select_n3A_928, %lt3A_934 : i32
        %ne3A_936 = arith.xori %lt3A_933, %lt3A_935 : i1
        %and3A_937 = arith.andi %ne3A_936, %ne3A_931 : i1
        %add3A_938 = arith.addi %rem3A_929, %select_n3A_928 : i32
        %select_n3A_939 = arith.select %and3A_937, %add3A_938, %rem3A_929 : i32
        %mul3A_940 = arith.constant 32 : i32
        %mul3A_941 = arith.muli %select_n3A_939, %mul3A_940 : i32
        %mul3A_942 = arith.constant 4 : i32
        %mul3A_943 = arith.muli %select_n3A_875, %mul3A_942 : i32
        %add3A_944 = arith.addi %mul3A_941, %mul3A_943 : i32
        %mul3A_945 = arith.constant 288 : i32
        %mul3A_946 = arith.muli %select_n3A_923, %mul3A_945 : i32
        %add3A_947 = arith.addi %mul3A_946, %add3A_944 : i32
        %mul3A_948 = arith.constant 2 : i32
        %mul3A_949 = arith.muli %select_n3A_923, %mul3A_948 : i32
        %mul3A_950 = arith.constant 9 : i32
        %mul3A_951 = arith.muli %mul3A_949, %mul3A_950 : i32
        %mul3A_952 = arith.constant 2 : i32
        %mul3A_953 = arith.muli %mul3A_952, %select_n3A_939 : i32
        %add3A_954 = arith.addi %mul3A_951, %mul3A_953 : i32
        %mul3A_955 = arith.constant 16384 : i32
        %mul3A_956 = arith.muli %add3A_954, %mul3A_955 : i32
        %mul3A_957 = arith.constant 16384 : i32
        %mul3A_958 = arith.muli %add3A_947, %mul3A_957 : i32
        %dma_start3A_959 = tpu.memref_slice %arg2[%mul3A_958] : memref<18874368xf32, #tpu.memory_space<hbm>> -> memref<65536xf32, #tpu.memory_space<hbm>>
        %dma_start3A_960 = tpu.memref_slice %arg2[%mul3A_958] : memref<18874368xf32, #tpu.memory_space<hbm>> -> memref<65536xf32, #tpu.memory_space<hbm>>
        tpu.enqueue_dma source(%dma_start3A_960 : memref<65536xf32, #tpu.memory_space<hbm>>) target(%arg6 : memref<65536xf32, #tpu.memory_space<vmem>>) target_semaphore(%arg10 : memref<!tpu.dma_semaphore, #tpu.memory_space<semaphore_mem>>)
        %dma_start3A_961 = tpu.memref_slice %arg3[%mul3A_956] : memref<1179648xf32, #tpu.memory_space<hbm>> -> memref<32768xf32, #tpu.memory_space<hbm>>
        %dma_start3A_962 = tpu.memref_slice %arg3[%mul3A_956] : memref<1179648xf32, #tpu.memory_space<hbm>> -> memref<32768xf32, #tpu.memory_space<hbm>>
        tpu.enqueue_dma source(%dma_start3A_962 : memref<32768xf32, #tpu.memory_space<hbm>>) target(%arg7 : memref<32768xf32, #tpu.memory_space<vmem>>) target_semaphore(%arg11 : memref<!tpu.dma_semaphore, #tpu.memory_space<semaphore_mem>>)
      } else {
      }
      %add3A_761 = arith.constant 0 : i32
      %add3A_762 = arith.addi %add3A_193, %add3A_761 : i32
      %mul3A_763 = arith.constant 16384 : i32
      %mul3A_764 = arith.muli %add3A_762, %mul3A_763 : i32
      %add3A_765 = arith.constant 14336 : i32
      %add3A_766 = arith.addi %mul3A_764, %add3A_765 : i32
      %dma_start3A_767 = arith.constant 8192 : i32
      %dma_start3A_768 = tpu.memref_slice %arg8[%dma_start3A_767] : memref<16384xf32, #tpu.memory_space<vmem>> -> memref<2048xf32, #tpu.memory_space<vmem>>
      %dma_start3A_769 = tpu.memref_slice %arg5[%add3A_766] : memref<18874368xf32, #tpu.memory_space<hbm>> -> memref<2048xf32, #tpu.memory_space<hbm>>
      %dma_start3A_770 = tpu.memref_slice %arg5[%add3A_766] : memref<18874368xf32, #tpu.memory_space<hbm>> -> memref<2048xf32, #tpu.memory_space<hbm>>
      %dma_start3A_771 = arith.constant 8192 : i32
      %dma_start3A_772 = tpu.memref_slice %arg8[%dma_start3A_771] : memref<16384xf32, #tpu.memory_space<vmem>> -> memref<2048xf32, #tpu.memory_space<vmem>>
      tpu.enqueue_dma source(%dma_start3A_772 : memref<2048xf32, #tpu.memory_space<vmem>>) target(%dma_start3A_770 : memref<2048xf32, #tpu.memory_space<hbm>>) target_semaphore(%arg12 : memref<!tpu.dma_semaphore, #tpu.memory_space<semaphore_mem>>)
      %add3A_773 = arith.constant 1 : i32
      %add3A_774 = arith.addi %add3A_193, %add3A_773 : i32
      %mul3A_775 = arith.constant 16384 : i32
      %mul3A_776 = arith.muli %add3A_774, %mul3A_775 : i32
      %add3A_777 = arith.constant 14336 : i32
      %add3A_778 = arith.addi %mul3A_776, %add3A_777 : i32
      %dma_start3A_779 = arith.constant 10240 : i32
      %dma_start3A_780 = tpu.memref_slice %arg8[%dma_start3A_779] : memref<16384xf32, #tpu.memory_space<vmem>> -> memref<2048xf32, #tpu.memory_space<vmem>>
      %dma_start3A_781 = tpu.memref_slice %arg5[%add3A_778] : memref<18874368xf32, #tpu.memory_space<hbm>> -> memref<2048xf32, #tpu.memory_space<hbm>>
      %dma_start3A_782 = tpu.memref_slice %arg5[%add3A_778] : memref<18874368xf32, #tpu.memory_space<hbm>> -> memref<2048xf32, #tpu.memory_space<hbm>>
      %dma_start3A_783 = arith.constant 10240 : i32
      %dma_start3A_784 = tpu.memref_slice %arg8[%dma_start3A_783] : memref<16384xf32, #tpu.memory_space<vmem>> -> memref<2048xf32, #tpu.memory_space<vmem>>
      tpu.enqueue_dma source(%dma_start3A_784 : memref<2048xf32, #tpu.memory_space<vmem>>) target(%dma_start3A_782 : memref<2048xf32, #tpu.memory_space<hbm>>) target_semaphore(%arg12 : memref<!tpu.dma_semaphore, #tpu.memory_space<semaphore_mem>>)
      %add3A_785 = arith.constant 2 : i32
      %add3A_786 = arith.addi %add3A_193, %add3A_785 : i32
      %mul3A_787 = arith.constant 16384 : i32
      %mul3A_788 = arith.muli %add3A_786, %mul3A_787 : i32
      %add3A_789 = arith.constant 14336 : i32
      %add3A_790 = arith.addi %mul3A_788, %add3A_789 : i32
      %dma_start3A_791 = arith.constant 12288 : i32
      %dma_start3A_792 = tpu.memref_slice %arg8[%dma_start3A_791] : memref<16384xf32, #tpu.memory_space<vmem>> -> memref<2048xf32, #tpu.memory_space<vmem>>
      %dma_start3A_793 = tpu.memref_slice %arg5[%add3A_790] : memref<18874368xf32, #tpu.memory_space<hbm>> -> memref<2048xf32, #tpu.memory_space<hbm>>
      %dma_start3A_794 = tpu.memref_slice %arg5[%add3A_790] : memref<18874368xf32, #tpu.memory_space<hbm>> -> memref<2048xf32, #tpu.memory_space<hbm>>
      %dma_start3A_795 = arith.constant 12288 : i32
      %dma_start3A_796 = tpu.memref_slice %arg8[%dma_start3A_795] : memref<16384xf32, #tpu.memory_space<vmem>> -> memref<2048xf32, #tpu.memory_space<vmem>>
      tpu.enqueue_dma source(%dma_start3A_796 : memref<2048xf32, #tpu.memory_space<vmem>>) target(%dma_start3A_794 : memref<2048xf32, #tpu.memory_space<hbm>>) target_semaphore(%arg12 : memref<!tpu.dma_semaphore, #tpu.memory_space<semaphore_mem>>)
      %add3A_797 = arith.constant 3 : i32
      %add3A_798 = arith.addi %add3A_193, %add3A_797 : i32
      %mul3A_799 = arith.constant 16384 : i32
      %mul3A_800 = arith.muli %add3A_798, %mul3A_799 : i32
      %add3A_801 = arith.constant 14336 : i32
      %add3A_802 = arith.addi %mul3A_800, %add3A_801 : i32
      %dma_start3A_803 = arith.constant 14336 : i32
      %dma_start3A_804 = tpu.memref_slice %arg8[%dma_start3A_803] : memref<16384xf32, #tpu.memory_space<vmem>> -> memref<2048xf32, #tpu.memory_space<vmem>>
      %dma_start3A_805 = tpu.memref_slice %arg5[%add3A_802] : memref<18874368xf32, #tpu.memory_space<hbm>> -> memref<2048xf32, #tpu.memory_space<hbm>>
      %dma_start3A_806 = tpu.memref_slice %arg5[%add3A_802] : memref<18874368xf32, #tpu.memory_space<hbm>> -> memref<2048xf32, #tpu.memory_space<hbm>>
      %dma_start3A_807 = arith.constant 14336 : i32
      %dma_start3A_808 = tpu.memref_slice %arg8[%dma_start3A_807] : memref<16384xf32, #tpu.memory_space<vmem>> -> memref<2048xf32, #tpu.memory_space<vmem>>
      tpu.enqueue_dma source(%dma_start3A_808 : memref<2048xf32, #tpu.memory_space<vmem>>) target(%dma_start3A_806 : memref<2048xf32, #tpu.memory_space<hbm>>) target_semaphore(%arg12 : memref<!tpu.dma_semaphore, #tpu.memory_space<semaphore_mem>>)
      %dma_wait3A_809 = arith.constant 0 : i32
      %dma_wait3A_810 = tpu.memref_slice %arg8[%dma_wait3A_809] : memref<16384xf32, #tpu.memory_space<vmem>> -> memref<2048xf32, #tpu.memory_space<vmem>>
      %dma_wait3A_811 = tpu.memref_slice %arg5[%add3A_684] : memref<18874368xf32, #tpu.memory_space<hbm>> -> memref<2048xf32, #tpu.memory_space<hbm>>
      %dma_wait3A_812 = tpu.memref_slice %arg5[%add3A_684] : memref<18874368xf32, #tpu.memory_space<hbm>> -> memref<2048xf32, #tpu.memory_space<hbm>>
      %dma_wait3A_813 = arith.constant 0 : i32
      %dma_wait3A_814 = tpu.memref_slice %arg8[%dma_wait3A_813] : memref<16384xf32, #tpu.memory_space<vmem>> -> memref<2048xf32, #tpu.memory_space<vmem>>
      tpu.wait_dma2 semaphore(%arg12 : memref<!tpu.dma_semaphore, #tpu.memory_space<semaphore_mem>>) src(%dma_wait3A_814 : memref<2048xf32, #tpu.memory_space<vmem>>) dst(%dma_wait3A_812 : memref<2048xf32, #tpu.memory_space<hbm>>)
      %dma_wait3A_815 = arith.constant 2048 : i32
      %dma_wait3A_816 = tpu.memref_slice %arg8[%dma_wait3A_815] : memref<16384xf32, #tpu.memory_space<vmem>> -> memref<2048xf32, #tpu.memory_space<vmem>>
      %dma_wait3A_817 = tpu.memref_slice %arg5[%add3A_696] : memref<18874368xf32, #tpu.memory_space<hbm>> -> memref<2048xf32, #tpu.memory_space<hbm>>
      %dma_wait3A_818 = tpu.memref_slice %arg5[%add3A_696] : memref<18874368xf32, #tpu.memory_space<hbm>> -> memref<2048xf32, #tpu.memory_space<hbm>>
      %dma_wait3A_819 = arith.constant 2048 : i32
      %dma_wait3A_820 = tpu.memref_slice %arg8[%dma_wait3A_819] : memref<16384xf32, #tpu.memory_space<vmem>> -> memref<2048xf32, #tpu.memory_space<vmem>>
      tpu.wait_dma2 semaphore(%arg12 : memref<!tpu.dma_semaphore, #tpu.memory_space<semaphore_mem>>) src(%dma_wait3A_820 : memref<2048xf32, #tpu.memory_space<vmem>>) dst(%dma_wait3A_818 : memref<2048xf32, #tpu.memory_space<hbm>>)
      %dma_wait3A_821 = arith.constant 4096 : i32
      %dma_wait3A_822 = tpu.memref_slice %arg8[%dma_wait3A_821] : memref<16384xf32, #tpu.memory_space<vmem>> -> memref<2048xf32, #tpu.memory_space<vmem>>
      %dma_wait3A_823 = tpu.memref_slice %arg5[%add3A_708] : memref<18874368xf32, #tpu.memory_space<hbm>> -> memref<2048xf32, #tpu.memory_space<hbm>>
      %dma_wait3A_824 = tpu.memref_slice %arg5[%add3A_708] : memref<18874368xf32, #tpu.memory_space<hbm>> -> memref<2048xf32, #tpu.memory_space<hbm>>
      %dma_wait3A_825 = arith.constant 4096 : i32
      %dma_wait3A_826 = tpu.memref_slice %arg8[%dma_wait3A_825] : memref<16384xf32, #tpu.memory_space<vmem>> -> memref<2048xf32, #tpu.memory_space<vmem>>
      tpu.wait_dma2 semaphore(%arg12 : memref<!tpu.dma_semaphore, #tpu.memory_space<semaphore_mem>>) src(%dma_wait3A_826 : memref<2048xf32, #tpu.memory_space<vmem>>) dst(%dma_wait3A_824 : memref<2048xf32, #tpu.memory_space<hbm>>)
      %dma_wait3A_827 = arith.constant 6144 : i32
      %dma_wait3A_828 = tpu.memref_slice %arg8[%dma_wait3A_827] : memref<16384xf32, #tpu.memory_space<vmem>> -> memref<2048xf32, #tpu.memory_space<vmem>>
      %dma_wait3A_829 = tpu.memref_slice %arg5[%add3A_720] : memref<18874368xf32, #tpu.memory_space<hbm>> -> memref<2048xf32, #tpu.memory_space<hbm>>
      %dma_wait3A_830 = tpu.memref_slice %arg5[%add3A_720] : memref<18874368xf32, #tpu.memory_space<hbm>> -> memref<2048xf32, #tpu.memory_space<hbm>>
      %dma_wait3A_831 = arith.constant 6144 : i32
      %dma_wait3A_832 = tpu.memref_slice %arg8[%dma_wait3A_831] : memref<16384xf32, #tpu.memory_space<vmem>> -> memref<2048xf32, #tpu.memory_space<vmem>>
      tpu.wait_dma2 semaphore(%arg12 : memref<!tpu.dma_semaphore, #tpu.memory_space<semaphore_mem>>) src(%dma_wait3A_832 : memref<2048xf32, #tpu.memory_space<vmem>>) dst(%dma_wait3A_830 : memref<2048xf32, #tpu.memory_space<hbm>>)
      %dma_wait3A_833 = arith.constant 8192 : i32
      %dma_wait3A_834 = tpu.memref_slice %arg8[%dma_wait3A_833] : memref<16384xf32, #tpu.memory_space<vmem>> -> memref<2048xf32, #tpu.memory_space<vmem>>
      %dma_wait3A_835 = tpu.memref_slice %arg5[%add3A_766] : memref<18874368xf32, #tpu.memory_space<hbm>> -> memref<2048xf32, #tpu.memory_space<hbm>>
      %dma_wait3A_836 = tpu.memref_slice %arg5[%add3A_766] : memref<18874368xf32, #tpu.memory_space<hbm>> -> memref<2048xf32, #tpu.memory_space<hbm>>
      %dma_wait3A_837 = arith.constant 8192 : i32
      %dma_wait3A_838 = tpu.memref_slice %arg8[%dma_wait3A_837] : memref<16384xf32, #tpu.memory_space<vmem>> -> memref<2048xf32, #tpu.memory_space<vmem>>
      tpu.wait_dma2 semaphore(%arg12 : memref<!tpu.dma_semaphore, #tpu.memory_space<semaphore_mem>>) src(%dma_wait3A_838 : memref<2048xf32, #tpu.memory_space<vmem>>) dst(%dma_wait3A_836 : memref<2048xf32, #tpu.memory_space<hbm>>)
      %dma_wait3A_839 = arith.constant 10240 : i32
      %dma_wait3A_840 = tpu.memref_slice %arg8[%dma_wait3A_839] : memref<16384xf32, #tpu.memory_space<vmem>> -> memref<2048xf32, #tpu.memory_space<vmem>>
      %dma_wait3A_841 = tpu.memref_slice %arg5[%add3A_778] : memref<18874368xf32, #tpu.memory_space<hbm>> -> memref<2048xf32, #tpu.memory_space<hbm>>
      %dma_wait3A_842 = tpu.memref_slice %arg5[%add3A_778] : memref<18874368xf32, #tpu.memory_space<hbm>> -> memref<2048xf32, #tpu.memory_space<hbm>>
      %dma_wait3A_843 = arith.constant 10240 : i32
      %dma_wait3A_844 = tpu.memref_slice %arg8[%dma_wait3A_843] : memref<16384xf32, #tpu.memory_space<vmem>> -> memref<2048xf32, #tpu.memory_space<vmem>>
      tpu.wait_dma2 semaphore(%arg12 : memref<!tpu.dma_semaphore, #tpu.memory_space<semaphore_mem>>) src(%dma_wait3A_844 : memref<2048xf32, #tpu.memory_space<vmem>>) dst(%dma_wait3A_842 : memref<2048xf32, #tpu.memory_space<hbm>>)
      %dma_wait3A_845 = arith.constant 12288 : i32
      %dma_wait3A_846 = tpu.memref_slice %arg8[%dma_wait3A_845] : memref<16384xf32, #tpu.memory_space<vmem>> -> memref<2048xf32, #tpu.memory_space<vmem>>
      %dma_wait3A_847 = tpu.memref_slice %arg5[%add3A_790] : memref<18874368xf32, #tpu.memory_space<hbm>> -> memref<2048xf32, #tpu.memory_space<hbm>>
      %dma_wait3A_848 = tpu.memref_slice %arg5[%add3A_790] : memref<18874368xf32, #tpu.memory_space<hbm>> -> memref<2048xf32, #tpu.memory_space<hbm>>
      %dma_wait3A_849 = arith.constant 12288 : i32
      %dma_wait3A_850 = tpu.memref_slice %arg8[%dma_wait3A_849] : memref<16384xf32, #tpu.memory_space<vmem>> -> memref<2048xf32, #tpu.memory_space<vmem>>
      tpu.wait_dma2 semaphore(%arg12 : memref<!tpu.dma_semaphore, #tpu.memory_space<semaphore_mem>>) src(%dma_wait3A_850 : memref<2048xf32, #tpu.memory_space<vmem>>) dst(%dma_wait3A_848 : memref<2048xf32, #tpu.memory_space<hbm>>)
      %dma_wait3A_851 = arith.constant 14336 : i32
      %dma_wait3A_852 = tpu.memref_slice %arg8[%dma_wait3A_851] : memref<16384xf32, #tpu.memory_space<vmem>> -> memref<2048xf32, #tpu.memory_space<vmem>>
      %dma_wait3A_853 = tpu.memref_slice %arg5[%add3A_802] : memref<18874368xf32, #tpu.memory_space<hbm>> -> memref<2048xf32, #tpu.memory_space<hbm>>
      %dma_wait3A_854 = tpu.memref_slice %arg5[%add3A_802] : memref<18874368xf32, #tpu.memory_space<hbm>> -> memref<2048xf32, #tpu.memory_space<hbm>>
      %dma_wait3A_855 = arith.constant 14336 : i32
      %dma_wait3A_856 = tpu.memref_slice %arg8[%dma_wait3A_855] : memref<16384xf32, #tpu.memory_space<vmem>> -> memref<2048xf32, #tpu.memory_space<vmem>>
      tpu.wait_dma2 semaphore(%arg12 : memref<!tpu.dma_semaphore, #tpu.memory_space<semaphore_mem>>) src(%dma_wait3A_856 : memref<2048xf32, #tpu.memory_space<vmem>>) dst(%dma_wait3A_854 : memref<2048xf32, #tpu.memory_space<hbm>>)
      %scan3A_857 = arith.constant 0 : i32
      scf.yield %scan3A_857 : i32
    }
    %scan3A_100 = arith.constant 9 : i32
    return
  }
}

</mosaic_0001>

<sc_bundles>
// kernel: kernel.3.cloned.1.call-start
scs
__scs_entry_jumppad:
0x0: {  	(pc) =	sbr.rel $0x88, $3  }
0x1: {  	(tag) =	ssettag $0x0;
	lr =	simm.s32 $0x1  }
0x2: {  	[smem:$0x3F9E] =	sst lr;
	_ =	strace $0xD0000000  }
0x3: {  	_ = 	snop  }
0x4: {  	_ = 	snop  }
0x5: {  	_ = 	snop  }
0x6: {  	_ = 	snop  }
0x7: {  	_ = 	snop  }
__scs_overlays_trampoline_lowered:
0x8: {  	[smem:$0x3FAD] =	sst s0  }
0x9: {  	[smem:$0x3FAE] =	sst s1  }
0xa: {  	[smem:$0x3FAF] =	sst s2  }
0xb: {  	[smem:$0x3FB0] =	sst s3  }
0xc: {  	[smem:$0x3FB1] =	sst s4  }
0xd: {  	[smem:$0x3FB2] =	sst s5  }
0xe: {  	[smem:$0x3FB3] =	sst s6  }
0xf: {  	[smem:$0x3FB4] =	sst s7  }
0x10: {  	[smem:$0x3FB5] =	sst s8  }
0x11: {  	[smem:$0x3FB6] =	sst s9;
	s0 =	simm.s32 @!p0 $0x0  }
0x12: {  	s1 =	sld [smem:$0x3F9C];
	s0 =	simm.s32 @p0 $0x1  }
0x13: {  	[smem:$0x3FB7] =	sst s0;
	s0 =	simm.s32 @!p1 $0x0  }
0x14: {  	s2 =	sld [smem:$0x3F9B];
	s0 =	simm.s32 @p1 $0x1  }
0x15: {  	[smem:$0x3FB8] =	sst s0;
	s0 =	simm.s32 @!p2 $0x0  }
0x16: {  	s3 =	sld [smem:$0x3FDB];
	s0 =	simm.s32 @p2 $0x1  }
0x17: {  	s4 =	simm.s32 $0x1BF5;
	[smem:$0x3FBA] =	sst s0  }
0x18: {  	s0 =	sld [smem:$0x3F9D];
	_ =	swait.ge [sflag:s4], $0x0  }
0x19: {  	s7 =	sld [smem:$0x3F9E]  }
0x1a: {  	s8 =	sadd.s32 $0xFFFFE003, lr  }
0x1b: {  	s9 =	sadd.s32 $0xFFFFFEF7, lr;
	s5 =	simm.s32 $0xFFFFFFFF;
	p2 =	slt.u32 s8, $0xFFFFF086  }
0x1c: {  	p1 =	slt.u32 s9, $0xF7A;
	s5 =	simm.s32 @!p2 $0x0  }
0x1d: {  	s5 =	simm.s32 @p1 $0x1;
	p0 =	seq.s32 s7, s2  }
0x1e: {  	s7 =	smul.u32 @!p0 $0xF7A, s2;
	p2 =	seq.s32 @!p0 s5, $0x0  }
0x1f: {  	s9 =	smul.u32 $0xF7A, s1;
	s8 =	simm.s32 @!p0 $0x1BF5;
	p2 =	por !p2, p0  }
0x20: {  	[sflag:s8] =	ssyncset.s32 @!p0 $0xFFFFF086;
	s6 =	sadd.s32 @!p0 s3, s7;
	s7 =	simm.s32 @!p0 $0x108  }
0x21: {  	s3 =	sadd.s32 s3, s9;
	s6 =	sadd.s32 @!p0 $0x88, s6;
	s7 =	simm.s32 @p2 $0x1082  }
0x22: {  	[simem:s7], [sflag:s8] =	dma.local @!p0 [hbm:s6], $0xF7A  }
0x23: {  	s9 =	sor.u32 $0xD0000000, s2;
	s6 =	simm.s32 $0x108;
	_ =	swait.ge @!p0 [sflag:s8], $0x0  }
0x24: {  	s3 =	sadd.s32 $0x88, s3;
	s6 =	simm.s32 @!p1 $0x1082;
	[sflag:s4] =	ssyncset.s32 $0xFFFFF086  }
0x25: {  	[simem:s6], [sflag:s4] =	dma.local [hbm:s3], $0xF7A  }
0x26: {  	[smem:$0x3F9E] =	sst s1;
	(tag) =	ssettag s2;
	_ =	strace s9  }
0x27: {  	s1 =	sld [smem:$0x3FAE]  }
0x28: {  	s2 =	sld [smem:$0x3FAF]  }
0x29: {  	s4 =	sld [smem:$0x3FB1]  }
0x2a: {  	p0 =	seq.s32 s5, $0x0;
	s5 =	sld [smem:$0x3FB2]  }
0x2b: {  	s6 =	sld [smem:$0x3FB3]  }
0x2c: {  	s7 =	sld [smem:$0x3FB4]  }
0x2d: {  	s3 =	simm.s32 $0x108;
	s8 =	sld [smem:$0x3FB5]  }
0x2e: {  	s3 =	simm.s32 @!p0 $0x1082;
	s9 =	sld [smem:$0x3FB6]  }
0x2f: {  	lr =	sadd.s32 s0, s3;
	s0 =	sld [smem:$0x3FAD]  }
0x30: {  	s3 =	sld [smem:$0x3FB0]  }
0x31: {  	[smem:$0x3FB9] =	sst s10  }
0x32: {  	s10 =	sld [smem:$0x3FB7];
	_ =	sdelay $0x3  }
0x33: {  	p0 =	seq.s32 s10, $0x1;
	s10 =	sld [smem:$0x3FB9];
	_ =	sdelay $0x3  }
0x34: {  	[smem:$0x3FB9] =	sst s10  }
0x35: {  	s10 =	sld [smem:$0x3FB8];
	_ =	sdelay $0x3  }
0x36: {  	p1 =	seq.s32 s10, $0x1;
	s10 =	sld [smem:$0x3FB9];
	_ =	sdelay $0x3  }
0x37: {  	[smem:$0x3FB9] =	sst s10  }
0x38: {  	s10 =	sld [smem:$0x3FBA]  }
0x39: {  	_ = 	snop;
	(pc) =	sbr.ind lr, $3  }
0x3a: {  	_ = 	snop  }
0x3b: {  	_ = 	snop  }
0x3c: {  	p2 =	seq.s32 s10, $0x1;
	s10 =	sld [smem:$0x3FB9]  }
0x3d: {  	_ =	shalt  }
0x3e: {  	_ =	shalt  }
0x3f: {  	_ =	shalt  }
0x40: {  	_ =	shalt  }
0x41: {  	_ =	shalt  }
0x42: {  	_ =	shalt  }
0x43: {  	_ =	shalt  }
0x44: {  	_ =	shalt  }
0x45: {  	_ =	shalt  }
0x46: {  	_ =	shalt  }
0x47: {  	_ =	shalt  }
0x48: {  	_ =	shalt  }
0x49: {  	_ =	shalt  }
0x4a: {  	_ =	shalt  }
0x4b: {  	_ =	shalt  }
0x4c: {  	_ =	shalt  }
0x4d: {  	_ =	shalt  }
0x4e: {  	_ =	shalt  }
0x4f: {  	_ =	shalt  }
0x50: {  	_ =	shalt  }
0x51: {  	_ =	shalt  }
0x52: {  	_ =	shalt  }
0x53: {  	_ =	shalt  }
0x54: {  	_ =	shalt  }
0x55: {  	_ =	shalt  }
0x56: {  	_ =	shalt  }
0x57: {  	_ =	shalt  }
0x58: {  	_ =	shalt  }
0x59: {  	_ =	shalt  }
0x5a: {  	_ =	shalt  }
0x5b: {  	_ =	shalt  }
0x5c: {  	_ =	shalt  }
0x5d: {  	_ =	shalt  }
0x5e: {  	_ =	shalt  }
0x5f: {  	_ =	shalt  }
0x60: {  	_ =	shalt  }
0x61: {  	_ =	shalt  }
0x62: {  	_ =	shalt  }
0x63: {  	_ =	shalt  }
0x64: {  	_ =	shalt  }
0x65: {  	_ =	shalt  }
0x66: {  	_ =	shalt  }
0x67: {  	_ =	shalt  }
0x68: {  	_ =	shalt  }
0x69: {  	_ =	shalt  }
0x6a: {  	_ =	shalt  }
0x6b: {  	_ =	shalt  }
0x6c: {  	_ =	shalt  }
0x6d: {  	_ =	shalt  }
0x6e: {  	_ =	shalt  }
0x6f: {  	_ =	shalt  }
0x70: {  	_ =	shalt  }
0x71: {  	_ =	shalt  }
0x72: {  	_ =	shalt  }
0x73: {  	_ =	shalt  }
0x74: {  	_ =	shalt  }
0x75: {  	_ =	shalt  }
0x76: {  	_ =	shalt  }
0x77: {  	_ =	shalt  }
0x78: {  	_ =	shalt  }
0x79: {  	_ =	shalt  }
0x7a: {  	_ =	shalt  }
0x7b: {  	_ =	shalt  }
0x7c: {  	_ =	shalt  }
0x7d: {  	_ =	shalt  }
0x7e: {  	_ =	shalt  }
0x7f: {  	_ =	shalt  }
0x80: {  	_ =	shalt  }
0x81: {  	_ =	shalt  }
0x82: {  	_ =	shalt  }
0x83: {  	_ =	shalt  }
0x84: {  	_ =	shalt  }
0x85: {  	_ =	shalt  }
0x86: {  	_ =	shalt  }
0x87: {  	_ =	shalt  }
.Lfunc_end0:
.L_simem_size_0:
called_computation_lowered:
.L_overlay_start_0:
0x88: {  	s2 =	sld [smem:$0x3FD9]  }
0x89: {  	s3 =	sld [smem:$0x3FFE];
	_ =	sdelay $0x1  }
0x8a: {  	s1 =	srdreg.scid  }
0x8b: {  	s0 =	sand.u32 $0x1, s1  }
0x8c: {  	s18 =	sshll.u32 s0, $0xA;
	s2 =	sadd.s32 s3, s2  }
0x8d: {  	s2 =	sadd.s32 s2, s18  }
0x8e: {  	[smem:$0x3FC5] =	sst s2  }
0x8f: {  	_ = 	snop  }
0x90: {  	s2 =	sld [smem:$0x3FC9]  }
0x91: {  	s19 =	sld [smem:$0x3FC8]  }
0x92: {  	s4 =	sld [smem:$0x3FC7]  }
0x93: {  	s5 =	sld [smem:$0x3FD0];
	(tm) =	ssettm $0x1  }
0x94: {  	s6 =	sld [smem:$0x3FFB];
	_ =	sdelay $0x3  }
0x95: {  	_ =	strace s6  }
0x96: {  	s6 =	sld [smem:$0x3FFC];
	_ =	sdelay $0x3  }
0x97: {  	_ =	strace s6  }
0x98: {  	s6 =	sld [smem:$0x3FFD];
	_ =	sdelay $0x3  }
0x99: {  	_ =	strace s6  }
0x9a: {  	_ =	strace $0x8FFFFFFF  }
0x9b: {  	s20 =	sld [smem:$0x3FDB];
	_ =	sdelay $0x1  }
0x9c: {  	s7 =	simm.s32 $_scs_section_size  }
0x9d: {  	s8 =	simm.s32 $_size__tile_overlayer_lowered;
	s9 =	simm.s32 $_tile_overlayer_lowered  }
0x9e: {  	s23 =	simm.s32 $0x1BFF;
	s22 =	sshll.u32 s9, $0x1;
	s6 =	sadd.s32 s7, s20  }
0x9f: {  	s10 =	simm.s32 $0x0;
	s21 =	sshll.u32 s8, $0x1;
	s8 =	sadd.s32 s22, s6  }
0xa0: {  	[timem:s10], [sflag:s23] =	dma.local [hbm:s8], s21  }
0xa1: {  	_ =	swait.ge [sflag:s23], s21  }
0xa2: {  	s7 =	ssub.s32 $0x0, s21;
	[sflag:s23] =	ssyncset.done $0x0  }
0xa3: {  	[sflag:s23] =	ssyncadd.s32 s7;
	_ =	sdelay $0x1  }
0xa4: {  	s24 =	simm.s32 $0x1B8B  }
0xa5: {  	_ =	swait.ge [sflag:s24], $0x1  }
0xa6: {  	[sflag:s24] =	ssyncset.done $0x0  }
0xa7: {  	s25 =	simm.s32 $0x1B8E;
	[sflag:s24] =	ssyncadd.s32 $0xFFFFFFFF  }
0xa8: {  	s26 =	simm.s32 $execute0_lowered;
	[smem:$0x3FD2] =	sst s25  }
0xa9: {  	s7 =	sshll.u32 s26, $0x1;
	_ =	strace $0x80000046;
	[dreg:$0x1] =	wrdreg $0xFFFFFFFF  }
0xaa: {  	s28 =	simm.s32 $_size_execute0_lowered;
	s6 =	sadd.s32 s6, s7;
	[dreg:$0x0] =	wrdreg $0x0  }
0xab: {  	s7 =	sshll.u32 s28, $0x1;
	[dreg:$0x2] =	wrdreg s6  }
0xac: {  	[dreg:$0x3] =	wrdreg s7  }
0xad: {  	[dreg:$0x4] =	wrdreg $0xC0  }
0xae: {  	_ =	task [dreg:s10], $0x5FFFF  }
0xaf: {  	[dreg:$0x1] =	wrdreg $0xFFFFFFFF  }
0xb0: {  	[dreg:$0x0] =	wrdreg $0x60  }
0xb1: {  	[dreg:$0x2] =	wrdreg s2  }
0xb2: {  	[dreg:$0x3] =	wrdreg s19  }
0xb3: {  	[dreg:$0x4] =	wrdreg s4  }
0xb4: {  	[dreg:$0x5] =	wrdreg s5  }
0xb5: {  	[dreg:$0x6] =	wrdreg $0x9  }
0xb6: {  	_ =	task.clear_ibuf [dreg:s10], $0x7FFFF;
	_ =	strace $0x90000046  }
0xb7: {  	s29 =	simm.s32 $0x9;
	_ =	strace $0x80000048  }
0xb8: {  	_ =	swait.ge [sflag:s29], $0x1  }
0xb9: {  	[sflag:s29] =	ssyncadd.s32 $0xFFFFFFFF  }
0xba: {  	_ =	strace $0x90000048  }
0xbb: {  	_ =	sfence  }
0xbc: {  	s30 =	sld [smem:$0x0];
	_ =	sdelay $0x2  }
0xbd: {  	s31 =	sshll.u32 s1, $0xD;
	s1 =	sshrl.u32 s1, $0x2  }
0xbe: {  	s3 =	sand.u32 $0x4000, s31;
	s1 =	sadd.s32 s1, s30  }
0xbf: {  	s0 =	sor.u32 s3, s0;
	s1 =	sshll.u32 s1, $0x11  }
0xc0: {  	s0 =	sor.u32 s1, s0  }
0xc1: {  	s0 =	sadd.s32 $0x8F2B, s0  }
0xc2: {  	[sflag:s0] =	ssyncadd.remote.s32 $0x1  }
0xc3: {  	_ =	sfence.sel $0xFFFF  }
0xc4: {  	[dreg:$0x0] =	wrdreg $0xFFFFFFFF;
	(pc) =	sbr.abs _section_cstart, $3  }
0xc5: {  	[dreg:$0x1] =	wrdreg $0xFFFFFFFF  }
0xc6: {  	_ =	task.clear_ibuf [dreg:s10], $0x2FFFF;
	_ =	strace $0x9FFFFFFF  }
0xc7: {  	(tm) =	ssettm $0x7FFFFFFF  }
tec
execute0_lowered:
.L_overlay_start_1:
0x0: {  	(tag) =	ssettag $0x1  }
0x1: {  	s0 =	srdreg.scid;
	s4 =	stileid.u32  }
0x2: {  	s6 =	rddreg [dreg:$0x0];
	s0 =	sand.u32 $0x1, s0;
	s1 =	sshll.u32 s4, $0x1  }
0x3: {  	s8 =	rddreg [dreg:$0x1];
	s1 =	sor.u32 s0, s1  }
0x4: {  	s10 =	rddreg [dreg:$0x3];
	s7 =	simm.s32 $0x0;
	s2 =	smul.u32 $0x9, s1  }
0x5: {  	[smem:$0x7FF] =	sst s7  }
0x6: {  	s9 =	sadd.s32 $0x1000, s10;
	[dreg:$0x5] =	wrdreg s2  }
0x7: {  	s11 =	sadd.s32 $0x1800, s10;
	_ =	strace $0x80000047;
	[dreg:$0x9] =	wrdreg s9  }
0x8: {  	s12 =	sadd.s32 $0x100, s10;
	[dreg:$0xa] =	wrdreg s11  }
0x9: {  	s13 =	sadd.s32 $0x900, s10;
	[dreg:$0xb] =	wrdreg s12  }
0xa: {  	s14 =	sadd.s32 $0x1100, s10;
	[dreg:$0xc] =	wrdreg s13  }
0xb: {  	s15 =	sadd.s32 $0x1900, s10;
	[dreg:$0xd] =	wrdreg s14  }
0xc: {  	s16 =	sadd.s32 $0x200, s10;
	[dreg:$0xe] =	wrdreg s15  }
0xd: {  	s4 =	sshrl.u32 s4, $0x2;
	s17 =	sadd.s32 $0xA00, s10;
	[dreg:$0xf] =	wrdreg s16  }
0xe: {  	s18 =	sadd.s32 $0x1200, s10;
	s19 =	sadd.s32 $0x1A00, s10;
	[dreg:$0x10] =	wrdreg s17  }
0xf: {  	s20 =	sadd.s32 $0x300, s10;
	s21 =	sadd.s32 $0xB00, s10;
	[dreg:$0x11] =	wrdreg s18  }
0x10: {  	s22 =	sadd.s32 $0x1300, s10;
	s23 =	sadd.s32 $0x1B00, s10;
	[dreg:$0x12] =	wrdreg s19  }
0x11: {  	s24 =	sadd.s32 $0x400, s10;
	s0 =	ssub.s32 $0x2, s0;
	[dreg:$0x13] =	wrdreg s20  }
0x12: {  	s25 =	sadd.s32 $0xC00, s10;
	s31 =	sshrl.u32 s0, $0x1;
	[dreg:$0x14] =	wrdreg s21  }
0x13: {  	s26 =	sadd.s32 $0x1400, s10;
	s0 =	ssub.s32 s0, s31;
	[dreg:$0x15] =	wrdreg s22  }
0x14: {  	s5 =	smul.u32 $0x120, s4;
	s0 =	smax.u32 s0, $0x1;
	[dreg:$0x16] =	wrdreg s23  }
0x15: {  	s28 =	sadd.s32 $0x1C00, s10;
	s29 =	smul.u32 $0x48000, s4;
	[dreg:$0x17] =	wrdreg s0  }
0x16: {  	s4 =	sadd.s32 $0x700, s10;
	s1 =	sshll.u32 s1, $0x2;
	[dreg:$0x18] =	wrdreg s24  }
0x17: {  	s1 =	sand.u32 $0x1C, s1;
	s2 =	sshrl.u32 s2, $0x3;
	[dreg:$0x19] =	wrdreg s25  }
0x18: {  	s31 =	sadd.s32 $0x1500, s10;
	s3 =	smul.u32 $0x39, s2;
	[dreg:$0x1a] =	wrdreg s26  }
0x19: {  	s1 =	sor.u32 s5, s1;
	s5 =	sadd.s32 $0x1D00, s10;
	[dreg:$0x1b] =	wrdreg s28  }
0x1a: {  	s1 =	sshll.u32 s1, $0xB;
	[dreg:$0x1e] =	wrdreg s31;
	s3 =	sshrl.u32 s3, $0x9  }
0x1b: {  	s9 =	sadd.s32 $0xE00, s10;
	s25 =	sadd.s32 $0x1600, s10;
	s3 =	sand.u32 $0x7F, s3  }
0x1c: {  	s11 =	simm.s32 $0x1C000;
	s12 =	simm.s32 $0x1;
	s3 =	smul.u32 $0x9, s3  }
0x1d: {  	s13 =	simm.s32 $0x2;
	s14 =	simm.s32 $0x18000;
	s15 =	simm.s32 $0x18800  }
0x1e: {  	s16 =	simm.s32 $0x19000;
	s17 =	simm.s32 $0x19800;
	s2 =	ssub.s32 s2, s3  }
0x1f: {  	s18 =	simm.s32 $0x1A000;
	s19 =	simm.s32 $0x1A800;
	s2 =	sand.u32 $0xFF, s2  }
0x20: {  	s20 =	simm.s32 $0x1B000;
	s21 =	simm.s32 $0x1B800;
	s30 =	sshll.u32 s2, $0xF  }
0x21: {  	s2 =	sshll.u32 s2, $0x10;
	s3 =	sadd.s32 s29, s30;
	s29 =	sadd.s32 $0x500, s10  }
0x22: {  	s1 =	sadd.s32 s1, s2;
	s30 =	sadd.s32 $0xD00, s10;
	[dreg:$0x1c] =	wrdreg s29  }
0x23: {  	s1 =	sadd.s32 s6, s1;
	s6 =	sshrl.u32 s3, $0x3;
	[dreg:$0x1d] =	wrdreg s30  }
0x24: {  	s22 =	simm.s32 $0x3;
	[dreg:$0x6] =	wrdreg s1;
	s1 =	sadd.s32 s8, s6  }
0x25: {  	s2 =	sadd.s32 $0x1E00, s10;
	s8 =	sadd.s32 $0x800, s10;
	[dreg:$0x7] =	wrdreg s1  }
0x26: {  	s3 =	simm.s32 $0x0;
	s6 =	sadd.s32 $0xF00, s10;
	[dreg:$0x8] =	wrdreg s8  }
0x27: {  	v0 =	vimm.s32 $0x0;
	s8 =	sadd.s32 $0x600, s10;
	s1 =	sadd.s32 $0x1700, s10;
	s10 =	sadd.s32 $0x1F00, s10  }
.LBB2_1:
0x28: {  	[dreg:$0x1f] =	wrdreg s3  }
0x29: {  	s0 =	rddreg [dreg:$0x2];
	s28 =	simm.s32 $0x4  }
0x2a: {  	[tilespmem:s11], [sflag:$0x4] =	stream.linear.gather [hbm4b:s0+s7], $0x180, $0x38;
	[tilespmem:$0x1C180] =	vst v63  }
0x2b: {  	_ =	swait.ge [sflag:s28], $0x180  }
0x2c: {  	[sflag:s28] =	ssyncset.done $0x0  }
0x2d: {  	s29 =	rddreg [dreg:$0x6];
	[sflag:s28] =	ssyncadd.s32 $0xFFFFFE80  }
0x2e: {  	[tilespmem:s7], [sflag:$0x1] =	stream.linear.gather [hbm4b:s29+s7], $0x10000, $0x38;
	[tilespmem:$0x1C180] =	vst v63  }
0x2f: {  	s31 =	simm.s32 $0x10000;
	s23 =	simm.s32 $0x0;
	s30 =	rddreg [dreg:$0x7]  }
0x30: {  	[tilespmem:s31], [sflag:$0x2] =	stream.linear.gather [hbm4b:s30+s7], $0x8000, $0x38;
	[tilespmem:$0x1C180] =	vst v63  }
.LBB2_2:
0x31: {  	_ =	swait.ge [sflag:s12], $0x10000  }
0x32: {  	[sflag:s12] =	ssyncset.done $0x0  }
0x33: {  	[sflag:s12] =	ssyncadd.s32 $0xFFFF0000  }
0x34: {  	_ =	swait.ge [sflag:s13], $0x8000  }
0x35: {  	s3 =	simm.s32 $0x0;
	[sflag:s13] =	ssyncset.done $0x0  }
0x36: {  	s28 =	sand.u32 $0x7F0, s3;
	[sflag:s13] =	ssyncadd.s32 $0xFFFF8000  }
0x37: {  	v1 =	vld [tilespmem:s28+$0x14000]  }
0x38: {  	s26 =	simm.s32 $0x10000  }
0x39: {  	v2 =	vld [tilespmem:s26+$0x0];
	_ =	sdelay $0x2  }
0x3a: {  	v3 =	vtrunc.f32 v1  }
0x3b: {  	v3 =	vcvt.f32.s32 v3  }
0x3c: {  	v4 =	vtrunc.f32 v2  }
0x3d: {  	v4 =	vcvt.f32.s32 v4;
	v5 =	vcvt.s32.f32 v3;
	_ =	sdelay $0x1  }
0x3e: {  	v6 =	vcvt.s32.f32 v4;
	vm0 =	vlt.f32 v1, v5  }
0x3f: {  	v7 =	vsel vm0, $0xFFFFFFFF, v0  }
0x40: {  	vm1 =	vlt.f32 v2, v6;
	v3 =	vadd.s32 v3, v7  }
0x41: {  	v7 =	vsel vm1, $0xFFFFFFFF, v0;
	v8 =	vadd.s32 $0x1, v3  }
0x42: {  	vm2 =	vgt.s32 v3, $0x0;
	v4 =	vadd.s32 v4, v7;
	vm3 =	vgt.s32 v8, $0x0  }
0x43: {  	s0 =	rddreg [dreg:$0x5];
	v3 =	vnsel vm2, $0x0, v3;
	vm14 =	vgt.s32 v4, $0x0;
	v7 =	vadd.s32 $0x1, v4  }
0x44: {  	s24 =	sadd.s32 s0, s23;
	v4 =	vnsel vm14, $0x0, v4;
	vm15 =	vgt.s32 v7, $0x0;
	v3 =	vmin.u32 v3, $0x7F  }
0x45: {  	s0 =	sshrl.u32 s24, $0x3;
	v11 =	vmin.u32 v4, $0x7F;
	v4 =	vnsel vm15, $0x0, v7;
	v10 =	vshll.u32 v3, $0x7  }
0x46: {  	s29 =	smulhi.u32 $0x1C71C71D, s0;
	v3 =	vnsel vm3, $0x0, v8;
	v12 =	vmin.u32 v4, $0x7F;
	v4 =	vor.u32 v11, v10  }
0x47: {  	v3 =	vmin.u32 v3, $0x7F;
	v7 =	vor.u32 v12, v10  }
0x48: {  	s29 =	smul.u32 $0x9, s29;
	v9 =	vadd.f32 $-1.000000000e+00, v6;
	v8 =	vadd.f32 $-1.000000000e+00, v5;
	v13 =	vshll.u32 v3, $0x7  }
0x49: {  	v3 =	vor.u32 v11, v13  }
0x4a: {  	s3 =	ssub.s32 s0, s29;
	s29 =	sshll.u32 s24, $0x2;
	v6 =	vsel vm1, v9, v6;
	v5 =	vsel vm0, v8, v5  }
0x4b: {  	s3 =	sshll.u32 s3, $0x5;
	s29 =	sand.u32 $0x1C, s29;
	v2 =	vsub.f32 v2, v6;
	v6 =	vor.u32 v12, v13;
	v1 =	vsub.f32 v1, v5;
	v4 =	vld.idx.msk [tilespmem:v4+s7+$0x0], $0xffff  }
0x4c: {  	s29 =	sor.u32 s29, s3;
	v8 =	vld.idx.msk [tilespmem:v7+s7+$0x0], $0xffff  }
0x4d: {  	v9 =	vsub.f32 $1.000000000e+00, v2;
	v5 =	vmov s29;
	v14 =	vsub.f32 $1.000000000e+00, v1  }
0x4e: {  	v15 =	vbroadcast v5, $0x0;
	v3 =	vld.idx.msk [tilespmem:v3+s7+$0x0], $0xffff  }
0x4f: {  	v7 =	vmul.f32 v14, v9;
	v5 =	vmul.f32 v14, v2  }
0x50: {  	v14 =	vld.idx.msk [tilespmem:v6+s7+$0x0], $0xffff;
	v6 =	vmul.f32 v9, v1  }
0x51: {  	v4 =	vmul.f32 v7, v4;
	v9 =	vmul.f32 v5, v8;
	_ =	sdelay $0x1  }
0x52: {  	s3 =	sor.u32 $0x1, s29;
	s0 =	sor.u32 $0x2, s29;
	v8 =	vmul.f32 v1, v2;
	v3 =	vmul.f32 v6, v3;
	v1 =	vadd.f32 v9, v4  }
0x53: {  	v16 =	vmov s3;
	v2 =	vld.idx.msk [tilespmem:v15+s11+$0x0], $0xffff;
	v4 =	vmov s0;
	s0 =	sor.u32 $0x3, s29  }
0x54: {  	v9 =	vmov s0;
	v1 =	vadd.f32 v1, v3;
	v3 =	vmul.f32 v8, v14  }
0x55: {  	v14 =	vor.u32 $0x4000, v10  }
0x56: {  	v15 =	vor.u32 v11, v14;
	v1 =	vadd.f32 v1, v3  }
0x57: {  	v14 =	vor.u32 v12, v14  }
0x58: {  	v59 =	vor.u32 $0x4000, v13;
	v3 =	vld.idx.msk [tilespmem:v16+s11+$0x0], $0xffff;
	v17 =	vadd.f32 v1, v2  }
0x59: {  	s30 =	simm.s32 $0x18000;
	v1 =	vld.idx.msk [tilespmem:v9+s11+$0x0], $0xffff;
	v9 =	vor.u32 v11, v59  }
0x5a: {  	v4 =	vld.idx.msk [tilespmem:v4+s11+$0x0], $0xffff;
	[tilespmem:s30+$0x0] =	vst v17  }
0x5b: {  	v16 =	vor.u32 v12, v59;
	v15 =	vld.idx.msk [tilespmem:v15+s7+$0x0], $0xffff  }
0x5c: {  	v14 =	vld.idx.msk [tilespmem:v14+s7+$0x0], $0xffff;
	_ =	sdelay $0x1  }
0x5d: {  	v9 =	vld.idx.msk [tilespmem:v9+s7+$0x0], $0xffff;
	_ =	sdelay $0x1  }
0x5e: {  	v16 =	vld.idx.msk [tilespmem:v16+s7+$0x0], $0xffff  }
0x5f: {  	v15 =	vmul.f32 v7, v15;
	v14 =	vmul.f32 v14, v5;
	_ =	sdelay $0x1  }
0x60: {  	v14 =	vadd.f32 v14, v15;
	v9 =	vmul.f32 v9, v6;
	_ =	sdelay $0x1  }
0x61: {  	v9 =	vadd.f32 v9, v14;
	v14 =	vmul.f32 v16, v8  }
0x62: {  	v15 =	vor.u32 $0x8000, v10  }
0x63: {  	v60 =	vor.u32 v11, v15;
	v9 =	vadd.f32 v14, v9  }
0x64: {  	v14 =	vor.u32 v12, v15  }
0x65: {  	v15 =	vor.u32 $0x8000, v13;
	v9 =	vadd.f32 v9, v3  }
0x66: {  	v61 =	vor.u32 v11, v15  }
0x67: {  	[tilespmem:s28+$0x18800] =	vst v9  }
0x68: {  	v9 =	vor.u32 v12, v15;
	v15 =	vld.idx.msk [tilespmem:v60+s7+$0x0], $0xffff  }
0x69: {  	v14 =	vld.idx.msk [tilespmem:v14+s7+$0x0], $0xffff;
	_ =	sdelay $0x1  }
0x6a: {  	v62 =	vld.idx.msk [tilespmem:v61+s7+$0x0], $0xffff;
	_ =	sdelay $0x1  }
0x6b: {  	v9 =	vld.idx.msk [tilespmem:v9+s7+$0x0], $0xffff  }
0x6c: {  	v15 =	vmul.f32 v15, v7;
	v14 =	vmul.f32 v14, v5;
	_ =	sdelay $0x1  }
0x6d: {  	v14 =	vadd.f32 v14, v15;
	v15 =	vmul.f32 v62, v6  }
0x6e: {  	v63 =	vor.u32 $0xC000, v10  }
0x6f: {  	v13 =	vor.u32 $0xC000, v13;
	v14 =	vadd.f32 v15, v14;
	v15 =	vmul.f32 v9, v8  }
0x70: {  	v10 =	vor.u32 v12, v13;
	v12 =	vor.u32 v12, v63  }
0x71: {  	s31 =	simm.s32 $0x10;
	v9 =	vor.u32 v11, v13;
	v11 =	vor.u32 v11, v63;
	v13 =	vadd.f32 v15, v14  }
.LBB2_3:
0x72: {  	p0 =	sne.s32 s31, $0x7F0;
	s26 =	sadd.s32 $0x10, s26;
	s30 =	sadd.s32 $0x10, s30  }
0x73: {  	s3 =	smov.u32 s31;
	s31 =	sadd.s32 $0x10, s31;
	v13 =	vadd.f32 v13, v4;
	_ =	sdelay $0x1  }
0x74: {  	s3 =	sand.u32 $0x7F0, s3;
	[tilespmem:s28+$0x19000] =	vst v13  }
0x75: {  	v11 =	vld.idx.msk [tilespmem:v11+s7+$0x0], $0xffff  }
0x76: {  	v12 =	vld.idx.msk [tilespmem:v12+s7+$0x0], $0xffff  }
0x77: {  	v9 =	vld.idx.msk [tilespmem:v9+s7+$0x0], $0xffff  }
0x78: {  	v10 =	vld.idx.msk [tilespmem:v10+s7+$0x0], $0xffff;
	_ =	sdelay $0x2  }
0x79: {  	v7 =	vmul.f32 v11, v7  }
0x7a: {  	v5 =	vmul.f32 v12, v5;
	_ =	sdelay $0x1  }
0x7b: {  	v6 =	vmul.f32 v9, v6;
	v5 =	vadd.f32 v5, v7;
	_ =	sdelay $0x1  }
0x7c: {  	v5 =	vadd.f32 v6, v5;
	v6 =	vmul.f32 v10, v8;
	_ =	sdelay $0x1  }
0x7d: {  	v5 =	vadd.f32 v6, v5;
	_ =	sdelay $0x1  }
0x7e: {  	v5 =	vadd.f32 v5, v1  }
0x7f: {  	v6 =	vld [tilespmem:s3+$0x14000]  }
0x80: {  	[tilespmem:s28+$0x19800] =	vst v5;
	s28 =	smov.u32 s3  }
0x81: {  	v5 =	vld [tilespmem:s26+$0x0];
	_ =	sdelay $0x2  }
0x82: {  	v7 =	vtrunc.f32 v6  }
0x83: {  	v7 =	vcvt.f32.s32 v7  }
0x84: {  	v8 =	vtrunc.f32 v5  }
0x85: {  	v8 =	vcvt.f32.s32 v8;
	v9 =	vcvt.s32.f32 v7;
	_ =	sdelay $0x1  }
0x86: {  	v10 =	vcvt.s32.f32 v8;
	vm0 =	vlt.f32 v6, v9;
	v11 =	vadd.f32 $-1.000000000e+00, v9  }
0x87: {  	v12 =	vsel vm0, $0xFFFFFFFF, v0  }
0x88: {  	vm1 =	vlt.f32 v5, v10;
	v13 =	vadd.f32 $-1.000000000e+00, v10;
	v7 =	vadd.s32 v7, v12  }
0x89: {  	v12 =	vsel vm1, $0xFFFFFFFF, v0;
	vm2 =	vgt.s32 v7, $0x0;
	v14 =	vadd.s32 $0x1, v7  }
0x8a: {  	v8 =	vadd.s32 v8, v12;
	v10 =	vsel vm1, v13, v10;
	vm1 =	vgt.s32 v14, $0x0  }
0x8b: {  	v7 =	vnsel vm2, $0x0, v7;
	vm3 =	vgt.s32 v8, $0x0;
	v12 =	vadd.s32 $0x1, v8  }
0x8c: {  	v7 =	vmin.u32 v7, $0x7F;
	v8 =	vnsel vm3, $0x0, v8;
	vm2 =	vgt.s32 v12, $0x0  }
0x8d: {  	v7 =	vshll.u32 v7, $0x7;
	v8 =	vmin.u32 v8, $0x7F;
	v12 =	vnsel vm2, $0x0, v12  }
0x8e: {  	v13 =	vnsel vm1, $0x0, v14;
	v12 =	vmin.u32 v12, $0x7F;
	v14 =	vor.u32 v8, v7  }
0x8f: {  	v15 =	vsub.f32 v5, v10;
	v5 =	vmin.u32 v13, $0x7F;
	v10 =	vor.u32 v12, v7  }
0x90: {  	v9 =	vsel vm0, v11, v9;
	v5 =	vshll.u32 v5, $0x7;
	v11 =	vor.u32 $0x4000, v7  }
0x91: {  	v13 =	vsub.f32 $1.000000000e+00, v15;
	v16 =	vor.u32 v8, v5;
	v17 =	vor.u32 v12, v5  }
0x92: {  	v18 =	vsub.f32 v6, v9;
	v19 =	vor.u32 v8, v11;
	v6 =	vor.u32 $0x4000, v5  }
0x93: {  	v20 =	vor.u32 v12, v11;
	v21 =	vor.u32 v8, v6;
	v22 =	vor.u32 v12, v6;
	v14 =	vld.idx.msk [tilespmem:v14+s7+$0x0], $0xffff  }
0x94: {  	v9 =	vor.u32 $0x8000, v5;
	v6 =	vor.u32 $0x8000, v7;
	v5 =	vor.u32 $0xC000, v5;
	v23 =	vld.idx.msk [tilespmem:v10+s7+$0x0], $0xffff  }
0x95: {  	v26 =	vor.u32 v8, v9;
	v24 =	vor.u32 v8, v6;
	v25 =	vor.u32 v12, v6  }
0x96: {  	v27 =	vor.u32 v12, v9;
	v6 =	vsub.f32 $1.000000000e+00, v18;
	v9 =	vor.u32 v8, v5;
	v16 =	vld.idx.msk [tilespmem:v16+s7+$0x0], $0xffff  }
0x97: {  	v28 =	vor.u32 $0xC000, v7;
	v10 =	vor.u32 v12, v5  }
0x98: {  	v11 =	vor.u32 v8, v28;
	v7 =	vmul.f32 v6, v13;
	v5 =	vmul.f32 v6, v15;
	v17 =	vld.idx.msk [tilespmem:v17+s7+$0x0], $0xffff  }
0x99: {  	v6 =	vmul.f32 v13, v18;
	v12 =	vor.u32 v12, v28  }
0x9a: {  	v13 =	vmul.f32 v7, v14;
	v14 =	vmul.f32 v5, v23;
	_ =	sdelay $0x1  }
0x9b: {  	v8 =	vmul.f32 v18, v15;
	v13 =	vadd.f32 v14, v13;
	v14 =	vmul.f32 v6, v16;
	_ =	sdelay $0x1  }
0x9c: {  	v13 =	vadd.f32 v13, v14;
	v14 =	vmul.f32 v8, v17;
	_ =	sdelay $0x1  }
0x9d: {  	v13 =	vadd.f32 v13, v14;
	_ =	sdelay $0x1  }
0x9e: {  	v13 =	vadd.f32 v13, v2;
	_ =	sdelay $0x1  }
0x9f: {  	[tilespmem:s30+$0x0] =	vst v13  }
0xa0: {  	v13 =	vld.idx.msk [tilespmem:v19+s7+$0x0], $0xffff  }
0xa1: {  	v14 =	vld.idx.msk [tilespmem:v20+s7+$0x0], $0xffff;
	_ =	sdelay $0x1  }
0xa2: {  	v15 =	vld.idx.msk [tilespmem:v21+s7+$0x0], $0xffff;
	_ =	sdelay $0x1  }
0xa3: {  	v16 =	vld.idx.msk [tilespmem:v22+s7+$0x0], $0xffff  }
0xa4: {  	v13 =	vmul.f32 v7, v13  }
0xa5: {  	v14 =	vmul.f32 v14, v5;
	_ =	sdelay $0x1  }
0xa6: {  	v13 =	vadd.f32 v14, v13;
	v14 =	vmul.f32 v15, v6;
	_ =	sdelay $0x1  }
0xa7: {  	v13 =	vadd.f32 v14, v13;
	v14 =	vmul.f32 v16, v8;
	_ =	sdelay $0x1  }
0xa8: {  	v13 =	vadd.f32 v14, v13;
	_ =	sdelay $0x1  }
0xa9: {  	v13 =	vadd.f32 v13, v3;
	_ =	sdelay $0x1  }
0xaa: {  	[tilespmem:s28+$0x18800] =	vst v13  }
0xab: {  	v13 =	vld.idx.msk [tilespmem:v24+s7+$0x0], $0xffff  }
0xac: {  	v14 =	vld.idx.msk [tilespmem:v25+s7+$0x0], $0xffff;
	_ =	sdelay $0x1  }
0xad: {  	v15 =	vld.idx.msk [tilespmem:v26+s7+$0x0], $0xffff;
	_ =	sdelay $0x1  }
0xae: {  	v16 =	vld.idx.msk [tilespmem:v27+s7+$0x0], $0xffff  }
0xaf: {  	v13 =	vmul.f32 v13, v7  }
0xb0: {  	v14 =	vmul.f32 v14, v5;
	_ =	sdelay $0x1  }
.Ltmp0:
0xb1: {  	v13 =	vadd.f32 v14, v13;
	v14 =	vmul.f32 v15, v6;
	(pc) =	sbr.rel @p0 .LBB2_3-.Ltmp0, $3  }
0xb2: {  	_ = 	snop  }
0xb3: {  	v13 =	vadd.f32 v14, v13;
	v14 =	vmul.f32 v16, v8;
	_ =	sdelay $0x1  }
0xb4: {  	v13 =	vadd.f32 v14, v13  }
0xb5: {  	_ = 	snop  }
0xb6: {  	v13 =	vadd.f32 v13, v4;
	_ =	sdelay $0x1  }
0xb7: {  	[tilespmem:s28+$0x19000] =	vst v13  }
0xb8: {  	v11 =	vld.idx.msk [tilespmem:v11+s7+$0x0], $0xffff  }
0xb9: {  	v12 =	vld.idx.msk [tilespmem:v12+s7+$0x0], $0xffff;
	_ =	sdelay $0x1  }
0xba: {  	v9 =	vld.idx.msk [tilespmem:v9+s7+$0x0], $0xffff;
	_ =	sdelay $0x1  }
0xbb: {  	v10 =	vld.idx.msk [tilespmem:v10+s7+$0x0], $0xffff  }
0xbc: {  	v7 =	vmul.f32 v11, v7;
	v5 =	vmul.f32 v12, v5;
	_ =	sdelay $0x1  }
0xbd: {  	s3 =	smulhi.u32 $0x38E38E39, s24;
	v6 =	vmul.f32 v9, v6;
	v5 =	vadd.f32 v5, v7;
	_ =	sdelay $0x1  }
0xbe: {  	s3 =	sshrl.u32 s3, $0x4;
	v5 =	vadd.f32 v6, v5;
	v6 =	vmul.f32 v10, v8  }
0xbf: {  	s3 =	smul.u32 $0x120, s3  }
0xc0: {  	v5 =	vadd.f32 v6, v5  }
0xc1: {  	s3 =	sadd.s32 s3, s29  }
0xc2: {  	s3 =	sshll.u32 s3, $0xB;
	v5 =	vadd.f32 v5, v1  }
0xc3: {  	s0 =	rddreg [dreg:$0x3];
	s26 =	sand.u32 $0x1FFFE000, s3  }
0xc4: {  	s3 =	sadd.s32 s0, s26;
	[tilespmem:s28+$0x19800] =	vst v5;
	s28 =	simm.s32 $0x0  }
0xc5: {  	[hbm4b:s3+s28] =	stream.linear.scatter [tilespmem:s14], [sflag:$0x3], $0x800, $0x38;
	[tilespmem:$0x1C180] =	vst v63  }
0xc6: {  	s3 =	rddreg [dreg:$0x8]  }
0xc7: {  	s31 =	rddreg [dreg:$0x9];
	s30 =	sadd.s32 s26, s3  }
0xc8: {  	[hbm4b:s30+s28] =	stream.linear.scatter [tilespmem:s15], [sflag:$0x3], $0x800, $0x38;
	[tilespmem:$0x1C180] =	vst v63  }
0xc9: {  	s0 =	sadd.s32 s26, s31;
	s3 =	rddreg [dreg:$0xa]  }
0xca: {  	[hbm4b:s0+s28] =	stream.linear.scatter [tilespmem:s16], [sflag:$0x3], $0x800, $0x38;
	[tilespmem:$0x1C180] =	vst v63  }
0xcb: {  	s30 =	sadd.s32 s26, s3  }
0xcc: {  	[hbm4b:s30+s28] =	stream.linear.scatter [tilespmem:s17], [sflag:$0x3], $0x800, $0x38;
	[tilespmem:$0x1C180] =	vst v63  }
0xcd: {  	s28 =	sand.u32 $0x7F0, s28  }
0xce: {  	v5 =	vld [tilespmem:s28+$0x10800]  }
0xcf: {  	v6 =	vld [tilespmem:s28+$0x14800];
	_ =	sdelay $0x3  }
0xd0: {  	v7 =	vtrunc.f32 v5  }
0xd1: {  	v8 =	vtrunc.f32 v6;
	v7 =	vcvt.f32.s32 v7  }
0xd2: {  	v8 =	vcvt.f32.s32 v8  }
0xd3: {  	v9 =	vcvt.s32.f32 v7  }
0xd4: {  	v10 =	vcvt.s32.f32 v8  }
0xd5: {  	vm0 =	vlt.f32 v5, v9  }
0xd6: {  	vm1 =	vlt.f32 v6, v10;
	v11 =	vsel vm0, $0xFFFFFFFF, v0  }
0xd7: {  	v7 =	vadd.s32 v7, v11;
	v11 =	vsel vm1, $0xFFFFFFFF, v0  }
0xd8: {  	v8 =	vadd.s32 v8, v11;
	v11 =	vadd.s32 $0x1, v7  }
0xd9: {  	vm2 =	vgt.s32 v11, $0x0;
	vm3 =	vgt.s32 v8, $0x0  }
0xda: {  	v11 =	vnsel vm2, $0x0, v11;
	vm2 =	vgt.s32 v7, $0x0;
	v12 =	vnsel vm3, $0x0, v8  }
0xdb: {  	v8 =	vadd.s32 $0x1, v8;
	v11 =	vmin.u32 v11, $0x7F;
	v12 =	vmin.u32 v12, $0x7F  }
0xdc: {  	v7 =	vnsel vm2, $0x0, v7;
	vm2 =	vgt.s32 v8, $0x0;
	v12 =	vshll.u32 v12, $0x7  }
0xdd: {  	v13 =	vmin.u32 v7, $0x7F;
	v8 =	vnsel vm2, $0x0, v8;
	v7 =	vor.u32 v11, v12  }
0xde: {  	v14 =	vor.u32 v13, v12;
	v8 =	vmin.u32 v8, $0x7F  }
0xdf: {  	v15 =	vadd.f32 $-1.000000000e+00, v9;
	v16 =	vadd.f32 $-1.000000000e+00, v10;
	v17 =	vshll.u32 v8, $0x7  }
0xe0: {  	v8 =	vor.u32 v13, v17  }
0xe1: {  	v9 =	vsel vm0, v15, v9;
	v10 =	vsel vm1, v16, v10  }
0xe2: {  	v5 =	vsub.f32 v5, v9;
	v6 =	vsub.f32 v6, v10;
	v9 =	vor.u32 v11, v17;
	v7 =	vld.idx.msk [tilespmem:v7+s7+$0x0], $0xffff  }
0xe3: {  	v10 =	vld.idx.msk [tilespmem:v14+s7+$0x0], $0xffff  }
0xe4: {  	v15 =	vsub.f32 $1.000000000e+00, v5;
	v14 =	vsub.f32 $1.000000000e+00, v6  }
0xe5: {  	v8 =	vld.idx.msk [tilespmem:v8+s7+$0x0], $0xffff  }
0xe6: {  	v16 =	vmul.f32 v14, v15;
	v14 =	vmul.f32 v14, v5  }
0xe7: {  	v19 =	vmul.f32 v15, v6;
	v9 =	vld.idx.msk [tilespmem:v9+s7+$0x0], $0xffff  }
0xe8: {  	v10 =	vmul.f32 v16, v10;
	v7 =	vmul.f32 v14, v7;
	_ =	sdelay $0x1  }
0xe9: {  	v5 =	vmul.f32 v6, v5;
	v6 =	vadd.f32 v7, v10;
	v7 =	vmul.f32 v19, v8;
	_ =	sdelay $0x1  }
0xea: {  	v6 =	vadd.f32 v6, v7;
	v7 =	vmul.f32 v5, v9  }
0xeb: {  	v8 =	vor.u32 $0x4000, v12  }
0xec: {  	v9 =	vor.u32 v13, v8;
	v6 =	vadd.f32 v6, v7  }
0xed: {  	v7 =	vor.u32 v11, v8  }
0xee: {  	v8 =	vor.u32 $0x4000, v17;
	v6 =	vadd.f32 v6, v2  }
0xef: {  	v10 =	vor.u32 v13, v8  }
0xf0: {  	[tilespmem:s28+$0x1A000] =	vst v6  }
0xf1: {  	v6 =	vor.u32 v11, v8;
	v8 =	vld.idx.msk [tilespmem:v9+s7+$0x0], $0xffff  }
0xf2: {  	v7 =	vld.idx.msk [tilespmem:v7+s7+$0x0], $0xffff;
	_ =	sdelay $0x1  }
0xf3: {  	v9 =	vld.idx.msk [tilespmem:v10+s7+$0x0], $0xffff;
	_ =	sdelay $0x1  }
0xf4: {  	v6 =	vld.idx.msk [tilespmem:v6+s7+$0x0], $0xffff  }
0xf5: {  	v8 =	vmul.f32 v16, v8;
	v7 =	vmul.f32 v7, v14;
	_ =	sdelay $0x1  }
0xf6: {  	v7 =	vadd.f32 v7, v8;
	v8 =	vmul.f32 v9, v19;
	_ =	sdelay $0x1  }
0xf7: {  	v7 =	vadd.f32 v8, v7;
	v6 =	vmul.f32 v6, v5  }
0xf8: {  	v8 =	vor.u32 $0x8000, v12  }
0xf9: {  	v9 =	vor.u32 v13, v8;
	v6 =	vadd.f32 v6, v7  }
0xfa: {  	v7 =	vor.u32 v11, v8  }
0xfb: {  	v8 =	vor.u32 $0x8000, v17;
	v6 =	vadd.f32 v6, v3  }
0xfc: {  	v10 =	vor.u32 v13, v8  }
0xfd: {  	[tilespmem:s28+$0x1A800] =	vst v6  }
0xfe: {  	v6 =	vor.u32 v11, v8;
	v8 =	vld.idx.msk [tilespmem:v9+s7+$0x0], $0xffff  }
0xff: {  	v7 =	vld.idx.msk [tilespmem:v7+s7+$0x0], $0xffff;
	_ =	sdelay $0x1  }
0x100: {  	v9 =	vld.idx.msk [tilespmem:v10+s7+$0x0], $0xffff;
	_ =	sdelay $0x1  }
0x101: {  	v6 =	vld.idx.msk [tilespmem:v6+s7+$0x0], $0xffff  }
0x102: {  	v8 =	vmul.f32 v8, v16;
	v7 =	vmul.f32 v7, v14  }
0x103: {  	s31 =	simm.s32 $0x10  }
0x104: {  	s29 =	sand.u32 $0x7F0, s31;
	v9 =	vmul.f32 v9, v19;
	v10 =	vadd.f32 v7, v8  }
0x105: {  	v8 =	vld [tilespmem:s29+$0x10800]  }
0x106: {  	v7 =	vld [tilespmem:s29+$0x14800];
	v9 =	vadd.f32 v9, v10;
	v6 =	vmul.f32 v6, v5  }
0x107: {  	v10 =	vor.u32 $0xC000, v12  }
0x108: {  	v15 =	vor.u32 v11, v10;
	v6 =	vadd.f32 v6, v9  }
0x109: {  	v12 =	vor.u32 $0xC000, v17  }
0x10a: {  	v10 =	vor.u32 v13, v10;
	v9 =	vtrunc.f32 v8;
	v6 =	vadd.f32 v6, v4  }
0x10b: {  	v17 =	vor.u32 v13, v12;
	v13 =	vcvt.f32.s32 v9;
	v9 =	vtrunc.f32 v7  }
0x10c: {  	v18 =	vcvt.f32.s32 v9;
	[tilespmem:s28+$0x1B000] =	vst v6  }
0x10d: {  	v20 =	vor.u32 v11, v12;
	v6 =	vcvt.s32.f32 v13;
	v15 =	vld.idx.msk [tilespmem:v15+s7+$0x0], $0xffff  }
0x10e: {  	v9 =	vcvt.s32.f32 v18  }
0x10f: {  	v21 =	vld.idx.msk [tilespmem:v10+s7+$0x0], $0xffff;
	vm1 =	vlt.f32 v8, v6;
	v11 =	vadd.f32 $-1.000000000e+00, v6  }
0x110: {  	v22 =	vld.idx.msk [tilespmem:v17+s7+$0x0], $0xffff;
	v12 =	vsel vm1, $0xFFFFFFFF, v0;
	vm0 =	vlt.f32 v7, v9;
	v10 =	vadd.f32 $-1.000000000e+00, v9  }
0x111: {  	v13 =	vadd.s32 v13, v12;
	v11 =	vsel vm1, v11, v6;
	v6 =	vsel vm0, $0xFFFFFFFF, v0  }
0x112: {  	v12 =	vadd.s32 v18, v6;
	v6 =	vadd.s32 $0x1, v13;
	v15 =	vmul.f32 v15, v14;
	v14 =	vld.idx.msk [tilespmem:v20+s7+$0x0], $0xffff  }
0x113: {  	vm1 =	vgt.s32 v13, $0x0;
	vm2 =	vgt.s32 v6, $0x0;
	vm3 =	vgt.s32 v12, $0x0  }
0x114: {  	v17 =	vmul.f32 v21, v16;
	v6 =	vnsel vm2, $0x0, v6;
	v18 =	vnsel vm3, $0x0, v12  }
0x115: {  	s3 =	simm.s32 $0x20;
	v16 =	vmul.f32 v22, v19;
	v6 =	vmin.u32 v6, $0x7F;
	v18 =	vmin.u32 v18, $0x7F  }
.LBB2_5:
0x116: {  	p0 =	sne.s32 s3, $0x7F0;
	v13 =	vnsel vm1, $0x0, v13;
	v18 =	vshll.u32 v18, $0x7;
	v15 =	vadd.f32 v15, v17;
	s30 =	smov.u32 s3;
	s3 =	sadd.s32 $0x10, s3  }
0x117: {  	v5 =	vmul.f32 v14, v5;
	v13 =	vmin.u32 v13, $0x7F;
	v17 =	vor.u32 v6, v18  }
0x118: {  	v12 =	vadd.s32 $0x1, v12;
	v14 =	vor.u32 v13, v18;
	v15 =	vadd.f32 v16, v15  }
0x119: {  	v9 =	vsel vm0, v10, v9;
	v8 =	vsub.f32 v8, v11;
	vm0 =	vgt.s32 v12, $0x0  }
0x11a: {  	v7 =	vsub.f32 v7, v9;
	v9 =	vnsel vm0, $0x0, v12;
	v5 =	vadd.f32 v5, v15  }
0x11b: {  	v10 =	vor.u32 $0x4000, v18;
	v11 =	vor.u32 $0x8000, v18;
	v9 =	vmin.u32 v9, $0x7F  }
0x11c: {  	v12 =	vsub.f32 $1.000000000e+00, v7;
	v9 =	vshll.u32 v9, $0x7;
	v5 =	vadd.f32 v5, v1  }
0x11d: {  	v15 =	vor.u32 v13, v9;
	v16 =	vor.u32 v6, v9;
	v19 =	vor.u32 $0x4000, v9  }
0x11e: {  	v20 =	vor.u32 v13, v10;
	v21 =	vor.u32 v13, v19;
	v19 =	vor.u32 v6, v19;
	[tilespmem:s28+$0x1B800] =	vst v5;
	s28 =	smov.u32 s29  }
0x11f: {  	v10 =	vor.u32 v6, v10;
	v22 =	vor.u32 $0x8000, v9;
	v5 =	vld.idx.msk [tilespmem:v17+s7+$0x0], $0xffff;
	v17 =	vor.u32 v13, v11  }
0x120: {  	v23 =	vor.u32 v13, v22;
	v22 =	vor.u32 v6, v22;
	v11 =	vor.u32 v6, v11;
	v14 =	vld.idx.msk [tilespmem:v14+s7+$0x0], $0xffff  }
0x121: {  	v18 =	vor.u32 $0xC000, v18;
	v9 =	vor.u32 $0xC000, v9  }
0x122: {  	v24 =	vsub.f32 $1.000000000e+00, v8;
	v25 =	vor.u32 v13, v9;
	v26 =	vor.u32 v6, v9;
	v15 =	vld.idx.msk [tilespmem:v15+s7+$0x0], $0xffff  }
0x123: {  	v13 =	vor.u32 v13, v18;
	v6 =	vor.u32 v6, v18  }
0x124: {  	v27 =	vmul.f32 v12, v8;
	v18 =	vmul.f32 v12, v24;
	v9 =	vld.idx.msk [tilespmem:v16+s7+$0x0], $0xffff  }
0x125: {  	v16 =	vmul.f32 v24, v7  }
0x126: {  	v12 =	vmul.f32 v18, v14;
	v14 =	vmul.f32 v27, v5;
	_ =	sdelay $0x1  }
0x127: {  	v5 =	vmul.f32 v7, v8;
	v7 =	vadd.f32 v14, v12;
	v8 =	vmul.f32 v16, v15;
	_ =	sdelay $0x1  }
0x128: {  	v7 =	vadd.f32 v7, v8;
	v8 =	vmul.f32 v5, v9;
	_ =	sdelay $0x1  }
0x129: {  	v7 =	vadd.f32 v7, v8;
	_ =	sdelay $0x1  }
0x12a: {  	v7 =	vadd.f32 v7, v2;
	_ =	sdelay $0x1  }
0x12b: {  	[tilespmem:s28+$0x1A000] =	vst v7  }
0x12c: {  	v7 =	vld.idx.msk [tilespmem:v20+s7+$0x0], $0xffff  }
0x12d: {  	v8 =	vld.idx.msk [tilespmem:v10+s7+$0x0], $0xffff;
	_ =	sdelay $0x1  }
0x12e: {  	v9 =	vld.idx.msk [tilespmem:v21+s7+$0x0], $0xffff;
	_ =	sdelay $0x1  }
0x12f: {  	v10 =	vld.idx.msk [tilespmem:v19+s7+$0x0], $0xffff;
	_ =	sdelay $0x1  }
0x130: {  	v7 =	vmul.f32 v18, v7;
	v8 =	vmul.f32 v8, v27;
	_ =	sdelay $0x1  }
0x131: {  	v7 =	vadd.f32 v8, v7;
	v8 =	vmul.f32 v9, v16;
	_ =	sdelay $0x1  }
0x132: {  	v7 =	vadd.f32 v8, v7;
	v8 =	vmul.f32 v10, v5;
	_ =	sdelay $0x1  }
0x133: {  	v7 =	vadd.f32 v8, v7;
	_ =	sdelay $0x1  }
0x134: {  	v7 =	vadd.f32 v7, v3;
	_ =	sdelay $0x1  }
0x135: {  	[tilespmem:s28+$0x1A800] =	vst v7  }
0x136: {  	v7 =	vld.idx.msk [tilespmem:v17+s7+$0x0], $0xffff  }
0x137: {  	v8 =	vld.idx.msk [tilespmem:v11+s7+$0x0], $0xffff;
	_ =	sdelay $0x1  }
0x138: {  	v9 =	vld.idx.msk [tilespmem:v23+s7+$0x0], $0xffff;
	_ =	sdelay $0x1  }
0x139: {  	v10 =	vld.idx.msk [tilespmem:v22+s7+$0x0], $0xffff  }
0x13a: {  	v7 =	vmul.f32 v7, v18  }
0x13b: {  	v8 =	vmul.f32 v8, v27;
	_ =	sdelay $0x1  }
0x13c: {  	s29 =	sand.u32 $0x7F0, s30;
	v11 =	vadd.f32 v8, v7;
	v9 =	vmul.f32 v9, v16  }
0x13d: {  	v8 =	vld [tilespmem:s29+$0x10800]  }
0x13e: {  	v9 =	vadd.f32 v9, v11;
	v10 =	vmul.f32 v10, v5;
	v7 =	vld [tilespmem:s29+$0x14800];
	_ =	sdelay $0x1  }
0x13f: {  	v9 =	vadd.f32 v10, v9;
	_ =	sdelay $0x1  }
0x140: {  	v9 =	vadd.f32 v9, v4;
	v10 =	vtrunc.f32 v8  }
0x141: {  	v11 =	vcvt.f32.s32 v10;
	v10 =	vtrunc.f32 v7  }
0x142: {  	v12 =	vcvt.f32.s32 v10;
	[tilespmem:s28+$0x1B000] =	vst v9  }
0x143: {  	v15 =	vcvt.s32.f32 v11;
	v6 =	vld.idx.msk [tilespmem:v6+s7+$0x0], $0xffff  }
0x144: {  	v9 =	vcvt.s32.f32 v12;
	v17 =	vld.idx.msk [tilespmem:v13+s7+$0x0], $0xffff  }
0x145: {  	vm1 =	vlt.f32 v8, v15;
	v19 =	vadd.f32 $-1.000000000e+00, v15;
	v20 =	vld.idx.msk [tilespmem:v25+s7+$0x0], $0xffff  }
0x146: {  	v13 =	vsel vm1, $0xFFFFFFFF, v0;
	vm0 =	vlt.f32 v7, v9;
	v10 =	vadd.f32 $-1.000000000e+00, v9;
	v14 =	vld.idx.msk [tilespmem:v26+s7+$0x0], $0xffff  }
.Ltmp1:
0x147: {  	v13 =	vadd.s32 v11, v13;
	v11 =	vsel vm1, v19, v15;
	v15 =	vsel vm0, $0xFFFFFFFF, v0;
	(pc) =	sbr.rel @p0 .LBB2_5-.Ltmp1, $4  }
0x148: {  	v12 =	vadd.s32 v12, v15;
	vm1 =	vgt.s32 v13, $0x0;
	v19 =	vadd.s32 $0x1, v13  }
0x149: {  	v15 =	vmul.f32 v6, v27;
	vm2 =	vgt.s32 v19, $0x0;
	vm3 =	vgt.s32 v12, $0x0  }
0x14a: {  	v17 =	vmul.f32 v17, v18;
	v6 =	vnsel vm2, $0x0, v19;
	v19 =	vnsel vm3, $0x0, v12  }
0x14b: {  	v16 =	vmul.f32 v20, v16;
	v6 =	vmin.u32 v6, $0x7F;
	v18 =	vmin.u32 v19, $0x7F  }
0x14c: {  	v15 =	vadd.f32 v15, v17  }
0x14d: {  	v13 =	vnsel vm1, $0x0, v13  }
0x14e: {  	v5 =	vmul.f32 v14, v5;
	v12 =	vadd.s32 $0x1, v12;
	v14 =	vadd.f32 v16, v15  }
0x14f: {  	v13 =	vmin.u32 v13, $0x7F;
	vm11 =	vgt.s32 v12, $0x0;
	v15 =	vshll.u32 v18, $0x7  }
0x150: {  	v12 =	vnsel vm11, $0x0, v12;
	v50 =	vor.u32 v6, v15;
	v5 =	vadd.f32 v5, v14  }
0x151: {  	v12 =	vmin.u32 v12, $0x7F;
	v14 =	vor.u32 v13, v15  }
0x152: {  	v12 =	vshll.u32 v12, $0x7;
	v5 =	vadd.f32 v5, v1  }
0x153: {  	v51 =	vor.u32 v13, v12  }
0x154: {  	v9 =	vsel vm0, v10, v9;
	[tilespmem:s28+$0x1B800] =	vst v5  }
0x155: {  	v7 =	vsub.f32 v7, v9;
	v5 =	vsub.f32 v8, v11;
	v8 =	vor.u32 v6, v12;
	v9 =	vld.idx.msk [tilespmem:v50+s7+$0x0], $0xffff  }
0x156: {  	v10 =	vld.idx.msk [tilespmem:v14+s7+$0x0], $0xffff  }
0x157: {  	v11 =	vsub.f32 $1.000000000e+00, v7;
	v14 =	vsub.f32 $1.000000000e+00, v5  }
0x158: {  	v52 =	vld.idx.msk [tilespmem:v51+s7+$0x0], $0xffff  }
0x159: {  	v53 =	vmul.f32 v11, v14;
	v11 =	vmul.f32 v11, v5  }
0x15a: {  	v14 =	vmul.f32 v14, v7;
	v8 =	vld.idx.msk [tilespmem:v8+s7+$0x0], $0xffff  }
0x15b: {  	v10 =	vmul.f32 v53, v10;
	v9 =	vmul.f32 v11, v9;
	_ =	sdelay $0x1  }
0x15c: {  	v5 =	vmul.f32 v7, v5;
	v7 =	vadd.f32 v9, v10;
	v9 =	vmul.f32 v14, v52;
	_ =	sdelay $0x1  }
0x15d: {  	v7 =	vadd.f32 v7, v9;
	v8 =	vmul.f32 v5, v8  }
0x15e: {  	v9 =	vor.u32 $0x4000, v15  }
0x15f: {  	v10 =	vor.u32 v13, v9;
	v7 =	vadd.f32 v7, v8  }
0x160: {  	v8 =	vor.u32 v6, v9  }
0x161: {  	v9 =	vor.u32 $0x4000, v12;
	v7 =	vadd.f32 v7, v2  }
0x162: {  	v54 =	vor.u32 v13, v9  }
0x163: {  	[tilespmem:s29+$0x1A000] =	vst v7  }
0x164: {  	v7 =	vor.u32 v6, v9;
	v9 =	vld.idx.msk [tilespmem:v10+s7+$0x0], $0xffff  }
0x165: {  	v8 =	vld.idx.msk [tilespmem:v8+s7+$0x0], $0xffff;
	_ =	sdelay $0x1  }
0x166: {  	v10 =	vld.idx.msk [tilespmem:v54+s7+$0x0], $0xffff;
	_ =	sdelay $0x1  }
0x167: {  	v7 =	vld.idx.msk [tilespmem:v7+s7+$0x0], $0xffff  }
0x168: {  	v9 =	vmul.f32 v53, v9;
	v8 =	vmul.f32 v8, v11;
	_ =	sdelay $0x1  }
0x169: {  	v8 =	vadd.f32 v8, v9;
	v9 =	vmul.f32 v10, v14;
	_ =	sdelay $0x1  }
0x16a: {  	v8 =	vadd.f32 v9, v8;
	v7 =	vmul.f32 v7, v5  }
0x16b: {  	v9 =	vor.u32 $0x8000, v15  }
0x16c: {  	v10 =	vor.u32 v13, v9;
	v7 =	vadd.f32 v7, v8  }
0x16d: {  	v8 =	vor.u32 v6, v9  }
0x16e: {  	v9 =	vor.u32 $0x8000, v12;
	v7 =	vadd.f32 v7, v3  }
0x16f: {  	v55 =	vor.u32 v13, v9  }
0x170: {  	[tilespmem:s29+$0x1A800] =	vst v7  }
0x171: {  	v7 =	vor.u32 v6, v9;
	v9 =	vld.idx.msk [tilespmem:v10+s7+$0x0], $0xffff  }
0x172: {  	v8 =	vld.idx.msk [tilespmem:v8+s7+$0x0], $0xffff;
	_ =	sdelay $0x1  }
0x173: {  	v10 =	vld.idx.msk [tilespmem:v55+s7+$0x0], $0xffff;
	_ =	sdelay $0x1  }
0x174: {  	v7 =	vld.idx.msk [tilespmem:v7+s7+$0x0], $0xffff  }
0x175: {  	v9 =	vmul.f32 v9, v53;
	v8 =	vmul.f32 v8, v11;
	_ =	sdelay $0x1  }
0x176: {  	v8 =	vadd.f32 v8, v9;
	v9 =	vmul.f32 v10, v14;
	_ =	sdelay $0x1  }
0x177: {  	v8 =	vadd.f32 v9, v8;
	v7 =	vmul.f32 v7, v5  }
0x178: {  	v9 =	vor.u32 $0xC000, v15  }
0x179: {  	v10 =	vor.u32 v6, v9;
	v7 =	vadd.f32 v7, v8  }
0x17a: {  	v8 =	vor.u32 v13, v9  }
0x17b: {  	v9 =	vor.u32 $0xC000, v12;
	v7 =	vadd.f32 v7, v4  }
0x17c: {  	v12 =	vor.u32 v13, v9  }
0x17d: {  	[tilespmem:s29+$0x1B000] =	vst v7  }
0x17e: {  	v6 =	vor.u32 v6, v9;
	v7 =	vld.idx.msk [tilespmem:v10+s7+$0x0], $0xffff  }
0x17f: {  	v8 =	vld.idx.msk [tilespmem:v8+s7+$0x0], $0xffff;
	_ =	sdelay $0x1  }
0x180: {  	v9 =	vld.idx.msk [tilespmem:v12+s7+$0x0], $0xffff;
	_ =	sdelay $0x1  }
0x181: {  	v6 =	vld.idx.msk [tilespmem:v6+s7+$0x0], $0xffff  }
0x182: {  	v7 =	vmul.f32 v7, v11;
	v8 =	vmul.f32 v8, v53;
	_ =	sdelay $0x1  }
0x183: {  	v9 =	vmul.f32 v9, v14;
	v7 =	vadd.f32 v7, v8;
	_ =	sdelay $0x1  }
0x184: {  	v5 =	vmul.f32 v6, v5;
	v6 =	vadd.f32 v9, v7;
	_ =	sdelay $0x1  }
0x185: {  	v5 =	vadd.f32 v5, v6;
	_ =	sdelay $0x1  }
0x186: {  	v5 =	vadd.f32 v5, v1  }
0x187: {  	s0 =	rddreg [dreg:$0xb]  }
0x188: {  	s3 =	sadd.s32 s26, s0;
	s28 =	simm.s32 $0x0;
	[tilespmem:s29+$0x1B800] =	vst v5  }
0x189: {  	[hbm4b:s3+s28] =	stream.linear.scatter [tilespmem:s18], [sflag:$0x3], $0x800, $0x38;
	[tilespmem:$0x1C180] =	vst v63  }
0x18a: {  	s3 =	rddreg [dreg:$0xc]  }
0x18b: {  	s0 =	sadd.s32 s26, s3;
	s3 =	rddreg [dreg:$0xd]  }
0x18c: {  	[hbm4b:s0+s28] =	stream.linear.scatter [tilespmem:s19], [sflag:$0x3], $0x800, $0x38;
	[tilespmem:$0x1C180] =	vst v63  }
0x18d: {  	s0 =	sadd.s32 s26, s3;
	s3 =	rddreg [dreg:$0xe]  }
0x18e: {  	[hbm4b:s0+s28] =	stream.linear.scatter [tilespmem:s20], [sflag:$0x3], $0x800, $0x38;
	[tilespmem:$0x1C180] =	vst v63  }
0x18f: {  	s0 =	sadd.s32 s26, s3  }
0x190: {  	[hbm4b:s0+s28] =	stream.linear.scatter [tilespmem:s21], [sflag:$0x3], $0x800, $0x38;
	[tilespmem:$0x1C180] =	vst v63  }
0x191: {  	_ =	swait.ge [sflag:s22], $0x800  }
0x192: {  	[sflag:s22] =	ssyncset.done $0x0  }
0x193: {  	[sflag:s22] =	ssyncadd.s32 $0xFFFFF800  }
0x194: {  	_ =	swait.ge [sflag:s22], $0x800  }
0x195: {  	[sflag:s22] =	ssyncset.done $0x0  }
0x196: {  	[sflag:s22] =	ssyncadd.s32 $0xFFFFF800  }
0x197: {  	_ =	swait.ge [sflag:s22], $0x800  }
0x198: {  	[sflag:s22] =	ssyncset.done $0x0  }
0x199: {  	[sflag:s22] =	ssyncadd.s32 $0xFFFFF800  }
0x19a: {  	_ =	swait.ge [sflag:s22], $0x800  }
0x19b: {  	[sflag:s22] =	ssyncset.done $0x0  }
0x19c: {  	s28 =	sand.u32 $0x7F0, s28;
	[sflag:s22] =	ssyncadd.s32 $0xFFFFF800  }
0x19d: {  	v5 =	vld [tilespmem:s28+$0x15000]  }
0x19e: {  	s29 =	simm.s32 $0x11000  }
0x19f: {  	v6 =	vld [tilespmem:s29+$0x0];
	_ =	sdelay $0x2  }
0x1a0: {  	v7 =	vtrunc.f32 v5  }
0x1a1: {  	v7 =	vcvt.f32.s32 v7  }
0x1a2: {  	v8 =	vtrunc.f32 v6  }
0x1a3: {  	v8 =	vcvt.f32.s32 v8;
	v9 =	vcvt.s32.f32 v7;
	_ =	sdelay $0x1  }
0x1a4: {  	v10 =	vcvt.s32.f32 v8;
	vm12 =	vlt.f32 v5, v9  }
0x1a5: {  	v11 =	vsel vm12, $0xFFFFFFFF, v0  }
0x1a6: {  	vm13 =	vlt.f32 v6, v10;
	v7 =	vadd.s32 v7, v11  }
0x1a7: {  	v11 =	vsel vm13, $0xFFFFFFFF, v0;
	v12 =	vadd.s32 $0x1, v7  }
0x1a8: {  	vm2 =	vgt.s32 v7, $0x0;
	v8 =	vadd.s32 v8, v11;
	vm3 =	vgt.s32 v12, $0x0  }
0x1a9: {  	v7 =	vnsel vm2, $0x0, v7;
	vm14 =	vgt.s32 v8, $0x0;
	v11 =	vadd.s32 $0x1, v8  }
0x1aa: {  	v8 =	vnsel vm14, $0x0, v8;
	vm15 =	vgt.s32 v11, $0x0;
	v7 =	vmin.u32 v7, $0x7F  }
0x1ab: {  	v13 =	vmin.u32 v8, $0x7F;
	v8 =	vnsel vm15, $0x0, v11;
	v11 =	vshll.u32 v7, $0x7  }
0x1ac: {  	v7 =	vnsel vm3, $0x0, v12;
	v14 =	vmin.u32 v8, $0x7F;
	v8 =	vor.u32 v13, v11  }
0x1ad: {  	v7 =	vmin.u32 v7, $0x7F;
	v12 =	vor.u32 v14, v11  }
0x1ae: {  	v15 =	vadd.f32 $-1.000000000e+00, v9;
	v56 =	vadd.f32 $-1.000000000e+00, v10;
	v57 =	vshll.u32 v7, $0x7  }
0x1af: {  	v7 =	vor.u32 v13, v57  }
0x1b0: {  	v10 =	vsel vm13, v56, v10;
	v9 =	vsel vm12, v15, v9  }
0x1b1: {  	v10 =	vsub.f32 v6, v10;
	v9 =	vsub.f32 v5, v9;
	v6 =	vor.u32 v14, v57;
	v8 =	vld.idx.msk [tilespmem:v8+s7+$0x0], $0xffff  }
0x1b2: {  	v12 =	vld.idx.msk [tilespmem:v12+s7+$0x0], $0xffff  }
0x1b3: {  	v15 =	vsub.f32 $1.000000000e+00, v10;
	v5 =	vsub.f32 $1.000000000e+00, v9  }
0x1b4: {  	v58 =	vld.idx.msk [tilespmem:v7+s7+$0x0], $0xffff  }
0x1b5: {  	v7 =	vmul.f32 v5, v15;
	v5 =	vmul.f32 v5, v10  }
0x1b6: {  	v59 =	vld.idx.msk [tilespmem:v6+s7+$0x0], $0xffff;
	v6 =	vmul.f32 v15, v9  }
0x1b7: {  	v15 =	vmul.f32 v7, v8;
	v12 =	vmul.f32 v5, v12;
	_ =	sdelay $0x1  }
0x1b8: {  	v8 =	vmul.f32 v9, v10;
	v10 =	vmul.f32 v6, v58;
	v9 =	vadd.f32 v12, v15;
	_ =	sdelay $0x1  }
0x1b9: {  	v9 =	vadd.f32 v9, v10;
	v10 =	vmul.f32 v8, v59  }
0x1ba: {  	v12 =	vor.u32 $0x4000, v11  }
0x1bb: {  	v15 =	vor.u32 v13, v12;
	v9 =	vadd.f32 v9, v10  }
0x1bc: {  	v10 =	vor.u32 v14, v12  }
0x1bd: {  	v12 =	vor.u32 $0x4000, v57;
	v9 =	vadd.f32 v9, v2  }
0x1be: {  	s30 =	simm.s32 $0x19000;
	v60 =	vor.u32 v13, v12  }
0x1bf: {  	[tilespmem:s30+$0xFFFFF000] =	vst v9  }
0x1c0: {  	v9 =	vor.u32 v14, v12;
	v12 =	vld.idx.msk [tilespmem:v15+s7+$0x0], $0xffff  }
0x1c1: {  	v10 =	vld.idx.msk [tilespmem:v10+s7+$0x0], $0xffff;
	_ =	sdelay $0x1  }
0x1c2: {  	v15 =	vld.idx.msk [tilespmem:v60+s7+$0x0], $0xffff;
	_ =	sdelay $0x1  }
0x1c3: {  	v9 =	vld.idx.msk [tilespmem:v9+s7+$0x0], $0xffff  }
0x1c4: {  	v12 =	vmul.f32 v7, v12;
	v10 =	vmul.f32 v10, v5;
	_ =	sdelay $0x1  }
0x1c5: {  	v10 =	vadd.f32 v10, v12;
	v12 =	vmul.f32 v15, v6;
	_ =	sdelay $0x1  }
0x1c6: {  	v10 =	vadd.f32 v12, v10;
	v9 =	vmul.f32 v9, v8  }
0x1c7: {  	v12 =	vor.u32 $0x8000, v11  }
0x1c8: {  	v15 =	vor.u32 v13, v12;
	v9 =	vadd.f32 v9, v10  }
0x1c9: {  	v10 =	vor.u32 v14, v12  }
0x1ca: {  	v12 =	vor.u32 $0x8000, v57;
	v9 =	vadd.f32 v9, v3  }
0x1cb: {  	v61 =	vor.u32 v13, v12  }
0x1cc: {  	[tilespmem:s28+$0x18800] =	vst v9  }
0x1cd: {  	v9 =	vor.u32 v14, v12;
	v12 =	vld.idx.msk [tilespmem:v15+s7+$0x0], $0xffff  }
0x1ce: {  	v10 =	vld.idx.msk [tilespmem:v10+s7+$0x0], $0xffff;
	_ =	sdelay $0x1  }
0x1cf: {  	v15 =	vld.idx.msk [tilespmem:v61+s7+$0x0], $0xffff;
	_ =	sdelay $0x1  }
0x1d0: {  	v9 =	vld.idx.msk [tilespmem:v9+s7+$0x0], $0xffff  }
0x1d1: {  	v12 =	vmul.f32 v12, v7;
	v10 =	vmul.f32 v10, v5;
	_ =	sdelay $0x1  }
0x1d2: {  	v10 =	vadd.f32 v10, v12;
	v12 =	vmul.f32 v15, v6;
	_ =	sdelay $0x1  }
0x1d3: {  	v15 =	vor.u32 $0xC000, v57;
	v62 =	vadd.f32 v12, v10;
	v63 =	vmul.f32 v9, v8  }
0x1d4: {  	v9 =	vor.u32 v13, v15;
	v12 =	vor.u32 $0xC000, v11;
	v10 =	vor.u32 v14, v15  }
0x1d5: {  	s31 =	simm.s32 $0x10;
	s3 =	simm.s32 $0x19000;
	v11 =	vor.u32 v13, v12;
	v12 =	vor.u32 v14, v12;
	v13 =	vadd.f32 v63, v62  }
.LBB2_7:
0x1d6: {  	p0 =	sne.s32 s31, $0x7F0;
	s30 =	sadd.s32 $0x10, s30;
	s29 =	sadd.s32 $0x10, s29  }
0x1d7: {  	s0 =	smov.u32 s31;
	s31 =	sadd.s32 $0x10, s31;
	v13 =	vadd.f32 v13, v4;
	_ =	sdelay $0x1  }
0x1d8: {  	s0 =	sand.u32 $0x7F0, s0;
	[tilespmem:s3+$0x0] =	vst v13;
	s3 =	smov.u32 s30  }
0x1d9: {  	v11 =	vld.idx.msk [tilespmem:v11+s7+$0x0], $0xffff  }
0x1da: {  	v12 =	vld.idx.msk [tilespmem:v12+s7+$0x0], $0xffff  }
0x1db: {  	v9 =	vld.idx.msk [tilespmem:v9+s7+$0x0], $0xffff  }
0x1dc: {  	v10 =	vld.idx.msk [tilespmem:v10+s7+$0x0], $0xffff;
	_ =	sdelay $0x2  }
0x1dd: {  	v7 =	vmul.f32 v11, v7  }
0x1de: {  	v5 =	vmul.f32 v12, v5;
	_ =	sdelay $0x1  }
0x1df: {  	v6 =	vmul.f32 v9, v6;
	v5 =	vadd.f32 v5, v7;
	_ =	sdelay $0x1  }
0x1e0: {  	v5 =	vadd.f32 v6, v5;
	v6 =	vmul.f32 v10, v8;
	_ =	sdelay $0x1  }
0x1e1: {  	v5 =	vadd.f32 v6, v5;
	_ =	sdelay $0x1  }
0x1e2: {  	v5 =	vadd.f32 v5, v1  }
0x1e3: {  	v6 =	vld [tilespmem:s0+$0x15000]  }
0x1e4: {  	[tilespmem:s28+$0x19800] =	vst v5;
	s28 =	smov.u32 s0  }
0x1e5: {  	v5 =	vld [tilespmem:s29+$0x0];
	_ =	sdelay $0x2  }
0x1e6: {  	v7 =	vtrunc.f32 v6  }
0x1e7: {  	v7 =	vcvt.f32.s32 v7  }
0x1e8: {  	v8 =	vtrunc.f32 v5  }
0x1e9: {  	v8 =	vcvt.f32.s32 v8;
	v9 =	vcvt.s32.f32 v7;
	_ =	sdelay $0x1  }
0x1ea: {  	v10 =	vcvt.s32.f32 v8;
	vm0 =	vlt.f32 v6, v9;
	v11 =	vadd.f32 $-1.000000000e+00, v9  }
0x1eb: {  	v12 =	vsel vm0, $0xFFFFFFFF, v0  }
0x1ec: {  	vm1 =	vlt.f32 v5, v10;
	v13 =	vadd.f32 $-1.000000000e+00, v10;
	v7 =	vadd.s32 v7, v12  }
0x1ed: {  	v12 =	vsel vm1, $0xFFFFFFFF, v0;
	vm2 =	vgt.s32 v7, $0x0;
	v14 =	vadd.s32 $0x1, v7  }
0x1ee: {  	v8 =	vadd.s32 v8, v12;
	v10 =	vsel vm1, v13, v10;
	vm1 =	vgt.s32 v14, $0x0  }
0x1ef: {  	v7 =	vnsel vm2, $0x0, v7;
	vm3 =	vgt.s32 v8, $0x0;
	v12 =	vadd.s32 $0x1, v8  }
0x1f0: {  	v7 =	vmin.u32 v7, $0x7F;
	v8 =	vnsel vm3, $0x0, v8;
	vm2 =	vgt.s32 v12, $0x0  }
0x1f1: {  	v7 =	vshll.u32 v7, $0x7;
	v8 =	vmin.u32 v8, $0x7F;
	v12 =	vnsel vm2, $0x0, v12  }
0x1f2: {  	v13 =	vnsel vm1, $0x0, v14;
	v12 =	vmin.u32 v12, $0x7F;
	v14 =	vor.u32 v8, v7  }
0x1f3: {  	v15 =	vsub.f32 v5, v10;
	v5 =	vmin.u32 v13, $0x7F;
	v10 =	vor.u32 v12, v7  }
0x1f4: {  	v9 =	vsel vm0, v11, v9;
	v5 =	vshll.u32 v5, $0x7;
	v11 =	vor.u32 $0x4000, v7  }
0x1f5: {  	v13 =	vsub.f32 $1.000000000e+00, v15;
	v16 =	vor.u32 v8, v5;
	v17 =	vor.u32 v12, v5  }
0x1f6: {  	v18 =	vsub.f32 v6, v9;
	v19 =	vor.u32 v8, v11;
	v6 =	vor.u32 $0x4000, v5  }
0x1f7: {  	v20 =	vor.u32 v12, v11;
	v21 =	vor.u32 v8, v6;
	v22 =	vor.u32 v12, v6;
	v14 =	vld.idx.msk [tilespmem:v14+s7+$0x0], $0xffff  }
0x1f8: {  	v9 =	vor.u32 $0x8000, v5;
	v6 =	vor.u32 $0x8000, v7;
	v5 =	vor.u32 $0xC000, v5;
	v23 =	vld.idx.msk [tilespmem:v10+s7+$0x0], $0xffff  }
0x1f9: {  	v26 =	vor.u32 v8, v9;
	v24 =	vor.u32 v8, v6;
	v25 =	vor.u32 v12, v6  }
0x1fa: {  	v27 =	vor.u32 v12, v9;
	v6 =	vsub.f32 $1.000000000e+00, v18;
	v9 =	vor.u32 v8, v5;
	v16 =	vld.idx.msk [tilespmem:v16+s7+$0x0], $0xffff  }
0x1fb: {  	v28 =	vor.u32 $0xC000, v7;
	v10 =	vor.u32 v12, v5  }
0x1fc: {  	v11 =	vor.u32 v8, v28;
	v7 =	vmul.f32 v6, v13;
	v5 =	vmul.f32 v6, v15;
	v17 =	vld.idx.msk [tilespmem:v17+s7+$0x0], $0xffff  }
0x1fd: {  	v6 =	vmul.f32 v13, v18;
	v12 =	vor.u32 v12, v28  }
0x1fe: {  	v13 =	vmul.f32 v7, v14;
	v14 =	vmul.f32 v5, v23;
	_ =	sdelay $0x1  }
0x1ff: {  	v8 =	vmul.f32 v18, v15;
	v13 =	vadd.f32 v14, v13;
	v14 =	vmul.f32 v6, v16;
	_ =	sdelay $0x1  }
0x200: {  	v13 =	vadd.f32 v13, v14;
	v14 =	vmul.f32 v8, v17;
	_ =	sdelay $0x1  }
0x201: {  	v13 =	vadd.f32 v13, v14;
	_ =	sdelay $0x1  }
0x202: {  	v13 =	vadd.f32 v13, v2;
	_ =	sdelay $0x1  }
0x203: {  	[tilespmem:s30+$0xFFFFF000] =	vst v13  }
0x204: {  	v13 =	vld.idx.msk [tilespmem:v19+s7+$0x0], $0xffff  }
0x205: {  	v14 =	vld.idx.msk [tilespmem:v20+s7+$0x0], $0xffff;
	_ =	sdelay $0x1  }
0x206: {  	v15 =	vld.idx.msk [tilespmem:v21+s7+$0x0], $0xffff;
	_ =	sdelay $0x1  }
0x207: {  	v16 =	vld.idx.msk [tilespmem:v22+s7+$0x0], $0xffff  }
0x208: {  	v13 =	vmul.f32 v7, v13  }
0x209: {  	v14 =	vmul.f32 v14, v5;
	_ =	sdelay $0x1  }
0x20a: {  	v13 =	vadd.f32 v14, v13;
	v14 =	vmul.f32 v15, v6;
	_ =	sdelay $0x1  }
0x20b: {  	v13 =	vadd.f32 v14, v13;
	v14 =	vmul.f32 v16, v8;
	_ =	sdelay $0x1  }
0x20c: {  	v13 =	vadd.f32 v14, v13;
	_ =	sdelay $0x1  }
0x20d: {  	v13 =	vadd.f32 v13, v3;
	_ =	sdelay $0x1  }
0x20e: {  	[tilespmem:s28+$0x18800] =	vst v13  }
0x20f: {  	v13 =	vld.idx.msk [tilespmem:v24+s7+$0x0], $0xffff  }
0x210: {  	v14 =	vld.idx.msk [tilespmem:v25+s7+$0x0], $0xffff;
	_ =	sdelay $0x1  }
0x211: {  	v15 =	vld.idx.msk [tilespmem:v26+s7+$0x0], $0xffff;
	_ =	sdelay $0x1  }
0x212: {  	v16 =	vld.idx.msk [tilespmem:v27+s7+$0x0], $0xffff  }
0x213: {  	v13 =	vmul.f32 v13, v7  }
0x214: {  	v14 =	vmul.f32 v14, v5;
	_ =	sdelay $0x1  }
.Ltmp2:
0x215: {  	v13 =	vadd.f32 v14, v13;
	v14 =	vmul.f32 v15, v6;
	(pc) =	sbr.rel @p0 .LBB2_7-.Ltmp2, $3  }
0x216: {  	_ = 	snop  }
0x217: {  	v13 =	vadd.f32 v14, v13;
	v14 =	vmul.f32 v16, v8;
	_ =	sdelay $0x1  }
0x218: {  	v13 =	vadd.f32 v14, v13  }
0x219: {  	_ = 	snop  }
0x21a: {  	v13 =	vadd.f32 v13, v4;
	_ =	sdelay $0x1  }
0x21b: {  	[tilespmem:s3+$0x0] =	vst v13  }
0x21c: {  	v11 =	vld.idx.msk [tilespmem:v11+s7+$0x0], $0xffff  }
0x21d: {  	v12 =	vld.idx.msk [tilespmem:v12+s7+$0x0], $0xffff;
	_ =	sdelay $0x1  }
0x21e: {  	v9 =	vld.idx.msk [tilespmem:v9+s7+$0x0], $0xffff;
	_ =	sdelay $0x1  }
0x21f: {  	v10 =	vld.idx.msk [tilespmem:v10+s7+$0x0], $0xffff  }
0x220: {  	v7 =	vmul.f32 v11, v7;
	v5 =	vmul.f32 v12, v5;
	_ =	sdelay $0x1  }
0x221: {  	v6 =	vmul.f32 v9, v6;
	v5 =	vadd.f32 v5, v7;
	_ =	sdelay $0x1  }
0x222: {  	v5 =	vadd.f32 v6, v5;
	v6 =	vmul.f32 v10, v8;
	_ =	sdelay $0x1  }
0x223: {  	v5 =	vadd.f32 v6, v5;
	_ =	sdelay $0x1  }
0x224: {  	v5 =	vadd.f32 v5, v1  }
0x225: {  	s0 =	rddreg [dreg:$0xf]  }
0x226: {  	s30 =	rddreg [dreg:$0x10];
	s0 =	sadd.s32 s26, s0;
	s3 =	simm.s32 $0x0;
	[tilespmem:s28+$0x19800] =	vst v5  }
0x227: {  	[hbm4b:s0+s3] =	stream.linear.scatter [tilespmem:s14], [sflag:$0x3], $0x800, $0x38;
	[tilespmem:$0x1C180] =	vst v63  }
0x228: {  	s31 =	rddreg [dreg:$0x11];
	s0 =	sadd.s32 s26, s30  }
0x229: {  	[hbm4b:s0+s3] =	stream.linear.scatter [tilespmem:s15], [sflag:$0x3], $0x800, $0x38;
	[tilespmem:$0x1C180] =	vst v63  }
0x22a: {  	s30 =	rddreg [dreg:$0x12];
	s0 =	sadd.s32 s26, s31  }
0x22b: {  	[hbm4b:s0+s3] =	stream.linear.scatter [tilespmem:s16], [sflag:$0x3], $0x800, $0x38;
	[tilespmem:$0x1C180] =	vst v63  }
0x22c: {  	s0 =	sadd.s32 s26, s30  }
0x22d: {  	[hbm4b:s0+s3] =	stream.linear.scatter [tilespmem:s17], [sflag:$0x3], $0x800, $0x38;
	[tilespmem:$0x1C180] =	vst v63  }
0x22e: {  	_ =	swait.ge [sflag:s22], $0x800  }
0x22f: {  	[sflag:s22] =	ssyncset.done $0x0  }
0x230: {  	[sflag:s22] =	ssyncadd.s32 $0xFFFFF800  }
0x231: {  	_ =	swait.ge [sflag:s22], $0x800  }
0x232: {  	[sflag:s22] =	ssyncset.done $0x0  }
0x233: {  	[sflag:s22] =	ssyncadd.s32 $0xFFFFF800  }
0x234: {  	_ =	swait.ge [sflag:s22], $0x800  }
0x235: {  	[sflag:s22] =	ssyncset.done $0x0  }
0x236: {  	[sflag:s22] =	ssyncadd.s32 $0xFFFFF800  }
0x237: {  	_ =	swait.ge [sflag:s22], $0x800  }
0x238: {  	[sflag:s22] =	ssyncset.done $0x0  }
0x239: {  	s28 =	sand.u32 $0x7F0, s3;
	[sflag:s22] =	ssyncadd.s32 $0xFFFFF800  }
0x23a: {  	v5 =	vld [tilespmem:s28+$0x11800]  }
0x23b: {  	v6 =	vld [tilespmem:s28+$0x15800];
	_ =	sdelay $0x3  }
0x23c: {  	v7 =	vtrunc.f32 v5  }
0x23d: {  	v8 =	vtrunc.f32 v6;
	v7 =	vcvt.f32.s32 v7  }
0x23e: {  	v8 =	vcvt.f32.s32 v8  }
0x23f: {  	v9 =	vcvt.s32.f32 v7  }
0x240: {  	v10 =	vcvt.s32.f32 v8  }
0x241: {  	vm0 =	vlt.f32 v5, v9  }
0x242: {  	vm1 =	vlt.f32 v6, v10;
	v11 =	vsel vm0, $0xFFFFFFFF, v0  }
0x243: {  	v7 =	vadd.s32 v7, v11;
	v11 =	vsel vm1, $0xFFFFFFFF, v0  }
0x244: {  	v8 =	vadd.s32 v8, v11;
	v11 =	vadd.s32 $0x1, v7  }
0x245: {  	vm2 =	vgt.s32 v11, $0x0;
	vm3 =	vgt.s32 v8, $0x0  }
0x246: {  	v11 =	vnsel vm2, $0x0, v11;
	vm2 =	vgt.s32 v7, $0x0;
	v12 =	vnsel vm3, $0x0, v8  }
0x247: {  	v8 =	vadd.s32 $0x1, v8;
	v11 =	vmin.u32 v11, $0x7F;
	v12 =	vmin.u32 v12, $0x7F  }
0x248: {  	v7 =	vnsel vm2, $0x0, v7;
	vm2 =	vgt.s32 v8, $0x0;
	v12 =	vshll.u32 v12, $0x7  }
0x249: {  	v13 =	vmin.u32 v7, $0x7F;
	v8 =	vnsel vm2, $0x0, v8;
	v7 =	vor.u32 v11, v12  }
0x24a: {  	v14 =	vor.u32 v13, v12;
	v8 =	vmin.u32 v8, $0x7F  }
0x24b: {  	v15 =	vadd.f32 $-1.000000000e+00, v9;
	v16 =	vadd.f32 $-1.000000000e+00, v10;
	v17 =	vshll.u32 v8, $0x7  }
0x24c: {  	v8 =	vor.u32 v13, v17  }
0x24d: {  	v9 =	vsel vm0, v15, v9;
	v10 =	vsel vm1, v16, v10  }
0x24e: {  	v5 =	vsub.f32 v5, v9;
	v6 =	vsub.f32 v6, v10;
	v9 =	vor.u32 v11, v17;
	v7 =	vld.idx.msk [tilespmem:v7+s7+$0x0], $0xffff  }
0x24f: {  	v10 =	vld.idx.msk [tilespmem:v14+s7+$0x0], $0xffff  }
0x250: {  	v15 =	vsub.f32 $1.000000000e+00, v5;
	v14 =	vsub.f32 $1.000000000e+00, v6  }
0x251: {  	v8 =	vld.idx.msk [tilespmem:v8+s7+$0x0], $0xffff  }
0x252: {  	v16 =	vmul.f32 v14, v15;
	v14 =	vmul.f32 v14, v5  }
0x253: {  	v19 =	vmul.f32 v15, v6;
	v9 =	vld.idx.msk [tilespmem:v9+s7+$0x0], $0xffff  }
0x254: {  	v10 =	vmul.f32 v16, v10;
	v7 =	vmul.f32 v14, v7;
	_ =	sdelay $0x1  }
0x255: {  	v5 =	vmul.f32 v6, v5;
	v6 =	vadd.f32 v7, v10;
	v7 =	vmul.f32 v19, v8;
	_ =	sdelay $0x1  }
0x256: {  	v6 =	vadd.f32 v6, v7;
	v7 =	vmul.f32 v5, v9  }
0x257: {  	v8 =	vor.u32 $0x4000, v12  }
0x258: {  	v9 =	vor.u32 v13, v8;
	v6 =	vadd.f32 v6, v7  }
0x259: {  	v7 =	vor.u32 v11, v8  }
0x25a: {  	v8 =	vor.u32 $0x4000, v17;
	v6 =	vadd.f32 v6, v2  }
0x25b: {  	v10 =	vor.u32 v13, v8  }
0x25c: {  	[tilespmem:s28+$0x1A000] =	vst v6  }
0x25d: {  	v6 =	vor.u32 v11, v8;
	v8 =	vld.idx.msk [tilespmem:v9+s7+$0x0], $0xffff  }
0x25e: {  	v7 =	vld.idx.msk [tilespmem:v7+s7+$0x0], $0xffff;
	_ =	sdelay $0x1  }
0x25f: {  	v9 =	vld.idx.msk [tilespmem:v10+s7+$0x0], $0xffff;
	_ =	sdelay $0x1  }
0x260: {  	v6 =	vld.idx.msk [tilespmem:v6+s7+$0x0], $0xffff  }
0x261: {  	v8 =	vmul.f32 v16, v8;
	v7 =	vmul.f32 v7, v14;
	_ =	sdelay $0x1  }
0x262: {  	v7 =	vadd.f32 v7, v8;
	v8 =	vmul.f32 v9, v19;
	_ =	sdelay $0x1  }
0x263: {  	v7 =	vadd.f32 v8, v7;
	v6 =	vmul.f32 v6, v5  }
0x264: {  	v8 =	vor.u32 $0x8000, v12  }
0x265: {  	v9 =	vor.u32 v13, v8;
	v6 =	vadd.f32 v6, v7  }
0x266: {  	v7 =	vor.u32 v11, v8  }
0x267: {  	v8 =	vor.u32 $0x8000, v17;
	v6 =	vadd.f32 v6, v3  }
0x268: {  	v10 =	vor.u32 v13, v8  }
0x269: {  	[tilespmem:s28+$0x1A800] =	vst v6  }
0x26a: {  	v6 =	vor.u32 v11, v8;
	v8 =	vld.idx.msk [tilespmem:v9+s7+$0x0], $0xffff  }
0x26b: {  	v7 =	vld.idx.msk [tilespmem:v7+s7+$0x0], $0xffff;
	_ =	sdelay $0x1  }
0x26c: {  	v9 =	vld.idx.msk [tilespmem:v10+s7+$0x0], $0xffff;
	_ =	sdelay $0x1  }
0x26d: {  	v6 =	vld.idx.msk [tilespmem:v6+s7+$0x0], $0xffff  }
0x26e: {  	v8 =	vmul.f32 v8, v16;
	v7 =	vmul.f32 v7, v14  }
0x26f: {  	s31 =	simm.s32 $0x10  }
0x270: {  	s29 =	sand.u32 $0x7F0, s31;
	v9 =	vmul.f32 v9, v19;
	v10 =	vadd.f32 v7, v8  }
0x271: {  	v8 =	vld [tilespmem:s29+$0x11800]  }
0x272: {  	v7 =	vld [tilespmem:s29+$0x15800];
	v9 =	vadd.f32 v9, v10;
	v6 =	vmul.f32 v6, v5  }
0x273: {  	v10 =	vor.u32 $0xC000, v12  }
0x274: {  	v15 =	vor.u32 v11, v10;
	v6 =	vadd.f32 v6, v9  }
0x275: {  	v12 =	vor.u32 $0xC000, v17  }
0x276: {  	v10 =	vor.u32 v13, v10;
	v9 =	vtrunc.f32 v8;
	v6 =	vadd.f32 v6, v4  }
0x277: {  	v17 =	vor.u32 v13, v12;
	v13 =	vcvt.f32.s32 v9;
	v9 =	vtrunc.f32 v7  }
0x278: {  	v18 =	vcvt.f32.s32 v9;
	[tilespmem:s28+$0x1B000] =	vst v6  }
0x279: {  	v20 =	vor.u32 v11, v12;
	v6 =	vcvt.s32.f32 v13;
	v15 =	vld.idx.msk [tilespmem:v15+s7+$0x0], $0xffff  }
0x27a: {  	v9 =	vcvt.s32.f32 v18  }
0x27b: {  	v21 =	vld.idx.msk [tilespmem:v10+s7+$0x0], $0xffff;
	vm1 =	vlt.f32 v8, v6;
	v11 =	vadd.f32 $-1.000000000e+00, v6  }
0x27c: {  	v22 =	vld.idx.msk [tilespmem:v17+s7+$0x0], $0xffff;
	v12 =	vsel vm1, $0xFFFFFFFF, v0;
	vm0 =	vlt.f32 v7, v9;
	v10 =	vadd.f32 $-1.000000000e+00, v9  }
0x27d: {  	v13 =	vadd.s32 v13, v12;
	v11 =	vsel vm1, v11, v6;
	v6 =	vsel vm0, $0xFFFFFFFF, v0  }
0x27e: {  	v12 =	vadd.s32 v18, v6;
	v6 =	vadd.s32 $0x1, v13;
	v15 =	vmul.f32 v15, v14;
	v14 =	vld.idx.msk [tilespmem:v20+s7+$0x0], $0xffff  }
0x27f: {  	vm1 =	vgt.s32 v13, $0x0;
	vm2 =	vgt.s32 v6, $0x0;
	vm3 =	vgt.s32 v12, $0x0  }
0x280: {  	v17 =	vmul.f32 v21, v16;
	v6 =	vnsel vm2, $0x0, v6;
	v18 =	vnsel vm3, $0x0, v12  }
0x281: {  	s3 =	simm.s32 $0x20;
	v16 =	vmul.f32 v22, v19;
	v6 =	vmin.u32 v6, $0x7F;
	v18 =	vmin.u32 v18, $0x7F  }
.LBB2_9:
0x282: {  	p0 =	sne.s32 s3, $0x7F0;
	v13 =	vnsel vm1, $0x0, v13;
	v18 =	vshll.u32 v18, $0x7;
	v15 =	vadd.f32 v15, v17;
	s30 =	smov.u32 s3;
	s3 =	sadd.s32 $0x10, s3  }
0x283: {  	v5 =	vmul.f32 v14, v5;
	v13 =	vmin.u32 v13, $0x7F;
	v17 =	vor.u32 v6, v18  }
0x284: {  	v12 =	vadd.s32 $0x1, v12;
	v14 =	vor.u32 v13, v18;
	v15 =	vadd.f32 v16, v15  }
0x285: {  	v9 =	vsel vm0, v10, v9;
	v8 =	vsub.f32 v8, v11;
	vm0 =	vgt.s32 v12, $0x0  }
0x286: {  	v7 =	vsub.f32 v7, v9;
	v9 =	vnsel vm0, $0x0, v12;
	v5 =	vadd.f32 v5, v15  }
0x287: {  	v10 =	vor.u32 $0x4000, v18;
	v11 =	vor.u32 $0x8000, v18;
	v9 =	vmin.u32 v9, $0x7F  }
0x288: {  	v12 =	vsub.f32 $1.000000000e+00, v7;
	v9 =	vshll.u32 v9, $0x7;
	v5 =	vadd.f32 v5, v1  }
0x289: {  	v15 =	vor.u32 v13, v9;
	v16 =	vor.u32 v6, v9;
	v19 =	vor.u32 $0x4000, v9  }
0x28a: {  	v20 =	vor.u32 v13, v10;
	v21 =	vor.u32 v13, v19;
	v19 =	vor.u32 v6, v19;
	[tilespmem:s28+$0x1B800] =	vst v5;
	s28 =	smov.u32 s29  }
0x28b: {  	v10 =	vor.u32 v6, v10;
	v22 =	vor.u32 $0x8000, v9;
	v5 =	vld.idx.msk [tilespmem:v17+s7+$0x0], $0xffff;
	v17 =	vor.u32 v13, v11  }
0x28c: {  	v23 =	vor.u32 v13, v22;
	v22 =	vor.u32 v6, v22;
	v11 =	vor.u32 v6, v11;
	v14 =	vld.idx.msk [tilespmem:v14+s7+$0x0], $0xffff  }
0x28d: {  	v18 =	vor.u32 $0xC000, v18;
	v9 =	vor.u32 $0xC000, v9  }
0x28e: {  	v24 =	vsub.f32 $1.000000000e+00, v8;
	v25 =	vor.u32 v13, v9;
	v26 =	vor.u32 v6, v9;
	v15 =	vld.idx.msk [tilespmem:v15+s7+$0x0], $0xffff  }
0x28f: {  	v13 =	vor.u32 v13, v18;
	v6 =	vor.u32 v6, v18  }
0x290: {  	v27 =	vmul.f32 v12, v8;
	v18 =	vmul.f32 v12, v24;
	v9 =	vld.idx.msk [tilespmem:v16+s7+$0x0], $0xffff  }
0x291: {  	v16 =	vmul.f32 v24, v7  }
0x292: {  	v12 =	vmul.f32 v18, v14;
	v14 =	vmul.f32 v27, v5;
	_ =	sdelay $0x1  }
0x293: {  	v5 =	vmul.f32 v7, v8;
	v7 =	vadd.f32 v14, v12;
	v8 =	vmul.f32 v16, v15;
	_ =	sdelay $0x1  }
0x294: {  	v7 =	vadd.f32 v7, v8;
	v8 =	vmul.f32 v5, v9;
	_ =	sdelay $0x1  }
0x295: {  	v7 =	vadd.f32 v7, v8;
	_ =	sdelay $0x1  }
0x296: {  	v7 =	vadd.f32 v7, v2;
	_ =	sdelay $0x1  }
0x297: {  	[tilespmem:s28+$0x1A000] =	vst v7  }
0x298: {  	v7 =	vld.idx.msk [tilespmem:v20+s7+$0x0], $0xffff  }
0x299: {  	v8 =	vld.idx.msk [tilespmem:v10+s7+$0x0], $0xffff;
	_ =	sdelay $0x1  }
0x29a: {  	v9 =	vld.idx.msk [tilespmem:v21+s7+$0x0], $0xffff;
	_ =	sdelay $0x1  }
0x29b: {  	v10 =	vld.idx.msk [tilespmem:v19+s7+$0x0], $0xffff;
	_ =	sdelay $0x1  }
0x29c: {  	v7 =	vmul.f32 v18, v7;
	v8 =	vmul.f32 v8, v27;
	_ =	sdelay $0x1  }
0x29d: {  	v7 =	vadd.f32 v8, v7;
	v8 =	vmul.f32 v9, v16;
	_ =	sdelay $0x1  }
0x29e: {  	v7 =	vadd.f32 v8, v7;
	v8 =	vmul.f32 v10, v5;
	_ =	sdelay $0x1  }
0x29f: {  	v7 =	vadd.f32 v8, v7;
	_ =	sdelay $0x1  }
0x2a0: {  	v7 =	vadd.f32 v7, v3;
	_ =	sdelay $0x1  }
0x2a1: {  	[tilespmem:s28+$0x1A800] =	vst v7  }
0x2a2: {  	v7 =	vld.idx.msk [tilespmem:v17+s7+$0x0], $0xffff  }
0x2a3: {  	v8 =	vld.idx.msk [tilespmem:v11+s7+$0x0], $0xffff;
	_ =	sdelay $0x1  }
0x2a4: {  	v9 =	vld.idx.msk [tilespmem:v23+s7+$0x0], $0xffff;
	_ =	sdelay $0x1  }
0x2a5: {  	v10 =	vld.idx.msk [tilespmem:v22+s7+$0x0], $0xffff  }
0x2a6: {  	v7 =	vmul.f32 v7, v18  }
0x2a7: {  	v8 =	vmul.f32 v8, v27;
	_ =	sdelay $0x1  }
0x2a8: {  	s29 =	sand.u32 $0x7F0, s30;
	v11 =	vadd.f32 v8, v7;
	v9 =	vmul.f32 v9, v16  }
0x2a9: {  	v8 =	vld [tilespmem:s29+$0x11800]  }
0x2aa: {  	v9 =	vadd.f32 v9, v11;
	v10 =	vmul.f32 v10, v5;
	v7 =	vld [tilespmem:s29+$0x15800];
	_ =	sdelay $0x1  }
0x2ab: {  	v9 =	vadd.f32 v10, v9;
	_ =	sdelay $0x1  }
0x2ac: {  	v9 =	vadd.f32 v9, v4;
	v10 =	vtrunc.f32 v8  }
0x2ad: {  	v11 =	vcvt.f32.s32 v10;
	v10 =	vtrunc.f32 v7  }
0x2ae: {  	v12 =	vcvt.f32.s32 v10;
	[tilespmem:s28+$0x1B000] =	vst v9  }
0x2af: {  	v15 =	vcvt.s32.f32 v11;
	v6 =	vld.idx.msk [tilespmem:v6+s7+$0x0], $0xffff  }
0x2b0: {  	v9 =	vcvt.s32.f32 v12;
	v17 =	vld.idx.msk [tilespmem:v13+s7+$0x0], $0xffff  }
0x2b1: {  	vm1 =	vlt.f32 v8, v15;
	v19 =	vadd.f32 $-1.000000000e+00, v15;
	v20 =	vld.idx.msk [tilespmem:v25+s7+$0x0], $0xffff  }
0x2b2: {  	v13 =	vsel vm1, $0xFFFFFFFF, v0;
	vm0 =	vlt.f32 v7, v9;
	v10 =	vadd.f32 $-1.000000000e+00, v9;
	v14 =	vld.idx.msk [tilespmem:v26+s7+$0x0], $0xffff  }
.Ltmp3:
0x2b3: {  	v13 =	vadd.s32 v11, v13;
	v11 =	vsel vm1, v19, v15;
	v15 =	vsel vm0, $0xFFFFFFFF, v0;
	(pc) =	sbr.rel @p0 .LBB2_9-.Ltmp3, $4  }
0x2b4: {  	v12 =	vadd.s32 v12, v15;
	vm1 =	vgt.s32 v13, $0x0;
	v19 =	vadd.s32 $0x1, v13  }
0x2b5: {  	v15 =	vmul.f32 v6, v27;
	vm2 =	vgt.s32 v19, $0x0;
	vm3 =	vgt.s32 v12, $0x0  }
0x2b6: {  	v17 =	vmul.f32 v17, v18;
	v6 =	vnsel vm2, $0x0, v19;
	v19 =	vnsel vm3, $0x0, v12  }
0x2b7: {  	v16 =	vmul.f32 v20, v16;
	v6 =	vmin.u32 v6, $0x7F;
	v18 =	vmin.u32 v19, $0x7F  }
0x2b8: {  	v15 =	vadd.f32 v15, v17  }
0x2b9: {  	v13 =	vnsel vm1, $0x0, v13  }
0x2ba: {  	v5 =	vmul.f32 v14, v5;
	v12 =	vadd.s32 $0x1, v12;
	v14 =	vadd.f32 v16, v15  }
0x2bb: {  	v13 =	vmin.u32 v13, $0x7F;
	vm1 =	vgt.s32 v12, $0x0;
	v15 =	vshll.u32 v18, $0x7  }
0x2bc: {  	v12 =	vnsel vm1, $0x0, v12;
	v16 =	vor.u32 v6, v15;
	v5 =	vadd.f32 v5, v14  }
0x2bd: {  	v12 =	vmin.u32 v12, $0x7F;
	v14 =	vor.u32 v13, v15  }
0x2be: {  	v12 =	vshll.u32 v12, $0x7;
	v5 =	vadd.f32 v5, v1  }
0x2bf: {  	v17 =	vor.u32 v13, v12  }
0x2c0: {  	v9 =	vsel vm0, v10, v9;
	[tilespmem:s28+$0x1B800] =	vst v5  }
0x2c1: {  	v7 =	vsub.f32 v7, v9;
	v5 =	vsub.f32 v8, v11;
	v8 =	vor.u32 v6, v12;
	v9 =	vld.idx.msk [tilespmem:v16+s7+$0x0], $0xffff  }
0x2c2: {  	v10 =	vld.idx.msk [tilespmem:v14+s7+$0x0], $0xffff  }
0x2c3: {  	v11 =	vsub.f32 $1.000000000e+00, v7;
	v14 =	vsub.f32 $1.000000000e+00, v5  }
0x2c4: {  	v16 =	vld.idx.msk [tilespmem:v17+s7+$0x0], $0xffff  }
0x2c5: {  	v17 =	vmul.f32 v11, v14;
	v11 =	vmul.f32 v11, v5  }
0x2c6: {  	v14 =	vmul.f32 v14, v7;
	v8 =	vld.idx.msk [tilespmem:v8+s7+$0x0], $0xffff  }
0x2c7: {  	v10 =	vmul.f32 v17, v10;
	v9 =	vmul.f32 v11, v9;
	_ =	sdelay $0x1  }
0x2c8: {  	v5 =	vmul.f32 v7, v5;
	v7 =	vadd.f32 v9, v10;
	v9 =	vmul.f32 v14, v16;
	_ =	sdelay $0x1  }
0x2c9: {  	v7 =	vadd.f32 v7, v9;
	v8 =	vmul.f32 v5, v8  }
0x2ca: {  	v9 =	vor.u32 $0x4000, v15  }
0x2cb: {  	v10 =	vor.u32 v13, v9;
	v7 =	vadd.f32 v7, v8  }
0x2cc: {  	v8 =	vor.u32 v6, v9  }
0x2cd: {  	v9 =	vor.u32 $0x4000, v12;
	v7 =	vadd.f32 v7, v2  }
0x2ce: {  	v16 =	vor.u32 v13, v9  }
0x2cf: {  	[tilespmem:s29+$0x1A000] =	vst v7  }
0x2d0: {  	v7 =	vor.u32 v6, v9;
	v9 =	vld.idx.msk [tilespmem:v10+s7+$0x0], $0xffff  }
0x2d1: {  	v8 =	vld.idx.msk [tilespmem:v8+s7+$0x0], $0xffff;
	_ =	sdelay $0x1  }
0x2d2: {  	v10 =	vld.idx.msk [tilespmem:v16+s7+$0x0], $0xffff;
	_ =	sdelay $0x1  }
0x2d3: {  	v7 =	vld.idx.msk [tilespmem:v7+s7+$0x0], $0xffff  }
0x2d4: {  	v9 =	vmul.f32 v17, v9;
	v8 =	vmul.f32 v8, v11;
	_ =	sdelay $0x1  }
0x2d5: {  	v8 =	vadd.f32 v8, v9;
	v9 =	vmul.f32 v10, v14;
	_ =	sdelay $0x1  }
0x2d6: {  	v8 =	vadd.f32 v9, v8;
	v7 =	vmul.f32 v7, v5  }
0x2d7: {  	v9 =	vor.u32 $0x8000, v15  }
0x2d8: {  	v10 =	vor.u32 v13, v9;
	v7 =	vadd.f32 v7, v8  }
0x2d9: {  	v8 =	vor.u32 v6, v9  }
0x2da: {  	v9 =	vor.u32 $0x8000, v12;
	v7 =	vadd.f32 v7, v3  }
0x2db: {  	v16 =	vor.u32 v13, v9  }
0x2dc: {  	[tilespmem:s29+$0x1A800] =	vst v7  }
0x2dd: {  	v7 =	vor.u32 v6, v9;
	v9 =	vld.idx.msk [tilespmem:v10+s7+$0x0], $0xffff  }
0x2de: {  	v8 =	vld.idx.msk [tilespmem:v8+s7+$0x0], $0xffff;
	_ =	sdelay $0x1  }
0x2df: {  	v10 =	vld.idx.msk [tilespmem:v16+s7+$0x0], $0xffff;
	_ =	sdelay $0x1  }
0x2e0: {  	v7 =	vld.idx.msk [tilespmem:v7+s7+$0x0], $0xffff  }
0x2e1: {  	v9 =	vmul.f32 v9, v17;
	v8 =	vmul.f32 v8, v11;
	_ =	sdelay $0x1  }
0x2e2: {  	v8 =	vadd.f32 v8, v9;
	v9 =	vmul.f32 v10, v14;
	_ =	sdelay $0x1  }
0x2e3: {  	v8 =	vadd.f32 v9, v8;
	v7 =	vmul.f32 v7, v5  }
0x2e4: {  	v9 =	vor.u32 $0xC000, v15  }
0x2e5: {  	v10 =	vor.u32 v6, v9;
	v7 =	vadd.f32 v7, v8  }
0x2e6: {  	v8 =	vor.u32 v13, v9  }
0x2e7: {  	v9 =	vor.u32 $0xC000, v12;
	v7 =	vadd.f32 v7, v4  }
0x2e8: {  	v12 =	vor.u32 v13, v9  }
0x2e9: {  	[tilespmem:s29+$0x1B000] =	vst v7  }
0x2ea: {  	v6 =	vor.u32 v6, v9;
	v7 =	vld.idx.msk [tilespmem:v10+s7+$0x0], $0xffff  }
0x2eb: {  	v8 =	vld.idx.msk [tilespmem:v8+s7+$0x0], $0xffff;
	_ =	sdelay $0x1  }
0x2ec: {  	v9 =	vld.idx.msk [tilespmem:v12+s7+$0x0], $0xffff;
	_ =	sdelay $0x1  }
0x2ed: {  	v6 =	vld.idx.msk [tilespmem:v6+s7+$0x0], $0xffff  }
0x2ee: {  	v7 =	vmul.f32 v7, v11;
	v8 =	vmul.f32 v8, v17;
	_ =	sdelay $0x1  }
0x2ef: {  	v9 =	vmul.f32 v9, v14;
	v7 =	vadd.f32 v7, v8;
	_ =	sdelay $0x1  }
0x2f0: {  	v5 =	vmul.f32 v6, v5;
	v6 =	vadd.f32 v9, v7;
	_ =	sdelay $0x1  }
0x2f1: {  	v5 =	vadd.f32 v5, v6;
	_ =	sdelay $0x1  }
0x2f2: {  	v5 =	vadd.f32 v5, v1  }
0x2f3: {  	s0 =	rddreg [dreg:$0x13]  }
0x2f4: {  	s3 =	simm.s32 $0x0;
	s31 =	rddreg [dreg:$0x14];
	s0 =	sadd.s32 s26, s0;
	[tilespmem:s29+$0x1B800] =	vst v5  }
0x2f5: {  	[hbm4b:s0+s3] =	stream.linear.scatter [tilespmem:s18], [sflag:$0x3], $0x800, $0x38;
	[tilespmem:$0x1C180] =	vst v63  }
0x2f6: {  	s0 =	sadd.s32 s26, s31;
	s31 =	rddreg [dreg:$0x15]  }
0x2f7: {  	[hbm4b:s0+s3] =	stream.linear.scatter [tilespmem:s19], [sflag:$0x3], $0x800, $0x38;
	[tilespmem:$0x1C180] =	vst v63  }
0x2f8: {  	s0 =	sadd.s32 s26, s31;
	s31 =	rddreg [dreg:$0x16]  }
0x2f9: {  	[hbm4b:s0+s3] =	stream.linear.scatter [tilespmem:s20], [sflag:$0x3], $0x800, $0x38;
	[tilespmem:$0x1C180] =	vst v63  }
0x2fa: {  	s0 =	sadd.s32 s26, s31  }
0x2fb: {  	[hbm4b:s0+s3] =	stream.linear.scatter [tilespmem:s21], [sflag:$0x3], $0x800, $0x38;
	[tilespmem:$0x1C180] =	vst v63  }
0x2fc: {  	_ =	swait.ge [sflag:s22], $0x800  }
0x2fd: {  	[sflag:s22] =	ssyncset.done $0x0  }
0x2fe: {  	[sflag:s22] =	ssyncadd.s32 $0xFFFFF800  }
0x2ff: {  	_ =	swait.ge [sflag:s22], $0x800  }
0x300: {  	[sflag:s22] =	ssyncset.done $0x0  }
0x301: {  	[sflag:s22] =	ssyncadd.s32 $0xFFFFF800  }
0x302: {  	_ =	swait.ge [sflag:s22], $0x800  }
0x303: {  	[sflag:s22] =	ssyncset.done $0x0  }
0x304: {  	[sflag:s22] =	ssyncadd.s32 $0xFFFFF800  }
0x305: {  	_ =	swait.ge [sflag:s22], $0x800  }
0x306: {  	[sflag:s22] =	ssyncset.done $0x0  }
0x307: {  	s28 =	sand.u32 $0x7F0, s3;
	[sflag:s22] =	ssyncadd.s32 $0xFFFFF800  }
0x308: {  	v5 =	vld [tilespmem:s28+$0x12000]  }
0x309: {  	v6 =	vld [tilespmem:s28+$0x16000];
	_ =	sdelay $0x3  }
0x30a: {  	v7 =	vtrunc.f32 v5  }
0x30b: {  	v8 =	vtrunc.f32 v6;
	v7 =	vcvt.f32.s32 v7  }
0x30c: {  	v8 =	vcvt.f32.s32 v8  }
0x30d: {  	v9 =	vcvt.s32.f32 v7  }
0x30e: {  	v10 =	vcvt.s32.f32 v8  }
0x30f: {  	vm0 =	vlt.f32 v5, v9  }
0x310: {  	vm1 =	vlt.f32 v6, v10;
	v11 =	vsel vm0, $0xFFFFFFFF, v0  }
0x311: {  	v7 =	vadd.s32 v7, v11;
	v11 =	vsel vm1, $0xFFFFFFFF, v0  }
0x312: {  	v8 =	vadd.s32 v8, v11;
	v11 =	vadd.s32 $0x1, v7  }
0x313: {  	vm2 =	vgt.s32 v11, $0x0;
	vm3 =	vgt.s32 v8, $0x0  }
0x314: {  	v11 =	vnsel vm2, $0x0, v11;
	vm2 =	vgt.s32 v7, $0x0;
	v12 =	vnsel vm3, $0x0, v8  }
0x315: {  	v8 =	vadd.s32 $0x1, v8;
	v11 =	vmin.u32 v11, $0x7F;
	v12 =	vmin.u32 v12, $0x7F  }
0x316: {  	v7 =	vnsel vm2, $0x0, v7;
	vm2 =	vgt.s32 v8, $0x0;
	v12 =	vshll.u32 v12, $0x7  }
0x317: {  	v13 =	vmin.u32 v7, $0x7F;
	v8 =	vnsel vm2, $0x0, v8;
	v7 =	vor.u32 v11, v12  }
0x318: {  	v14 =	vor.u32 v13, v12;
	v8 =	vmin.u32 v8, $0x7F  }
0x319: {  	v15 =	vadd.f32 $-1.000000000e+00, v9;
	v16 =	vadd.f32 $-1.000000000e+00, v10;
	v17 =	vshll.u32 v8, $0x7  }
0x31a: {  	v8 =	vor.u32 v13, v17  }
0x31b: {  	v9 =	vsel vm0, v15, v9;
	v10 =	vsel vm1, v16, v10  }
0x31c: {  	v5 =	vsub.f32 v5, v9;
	v6 =	vsub.f32 v6, v10;
	v9 =	vor.u32 v11, v17;
	v7 =	vld.idx.msk [tilespmem:v7+s7+$0x0], $0xffff  }
0x31d: {  	v10 =	vld.idx.msk [tilespmem:v14+s7+$0x0], $0xffff  }
0x31e: {  	v15 =	vsub.f32 $1.000000000e+00, v5;
	v14 =	vsub.f32 $1.000000000e+00, v6  }
0x31f: {  	v8 =	vld.idx.msk [tilespmem:v8+s7+$0x0], $0xffff  }
0x320: {  	v16 =	vmul.f32 v14, v15;
	v14 =	vmul.f32 v14, v5  }
0x321: {  	v19 =	vmul.f32 v15, v6;
	v9 =	vld.idx.msk [tilespmem:v9+s7+$0x0], $0xffff  }
0x322: {  	v10 =	vmul.f32 v16, v10;
	v7 =	vmul.f32 v14, v7;
	_ =	sdelay $0x1  }
0x323: {  	v5 =	vmul.f32 v6, v5;
	v6 =	vadd.f32 v7, v10;
	v7 =	vmul.f32 v19, v8;
	_ =	sdelay $0x1  }
0x324: {  	v6 =	vadd.f32 v6, v7;
	v7 =	vmul.f32 v5, v9  }
0x325: {  	v8 =	vor.u32 $0x4000, v12  }
0x326: {  	v9 =	vor.u32 v13, v8;
	v6 =	vadd.f32 v6, v7  }
0x327: {  	v7 =	vor.u32 v11, v8  }
0x328: {  	v8 =	vor.u32 $0x4000, v17;
	v6 =	vadd.f32 v6, v2  }
0x329: {  	s29 =	simm.s32 $0x18000;
	v10 =	vor.u32 v13, v8  }
0x32a: {  	[tilespmem:s29+$0x0] =	vst v6  }
0x32b: {  	v6 =	vor.u32 v11, v8;
	v8 =	vld.idx.msk [tilespmem:v9+s7+$0x0], $0xffff  }
0x32c: {  	v7 =	vld.idx.msk [tilespmem:v7+s7+$0x0], $0xffff;
	_ =	sdelay $0x1  }
0x32d: {  	v9 =	vld.idx.msk [tilespmem:v10+s7+$0x0], $0xffff;
	_ =	sdelay $0x1  }
0x32e: {  	v6 =	vld.idx.msk [tilespmem:v6+s7+$0x0], $0xffff  }
0x32f: {  	v8 =	vmul.f32 v16, v8;
	v7 =	vmul.f32 v7, v14;
	_ =	sdelay $0x1  }
0x330: {  	v7 =	vadd.f32 v7, v8;
	v8 =	vmul.f32 v9, v19;
	_ =	sdelay $0x1  }
0x331: {  	v7 =	vadd.f32 v8, v7;
	v6 =	vmul.f32 v6, v5  }
0x332: {  	v8 =	vor.u32 $0x8000, v12  }
0x333: {  	v9 =	vor.u32 v13, v8;
	v6 =	vadd.f32 v6, v7  }
0x334: {  	v7 =	vor.u32 v11, v8  }
0x335: {  	v8 =	vor.u32 $0x8000, v17;
	v6 =	vadd.f32 v6, v3  }
0x336: {  	v10 =	vor.u32 v13, v8  }
0x337: {  	[tilespmem:s28+$0x18800] =	vst v6  }
0x338: {  	v6 =	vor.u32 v11, v8;
	v8 =	vld.idx.msk [tilespmem:v9+s7+$0x0], $0xffff  }
0x339: {  	v7 =	vld.idx.msk [tilespmem:v7+s7+$0x0], $0xffff;
	_ =	sdelay $0x1  }
0x33a: {  	v9 =	vld.idx.msk [tilespmem:v10+s7+$0x0], $0xffff;
	_ =	sdelay $0x1  }
0x33b: {  	v6 =	vld.idx.msk [tilespmem:v6+s7+$0x0], $0xffff  }
0x33c: {  	s31 =	simm.s32 $0x10;
	v8 =	vmul.f32 v8, v16;
	v7 =	vmul.f32 v7, v14  }
0x33d: {  	s30 =	sand.u32 $0x7F0, s31  }
0x33e: {  	v9 =	vmul.f32 v9, v19;
	v10 =	vadd.f32 v7, v8;
	v8 =	vld [tilespmem:s30+$0x12000]  }
0x33f: {  	v7 =	vld [tilespmem:s30+$0x16000]  }
0x340: {  	v9 =	vadd.f32 v9, v10;
	v6 =	vmul.f32 v6, v5  }
0x341: {  	v10 =	vor.u32 $0xC000, v12  }
0x342: {  	v12 =	vor.u32 $0xC000, v17;
	v15 =	vor.u32 v11, v10;
	v6 =	vadd.f32 v6, v9  }
0x343: {  	v17 =	vor.u32 v13, v12;
	v10 =	vor.u32 v13, v10;
	v9 =	vtrunc.f32 v8  }
0x344: {  	v6 =	vadd.f32 v6, v4;
	v13 =	vcvt.f32.s32 v9;
	v9 =	vtrunc.f32 v7  }
0x345: {  	v18 =	vcvt.f32.s32 v9  }
0x346: {  	[tilespmem:s28+$0x19000] =	vst v6;
	v6 =	vcvt.s32.f32 v13  }
0x347: {  	v20 =	vor.u32 v11, v12;
	v15 =	vld.idx.msk [tilespmem:v15+s7+$0x0], $0xffff;
	v9 =	vcvt.s32.f32 v18  }
0x348: {  	v21 =	vld.idx.msk [tilespmem:v10+s7+$0x0], $0xffff;
	vm1 =	vlt.f32 v8, v6;
	v11 =	vadd.f32 $-1.000000000e+00, v6  }
0x349: {  	v22 =	vld.idx.msk [tilespmem:v17+s7+$0x0], $0xffff;
	v12 =	vsel vm1, $0xFFFFFFFF, v0;
	vm0 =	vlt.f32 v7, v9;
	v10 =	vadd.f32 $-1.000000000e+00, v9  }
0x34a: {  	v13 =	vadd.s32 v13, v12;
	v11 =	vsel vm1, v11, v6;
	v6 =	vsel vm0, $0xFFFFFFFF, v0  }
0x34b: {  	v12 =	vadd.s32 v18, v6;
	vm1 =	vgt.s32 v13, $0x0;
	v6 =	vadd.s32 $0x1, v13  }
0x34c: {  	vm2 =	vgt.s32 v6, $0x0;
	vm3 =	vgt.s32 v12, $0x0;
	v15 =	vmul.f32 v15, v14;
	v14 =	vld.idx.msk [tilespmem:v20+s7+$0x0], $0xffff  }
0x34d: {  	v17 =	vmul.f32 v21, v16;
	v6 =	vnsel vm2, $0x0, v6;
	v18 =	vnsel vm3, $0x0, v12  }
0x34e: {  	s3 =	simm.s32 $0x20;
	v16 =	vmul.f32 v22, v19;
	v6 =	vmin.u32 v6, $0x7F;
	v18 =	vmin.u32 v18, $0x7F  }
.LBB2_11:
0x34f: {  	p0 =	sne.s32 s3, $0x7F0  }
0x350: {  	v13 =	vnsel vm1, $0x0, v13;
	v18 =	vshll.u32 v18, $0x7;
	v15 =	vadd.f32 v15, v17;
	s29 =	sadd.s32 $0x10, s29;
	s31 =	smov.u32 s3;
	s3 =	sadd.s32 $0x10, s3  }
0x351: {  	v5 =	vmul.f32 v14, v5;
	v13 =	vmin.u32 v13, $0x7F;
	v17 =	vor.u32 v6, v18  }
0x352: {  	v12 =	vadd.s32 $0x1, v12;
	v14 =	vor.u32 v13, v18;
	v15 =	vadd.f32 v16, v15  }
0x353: {  	v9 =	vsel vm0, v10, v9;
	v8 =	vsub.f32 v8, v11;
	vm0 =	vgt.s32 v12, $0x0  }
0x354: {  	v7 =	vsub.f32 v7, v9;
	v9 =	vnsel vm0, $0x0, v12;
	v5 =	vadd.f32 v5, v15  }
0x355: {  	v10 =	vor.u32 $0x4000, v18;
	v11 =	vor.u32 $0x8000, v18;
	v9 =	vmin.u32 v9, $0x7F  }
0x356: {  	v12 =	vsub.f32 $1.000000000e+00, v7;
	v9 =	vshll.u32 v9, $0x7;
	v5 =	vadd.f32 v5, v1  }
0x357: {  	v15 =	vor.u32 v13, v9;
	v16 =	vor.u32 v6, v9;
	v19 =	vor.u32 $0x4000, v9  }
0x358: {  	v20 =	vor.u32 v13, v10;
	v21 =	vor.u32 v13, v19;
	v19 =	vor.u32 v6, v19;
	[tilespmem:s28+$0x19800] =	vst v5;
	s28 =	smov.u32 s30  }
0x359: {  	v10 =	vor.u32 v6, v10;
	v22 =	vor.u32 $0x8000, v9;
	v5 =	vld.idx.msk [tilespmem:v17+s7+$0x0], $0xffff;
	v17 =	vor.u32 v13, v11  }
0x35a: {  	v23 =	vor.u32 v13, v22;
	v22 =	vor.u32 v6, v22;
	v11 =	vor.u32 v6, v11;
	v14 =	vld.idx.msk [tilespmem:v14+s7+$0x0], $0xffff  }
0x35b: {  	v18 =	vor.u32 $0xC000, v18;
	v9 =	vor.u32 $0xC000, v9  }
0x35c: {  	v24 =	vsub.f32 $1.000000000e+00, v8;
	v25 =	vor.u32 v13, v9;
	v26 =	vor.u32 v6, v9;
	v15 =	vld.idx.msk [tilespmem:v15+s7+$0x0], $0xffff  }
0x35d: {  	v13 =	vor.u32 v13, v18;
	v6 =	vor.u32 v6, v18  }
0x35e: {  	v27 =	vmul.f32 v12, v8;
	v18 =	vmul.f32 v12, v24;
	v9 =	vld.idx.msk [tilespmem:v16+s7+$0x0], $0xffff  }
0x35f: {  	v16 =	vmul.f32 v24, v7  }
0x360: {  	v12 =	vmul.f32 v18, v14;
	v14 =	vmul.f32 v27, v5;
	_ =	sdelay $0x1  }
0x361: {  	v5 =	vmul.f32 v7, v8;
	v7 =	vadd.f32 v14, v12;
	v8 =	vmul.f32 v16, v15;
	_ =	sdelay $0x1  }
0x362: {  	v7 =	vadd.f32 v7, v8;
	v8 =	vmul.f32 v5, v9;
	_ =	sdelay $0x1  }
0x363: {  	v7 =	vadd.f32 v7, v8;
	_ =	sdelay $0x1  }
0x364: {  	v7 =	vadd.f32 v7, v2;
	_ =	sdelay $0x1  }
0x365: {  	[tilespmem:s29+$0x0] =	vst v7  }
0x366: {  	v7 =	vld.idx.msk [tilespmem:v20+s7+$0x0], $0xffff  }
0x367: {  	v8 =	vld.idx.msk [tilespmem:v10+s7+$0x0], $0xffff;
	_ =	sdelay $0x1  }
0x368: {  	v9 =	vld.idx.msk [tilespmem:v21+s7+$0x0], $0xffff;
	_ =	sdelay $0x1  }
0x369: {  	v10 =	vld.idx.msk [tilespmem:v19+s7+$0x0], $0xffff;
	_ =	sdelay $0x1  }
0x36a: {  	v7 =	vmul.f32 v18, v7;
	v8 =	vmul.f32 v8, v27;
	_ =	sdelay $0x1  }
0x36b: {  	v7 =	vadd.f32 v8, v7;
	v8 =	vmul.f32 v9, v16;
	_ =	sdelay $0x1  }
0x36c: {  	v7 =	vadd.f32 v8, v7;
	v8 =	vmul.f32 v10, v5;
	_ =	sdelay $0x1  }
0x36d: {  	v7 =	vadd.f32 v8, v7;
	_ =	sdelay $0x1  }
0x36e: {  	v7 =	vadd.f32 v7, v3;
	_ =	sdelay $0x1  }
0x36f: {  	[tilespmem:s28+$0x18800] =	vst v7  }
0x370: {  	v7 =	vld.idx.msk [tilespmem:v17+s7+$0x0], $0xffff  }
0x371: {  	v8 =	vld.idx.msk [tilespmem:v11+s7+$0x0], $0xffff;
	_ =	sdelay $0x1  }
0x372: {  	v9 =	vld.idx.msk [tilespmem:v23+s7+$0x0], $0xffff;
	_ =	sdelay $0x1  }
0x373: {  	v10 =	vld.idx.msk [tilespmem:v22+s7+$0x0], $0xffff  }
0x374: {  	v7 =	vmul.f32 v7, v18  }
0x375: {  	v8 =	vmul.f32 v8, v27;
	_ =	sdelay $0x1  }
0x376: {  	s30 =	sand.u32 $0x7F0, s31;
	v11 =	vadd.f32 v8, v7;
	v9 =	vmul.f32 v9, v16  }
0x377: {  	v8 =	vld [tilespmem:s30+$0x12000]  }
0x378: {  	v9 =	vadd.f32 v9, v11;
	v10 =	vmul.f32 v10, v5;
	v7 =	vld [tilespmem:s30+$0x16000];
	_ =	sdelay $0x1  }
0x379: {  	v9 =	vadd.f32 v10, v9;
	_ =	sdelay $0x1  }
0x37a: {  	v9 =	vadd.f32 v9, v4;
	v10 =	vtrunc.f32 v8  }
0x37b: {  	v11 =	vcvt.f32.s32 v10;
	v10 =	vtrunc.f32 v7  }
0x37c: {  	v12 =	vcvt.f32.s32 v10;
	[tilespmem:s28+$0x19000] =	vst v9  }
0x37d: {  	v15 =	vcvt.s32.f32 v11;
	v6 =	vld.idx.msk [tilespmem:v6+s7+$0x0], $0xffff  }
0x37e: {  	v9 =	vcvt.s32.f32 v12;
	v17 =	vld.idx.msk [tilespmem:v13+s7+$0x0], $0xffff  }
0x37f: {  	vm1 =	vlt.f32 v8, v15;
	v19 =	vadd.f32 $-1.000000000e+00, v15;
	v20 =	vld.idx.msk [tilespmem:v25+s7+$0x0], $0xffff  }
0x380: {  	v13 =	vsel vm1, $0xFFFFFFFF, v0;
	vm0 =	vlt.f32 v7, v9;
	v10 =	vadd.f32 $-1.000000000e+00, v9;
	v14 =	vld.idx.msk [tilespmem:v26+s7+$0x0], $0xffff  }
.Ltmp4:
0x381: {  	v13 =	vadd.s32 v11, v13;
	v11 =	vsel vm1, v19, v15;
	v15 =	vsel vm0, $0xFFFFFFFF, v0;
	(pc) =	sbr.rel @p0 .LBB2_11-.Ltmp4, $4  }
0x382: {  	v12 =	vadd.s32 v12, v15;
	vm1 =	vgt.s32 v13, $0x0;
	v19 =	vadd.s32 $0x1, v13  }
0x383: {  	v15 =	vmul.f32 v6, v27;
	vm2 =	vgt.s32 v19, $0x0;
	vm3 =	vgt.s32 v12, $0x0  }
0x384: {  	v17 =	vmul.f32 v17, v18;
	v6 =	vnsel vm2, $0x0, v19;
	v19 =	vnsel vm3, $0x0, v12  }
0x385: {  	v16 =	vmul.f32 v20, v16;
	v6 =	vmin.u32 v6, $0x7F;
	v18 =	vmin.u32 v19, $0x7F  }
0x386: {  	v15 =	vadd.f32 v15, v17  }
0x387: {  	v13 =	vnsel vm1, $0x0, v13  }
0x388: {  	v5 =	vmul.f32 v14, v5;
	v12 =	vadd.s32 $0x1, v12;
	v14 =	vadd.f32 v16, v15  }
0x389: {  	v13 =	vmin.u32 v13, $0x7F;
	vm11 =	vgt.s32 v12, $0x0;
	v15 =	vshll.u32 v18, $0x7  }
0x38a: {  	v12 =	vnsel vm11, $0x0, v12;
	v50 =	vor.u32 v6, v15;
	v5 =	vadd.f32 v5, v14  }
0x38b: {  	v12 =	vmin.u32 v12, $0x7F;
	v14 =	vor.u32 v13, v15  }
0x38c: {  	v12 =	vshll.u32 v12, $0x7;
	v5 =	vadd.f32 v5, v1  }
0x38d: {  	v51 =	vor.u32 v13, v12  }
0x38e: {  	v9 =	vsel vm0, v10, v9;
	[tilespmem:s28+$0x19800] =	vst v5  }
0x38f: {  	v7 =	vsub.f32 v7, v9;
	v5 =	vsub.f32 v8, v11;
	v8 =	vor.u32 v6, v12;
	v9 =	vld.idx.msk [tilespmem:v50+s7+$0x0], $0xffff  }
0x390: {  	v10 =	vld.idx.msk [tilespmem:v14+s7+$0x0], $0xffff  }
0x391: {  	v11 =	vsub.f32 $1.000000000e+00, v7;
	v14 =	vsub.f32 $1.000000000e+00, v5  }
0x392: {  	v52 =	vld.idx.msk [tilespmem:v51+s7+$0x0], $0xffff  }
0x393: {  	v53 =	vmul.f32 v11, v14;
	v11 =	vmul.f32 v11, v5  }
0x394: {  	v14 =	vmul.f32 v14, v7;
	v8 =	vld.idx.msk [tilespmem:v8+s7+$0x0], $0xffff  }
0x395: {  	v10 =	vmul.f32 v53, v10;
	v9 =	vmul.f32 v11, v9;
	_ =	sdelay $0x1  }
0x396: {  	v5 =	vmul.f32 v7, v5;
	v7 =	vadd.f32 v9, v10;
	v9 =	vmul.f32 v14, v52;
	_ =	sdelay $0x1  }
0x397: {  	v7 =	vadd.f32 v7, v9;
	v8 =	vmul.f32 v5, v8  }
0x398: {  	v9 =	vor.u32 $0x4000, v15  }
0x399: {  	v10 =	vor.u32 v13, v9;
	v7 =	vadd.f32 v7, v8  }
0x39a: {  	v8 =	vor.u32 v6, v9  }
0x39b: {  	v9 =	vor.u32 $0x4000, v12;
	v7 =	vadd.f32 v7, v2  }
0x39c: {  	s0 =	sadd.s32 $0x10, s29;
	v54 =	vor.u32 v13, v9  }
0x39d: {  	[tilespmem:s0+$0x0] =	vst v7  }
0x39e: {  	v7 =	vor.u32 v6, v9;
	v9 =	vld.idx.msk [tilespmem:v10+s7+$0x0], $0xffff  }
0x39f: {  	v8 =	vld.idx.msk [tilespmem:v8+s7+$0x0], $0xffff;
	_ =	sdelay $0x1  }
0x3a0: {  	v10 =	vld.idx.msk [tilespmem:v54+s7+$0x0], $0xffff;
	_ =	sdelay $0x1  }
0x3a1: {  	v7 =	vld.idx.msk [tilespmem:v7+s7+$0x0], $0xffff  }
0x3a2: {  	v9 =	vmul.f32 v53, v9;
	v8 =	vmul.f32 v8, v11;
	_ =	sdelay $0x1  }
0x3a3: {  	v8 =	vadd.f32 v8, v9;
	v9 =	vmul.f32 v10, v14;
	_ =	sdelay $0x1  }
0x3a4: {  	v8 =	vadd.f32 v9, v8;
	v7 =	vmul.f32 v7, v5  }
0x3a5: {  	v9 =	vor.u32 $0x8000, v15  }
0x3a6: {  	v10 =	vor.u32 v13, v9;
	v7 =	vadd.f32 v7, v8  }
0x3a7: {  	v8 =	vor.u32 v6, v9  }
0x3a8: {  	v9 =	vor.u32 $0x8000, v12;
	v7 =	vadd.f32 v7, v3  }
0x3a9: {  	v55 =	vor.u32 v13, v9  }
0x3aa: {  	[tilespmem:s30+$0x18800] =	vst v7  }
0x3ab: {  	v7 =	vor.u32 v6, v9;
	v9 =	vld.idx.msk [tilespmem:v10+s7+$0x0], $0xffff  }
0x3ac: {  	v8 =	vld.idx.msk [tilespmem:v8+s7+$0x0], $0xffff;
	_ =	sdelay $0x1  }
0x3ad: {  	v10 =	vld.idx.msk [tilespmem:v55+s7+$0x0], $0xffff;
	_ =	sdelay $0x1  }
0x3ae: {  	v7 =	vld.idx.msk [tilespmem:v7+s7+$0x0], $0xffff  }
0x3af: {  	v9 =	vmul.f32 v9, v53;
	v8 =	vmul.f32 v8, v11;
	_ =	sdelay $0x1  }
0x3b0: {  	v8 =	vadd.f32 v8, v9;
	v9 =	vmul.f32 v10, v14;
	_ =	sdelay $0x1  }
0x3b1: {  	v8 =	vadd.f32 v9, v8;
	v7 =	vmul.f32 v7, v5  }
0x3b2: {  	v9 =	vor.u32 $0xC000, v15  }
0x3b3: {  	v10 =	vor.u32 v6, v9;
	v7 =	vadd.f32 v7, v8  }
0x3b4: {  	v8 =	vor.u32 v13, v9  }
0x3b5: {  	v9 =	vor.u32 $0xC000, v12;
	v7 =	vadd.f32 v7, v4  }
0x3b6: {  	v12 =	vor.u32 v13, v9  }
0x3b7: {  	[tilespmem:s30+$0x19000] =	vst v7  }
0x3b8: {  	v6 =	vor.u32 v6, v9;
	v7 =	vld.idx.msk [tilespmem:v10+s7+$0x0], $0xffff  }
0x3b9: {  	v8 =	vld.idx.msk [tilespmem:v8+s7+$0x0], $0xffff;
	_ =	sdelay $0x1  }
0x3ba: {  	v9 =	vld.idx.msk [tilespmem:v12+s7+$0x0], $0xffff;
	_ =	sdelay $0x1  }
0x3bb: {  	v6 =	vld.idx.msk [tilespmem:v6+s7+$0x0], $0xffff  }
0x3bc: {  	v7 =	vmul.f32 v7, v11;
	v8 =	vmul.f32 v8, v53;
	_ =	sdelay $0x1  }
0x3bd: {  	v9 =	vmul.f32 v9, v14;
	v7 =	vadd.f32 v7, v8;
	_ =	sdelay $0x1  }
0x3be: {  	v5 =	vmul.f32 v6, v5;
	v6 =	vadd.f32 v9, v7;
	_ =	sdelay $0x1  }
0x3bf: {  	v5 =	vadd.f32 v5, v6;
	_ =	sdelay $0x1  }
0x3c0: {  	v5 =	vadd.f32 v5, v1  }
0x3c1: {  	s3 =	rddreg [dreg:$0x18]  }
0x3c2: {  	s0 =	sadd.s32 s26, s3;
	s3 =	simm.s32 $0x0;
	[tilespmem:s30+$0x19800] =	vst v5  }
0x3c3: {  	[hbm4b:s0+s3] =	stream.linear.scatter [tilespmem:s14], [sflag:$0x3], $0x800, $0x38;
	[tilespmem:$0x1C180] =	vst v63  }
0x3c4: {  	s0 =	rddreg [dreg:$0x19]  }
0x3c5: {  	s0 =	sadd.s32 s26, s0  }
0x3c6: {  	[hbm4b:s0+s3] =	stream.linear.scatter [tilespmem:s15], [sflag:$0x3], $0x800, $0x38;
	[tilespmem:$0x1C180] =	vst v63  }
0x3c7: {  	s0 =	rddreg [dreg:$0x1a]  }
0x3c8: {  	s0 =	sadd.s32 s26, s0  }
0x3c9: {  	[hbm4b:s0+s3] =	stream.linear.scatter [tilespmem:s16], [sflag:$0x3], $0x800, $0x38;
	[tilespmem:$0x1C180] =	vst v63  }
0x3ca: {  	s0 =	rddreg [dreg:$0x1b]  }
0x3cb: {  	s0 =	sadd.s32 s26, s0  }
0x3cc: {  	[hbm4b:s0+s3] =	stream.linear.scatter [tilespmem:s17], [sflag:$0x3], $0x800, $0x38;
	[tilespmem:$0x1C180] =	vst v63  }
0x3cd: {  	_ =	swait.ge [sflag:s22], $0x800  }
0x3ce: {  	[sflag:s22] =	ssyncset.done $0x0  }
0x3cf: {  	[sflag:s22] =	ssyncadd.s32 $0xFFFFF800  }
0x3d0: {  	_ =	swait.ge [sflag:s22], $0x800  }
0x3d1: {  	[sflag:s22] =	ssyncset.done $0x0  }
0x3d2: {  	[sflag:s22] =	ssyncadd.s32 $0xFFFFF800  }
0x3d3: {  	_ =	swait.ge [sflag:s22], $0x800  }
0x3d4: {  	[sflag:s22] =	ssyncset.done $0x0  }
0x3d5: {  	[sflag:s22] =	ssyncadd.s32 $0xFFFFF800  }
0x3d6: {  	_ =	swait.ge [sflag:s22], $0x800  }
0x3d7: {  	[sflag:s22] =	ssyncset.done $0x0  }
0x3d8: {  	s28 =	sand.u32 $0x7F0, s3;
	[sflag:s22] =	ssyncadd.s32 $0xFFFFF800  }
0x3d9: {  	v5 =	vld [tilespmem:s28+$0x16800]  }
0x3da: {  	s29 =	simm.s32 $0x12800  }
0x3db: {  	v6 =	vld [tilespmem:s29+$0x0];
	_ =	sdelay $0x2  }
0x3dc: {  	v7 =	vtrunc.f32 v5  }
0x3dd: {  	v7 =	vcvt.f32.s32 v7  }
0x3de: {  	v8 =	vtrunc.f32 v6  }
0x3df: {  	v8 =	vcvt.f32.s32 v8;
	v9 =	vcvt.s32.f32 v7;
	_ =	sdelay $0x1  }
0x3e0: {  	v10 =	vcvt.s32.f32 v8;
	vm12 =	vlt.f32 v5, v9  }
0x3e1: {  	v11 =	vsel vm12, $0xFFFFFFFF, v0  }
0x3e2: {  	vm13 =	vlt.f32 v6, v10;
	v7 =	vadd.s32 v7, v11  }
0x3e3: {  	v11 =	vsel vm13, $0xFFFFFFFF, v0;
	v12 =	vadd.s32 $0x1, v7  }
0x3e4: {  	vm2 =	vgt.s32 v7, $0x0;
	v8 =	vadd.s32 v8, v11;
	vm3 =	vgt.s32 v12, $0x0  }
0x3e5: {  	v7 =	vnsel vm2, $0x0, v7;
	vm14 =	vgt.s32 v8, $0x0;
	v11 =	vadd.s32 $0x1, v8  }
0x3e6: {  	v8 =	vnsel vm14, $0x0, v8;
	vm15 =	vgt.s32 v11, $0x0;
	v7 =	vmin.u32 v7, $0x7F  }
0x3e7: {  	v13 =	vmin.u32 v8, $0x7F;
	v8 =	vnsel vm15, $0x0, v11;
	v11 =	vshll.u32 v7, $0x7  }
0x3e8: {  	v7 =	vnsel vm3, $0x0, v12;
	v14 =	vmin.u32 v8, $0x7F;
	v8 =	vor.u32 v13, v11  }
0x3e9: {  	v7 =	vmin.u32 v7, $0x7F;
	v12 =	vor.u32 v14, v11  }
0x3ea: {  	v15 =	vadd.f32 $-1.000000000e+00, v9;
	v56 =	vadd.f32 $-1.000000000e+00, v10;
	v57 =	vshll.u32 v7, $0x7  }
0x3eb: {  	v7 =	vor.u32 v13, v57  }
0x3ec: {  	v10 =	vsel vm13, v56, v10;
	v9 =	vsel vm12, v15, v9  }
0x3ed: {  	v10 =	vsub.f32 v6, v10;
	v9 =	vsub.f32 v5, v9;
	v6 =	vor.u32 v14, v57;
	v8 =	vld.idx.msk [tilespmem:v8+s7+$0x0], $0xffff  }
0x3ee: {  	v12 =	vld.idx.msk [tilespmem:v12+s7+$0x0], $0xffff  }
0x3ef: {  	v15 =	vsub.f32 $1.000000000e+00, v10;
	v5 =	vsub.f32 $1.000000000e+00, v9  }
0x3f0: {  	v58 =	vld.idx.msk [tilespmem:v7+s7+$0x0], $0xffff  }
0x3f1: {  	v7 =	vmul.f32 v5, v15;
	v5 =	vmul.f32 v5, v10  }
0x3f2: {  	v59 =	vld.idx.msk [tilespmem:v6+s7+$0x0], $0xffff;
	v6 =	vmul.f32 v15, v9  }
0x3f3: {  	v15 =	vmul.f32 v7, v8;
	v12 =	vmul.f32 v5, v12;
	_ =	sdelay $0x1  }
0x3f4: {  	v8 =	vmul.f32 v9, v10;
	v10 =	vmul.f32 v6, v58;
	v9 =	vadd.f32 v12, v15;
	_ =	sdelay $0x1  }
0x3f5: {  	v9 =	vadd.f32 v9, v10;
	v10 =	vmul.f32 v8, v59  }
0x3f6: {  	v12 =	vor.u32 $0x4000, v11  }
0x3f7: {  	v15 =	vor.u32 v13, v12;
	v9 =	vadd.f32 v9, v10  }
0x3f8: {  	v10 =	vor.u32 v14, v12  }
0x3f9: {  	v12 =	vor.u32 $0x4000, v57;
	v9 =	vadd.f32 v9, v2  }
0x3fa: {  	v60 =	vor.u32 v13, v12  }
0x3fb: {  	[tilespmem:s28+$0x1A000] =	vst v9  }
0x3fc: {  	v9 =	vor.u32 v14, v12;
	v12 =	vld.idx.msk [tilespmem:v15+s7+$0x0], $0xffff  }
0x3fd: {  	v10 =	vld.idx.msk [tilespmem:v10+s7+$0x0], $0xffff;
	_ =	sdelay $0x1  }
0x3fe: {  	v15 =	vld.idx.msk [tilespmem:v60+s7+$0x0], $0xffff;
	_ =	sdelay $0x1  }
0x3ff: {  	v9 =	vld.idx.msk [tilespmem:v9+s7+$0x0], $0xffff  }
0x400: {  	v12 =	vmul.f32 v7, v12;
	v10 =	vmul.f32 v10, v5;
	_ =	sdelay $0x1  }
0x401: {  	v10 =	vadd.f32 v10, v12;
	v12 =	vmul.f32 v15, v6;
	_ =	sdelay $0x1  }
0x402: {  	v10 =	vadd.f32 v12, v10;
	v9 =	vmul.f32 v9, v8  }
0x403: {  	v12 =	vor.u32 $0x8000, v11  }
0x404: {  	v15 =	vor.u32 v13, v12;
	v9 =	vadd.f32 v9, v10  }
0x405: {  	v10 =	vor.u32 v14, v12  }
0x406: {  	v12 =	vor.u32 $0x8000, v57;
	v9 =	vadd.f32 v9, v3  }
0x407: {  	s30 =	simm.s32 $0x1A800;
	v61 =	vor.u32 v13, v12  }
0x408: {  	[tilespmem:s30+$0x0] =	vst v9  }
0x409: {  	v9 =	vor.u32 v14, v12;
	v12 =	vld.idx.msk [tilespmem:v15+s7+$0x0], $0xffff  }
0x40a: {  	v10 =	vld.idx.msk [tilespmem:v10+s7+$0x0], $0xffff;
	_ =	sdelay $0x1  }
0x40b: {  	v15 =	vld.idx.msk [tilespmem:v61+s7+$0x0], $0xffff;
	_ =	sdelay $0x1  }
0x40c: {  	v9 =	vld.idx.msk [tilespmem:v9+s7+$0x0], $0xffff  }
0x40d: {  	v12 =	vmul.f32 v12, v7;
	v10 =	vmul.f32 v10, v5;
	_ =	sdelay $0x1  }
0x40e: {  	v10 =	vadd.f32 v10, v12;
	v12 =	vmul.f32 v15, v6;
	_ =	sdelay $0x1  }
0x40f: {  	v15 =	vor.u32 $0xC000, v57;
	v62 =	vadd.f32 v12, v10;
	v63 =	vmul.f32 v9, v8  }
0x410: {  	v9 =	vor.u32 v13, v15;
	v12 =	vor.u32 $0xC000, v11;
	v10 =	vor.u32 v14, v15  }
0x411: {  	s31 =	simm.s32 $0x10;
	v11 =	vor.u32 v13, v12;
	v12 =	vor.u32 v14, v12;
	v13 =	vadd.f32 v63, v62  }
.LBB2_13:
0x412: {  	p0 =	sne.s32 s31, $0x7F0;
	s30 =	sadd.s32 $0x10, s30;
	s29 =	sadd.s32 $0x10, s29  }
0x413: {  	s0 =	smov.u32 s31;
	s31 =	sadd.s32 $0x10, s31;
	v13 =	vadd.f32 v13, v4;
	_ =	sdelay $0x1  }
0x414: {  	s0 =	sand.u32 $0x7F0, s0;
	[tilespmem:s28+$0x1B000] =	vst v13  }
0x415: {  	v11 =	vld.idx.msk [tilespmem:v11+s7+$0x0], $0xffff  }
0x416: {  	v12 =	vld.idx.msk [tilespmem:v12+s7+$0x0], $0xffff  }
0x417: {  	v9 =	vld.idx.msk [tilespmem:v9+s7+$0x0], $0xffff  }
0x418: {  	v10 =	vld.idx.msk [tilespmem:v10+s7+$0x0], $0xffff;
	_ =	sdelay $0x2  }
0x419: {  	v7 =	vmul.f32 v11, v7  }
0x41a: {  	v5 =	vmul.f32 v12, v5;
	_ =	sdelay $0x1  }
0x41b: {  	v6 =	vmul.f32 v9, v6;
	v5 =	vadd.f32 v5, v7;
	_ =	sdelay $0x1  }
0x41c: {  	v5 =	vadd.f32 v6, v5;
	v6 =	vmul.f32 v10, v8;
	_ =	sdelay $0x1  }
0x41d: {  	v5 =	vadd.f32 v6, v5;
	_ =	sdelay $0x1  }
0x41e: {  	v5 =	vadd.f32 v5, v1  }
0x41f: {  	v6 =	vld [tilespmem:s0+$0x16800]  }
0x420: {  	[tilespmem:s28+$0x1B800] =	vst v5;
	s28 =	smov.u32 s0  }
0x421: {  	v5 =	vld [tilespmem:s29+$0x0];
	_ =	sdelay $0x2  }
0x422: {  	v7 =	vtrunc.f32 v6  }
0x423: {  	v7 =	vcvt.f32.s32 v7  }
0x424: {  	v8 =	vtrunc.f32 v5  }
0x425: {  	v8 =	vcvt.f32.s32 v8;
	v9 =	vcvt.s32.f32 v7;
	_ =	sdelay $0x1  }
0x426: {  	v10 =	vcvt.s32.f32 v8;
	vm0 =	vlt.f32 v6, v9;
	v11 =	vadd.f32 $-1.000000000e+00, v9  }
0x427: {  	v12 =	vsel vm0, $0xFFFFFFFF, v0  }
0x428: {  	vm1 =	vlt.f32 v5, v10;
	v13 =	vadd.f32 $-1.000000000e+00, v10;
	v7 =	vadd.s32 v7, v12  }
0x429: {  	v12 =	vsel vm1, $0xFFFFFFFF, v0;
	vm2 =	vgt.s32 v7, $0x0;
	v14 =	vadd.s32 $0x1, v7  }
0x42a: {  	v8 =	vadd.s32 v8, v12;
	v10 =	vsel vm1, v13, v10;
	vm1 =	vgt.s32 v14, $0x0  }
0x42b: {  	v7 =	vnsel vm2, $0x0, v7;
	vm3 =	vgt.s32 v8, $0x0;
	v12 =	vadd.s32 $0x1, v8  }
0x42c: {  	v7 =	vmin.u32 v7, $0x7F;
	v8 =	vnsel vm3, $0x0, v8;
	vm2 =	vgt.s32 v12, $0x0  }
0x42d: {  	v7 =	vshll.u32 v7, $0x7;
	v8 =	vmin.u32 v8, $0x7F;
	v12 =	vnsel vm2, $0x0, v12  }
0x42e: {  	v13 =	vnsel vm1, $0x0, v14;
	v12 =	vmin.u32 v12, $0x7F;
	v14 =	vor.u32 v8, v7  }
0x42f: {  	v15 =	vsub.f32 v5, v10;
	v5 =	vmin.u32 v13, $0x7F;
	v10 =	vor.u32 v12, v7  }
0x430: {  	v9 =	vsel vm0, v11, v9;
	v5 =	vshll.u32 v5, $0x7;
	v11 =	vor.u32 $0x4000, v7  }
0x431: {  	v13 =	vsub.f32 $1.000000000e+00, v15;
	v16 =	vor.u32 v8, v5;
	v17 =	vor.u32 v12, v5  }
0x432: {  	v18 =	vsub.f32 v6, v9;
	v19 =	vor.u32 v8, v11;
	v6 =	vor.u32 $0x4000, v5  }
0x433: {  	v20 =	vor.u32 v12, v11;
	v21 =	vor.u32 v8, v6;
	v22 =	vor.u32 v12, v6;
	v14 =	vld.idx.msk [tilespmem:v14+s7+$0x0], $0xffff  }
0x434: {  	v9 =	vor.u32 $0x8000, v5;
	v6 =	vor.u32 $0x8000, v7;
	v5 =	vor.u32 $0xC000, v5;
	v23 =	vld.idx.msk [tilespmem:v10+s7+$0x0], $0xffff  }
0x435: {  	v26 =	vor.u32 v8, v9;
	v24 =	vor.u32 v8, v6;
	v25 =	vor.u32 v12, v6  }
0x436: {  	v27 =	vor.u32 v12, v9;
	v6 =	vsub.f32 $1.000000000e+00, v18;
	v9 =	vor.u32 v8, v5;
	v16 =	vld.idx.msk [tilespmem:v16+s7+$0x0], $0xffff  }
0x437: {  	v28 =	vor.u32 $0xC000, v7;
	v10 =	vor.u32 v12, v5  }
0x438: {  	v11 =	vor.u32 v8, v28;
	v7 =	vmul.f32 v6, v13;
	v5 =	vmul.f32 v6, v15;
	v17 =	vld.idx.msk [tilespmem:v17+s7+$0x0], $0xffff  }
0x439: {  	v6 =	vmul.f32 v13, v18;
	v12 =	vor.u32 v12, v28  }
0x43a: {  	v13 =	vmul.f32 v7, v14;
	v14 =	vmul.f32 v5, v23;
	_ =	sdelay $0x1  }
0x43b: {  	v8 =	vmul.f32 v18, v15;
	v13 =	vadd.f32 v14, v13;
	v14 =	vmul.f32 v6, v16;
	_ =	sdelay $0x1  }
0x43c: {  	v13 =	vadd.f32 v13, v14;
	v14 =	vmul.f32 v8, v17;
	_ =	sdelay $0x1  }
0x43d: {  	v13 =	vadd.f32 v13, v14;
	_ =	sdelay $0x1  }
0x43e: {  	v13 =	vadd.f32 v13, v2;
	_ =	sdelay $0x1  }
0x43f: {  	[tilespmem:s28+$0x1A000] =	vst v13  }
0x440: {  	v13 =	vld.idx.msk [tilespmem:v19+s7+$0x0], $0xffff  }
0x441: {  	v14 =	vld.idx.msk [tilespmem:v20+s7+$0x0], $0xffff;
	_ =	sdelay $0x1  }
0x442: {  	v15 =	vld.idx.msk [tilespmem:v21+s7+$0x0], $0xffff;
	_ =	sdelay $0x1  }
0x443: {  	v16 =	vld.idx.msk [tilespmem:v22+s7+$0x0], $0xffff  }
0x444: {  	v13 =	vmul.f32 v7, v13  }
0x445: {  	v14 =	vmul.f32 v14, v5;
	_ =	sdelay $0x1  }
0x446: {  	v13 =	vadd.f32 v14, v13;
	v14 =	vmul.f32 v15, v6;
	_ =	sdelay $0x1  }
0x447: {  	v13 =	vadd.f32 v14, v13;
	v14 =	vmul.f32 v16, v8;
	_ =	sdelay $0x1  }
0x448: {  	v13 =	vadd.f32 v14, v13;
	_ =	sdelay $0x1  }
0x449: {  	v13 =	vadd.f32 v13, v3;
	_ =	sdelay $0x1  }
0x44a: {  	[tilespmem:s30+$0x0] =	vst v13  }
0x44b: {  	v13 =	vld.idx.msk [tilespmem:v24+s7+$0x0], $0xffff  }
0x44c: {  	v14 =	vld.idx.msk [tilespmem:v25+s7+$0x0], $0xffff;
	_ =	sdelay $0x1  }
0x44d: {  	v15 =	vld.idx.msk [tilespmem:v26+s7+$0x0], $0xffff;
	_ =	sdelay $0x1  }
0x44e: {  	v16 =	vld.idx.msk [tilespmem:v27+s7+$0x0], $0xffff  }
0x44f: {  	v13 =	vmul.f32 v13, v7  }
0x450: {  	v14 =	vmul.f32 v14, v5;
	_ =	sdelay $0x1  }
.Ltmp5:
0x451: {  	v13 =	vadd.f32 v14, v13;
	v14 =	vmul.f32 v15, v6;
	(pc) =	sbr.rel @p0 .LBB2_13-.Ltmp5, $3  }
0x452: {  	_ = 	snop  }
0x453: {  	v13 =	vadd.f32 v14, v13;
	v14 =	vmul.f32 v16, v8;
	_ =	sdelay $0x1  }
0x454: {  	v13 =	vadd.f32 v14, v13  }
0x455: {  	_ = 	snop  }
0x456: {  	v13 =	vadd.f32 v13, v4;
	_ =	sdelay $0x1  }
0x457: {  	[tilespmem:s28+$0x1B000] =	vst v13  }
0x458: {  	v11 =	vld.idx.msk [tilespmem:v11+s7+$0x0], $0xffff  }
0x459: {  	v12 =	vld.idx.msk [tilespmem:v12+s7+$0x0], $0xffff;
	_ =	sdelay $0x1  }
0x45a: {  	v9 =	vld.idx.msk [tilespmem:v9+s7+$0x0], $0xffff;
	_ =	sdelay $0x1  }
0x45b: {  	v10 =	vld.idx.msk [tilespmem:v10+s7+$0x0], $0xffff  }
0x45c: {  	v7 =	vmul.f32 v11, v7;
	v5 =	vmul.f32 v12, v5;
	_ =	sdelay $0x1  }
0x45d: {  	v6 =	vmul.f32 v9, v6;
	v5 =	vadd.f32 v5, v7;
	_ =	sdelay $0x1  }
0x45e: {  	v5 =	vadd.f32 v6, v5;
	v6 =	vmul.f32 v10, v8;
	_ =	sdelay $0x1  }
0x45f: {  	v5 =	vadd.f32 v6, v5;
	_ =	sdelay $0x1  }
0x460: {  	v5 =	vadd.f32 v5, v1  }
0x461: {  	s0 =	rddreg [dreg:$0x1c]  }
0x462: {  	s3 =	simm.s32 $0x0;
	s31 =	rddreg [dreg:$0x1d];
	s0 =	sadd.s32 s26, s0;
	[tilespmem:s28+$0x1B800] =	vst v5  }
0x463: {  	[hbm4b:s0+s3] =	stream.linear.scatter [tilespmem:s18], [sflag:$0x3], $0x800, $0x38;
	[tilespmem:$0x1C180] =	vst v63  }
0x464: {  	s0 =	sadd.s32 s26, s31;
	s31 =	rddreg [dreg:$0x1e]  }
0x465: {  	[hbm4b:s0+s3] =	stream.linear.scatter [tilespmem:s19], [sflag:$0x3], $0x800, $0x38;
	[tilespmem:$0x1C180] =	vst v63  }
0x466: {  	s0 =	sadd.s32 s26, s31  }
0x467: {  	[hbm4b:s0+s3] =	stream.linear.scatter [tilespmem:s20], [sflag:$0x3], $0x800, $0x38;
	[tilespmem:$0x1C180] =	vst v63  }
0x468: {  	s31 =	sadd.s32 s26, s5  }
0x469: {  	[hbm4b:s31+s3] =	stream.linear.scatter [tilespmem:s21], [sflag:$0x3], $0x800, $0x38;
	[tilespmem:$0x1C180] =	vst v63  }
0x46a: {  	_ =	swait.ge [sflag:s22], $0x800  }
0x46b: {  	[sflag:s22] =	ssyncset.done $0x0  }
0x46c: {  	[sflag:s22] =	ssyncadd.s32 $0xFFFFF800  }
0x46d: {  	_ =	swait.ge [sflag:s22], $0x800  }
0x46e: {  	[sflag:s22] =	ssyncset.done $0x0  }
0x46f: {  	[sflag:s22] =	ssyncadd.s32 $0xFFFFF800  }
0x470: {  	_ =	swait.ge [sflag:s22], $0x800  }
0x471: {  	[sflag:s22] =	ssyncset.done $0x0  }
0x472: {  	[sflag:s22] =	ssyncadd.s32 $0xFFFFF800  }
0x473: {  	_ =	swait.ge [sflag:s22], $0x800  }
0x474: {  	[sflag:s22] =	ssyncset.done $0x0  }
0x475: {  	s28 =	sand.u32 $0x7F0, s3;
	[sflag:s22] =	ssyncadd.s32 $0xFFFFF800  }
0x476: {  	v5 =	vld [tilespmem:s28+$0x13000]  }
0x477: {  	v6 =	vld [tilespmem:s28+$0x17000];
	_ =	sdelay $0x3  }
0x478: {  	v7 =	vtrunc.f32 v5  }
0x479: {  	v8 =	vtrunc.f32 v6;
	v7 =	vcvt.f32.s32 v7  }
0x47a: {  	v8 =	vcvt.f32.s32 v8  }
0x47b: {  	v9 =	vcvt.s32.f32 v7  }
0x47c: {  	v10 =	vcvt.s32.f32 v8  }
0x47d: {  	vm0 =	vlt.f32 v5, v9  }
0x47e: {  	vm1 =	vlt.f32 v6, v10;
	v11 =	vsel vm0, $0xFFFFFFFF, v0  }
0x47f: {  	v7 =	vadd.s32 v7, v11;
	v11 =	vsel vm1, $0xFFFFFFFF, v0  }
0x480: {  	v8 =	vadd.s32 v8, v11;
	v11 =	vadd.s32 $0x1, v7  }
0x481: {  	vm2 =	vgt.s32 v11, $0x0;
	vm3 =	vgt.s32 v8, $0x0  }
0x482: {  	v11 =	vnsel vm2, $0x0, v11;
	vm2 =	vgt.s32 v7, $0x0;
	v12 =	vnsel vm3, $0x0, v8  }
0x483: {  	v8 =	vadd.s32 $0x1, v8;
	v11 =	vmin.u32 v11, $0x7F;
	v12 =	vmin.u32 v12, $0x7F  }
0x484: {  	v7 =	vnsel vm2, $0x0, v7;
	vm2 =	vgt.s32 v8, $0x0;
	v12 =	vshll.u32 v12, $0x7  }
0x485: {  	v13 =	vmin.u32 v7, $0x7F;
	v8 =	vnsel vm2, $0x0, v8;
	v7 =	vor.u32 v11, v12  }
0x486: {  	v14 =	vor.u32 v13, v12;
	v8 =	vmin.u32 v8, $0x7F  }
0x487: {  	v15 =	vadd.f32 $-1.000000000e+00, v9;
	v16 =	vadd.f32 $-1.000000000e+00, v10;
	v17 =	vshll.u32 v8, $0x7  }
0x488: {  	v8 =	vor.u32 v13, v17  }
0x489: {  	v9 =	vsel vm0, v15, v9;
	v10 =	vsel vm1, v16, v10  }
0x48a: {  	v5 =	vsub.f32 v5, v9;
	v6 =	vsub.f32 v6, v10;
	v9 =	vor.u32 v11, v17;
	v7 =	vld.idx.msk [tilespmem:v7+s7+$0x0], $0xffff  }
0x48b: {  	v10 =	vld.idx.msk [tilespmem:v14+s7+$0x0], $0xffff  }
0x48c: {  	v15 =	vsub.f32 $1.000000000e+00, v5;
	v14 =	vsub.f32 $1.000000000e+00, v6  }
0x48d: {  	v8 =	vld.idx.msk [tilespmem:v8+s7+$0x0], $0xffff  }
0x48e: {  	v16 =	vmul.f32 v14, v15;
	v14 =	vmul.f32 v14, v5  }
0x48f: {  	v19 =	vmul.f32 v15, v6;
	v9 =	vld.idx.msk [tilespmem:v9+s7+$0x0], $0xffff  }
0x490: {  	v10 =	vmul.f32 v16, v10;
	v7 =	vmul.f32 v14, v7;
	_ =	sdelay $0x1  }
0x491: {  	v5 =	vmul.f32 v6, v5;
	v6 =	vadd.f32 v7, v10;
	v7 =	vmul.f32 v19, v8;
	_ =	sdelay $0x1  }
0x492: {  	v6 =	vadd.f32 v6, v7;
	v7 =	vmul.f32 v5, v9  }
0x493: {  	v8 =	vor.u32 $0x4000, v12  }
0x494: {  	v9 =	vor.u32 v13, v8;
	v6 =	vadd.f32 v6, v7  }
0x495: {  	v7 =	vor.u32 v11, v8  }
0x496: {  	v8 =	vor.u32 $0x4000, v17;
	v6 =	vadd.f32 v6, v2  }
0x497: {  	s29 =	simm.s32 $0x18000;
	v10 =	vor.u32 v13, v8  }
0x498: {  	[tilespmem:s29+$0x0] =	vst v6  }
0x499: {  	v6 =	vor.u32 v11, v8;
	v8 =	vld.idx.msk [tilespmem:v9+s7+$0x0], $0xffff  }
0x49a: {  	v7 =	vld.idx.msk [tilespmem:v7+s7+$0x0], $0xffff;
	_ =	sdelay $0x1  }
0x49b: {  	v9 =	vld.idx.msk [tilespmem:v10+s7+$0x0], $0xffff;
	_ =	sdelay $0x1  }
0x49c: {  	v6 =	vld.idx.msk [tilespmem:v6+s7+$0x0], $0xffff  }
0x49d: {  	v8 =	vmul.f32 v16, v8;
	v7 =	vmul.f32 v7, v14;
	_ =	sdelay $0x1  }
0x49e: {  	v7 =	vadd.f32 v7, v8;
	v8 =	vmul.f32 v9, v19;
	_ =	sdelay $0x1  }
0x49f: {  	v7 =	vadd.f32 v8, v7;
	v6 =	vmul.f32 v6, v5  }
0x4a0: {  	v8 =	vor.u32 $0x8000, v12  }
0x4a1: {  	v9 =	vor.u32 v13, v8;
	v6 =	vadd.f32 v6, v7  }
0x4a2: {  	v7 =	vor.u32 v11, v8  }
0x4a3: {  	v8 =	vor.u32 $0x8000, v17;
	v6 =	vadd.f32 v6, v3  }
0x4a4: {  	v10 =	vor.u32 v13, v8  }
0x4a5: {  	[tilespmem:s28+$0x18800] =	vst v6  }
0x4a6: {  	v6 =	vor.u32 v11, v8;
	v8 =	vld.idx.msk [tilespmem:v9+s7+$0x0], $0xffff  }
0x4a7: {  	v7 =	vld.idx.msk [tilespmem:v7+s7+$0x0], $0xffff;
	_ =	sdelay $0x1  }
0x4a8: {  	v9 =	vld.idx.msk [tilespmem:v10+s7+$0x0], $0xffff;
	_ =	sdelay $0x1  }
0x4a9: {  	v6 =	vld.idx.msk [tilespmem:v6+s7+$0x0], $0xffff  }
0x4aa: {  	s31 =	simm.s32 $0x10;
	v8 =	vmul.f32 v8, v16;
	v7 =	vmul.f32 v7, v14  }
0x4ab: {  	s30 =	sand.u32 $0x7F0, s31  }
0x4ac: {  	v9 =	vmul.f32 v9, v19;
	v10 =	vadd.f32 v7, v8;
	v8 =	vld [tilespmem:s30+$0x13000]  }
0x4ad: {  	v7 =	vld [tilespmem:s30+$0x17000]  }
0x4ae: {  	v9 =	vadd.f32 v9, v10;
	v6 =	vmul.f32 v6, v5  }
0x4af: {  	v10 =	vor.u32 $0xC000, v12  }
0x4b0: {  	v12 =	vor.u32 $0xC000, v17;
	v15 =	vor.u32 v11, v10;
	v6 =	vadd.f32 v6, v9  }
0x4b1: {  	v17 =	vor.u32 v13, v12;
	v10 =	vor.u32 v13, v10;
	v9 =	vtrunc.f32 v8  }
0x4b2: {  	v6 =	vadd.f32 v6, v4;
	v13 =	vcvt.f32.s32 v9;
	v9 =	vtrunc.f32 v7  }
0x4b3: {  	v18 =	vcvt.f32.s32 v9  }
0x4b4: {  	[tilespmem:s28+$0x19000] =	vst v6;
	v6 =	vcvt.s32.f32 v13  }
0x4b5: {  	v20 =	vor.u32 v11, v12;
	v15 =	vld.idx.msk [tilespmem:v15+s7+$0x0], $0xffff;
	v9 =	vcvt.s32.f32 v18  }
0x4b6: {  	v21 =	vld.idx.msk [tilespmem:v10+s7+$0x0], $0xffff;
	vm1 =	vlt.f32 v8, v6;
	v11 =	vadd.f32 $-1.000000000e+00, v6  }
0x4b7: {  	v22 =	vld.idx.msk [tilespmem:v17+s7+$0x0], $0xffff;
	v12 =	vsel vm1, $0xFFFFFFFF, v0;
	vm0 =	vlt.f32 v7, v9;
	v10 =	vadd.f32 $-1.000000000e+00, v9  }
0x4b8: {  	v13 =	vadd.s32 v13, v12;
	v11 =	vsel vm1, v11, v6;
	v6 =	vsel vm0, $0xFFFFFFFF, v0  }
0x4b9: {  	v12 =	vadd.s32 v18, v6;
	vm1 =	vgt.s32 v13, $0x0;
	v6 =	vadd.s32 $0x1, v13  }
0x4ba: {  	vm2 =	vgt.s32 v6, $0x0;
	vm3 =	vgt.s32 v12, $0x0;
	v15 =	vmul.f32 v15, v14;
	v14 =	vld.idx.msk [tilespmem:v20+s7+$0x0], $0xffff  }
0x4bb: {  	v17 =	vmul.f32 v21, v16;
	v6 =	vnsel vm2, $0x0, v6;
	v18 =	vnsel vm3, $0x0, v12  }
0x4bc: {  	s3 =	simm.s32 $0x20;
	v16 =	vmul.f32 v22, v19;
	v6 =	vmin.u32 v6, $0x7F;
	v18 =	vmin.u32 v18, $0x7F  }
.LBB2_15:
0x4bd: {  	p0 =	sne.s32 s3, $0x7F0  }
0x4be: {  	v13 =	vnsel vm1, $0x0, v13;
	v18 =	vshll.u32 v18, $0x7;
	v15 =	vadd.f32 v15, v17;
	s29 =	sadd.s32 $0x10, s29;
	s31 =	smov.u32 s3;
	s3 =	sadd.s32 $0x10, s3  }
0x4bf: {  	v5 =	vmul.f32 v14, v5;
	v13 =	vmin.u32 v13, $0x7F;
	v17 =	vor.u32 v6, v18  }
0x4c0: {  	v12 =	vadd.s32 $0x1, v12;
	v14 =	vor.u32 v13, v18;
	v15 =	vadd.f32 v16, v15  }
0x4c1: {  	v9 =	vsel vm0, v10, v9;
	v8 =	vsub.f32 v8, v11;
	vm0 =	vgt.s32 v12, $0x0  }
0x4c2: {  	v7 =	vsub.f32 v7, v9;
	v9 =	vnsel vm0, $0x0, v12;
	v5 =	vadd.f32 v5, v15  }
0x4c3: {  	v10 =	vor.u32 $0x4000, v18;
	v11 =	vor.u32 $0x8000, v18;
	v9 =	vmin.u32 v9, $0x7F  }
0x4c4: {  	v12 =	vsub.f32 $1.000000000e+00, v7;
	v9 =	vshll.u32 v9, $0x7;
	v5 =	vadd.f32 v5, v1  }
0x4c5: {  	v15 =	vor.u32 v13, v9;
	v16 =	vor.u32 v6, v9;
	v19 =	vor.u32 $0x4000, v9  }
0x4c6: {  	v20 =	vor.u32 v13, v10;
	v21 =	vor.u32 v13, v19;
	v19 =	vor.u32 v6, v19;
	[tilespmem:s28+$0x19800] =	vst v5;
	s28 =	smov.u32 s30  }
0x4c7: {  	v10 =	vor.u32 v6, v10;
	v22 =	vor.u32 $0x8000, v9;
	v5 =	vld.idx.msk [tilespmem:v17+s7+$0x0], $0xffff;
	v17 =	vor.u32 v13, v11  }
0x4c8: {  	v23 =	vor.u32 v13, v22;
	v22 =	vor.u32 v6, v22;
	v11 =	vor.u32 v6, v11;
	v14 =	vld.idx.msk [tilespmem:v14+s7+$0x0], $0xffff  }
0x4c9: {  	v18 =	vor.u32 $0xC000, v18;
	v9 =	vor.u32 $0xC000, v9  }
0x4ca: {  	v24 =	vsub.f32 $1.000000000e+00, v8;
	v25 =	vor.u32 v13, v9;
	v26 =	vor.u32 v6, v9;
	v15 =	vld.idx.msk [tilespmem:v15+s7+$0x0], $0xffff  }
0x4cb: {  	v13 =	vor.u32 v13, v18;
	v6 =	vor.u32 v6, v18  }
0x4cc: {  	v27 =	vmul.f32 v12, v8;
	v18 =	vmul.f32 v12, v24;
	v9 =	vld.idx.msk [tilespmem:v16+s7+$0x0], $0xffff  }
0x4cd: {  	v16 =	vmul.f32 v24, v7  }
0x4ce: {  	v12 =	vmul.f32 v18, v14;
	v14 =	vmul.f32 v27, v5;
	_ =	sdelay $0x1  }
0x4cf: {  	v5 =	vmul.f32 v7, v8;
	v7 =	vadd.f32 v14, v12;
	v8 =	vmul.f32 v16, v15;
	_ =	sdelay $0x1  }
0x4d0: {  	v7 =	vadd.f32 v7, v8;
	v8 =	vmul.f32 v5, v9;
	_ =	sdelay $0x1  }
0x4d1: {  	v7 =	vadd.f32 v7, v8;
	_ =	sdelay $0x1  }
0x4d2: {  	v7 =	vadd.f32 v7, v2;
	_ =	sdelay $0x1  }
0x4d3: {  	[tilespmem:s29+$0x0] =	vst v7  }
0x4d4: {  	v7 =	vld.idx.msk [tilespmem:v20+s7+$0x0], $0xffff  }
0x4d5: {  	v8 =	vld.idx.msk [tilespmem:v10+s7+$0x0], $0xffff;
	_ =	sdelay $0x1  }
0x4d6: {  	v9 =	vld.idx.msk [tilespmem:v21+s7+$0x0], $0xffff;
	_ =	sdelay $0x1  }
0x4d7: {  	v10 =	vld.idx.msk [tilespmem:v19+s7+$0x0], $0xffff;
	_ =	sdelay $0x1  }
0x4d8: {  	v7 =	vmul.f32 v18, v7;
	v8 =	vmul.f32 v8, v27;
	_ =	sdelay $0x1  }
0x4d9: {  	v7 =	vadd.f32 v8, v7;
	v8 =	vmul.f32 v9, v16;
	_ =	sdelay $0x1  }
0x4da: {  	v7 =	vadd.f32 v8, v7;
	v8 =	vmul.f32 v10, v5;
	_ =	sdelay $0x1  }
0x4db: {  	v7 =	vadd.f32 v8, v7;
	_ =	sdelay $0x1  }
0x4dc: {  	v7 =	vadd.f32 v7, v3;
	_ =	sdelay $0x1  }
0x4dd: {  	[tilespmem:s28+$0x18800] =	vst v7  }
0x4de: {  	v7 =	vld.idx.msk [tilespmem:v17+s7+$0x0], $0xffff  }
0x4df: {  	v8 =	vld.idx.msk [tilespmem:v11+s7+$0x0], $0xffff;
	_ =	sdelay $0x1  }
0x4e0: {  	v9 =	vld.idx.msk [tilespmem:v23+s7+$0x0], $0xffff;
	_ =	sdelay $0x1  }
0x4e1: {  	v10 =	vld.idx.msk [tilespmem:v22+s7+$0x0], $0xffff  }
0x4e2: {  	v7 =	vmul.f32 v7, v18  }
0x4e3: {  	v8 =	vmul.f32 v8, v27;
	_ =	sdelay $0x1  }
0x4e4: {  	s30 =	sand.u32 $0x7F0, s31;
	v11 =	vadd.f32 v8, v7;
	v9 =	vmul.f32 v9, v16  }
0x4e5: {  	v8 =	vld [tilespmem:s30+$0x13000]  }
0x4e6: {  	v9 =	vadd.f32 v9, v11;
	v10 =	vmul.f32 v10, v5;
	v7 =	vld [tilespmem:s30+$0x17000];
	_ =	sdelay $0x1  }
0x4e7: {  	v9 =	vadd.f32 v10, v9;
	_ =	sdelay $0x1  }
0x4e8: {  	v9 =	vadd.f32 v9, v4;
	v10 =	vtrunc.f32 v8  }
0x4e9: {  	v11 =	vcvt.f32.s32 v10;
	v10 =	vtrunc.f32 v7  }
0x4ea: {  	v12 =	vcvt.f32.s32 v10;
	[tilespmem:s28+$0x19000] =	vst v9  }
0x4eb: {  	v15 =	vcvt.s32.f32 v11;
	v6 =	vld.idx.msk [tilespmem:v6+s7+$0x0], $0xffff  }
0x4ec: {  	v9 =	vcvt.s32.f32 v12;
	v17 =	vld.idx.msk [tilespmem:v13+s7+$0x0], $0xffff  }
0x4ed: {  	vm1 =	vlt.f32 v8, v15;
	v19 =	vadd.f32 $-1.000000000e+00, v15;
	v20 =	vld.idx.msk [tilespmem:v25+s7+$0x0], $0xffff  }
0x4ee: {  	v13 =	vsel vm1, $0xFFFFFFFF, v0;
	vm0 =	vlt.f32 v7, v9;
	v10 =	vadd.f32 $-1.000000000e+00, v9;
	v14 =	vld.idx.msk [tilespmem:v26+s7+$0x0], $0xffff  }
.Ltmp6:
0x4ef: {  	v13 =	vadd.s32 v11, v13;
	v11 =	vsel vm1, v19, v15;
	v15 =	vsel vm0, $0xFFFFFFFF, v0;
	(pc) =	sbr.rel @p0 .LBB2_15-.Ltmp6, $4  }
0x4f0: {  	v12 =	vadd.s32 v12, v15;
	vm1 =	vgt.s32 v13, $0x0;
	v19 =	vadd.s32 $0x1, v13  }
0x4f1: {  	v15 =	vmul.f32 v6, v27;
	vm2 =	vgt.s32 v19, $0x0;
	vm3 =	vgt.s32 v12, $0x0  }
0x4f2: {  	v17 =	vmul.f32 v17, v18;
	v6 =	vnsel vm2, $0x0, v19;
	v19 =	vnsel vm3, $0x0, v12  }
0x4f3: {  	v16 =	vmul.f32 v20, v16;
	v6 =	vmin.u32 v6, $0x7F;
	v18 =	vmin.u32 v19, $0x7F  }
0x4f4: {  	v15 =	vadd.f32 v15, v17  }
0x4f5: {  	v13 =	vnsel vm1, $0x0, v13  }
0x4f6: {  	v5 =	vmul.f32 v14, v5;
	v12 =	vadd.s32 $0x1, v12;
	v43 =	vadd.f32 v16, v15  }
0x4f7: {  	v44 =	vshll.u32 v18, $0x7;
	v13 =	vmin.u32 v13, $0x7F;
	vm10 =	vgt.s32 v12, $0x0  }
0x4f8: {  	v45 =	vor.u32 v6, v44;
	v12 =	vnsel vm10, $0x0, v12;
	v5 =	vadd.f32 v5, v43  }
0x4f9: {  	v46 =	vor.u32 v13, v44;
	v12 =	vmin.u32 v12, $0x7F  }
0x4fa: {  	v12 =	vshll.u32 v12, $0x7;
	v5 =	vadd.f32 v5, v1  }
0x4fb: {  	v47 =	vor.u32 v13, v12  }
0x4fc: {  	v9 =	vsel vm0, v10, v9;
	[tilespmem:s28+$0x19800] =	vst v5  }
0x4fd: {  	v7 =	vsub.f32 v7, v9;
	v5 =	vsub.f32 v8, v11;
	v8 =	vor.u32 v6, v12;
	v48 =	vld.idx.msk [tilespmem:v45+s7+$0x0], $0xffff  }
0x4fe: {  	v49 =	vld.idx.msk [tilespmem:v46+s7+$0x0], $0xffff  }
0x4ff: {  	v50 =	vsub.f32 $1.000000000e+00, v7;
	v51 =	vsub.f32 $1.000000000e+00, v5  }
0x500: {  	v52 =	vld.idx.msk [tilespmem:v47+s7+$0x0], $0xffff  }
0x501: {  	v11 =	vmul.f32 v50, v5;
	v53 =	vmul.f32 v50, v51  }
0x502: {  	v14 =	vmul.f32 v51, v7;
	v8 =	vld.idx.msk [tilespmem:v8+s7+$0x0], $0xffff  }
0x503: {  	v10 =	vmul.f32 v53, v49;
	v9 =	vmul.f32 v11, v48;
	_ =	sdelay $0x1  }
0x504: {  	v5 =	vmul.f32 v7, v5;
	v54 =	vmul.f32 v14, v52;
	v7 =	vadd.f32 v9, v10;
	_ =	sdelay $0x1  }
0x505: {  	v7 =	vadd.f32 v7, v54;
	v8 =	vmul.f32 v5, v8  }
0x506: {  	v55 =	vor.u32 $0x4000, v44  }
0x507: {  	v56 =	vor.u32 v13, v55;
	v7 =	vadd.f32 v7, v8  }
0x508: {  	v8 =	vor.u32 v6, v55  }
0x509: {  	v57 =	vor.u32 $0x4000, v12;
	v7 =	vadd.f32 v7, v2  }
0x50a: {  	s0 =	sadd.s32 $0x10, s29;
	v58 =	vor.u32 v13, v57  }
0x50b: {  	[tilespmem:s0+$0x0] =	vst v7  }
0x50c: {  	v7 =	vor.u32 v6, v57;
	v59 =	vld.idx.msk [tilespmem:v56+s7+$0x0], $0xffff  }
0x50d: {  	v8 =	vld.idx.msk [tilespmem:v8+s7+$0x0], $0xffff;
	_ =	sdelay $0x1  }
0x50e: {  	v60 =	vld.idx.msk [tilespmem:v58+s7+$0x0], $0xffff;
	_ =	sdelay $0x1  }
0x50f: {  	v7 =	vld.idx.msk [tilespmem:v7+s7+$0x0], $0xffff  }
0x510: {  	v9 =	vmul.f32 v53, v59;
	v8 =	vmul.f32 v8, v11;
	_ =	sdelay $0x1  }
0x511: {  	v61 =	vmul.f32 v60, v14;
	v8 =	vadd.f32 v8, v9;
	_ =	sdelay $0x1  }
0x512: {  	v8 =	vadd.f32 v61, v8;
	v7 =	vmul.f32 v7, v5  }
0x513: {  	v62 =	vor.u32 $0x8000, v44  }
0x514: {  	v63 =	vor.u32 v13, v62;
	v7 =	vadd.f32 v7, v8  }
0x515: {  	v8 =	vor.u32 v6, v62  }
0x516: {  	v20 =	vor.u32 $0x8000, v12;
	v7 =	vadd.f32 v7, v3  }
0x517: {  	v21 =	vor.u32 v13, v20  }
0x518: {  	[tilespmem:s30+$0x18800] =	vst v7  }
0x519: {  	v7 =	vor.u32 v6, v20;
	v22 =	vld.idx.msk [tilespmem:v63+s7+$0x0], $0xffff  }
0x51a: {  	v8 =	vld.idx.msk [tilespmem:v8+s7+$0x0], $0xffff;
	_ =	sdelay $0x1  }
0x51b: {  	v23 =	vld.idx.msk [tilespmem:v21+s7+$0x0], $0xffff;
	_ =	sdelay $0x1  }
0x51c: {  	v7 =	vld.idx.msk [tilespmem:v7+s7+$0x0], $0xffff  }
0x51d: {  	v9 =	vmul.f32 v22, v53;
	v8 =	vmul.f32 v8, v11;
	_ =	sdelay $0x1  }
0x51e: {  	v24 =	vmul.f32 v23, v14;
	v8 =	vadd.f32 v8, v9;
	_ =	sdelay $0x1  }
0x51f: {  	v8 =	vadd.f32 v24, v8;
	v7 =	vmul.f32 v7, v5  }
0x520: {  	v25 =	vor.u32 $0xC000, v44  }
0x521: {  	v26 =	vor.u32 v6, v25;
	v7 =	vadd.f32 v7, v8  }
0x522: {  	v8 =	vor.u32 v13, v25  }
0x523: {  	v27 =	vor.u32 $0xC000, v12;
	v7 =	vadd.f32 v7, v4  }
0x524: {  	v12 =	vor.u32 v13, v27  }
0x525: {  	[tilespmem:s30+$0x19000] =	vst v7  }
0x526: {  	v6 =	vor.u32 v6, v27;
	v7 =	vld.idx.msk [tilespmem:v26+s7+$0x0], $0xffff  }
0x527: {  	v8 =	vld.idx.msk [tilespmem:v8+s7+$0x0], $0xffff;
	_ =	sdelay $0x1  }
0x528: {  	v28 =	vld.idx.msk [tilespmem:v12+s7+$0x0], $0xffff;
	_ =	sdelay $0x1  }
0x529: {  	v6 =	vld.idx.msk [tilespmem:v6+s7+$0x0], $0xffff  }
0x52a: {  	v7 =	vmul.f32 v7, v11;
	v8 =	vmul.f32 v8, v53;
	_ =	sdelay $0x1  }
0x52b: {  	v9 =	vmul.f32 v28, v14;
	v7 =	vadd.f32 v7, v8;
	_ =	sdelay $0x1  }
0x52c: {  	v5 =	vmul.f32 v6, v5;
	v6 =	vadd.f32 v9, v7;
	_ =	sdelay $0x1  }
0x52d: {  	v5 =	vadd.f32 v5, v6;
	_ =	sdelay $0x1  }
0x52e: {  	v5 =	vadd.f32 v5, v1;
	_ =	sdelay $0x1  }
0x52f: {  	s3 =	simm.s32 $0x0;
	s0 =	sadd.s32 s26, s8;
	[tilespmem:s30+$0x19800] =	vst v5  }
0x530: {  	[hbm4b:s0+s3] =	stream.linear.scatter [tilespmem:s14], [sflag:$0x3], $0x800, $0x38;
	[tilespmem:$0x1C180] =	vst v63  }
0x531: {  	s0 =	sadd.s32 s26, s9  }
0x532: {  	[hbm4b:s0+s3] =	stream.linear.scatter [tilespmem:s15], [sflag:$0x3], $0x800, $0x38;
	[tilespmem:$0x1C180] =	vst v63  }
0x533: {  	s0 =	sadd.s32 s26, s25  }
0x534: {  	[hbm4b:s0+s3] =	stream.linear.scatter [tilespmem:s16], [sflag:$0x3], $0x800, $0x38;
	[tilespmem:$0x1C180] =	vst v63  }
0x535: {  	s0 =	sadd.s32 s26, s2  }
0x536: {  	[hbm4b:s0+s3] =	stream.linear.scatter [tilespmem:s17], [sflag:$0x3], $0x800, $0x38;
	[tilespmem:$0x1C180] =	vst v63  }
0x537: {  	_ =	swait.ge [sflag:s22], $0x800  }
0x538: {  	[sflag:s22] =	ssyncset.done $0x0  }
0x539: {  	[sflag:s22] =	ssyncadd.s32 $0xFFFFF800  }
0x53a: {  	_ =	swait.ge [sflag:s22], $0x800  }
0x53b: {  	[sflag:s22] =	ssyncset.done $0x0  }
0x53c: {  	[sflag:s22] =	ssyncadd.s32 $0xFFFFF800  }
0x53d: {  	_ =	swait.ge [sflag:s22], $0x800  }
0x53e: {  	[sflag:s22] =	ssyncset.done $0x0  }
0x53f: {  	[sflag:s22] =	ssyncadd.s32 $0xFFFFF800  }
0x540: {  	_ =	swait.ge [sflag:s22], $0x800  }
0x541: {  	[sflag:s22] =	ssyncset.done $0x0  }
0x542: {  	s3 =	sand.u32 $0x7F0, s3;
	[sflag:s22] =	ssyncadd.s32 $0xFFFFF800  }
0x543: {  	s28 =	simm.s32 $0x13800;
	v5 =	vld [tilespmem:s3+$0x17800]  }
0x544: {  	v6 =	vld [tilespmem:s28+$0x0];
	_ =	sdelay $0x4  }
0x545: {  	v7 =	vtrunc.f32 v5;
	v8 =	vtrunc.f32 v6  }
0x546: {  	v7 =	vcvt.f32.s32 v7;
	v8 =	vcvt.f32.s32 v8;
	_ =	sdelay $0x1  }
0x547: {  	v29 =	vcvt.s32.f32 v7;
	v30 =	vcvt.s32.f32 v8;
	_ =	sdelay $0x1  }
0x548: {  	vm11 =	vlt.f32 v5, v29;
	vm12 =	vlt.f32 v6, v30  }
0x549: {  	v31 =	vsel vm11, $0xFFFFFFFF, v0;
	v32 =	vsel vm12, $0xFFFFFFFF, v0  }
0x54a: {  	v7 =	vadd.s32 v7, v31;
	v8 =	vadd.s32 v8, v32  }
0x54b: {  	vm2 =	vgt.s32 v7, $0x0;
	vm13 =	vgt.s32 v8, $0x0;
	v12 =	vadd.s32 $0x1, v8  }
0x54c: {  	v11 =	vnsel vm2, $0x0, v7;
	v7 =	vadd.s32 $0x1, v7;
	v8 =	vnsel vm13, $0x0, v8  }
0x54d: {  	vm14 =	vgt.s32 v12, $0x0;
	v11 =	vmin.u32 v11, $0x7F;
	v8 =	vmin.u32 v8, $0x7F  }
0x54e: {  	v12 =	vnsel vm14, $0x0, v12;
	vm15 =	vgt.s32 v7, $0x0;
	v11 =	vshll.u32 v11, $0x7  }
0x54f: {  	v12 =	vmin.u32 v12, $0x7F;
	v7 =	vnsel vm15, $0x0, v7;
	v33 =	vor.u32 v8, v11  }
0x550: {  	v7 =	vmin.u32 v7, $0x7F;
	v34 =	vor.u32 v12, v11  }
0x551: {  	v35 =	vadd.f32 $-1.000000000e+00, v29;
	v36 =	vadd.f32 $-1.000000000e+00, v30;
	v7 =	vshll.u32 v7, $0x7  }
0x552: {  	v37 =	vor.u32 v8, v7  }
0x553: {  	v9 =	vsel vm11, v35, v29;
	v10 =	vsel vm12, v36, v30  }
0x554: {  	v5 =	vsub.f32 v5, v9;
	v6 =	vsub.f32 v6, v10;
	v38 =	vor.u32 v12, v7;
	v39 =	vld.idx.msk [tilespmem:v33+s7+$0x0], $0xffff  }
0x555: {  	v40 =	vld.idx.msk [tilespmem:v34+s7+$0x0], $0xffff  }
0x556: {  	v41 =	vsub.f32 $1.000000000e+00, v6;
	v42 =	vsub.f32 $1.000000000e+00, v5  }
0x557: {  	v43 =	vld.idx.msk [tilespmem:v37+s7+$0x0], $0xffff  }
0x558: {  	v44 =	vmul.f32 v42, v41;
	v15 =	vmul.f32 v42, v6  }
0x559: {  	v14 =	vmul.f32 v41, v5;
	v9 =	vld.idx.msk [tilespmem:v38+s7+$0x0], $0xffff  }
0x55a: {  	v10 =	vmul.f32 v44, v39;
	v13 =	vmul.f32 v15, v40;
	_ =	sdelay $0x1  }
0x55b: {  	v6 =	vmul.f32 v5, v6;
	v16 =	vmul.f32 v14, v43;
	v5 =	vadd.f32 v13, v10;
	_ =	sdelay $0x1  }
0x55c: {  	v9 =	vmul.f32 v6, v9;
	v5 =	vadd.f32 v5, v16  }
0x55d: {  	v45 =	vor.u32 $0x4000, v11  }
0x55e: {  	v46 =	vor.u32 v8, v45;
	v5 =	vadd.f32 v5, v9  }
0x55f: {  	v47 =	vor.u32 v12, v45  }
0x560: {  	v48 =	vor.u32 $0x4000, v7;
	v5 =	vadd.f32 v5, v2  }
0x561: {  	v49 =	vor.u32 v8, v48  }
0x562: {  	[tilespmem:s3+$0x1A000] =	vst v5  }
0x563: {  	v5 =	vor.u32 v12, v48;
	v50 =	vld.idx.msk [tilespmem:v46+s7+$0x0], $0xffff  }
0x564: {  	v9 =	vld.idx.msk [tilespmem:v47+s7+$0x0], $0xffff;
	_ =	sdelay $0x1  }
0x565: {  	v51 =	vld.idx.msk [tilespmem:v49+s7+$0x0], $0xffff;
	_ =	sdelay $0x1  }
0x566: {  	v5 =	vld.idx.msk [tilespmem:v5+s7+$0x0], $0xffff  }
0x567: {  	v10 =	vmul.f32 v44, v50;
	v9 =	vmul.f32 v9, v15;
	_ =	sdelay $0x1  }
0x568: {  	v52 =	vmul.f32 v51, v14;
	v9 =	vadd.f32 v9, v10;
	_ =	sdelay $0x1  }
0x569: {  	v9 =	vadd.f32 v52, v9;
	v5 =	vmul.f32 v5, v6  }
0x56a: {  	v53 =	vor.u32 $0x8000, v11  }
0x56b: {  	v54 =	vor.u32 v8, v53;
	v5 =	vadd.f32 v5, v9  }
0x56c: {  	v55 =	vor.u32 v12, v53  }
0x56d: {  	v56 =	vor.u32 $0x8000, v7;
	v5 =	vadd.f32 v5, v3  }
0x56e: {  	v57 =	vor.u32 v8, v56  }
0x56f: {  	[tilespmem:s3+$0x1A800] =	vst v5  }
0x570: {  	v5 =	vor.u32 v12, v56;
	v58 =	vld.idx.msk [tilespmem:v54+s7+$0x0], $0xffff  }
0x571: {  	v9 =	vld.idx.msk [tilespmem:v55+s7+$0x0], $0xffff;
	_ =	sdelay $0x1  }
0x572: {  	v59 =	vld.idx.msk [tilespmem:v57+s7+$0x0], $0xffff;
	_ =	sdelay $0x1  }
0x573: {  	v5 =	vld.idx.msk [tilespmem:v5+s7+$0x0], $0xffff  }
0x574: {  	v10 =	vmul.f32 v58, v44;
	v9 =	vmul.f32 v9, v15;
	_ =	sdelay $0x1  }
0x575: {  	v60 =	vmul.f32 v59, v14;
	v9 =	vadd.f32 v9, v10;
	_ =	sdelay $0x1  }
0x576: {  	v9 =	vadd.f32 v60, v9;
	v5 =	vmul.f32 v5, v6  }
0x577: {  	v61 =	vor.u32 $0xC000, v11  }
0x578: {  	v11 =	vor.u32 v8, v61;
	v5 =	vadd.f32 v5, v9  }
0x579: {  	v62 =	vor.u32 v12, v61  }
0x57a: {  	v7 =	vor.u32 $0xC000, v7;
	v5 =	vadd.f32 v5, v4  }
0x57b: {  	v8 =	vor.u32 v8, v7  }
0x57c: {  	[tilespmem:s3+$0x1B000] =	vst v5  }
0x57d: {  	v5 =	vor.u32 v12, v7;
	v7 =	vld.idx.msk [tilespmem:v11+s7+$0x0], $0xffff  }
0x57e: {  	v9 =	vld.idx.msk [tilespmem:v62+s7+$0x0], $0xffff;
	_ =	sdelay $0x1  }
0x57f: {  	v8 =	vld.idx.msk [tilespmem:v8+s7+$0x0], $0xffff;
	_ =	sdelay $0x1  }
0x580: {  	v63 =	vld.idx.msk [tilespmem:v5+s7+$0x0], $0xffff  }
0x581: {  	v5 =	vmul.f32 v7, v44;
	v7 =	vmul.f32 v9, v15;
	_ =	sdelay $0x1  }
0x582: {  	v5 =	vadd.f32 v7, v5;
	v7 =	vmul.f32 v8, v14;
	_ =	sdelay $0x1  }
0x583: {  	s31 =	simm.s32 $0x10;
	s29 =	simm.s32 $0x1B800;
	s30 =	simm.s32 $0x1B800;
	v5 =	vadd.f32 v7, v5;
	v6 =	vmul.f32 v63, v6  }
.LBB2_17:
0x584: {  	p0 =	sne.s32 s31, $0x7F0;
	s30 =	sadd.s32 $0x10, s30;
	s28 =	sadd.s32 $0x10, s28  }
0x585: {  	s0 =	smov.u32 s31;
	s31 =	sadd.s32 $0x10, s31;
	v5 =	vadd.f32 v6, v5;
	_ =	sdelay $0x1  }
0x586: {  	v5 =	vadd.f32 v5, v1;
	_ =	sdelay $0x1  }
0x587: {  	s3 =	sand.u32 $0x7F0, s0;
	[tilespmem:s29+$0x0] =	vst v5;
	s29 =	smov.u32 s30  }
0x588: {  	v5 =	vld [tilespmem:s3+$0x17800]  }
0x589: {  	v6 =	vld [tilespmem:s28+$0x0];
	_ =	sdelay $0x3  }
0x58a: {  	v7 =	vtrunc.f32 v5  }
0x58b: {  	v8 =	vtrunc.f32 v6;
	v7 =	vcvt.f32.s32 v7  }
0x58c: {  	v8 =	vcvt.f32.s32 v8  }
0x58d: {  	v9 =	vcvt.s32.f32 v7  }
0x58e: {  	v10 =	vcvt.s32.f32 v8  }
0x58f: {  	vm0 =	vlt.f32 v5, v9;
	v11 =	vadd.f32 $-1.000000000e+00, v9  }
0x590: {  	vm1 =	vlt.f32 v6, v10;
	v12 =	vadd.f32 $-1.000000000e+00, v10;
	v13 =	vsel vm0, $0xFFFFFFFF, v0  }
0x591: {  	v14 =	vsel vm1, $0xFFFFFFFF, v0;
	v7 =	vadd.s32 v7, v13;
	v9 =	vsel vm0, v11, v9  }
0x592: {  	v8 =	vadd.s32 v8, v14;
	vm0 =	vgt.s32 v7, $0x0;
	v11 =	vadd.s32 $0x1, v7  }
0x593: {  	vm2 =	vgt.s32 v8, $0x0;
	v13 =	vadd.s32 $0x1, v8;
	v7 =	vnsel vm0, $0x0, v7  }
0x594: {  	v8 =	vnsel vm2, $0x0, v8;
	vm0 =	vgt.s32 v13, $0x0;
	v7 =	vmin.u32 v7, $0x7F  }
0x595: {  	v8 =	vmin.u32 v8, $0x7F;
	v13 =	vnsel vm0, $0x0, v13;
	vm0 =	vgt.s32 v11, $0x0  }
0x596: {  	v7 =	vshll.u32 v7, $0x7;
	v13 =	vmin.u32 v13, $0x7F;
	v11 =	vnsel vm0, $0x0, v11  }
0x597: {  	v14 =	vor.u32 v8, v7;
	v11 =	vmin.u32 v11, $0x7F;
	v15 =	vor.u32 v13, v7  }
0x598: {  	v10 =	vsel vm1, v12, v10;
	v5 =	vsub.f32 v5, v9;
	v9 =	vshll.u32 v11, $0x7  }
0x599: {  	v6 =	vsub.f32 v6, v10;
	v10 =	vor.u32 v8, v9;
	v11 =	vor.u32 v13, v9  }
0x59a: {  	v12 =	vor.u32 $0x4000, v7;
	v17 =	vor.u32 $0x8000, v7;
	v16 =	vor.u32 $0x4000, v9  }
0x59b: {  	v18 =	vsub.f32 $1.000000000e+00, v6;
	v19 =	vor.u32 v8, v12;
	v12 =	vor.u32 v13, v12  }
0x59c: {  	v21 =	vor.u32 v8, v17;
	v20 =	vor.u32 v8, v16;
	v16 =	vor.u32 v13, v16;
	v14 =	vld.idx.msk [tilespmem:v14+s7+$0x0], $0xffff  }
0x59d: {  	v17 =	vor.u32 v13, v17;
	v7 =	vor.u32 $0xC000, v7;
	v22 =	vor.u32 $0x8000, v9;
	v15 =	vld.idx.msk [tilespmem:v15+s7+$0x0], $0xffff  }
0x59e: {  	v24 =	vor.u32 v8, v7;
	v23 =	vor.u32 v8, v22;
	v22 =	vor.u32 v13, v22;
	v10 =	vld.idx.msk [tilespmem:v10+s7+$0x0], $0xffff  }
0x59f: {  	v25 =	vsub.f32 $1.000000000e+00, v5;
	v7 =	vor.u32 v13, v7;
	v9 =	vor.u32 $0xC000, v9;
	v11 =	vld.idx.msk [tilespmem:v11+s7+$0x0], $0xffff  }
0x5a0: {  	v8 =	vor.u32 v8, v9;
	v9 =	vor.u32 v13, v9  }
0x5a1: {  	v13 =	vmul.f32 v25, v18;
	v25 =	vmul.f32 v25, v6  }
0x5a2: {  	v18 =	vmul.f32 v18, v5  }
0x5a3: {  	v14 =	vmul.f32 v13, v14;
	v15 =	vmul.f32 v25, v15  }
0x5a4: {  	v10 =	vmul.f32 v18, v10  }
0x5a5: {  	v6 =	vmul.f32 v5, v6;
	v5 =	vadd.f32 v15, v14;
	_ =	sdelay $0x1  }
0x5a6: {  	v5 =	vadd.f32 v5, v10;
	v10 =	vmul.f32 v6, v11;
	_ =	sdelay $0x1  }
0x5a7: {  	v5 =	vadd.f32 v5, v10;
	_ =	sdelay $0x1  }
0x5a8: {  	v5 =	vadd.f32 v5, v2;
	_ =	sdelay $0x1  }
0x5a9: {  	[tilespmem:s3+$0x1A000] =	vst v5  }
0x5aa: {  	v5 =	vld.idx.msk [tilespmem:v19+s7+$0x0], $0xffff  }
0x5ab: {  	v10 =	vld.idx.msk [tilespmem:v12+s7+$0x0], $0xffff;
	_ =	sdelay $0x1  }
0x5ac: {  	v11 =	vld.idx.msk [tilespmem:v20+s7+$0x0], $0xffff;
	_ =	sdelay $0x1  }
0x5ad: {  	v12 =	vld.idx.msk [tilespmem:v16+s7+$0x0], $0xffff  }
0x5ae: {  	v5 =	vmul.f32 v13, v5  }
0x5af: {  	v10 =	vmul.f32 v10, v25;
	_ =	sdelay $0x1  }
0x5b0: {  	v5 =	vadd.f32 v10, v5;
	v10 =	vmul.f32 v11, v18;
	_ =	sdelay $0x1  }
0x5b1: {  	v5 =	vadd.f32 v10, v5;
	v10 =	vmul.f32 v12, v6;
	_ =	sdelay $0x1  }
0x5b2: {  	v5 =	vadd.f32 v10, v5;
	_ =	sdelay $0x1  }
0x5b3: {  	v5 =	vadd.f32 v5, v3;
	_ =	sdelay $0x1  }
0x5b4: {  	[tilespmem:s3+$0x1A800] =	vst v5  }
0x5b5: {  	v5 =	vld.idx.msk [tilespmem:v21+s7+$0x0], $0xffff  }
0x5b6: {  	v10 =	vld.idx.msk [tilespmem:v17+s7+$0x0], $0xffff;
	_ =	sdelay $0x1  }
0x5b7: {  	v11 =	vld.idx.msk [tilespmem:v23+s7+$0x0], $0xffff;
	_ =	sdelay $0x1  }
0x5b8: {  	v12 =	vld.idx.msk [tilespmem:v22+s7+$0x0], $0xffff  }
0x5b9: {  	v5 =	vmul.f32 v5, v13  }
0x5ba: {  	v10 =	vmul.f32 v10, v25;
	_ =	sdelay $0x1  }
0x5bb: {  	v5 =	vadd.f32 v10, v5;
	v10 =	vmul.f32 v11, v18;
	_ =	sdelay $0x1  }
0x5bc: {  	v5 =	vadd.f32 v10, v5;
	v10 =	vmul.f32 v12, v6;
	_ =	sdelay $0x1  }
0x5bd: {  	v5 =	vadd.f32 v10, v5;
	_ =	sdelay $0x1  }
0x5be: {  	v5 =	vadd.f32 v5, v4;
	_ =	sdelay $0x1  }
0x5bf: {  	[tilespmem:s3+$0x1B000] =	vst v5  }
0x5c0: {  	v5 =	vld.idx.msk [tilespmem:v24+s7+$0x0], $0xffff  }
0x5c1: {  	v7 =	vld.idx.msk [tilespmem:v7+s7+$0x0], $0xffff  }
0x5c2: {  	v8 =	vld.idx.msk [tilespmem:v8+s7+$0x0], $0xffff  }
0x5c3: {  	v9 =	vld.idx.msk [tilespmem:v9+s7+$0x0], $0xffff;
	_ =	sdelay $0x2  }
0x5c4: {  	v5 =	vmul.f32 v5, v13  }
.Ltmp7:
0x5c5: {  	v7 =	vmul.f32 v7, v25;
	(pc) =	sbr.rel @p0 .LBB2_17-.Ltmp7, $3  }
0x5c6: {  	_ = 	snop  }
0x5c7: {  	v5 =	vadd.f32 v7, v5;
	v7 =	vmul.f32 v8, v18;
	_ =	sdelay $0x1  }
0x5c8: {  	v6 =	vmul.f32 v9, v6;
	v5 =	vadd.f32 v7, v5  }
0x5c9: {  	p0 =	seq.s32 s23, $0x8  }
0x5ca: {  	s0 =	sadd.s32 @!p0 $0x1, s24  }
0x5cb: {  	s3 =	sshrl.u32 @!p0 s0, $0x3;
	s24 =	smulhi.u32 @!p0 $0x38E38E39, s0  }
0x5cc: {  	s28 =	smulhi.u32 @!p0 $0x1C71C71D, s3;
	_ =	sdelay $0x1  }
0x5cd: {  	s24 =	sshrl.u32 @!p0 s24, $0x4;
	s28 =	smul.u32 @!p0 $0x9, s28  }
0x5ce: {  	s0 =	sshll.u32 @!p0 s0, $0x2;
	s30 =	smul.u32 @!p0 $0x120, s24  }
0x5cf: {  	s0 =	sand.u32 @!p0 $0x1C, s0  }
0x5d0: {  	v2 =	vadd.f32 v6, v5;
	s3 =	ssub.s32 @!p0 s3, s28;
	s0 =	sor.u32 @!p0 s0, s30  }
0x5d1: {  	s24 =	smul.u32 @!p0 $0x48000, s24;
	s28 =	sshll.u32 @!p0 s3, $0x10;
	s0 =	sshll.u32 @!p0 s0, $0xB  }
0x5d2: {  	v1 =	vadd.f32 v2, v1;
	s3 =	sshll.u32 @!p0 s3, $0xF;
	s0 =	sadd.s32 @!p0 s0, s28  }
0x5d3: {  	s3 =	sadd.s32 @!p0 s24, s3;
	s24 =	rddreg [dreg:$0x0];
	s0 =	sand.u32 @!p0 $0x1FFFE000, s0  }
0x5d4: {  	[tilespmem:s29+$0x0] =	vst v1;
	s0 =	sadd.s32 @!p0 s24, s0;
	s24 =	simm.s32 @!p0 $0x0  }
0x5d5: {  	[tilespmem:s24], [sflag:$0x1] =	stream.linear.gather @!p0 [hbm4b:s0+s24], $0x10000, $0x38;
	[tilespmem:$0x1C180] =	vst v63  }
0x5d6: {  	s0 =	sshrl.u32 @!p0 s3, $0x3;
	s3 =	rddreg [dreg:$0x1]  }
0x5d7: {  	s0 =	sadd.s32 @!p0 s3, s0;
	s3 =	simm.s32 @!p0 $0x10000  }
0x5d8: {  	[tilespmem:s3], [sflag:$0x2] =	stream.linear.gather @!p0 [hbm4b:s0+s24], $0x8000, $0x38;
	[tilespmem:$0x1C180] =	vst v63  }
0x5d9: {  	s28 =	sadd.s32 s26, s4  }
0x5da: {  	[hbm4b:s28+s7] =	stream.linear.scatter [tilespmem:s18], [sflag:$0x3], $0x800, $0x38;
	[tilespmem:$0x1C180] =	vst v63  }
0x5db: {  	s29 =	sadd.s32 s26, s6  }
0x5dc: {  	[hbm4b:s29+s7] =	stream.linear.scatter [tilespmem:s19], [sflag:$0x3], $0x800, $0x38;
	[tilespmem:$0x1C180] =	vst v63  }
0x5dd: {  	s30 =	sadd.s32 s26, s1  }
0x5de: {  	[hbm4b:s30+s7] =	stream.linear.scatter [tilespmem:s20], [sflag:$0x3], $0x800, $0x38;
	[tilespmem:$0x1C180] =	vst v63  }
0x5df: {  	s31 =	sadd.s32 s26, s10  }
0x5e0: {  	[hbm4b:s31+s7] =	stream.linear.scatter [tilespmem:s21], [sflag:$0x3], $0x800, $0x38;
	[tilespmem:$0x1C180] =	vst v63  }
0x5e1: {  	_ =	swait.ge [sflag:s22], $0x800  }
0x5e2: {  	[sflag:s22] =	ssyncset.done $0x0  }
0x5e3: {  	[sflag:s22] =	ssyncadd.s32 $0xFFFFF800  }
0x5e4: {  	_ =	swait.ge [sflag:s22], $0x800  }
0x5e5: {  	[sflag:s22] =	ssyncset.done $0x0  }
0x5e6: {  	[sflag:s22] =	ssyncadd.s32 $0xFFFFF800  }
0x5e7: {  	_ =	swait.ge [sflag:s22], $0x800  }
0x5e8: {  	[sflag:s22] =	ssyncset.done $0x0  }
0x5e9: {  	[sflag:s22] =	ssyncadd.s32 $0xFFFFF800  }
0x5ea: {  	_ =	swait.ge [sflag:s22], $0x800  }
0x5eb: {  	[sflag:s22] =	ssyncset.done $0x0  }
0x5ec: {  	[sflag:s22] =	ssyncadd.s32 $0xFFFFF800  }
0x5ed: {  	_ =	swait.ge [sflag:s22], $0x800  }
0x5ee: {  	[sflag:s22] =	ssyncset.done $0x0  }
0x5ef: {  	[sflag:s22] =	ssyncadd.s32 $0xFFFFF800  }
0x5f0: {  	_ =	swait.ge [sflag:s22], $0x800  }
0x5f1: {  	[sflag:s22] =	ssyncset.done $0x0  }
0x5f2: {  	s23 =	sadd.s32 $0x1, s23;
	[sflag:s22] =	ssyncadd.s32 $0xFFFFF800  }
0x5f3: {  	p0 =	sne.s32 s23, $0x9;
	_ =	swait.ge [sflag:s22], $0x800  }
.Ltmp8:
0x5f4: {  	[sflag:s22] =	ssyncset.done $0x0;
	(pc) =	sbr.rel @p0 .LBB2_2-.Ltmp8, $4  }
0x5f5: {  	[sflag:s22] =	ssyncadd.s32 $0xFFFFF800  }
0x5f6: {  	_ =	swait.ge [sflag:s22], $0x800  }
0x5f7: {  	[sflag:s22] =	ssyncset.done $0x0  }
0x5f8: {  	[sflag:s22] =	ssyncadd.s32 $0xFFFFF800  }
0x5f9: {  	s3 =	rddreg [dreg:$0x1f]  }
0x5fa: {  	s0 =	rddreg [dreg:$0x17];
	s3 =	sadd.s32 $0x1, s3  }
0x5fb: {  	p0 =	sne.s32 s3, s0  }
.Ltmp9:
0x5fc: {  	_ = 	snop;
	(pc) =	sbr.rel @p0 .LBB2_1-.Ltmp9, $1  }
0x5fd: {  	_ =	sdelay $0x3  }
0x5fe: {  	_ =	sfence.sel $0x180000  }
0x5ff: {  	[bflag:$0x0] =	sbarrier.arrive $0xFFFF  }
0x600: {  	_ =	strace $0x90000047  }
0x601: {  	s0 =	stileid.u32;
	[bflag:$0x2] =	sbarrier.arrive $0xFFFF  }
0x602: {  	p0 =	sne.s32 s0, $0x0;
	s0 =	rddreg [dreg:$0x4]  }
0x603: {  	s0 =	sadd.s32 @!p0 $0x100000, s0  }
0x604: {  	[sflag:s0] =	ssyncadd.tile.s32 @!p0 $0x1;
	_ =	shalt  }
.Lfunc_end2:
_tile_overlayer_lowered:
.L_overlay_start_2:
0x605: {  	(tag) =	ssettag $0x2  }
0x606: {  	s0 =	rddreg [dreg:$0x0];
	s2 =	stileid.u32  }
0x607: {  	s1 =	rddreg [dreg:$0x1];
	p0 =	sne.s32 s2, $0x0  }
0x608: {  	s3 =	rddreg [dreg:$0x2];
	[bflag:$0x3] =	sbarrier.arrive $0xFFFF;
	s2 =	simm.s32 @!p0 $0x1C04  }
0x609: {  	[timem:s3], [sflag:s2] =	dma.local @!p0 [hbm:s0], s1  }
0x60a: {  	s0 =	simm.s32 @!p0 $0x4  }
0x60b: {  	_ =	swait.ge @!p0 [sflag:s0], s1  }
0x60c: {  	s1 =	ssub.s32 @!p0 $0x0, s1;
	[sflag:s0] =	ssyncset.done @!p0 $0x0  }
0x60d: {  	[sflag:s0] =	ssyncadd.s32 @!p0 s1  }
0x60e: {  	[bflag:$0x3] =	sbarrier.arrive $0xFFFF  }
0x60f: {  	_ =	shalt  }

</sc_bundles>
